<compile_context>
chip_gen: v7x
topology: tpu7x:2x2x1
jax: 0.10.2.dev20260603
libtpu: 0.0.44.dev20260713+nightly
codegen_flags: <defaults>
</compile_context>

<pallas_src>
import functools

import jax
import jax.numpy as jnp
from jax import lax
from jax.experimental import pallas as pl
from jax.experimental.pallas import tpu as pltpu
from jax.experimental.pallas import tpu_sc as plsc

_NC = 2
_NS = 16
_NW = _NC * _NS
_L = 16
_K = 128
_IB = 8
_BN = 1000
_ALIGN = 16384
_DUMP = 2048



def _enc_body(pw_ref, x_ref, wt_ref, h_ref):
    xb = x_ref[...]
    pw = pw_ref[0, 0]
    xa = jnp.where(xb > 0, xb, pw * xb)
    h_ref[...] = jnp.dot(xa, wt_ref[...], preferred_element_type=jnp.float32)


def _mlp_body(p_ref, h_ref, c_ref, embp_ref, w1t_ref, b1_ref, w2t_ref,
              b2_ref, out_ref):
    a = p_ref[0] + h_ref[...]
    embp = embp_ref[...]
    a = a + jnp.dot(c_ref[...], embp, preferred_element_type=jnp.float32)
    a = a + embp[12:13, :]
    hid = jnp.dot(a, w1t_ref[...], preferred_element_type=jnp.float32)
    hid = jnp.maximum(hid + b1_ref[...], 0.0)
    out_ref[...] = (jnp.dot(hid, w2t_ref[...],
                            preferred_element_type=jnp.float32) + b2_ref[...])



def _make_part_kernel(n_chunks_w, cap_alloc):
    mesh = plsc.VectorSubcoreMesh(core_axis_name="c", subcore_axis_name="s")
    n_blocks = n_chunks_w // _IB
    cap_pt = cap_alloc // _NS

    @functools.partial(
        pl.kernel,
        mesh=mesh,
        out_type=jax.ShapeDtypeStruct((_NC, cap_alloc), jnp.int32),
        scratch_types=[
            pltpu.VMEM((_IB, _K), jnp.int32),
            pltpu.VMEM((_IB, _K), jnp.int32),
            pltpu.VMEM_SHARED((cap_alloc,), jnp.int32),
        ],
    )
    def part_kernel(posp_hbm, recp_hbm, ztrash_hbm, out_hbm, pos_v, rec_v,
                    part_sh):
        cid = lax.axis_index("c")
        sid = lax.axis_index("s")
        wid = sid * _NC + cid
        pltpu.sync_copy(ztrash_hbm.at[pl.ds(sid * cap_pt, cap_pt)],
                        part_sh.at[pl.ds(sid * cap_pt, cap_pt)])
        plsc.subcore_barrier()

        def blk(b, carry):
            pltpu.sync_copy(posp_hbm.at[wid].at[pl.ds(b * _IB, _IB)], pos_v)
            pltpu.sync_copy(recp_hbm.at[wid].at[pl.ds(b * _IB, _IB)], rec_v)
            for j in range(_IB):
                pltpu.sync_copy(rec_v.at[j], part_sh.at[pos_v.at[j]])
            return carry

        lax.fori_loop(0, n_blocks, blk, 0)
        plsc.subcore_barrier()
        pltpu.sync_copy(part_sh.at[pl.ds(sid * cap_pt, cap_pt)],
                        out_hbm.at[cid].at[pl.ds(sid * cap_pt, cap_pt)])

    return part_kernel



def _make_aggr_kernel(cap_chunks, nh, cl, d):
    rows_pt = nh // _NS
    cnt_pt = cl // _NS
    mesh = plsc.VectorSubcoreMesh(core_axis_name="c", subcore_axis_name="s")

    @functools.partial(
        pl.kernel,
        mesh=mesh,
        out_type=[
            jax.ShapeDtypeStruct((_NC, nh, d), jnp.float32),
            jax.ShapeDtypeStruct((_NC, cl), jnp.float32),
        ],
        scratch_types=[
            pltpu.VMEM((_IB, _K), jnp.int32),
            pltpu.VMEM((_IB, _K), jnp.int32),
            pltpu.VMEM((_IB, _K), jnp.int32),
            pltpu.VMEM((2, _K, d), jnp.float32),
            pltpu.VMEM((_K,), jnp.float32),
            pltpu.VMEM((16,), jnp.int32),
            pltpu.VMEM_SHARED((nh, d), jnp.float32),
            pltpu.VMEM_SHARED((nh, d), jnp.float32),
            pltpu.VMEM_SHARED((cl,), jnp.float32),
            pltpu.SemaphoreType.DMA,
            pltpu.SemaphoreType.DMA,
        ],
    )
    def aggr_kernel(hp_hbm, srcp_hbm, dstp_hbm, cntp_hbm, offc_hbm,
                    zrow_hbm, zcnt_hbm, aggr_out, cnt_out,
                    src_v, dst_v, cidx_v, rows_v, ones_v, off_v,
                    h_sh, aggr_sh, cnt_sh, sem0, sem1):
        sems = (sem0, sem1)
        cid = lax.axis_index("c")
        sid = lax.axis_index("s")
        pltpu.sync_copy(zrow_hbm.at[pl.ds(sid * rows_pt, rows_pt)],
                        aggr_sh.at[pl.ds(sid * rows_pt, rows_pt)])
        pltpu.sync_copy(zcnt_hbm.at[pl.ds(sid * cnt_pt, cnt_pt)],
                        cnt_sh.at[pl.ds(sid * cnt_pt, cnt_pt)])
        pltpu.sync_copy(offc_hbm, off_v)
        offv = off_v[...]
        offsc = [offv[k] for k in range(5)]
        for t in range(_K // _L):
            ones_v[pl.ds(t * _L, _L)] = jnp.ones((_L,), jnp.float32)

        for p in range(2):
            plsc.subcore_barrier()
            pltpu.sync_copy(hp_hbm.at[p].at[pl.ds(sid * rows_pt, rows_pt)],
                            h_sh.at[pl.ds(sid * rows_pt, rows_pt)])
            plsc.subcore_barrier()
            lo = jnp.where(cid == 0, offsc[p], offsc[2 + p])
            hi = jnp.where(cid == 0, offsc[p + 1], offsc[p + 3])
            per = (hi - lo) // 16
            my_lo = lo + sid * per

            def blk(b, carry):
                base = pl.multiple_of(my_lo + b * _IB, _IB)
                pltpu.sync_copy(srcp_hbm.at[pl.ds(base, _IB)], src_v)
                pltpu.sync_copy(dstp_hbm.at[pl.ds(base, _IB)], dst_v)
                pltpu.sync_copy(cntp_hbm.at[pl.ds(base, _IB)], cidx_v)
                pltpu.async_copy(h_sh.at[src_v.at[0]], rows_v.at[0], sems[0])
                for j in range(_IB):
                    if j + 1 < _IB:
                        pltpu.async_copy(h_sh.at[src_v.at[j + 1]],
                                         rows_v.at[(j + 1) % 2],
                                         sems[(j + 1) % 2])
                    pltpu.make_async_copy(h_sh.at[src_v.at[j]],
                                          rows_v.at[j % 2],
                                          sems[j % 2]).wait()
                    pltpu.sync_copy(rows_v.at[j % 2],
                                    aggr_sh.at[dst_v.at[j]], add=True)
                    pltpu.sync_copy(ones_v, cnt_sh.at[cidx_v.at[j]], add=True)
                return carry

            lax.fori_loop(0, per // _IB, blk, 0)

        plsc.subcore_barrier()
        pltpu.sync_copy(aggr_sh.at[pl.ds(sid * rows_pt, rows_pt)],
                        aggr_out.at[cid].at[pl.ds(sid * rows_pt, rows_pt)])
        pltpu.sync_copy(cnt_sh.at[pl.ds(sid * cnt_pt, cnt_pt)],
                        cnt_out.at[cid].at[pl.ds(sid * cnt_pt, cnt_pt)])

    return aggr_kernel



def kernel(x, edge_index, edge_attr, prelu_w, W_enc, emb1, emb2, W1, b1, W2, b2):
    n, d = x.shape
    e = edge_index.shape[1]
    f32, i32, u32 = jnp.float32, jnp.int32, jnp.uint32
    n2 = n // 2
    nh = -(-(n2 + 1) // (_NS * 8)) * (_NS * 8)
    cl = -(-((n2 + 1) * 18) // (_NS * 128)) * (_NS * 128)

    grid = n // _BN
    h = pl.pallas_call(
        _enc_body,
        grid=(grid,),
        in_specs=[
            pl.BlockSpec((1, 1), lambda i: (0, 0)),
            pl.BlockSpec((_BN, d), lambda i: (i, 0)),
            pl.BlockSpec((d, d), lambda i: (0, 0)),
        ],
        out_specs=pl.BlockSpec((_BN, d), lambda i: (i, 0)),
        out_shape=jax.ShapeDtypeStruct((n, d), f32),
    )(prelu_w.reshape(1, 1), x, W_enc.T)

    src = edge_index[0]
    dst = edge_index[1]
    code = edge_attr[:, 0] * 3 + edge_attr[:, 1]
    src_h = (src >= n2).astype(i32)
    dst_h = (dst >= n2).astype(i32)
    dst_l = dst - dst_h * n2
    rec = lax.bitcast_convert_type(
        (src.astype(u32) << 18) | (code.astype(u32) << 13)
        | dst_l.astype(u32), i32)
    grp = dst_h * 2 + src_h
    cum = [jnp.cumsum((grp == k).astype(i32)) for k in range(3)]
    rank3 = jnp.arange(e, dtype=i32) - cum[0] - cum[1] - cum[2]
    ranks = [cum[0] - 1, cum[1] - 1, cum[2] - 1, rank3]
    c012 = jnp.stack([cum[0][-1], cum[1][-1], cum[2][-1]])
    counts = jnp.concatenate([c012, (e - c012.sum())[None]])
    ends = jnp.cumsum(-(-counts // _ALIGN) * _ALIGN)
    offs = jnp.concatenate([jnp.zeros((1,), i32), ends.astype(i32)])
    pos = jnp.zeros((e,), i32)
    for k in range(4):
        pos = jnp.where(grp == k, ranks[k] + offs[k], pos)

    cap_total = e + 4 * _ALIGN
    cap_alloc = -(-(cap_total + _DUMP) // (_NS * 128)) * (_NS * 128)
    rec_trash = n2
    fill_cand = (offs[:4] + counts)[:, None] + jnp.arange(_ALIGN, dtype=i32)
    fill_valid = fill_cand < offs[1:][:, None]
    dump_ids = cap_total + (
        jnp.arange(4 * _ALIGN, dtype=i32) % _DUMP).reshape(4, _ALIGN)
    fill_pos = jnp.where(fill_valid, fill_cand, dump_ids).reshape(-1)

    n_entries = e + 4 * _ALIGN
    n_chunks_w = -(-n_entries // (_NW * _K * _IB)) * _IB
    e_pad_a = _NW * _K * n_chunks_w
    pad_a = e_pad_a - n_entries
    pos_all = jnp.concatenate(
        [pos, fill_pos,
         cap_total + jnp.arange(pad_a, dtype=i32) % _DUMP])
    rec_all = jnp.concatenate(
        [rec, jnp.full((4 * _ALIGN + pad_a,), rec_trash, i32)])
    posp = pos_all.reshape(_NW, n_chunks_w, _K)
    recp = rec_all.reshape(_NW, n_chunks_w, _K)

    ztrash = jnp.full((cap_alloc,), rec_trash, i32)
    recs2 = _make_part_kernel(n_chunks_w, cap_alloc)(posp, recp, ztrash)
    recs = jnp.where(recs2[0] != rec_trash, recs2[0], recs2[1])

    ur = lax.bitcast_convert_type(recs, u32)
    src_g = (ur >> 18).astype(i32)
    code_u = ((ur >> 13) & 31).astype(i32)
    dst_u = jnp.minimum((ur & 8191).astype(i32), n2)
    src_u = jnp.minimum(src_g - (src_g >= n2).astype(i32) * n2, nh - 1)
    cidx_u = dst_u * 18 + code_u
    cap_chunks = cap_alloc // _K
    srcp2 = src_u.reshape(cap_chunks, _K)
    dstp2 = dst_u.reshape(cap_chunks, _K)
    cntp2 = cidx_u.reshape(cap_chunks, _K)
    offc = jnp.concatenate([offs // _K, jnp.zeros((11,), i32)])

    hp = jnp.zeros((2, nh, d), f32)
    hp = hp.at[0, :n2].set(lax.slice(h, (0, 0), (n2, d)))
    hp = hp.at[1, :n2].set(lax.slice(h, (n2, 0), (n, d)))
    zrow = jnp.zeros((nh, d), f32)
    zcnt = jnp.zeros((cl,), f32)

    aggr2, cnt2 = _make_aggr_kernel(cap_chunks, nh, cl, d)(
        hp, srcp2, dstp2, cntp2, offc, zrow, zcnt)

    c0 = lax.slice(cnt2[0], (0,), (n2 * 18,)).reshape(n2, 18)
    c1 = lax.slice(cnt2[1], (0,), (n2 * 18,)).reshape(n2, 18)
    call = jnp.concatenate([c0, c1])

    emb18 = (emb1[:, None, :] + emb2[None, :, :]).reshape(18, d)
    nb_half = n2 // _BN

    out = pl.pallas_call(
        _mlp_body,
        grid=(grid,),
        in_specs=[
            pl.BlockSpec((1, _BN, d),
                         lambda i: (i // nb_half, i % nb_half, 0)),
            pl.BlockSpec((_BN, d), lambda i: (i, 0)),
            pl.BlockSpec((_BN, 18), lambda i: (i, 0)),
            pl.BlockSpec((18, d), lambda i: (0, 0)),
            pl.BlockSpec((d, 2 * d), lambda i: (0, 0)),
            pl.BlockSpec((1, 2 * d), lambda i: (0, 0)),
            pl.BlockSpec((2 * d, d), lambda i: (0, 0)),
            pl.BlockSpec((1, d), lambda i: (0, 0)),
        ],
        out_specs=pl.BlockSpec((_BN, d), lambda i: (i, 0)),
        out_shape=jax.ShapeDtypeStruct((n, d), f32),
    )(aggr2, h, call, emb18, W1.T, b1.reshape(1, -1), W2.T,
      b2.reshape(1, -1))
    return out

# --- scband reference (transcript-rebuilt; emitter-appended) ---
"""Pipeline reference for scband-gnndecoder-52639119179814 (READ-ONLY COPY).

The authoritative reference and input builder live on the scoring server;
editing this copy changes nothing except your own understanding.
"""

import jax, jax.numpy as jnp
import numpy as np

N = 10000
E = 320000
D = 128

def setup_inputs(seed: int = 0) -> dict:
    key = jax.random.key(seed)
    ks = jax.random.split(key, 12)
    x = jax.random.normal(ks[0], (N, D), dtype=jnp.float32)
    edge_index = jax.random.randint(ks[1], (2, E), 0, N, dtype=jnp.int32)
    edge_attr = jax.random.randint(ks[2], (E, 2), 0, 3, dtype=jnp.int32)
    # parameters
    prelu_w = jnp.full((1,), 0.25, dtype=jnp.float32)
    W_enc = jax.random.normal(ks[3], (D, D), dtype=jnp.float32) * (1.0 / np.sqrt(D))
    emb1 = jax.random.normal(ks[4], (6, D), dtype=jnp.float32) * 0.1   # edge_embedding1 (num_bond_type=6)
    emb2 = jax.random.normal(ks[5], (3, D), dtype=jnp.float32) * 0.1   # edge_embedding2 (num_bond_direction=3)
    W1 = jax.random.normal(ks[6], (2 * D, D), dtype=jnp.float32) * (1.0 / np.sqrt(D))
    b1 = jnp.zeros((2 * D,), dtype=jnp.float32)
    W2 = jax.random.normal(ks[7], (D, 2 * D), dtype=jnp.float32) * (1.0 / np.sqrt(2 * D))
    b2 = jnp.zeros((D,), dtype=jnp.float32)
    return {"x": x, "edge_index": edge_index, "edge_attr": edge_attr,
            "prelu_w": prelu_w, "W_enc": W_enc, "emb1": emb1, "emb2": emb2,
            "W1": W1, "b1": b1, "W2": W2, "b2": b2}


def reference(x, edge_index, edge_attr, prelu_w, W_enc, emb1, emb2, W1, b1, W2, b2):
    n = x.shape[0]
    # PReLU activation
    h = jnp.where(x > 0, x, prelu_w * x)
    # enc_to_dec linear (no bias)
    h = h @ W_enc.T
    # add self loops
    self_idx = jnp.arange(n, dtype=edge_index.dtype)
    src = jnp.concatenate([edge_index[0], self_idx], axis=0)
    dst = jnp.concatenate([edge_index[1], self_idx], axis=0)
    sl_attr = jnp.concatenate([
        jnp.full((n, 1), 4, dtype=edge_attr.dtype),
        jnp.zeros((n, 1), dtype=edge_attr.dtype)], axis=1)
    ea = jnp.concatenate([edge_attr, sl_attr], axis=0)
    # edge embeddings
    edge_emb = emb1[ea[:, 0]] + emb2[ea[:, 1]]
    # message: x_j + edge_attr, aggregate: add (scatter into dst)
    msgs = h[src] + edge_emb
    aggr = jax.ops.segment_sum(msgs, dst, num_segments=n)
    # update MLP: Linear(D, 2D) -> ReLU -> Linear(2D, D)
    hid = jax.nn.relu(aggr @ W1.T + b1)
    out = hid @ W2.T + b2
    return out

if __name__ == "__main__":
    import jax
    _d = setup_inputs()
    print(jax.jit(kernel)(*tuple(_d.values())))

</pallas_src>

<mosaic_0001>
#map = affine_map<(d0, d1) -> (0, 0, 0)>
#map1 = affine_map<(d0, d1) -> (0, 0)>
#map2 = affine_map<(d0, d1) -> (0)>
module attributes {stable_mosaic.version = 14 : i64} {
  func.func @aggr_kernel(%arg0: i32, %arg1: i32, %arg2: memref<2x5120x128xf32, #tpu.memory_space<hbm>>, %arg3: memref<3040x128xi32, #tpu.memory_space<hbm>>, %arg4: memref<3040x128xi32, #tpu.memory_space<hbm>>, %arg5: memref<3040x128xi32, #tpu.memory_space<hbm>>, %arg6: memref<16xi32, #tpu.memory_space<hbm>>, %arg7: memref<5120x128xf32, #tpu.memory_space<hbm>>, %arg8: memref<90112xf32, #tpu.memory_space<hbm>>, %arg9: memref<2x5120x128xf32, #tpu.memory_space<hbm>>, %arg10: memref<2x90112xf32, #tpu.memory_space<hbm>>, %arg11: memref<8x128xi32, #tpu.memory_space<vmem>>, %arg12: memref<8x128xi32, #tpu.memory_space<vmem>>, %arg13: memref<8x128xi32, #tpu.memory_space<vmem>>, %arg14: memref<2x128x128xf32, #tpu.memory_space<vmem>>, %arg15: memref<128xf32, #tpu.memory_space<vmem>>, %arg16: memref<16xi32, #tpu.memory_space<vmem>>, %arg17: memref<5120x128xf32, #tpu.memory_space<vmem_shared>>, %arg18: memref<5120x128xf32, #tpu.memory_space<vmem_shared>>, %arg19: memref<90112xf32, #tpu.memory_space<vmem_shared>>, %arg20: memref<!tpu.dma_semaphore, #tpu.memory_space<semaphore_mem>>, %arg21: memref<!tpu.dma_semaphore, #tpu.memory_space<semaphore_mem>>) attributes {dimension_semantics = [#tpu.dimension_semantics<core_parallel>, #tpu.dimension_semantics<subcore_parallel>], iteration_bounds = array<i64: 2, 16>, scalar_prefetch = 0 : i64, scratch_operands = 11 : i64, tpu.core_type = #tpu.core_type<sc_vector_subcore>, window_params = [{transform_indices = #map}, {transform_indices = #map1}, {transform_indices = #map1}, {transform_indices = #map1}, {transform_indices = #map2}, {transform_indices = #map1}, {transform_indices = #map2}, {transform_indices = #map}, {transform_indices = #map1}]} {
    %mul3A = arith.constant 320 : i32
    %mul3A_0 = arith.muli %arg1, %mul3A : i32
    %mul3A_1 = arith.constant 320 : i32
    %mul3A_2 = arith.muli %arg1, %mul3A_1 : i32
    "tpu.region"() ({
      %run_scoped3A_207 = tpu.sem_alloc : memref<!tpu.dma_semaphore, #tpu.memory_space<semaphore_mem>>
      %dma_start3A = arith.constant 0 : i32
      %dma_start3A_208 = tpu.memref_slice %arg18[%mul3A_2, %dma_start3A] : memref<5120x128xf32, #tpu.memory_space<vmem_shared>> -> memref<320x128xf32, #tpu.memory_space<vmem_shared>>
      %dma_start3A_209 = arith.constant 0 : i32
      %dma_start3A_210 = tpu.memref_slice %arg7[%mul3A_0, %dma_start3A_209] : memref<5120x128xf32, #tpu.memory_space<hbm>> -> memref<320x128xf32, #tpu.memory_space<hbm>>
      tpu.enqueue_dma source(%dma_start3A_210 : memref<320x128xf32, #tpu.memory_space<hbm>>) target(%dma_start3A_208 : memref<320x128xf32, #tpu.memory_space<vmem_shared>>) target_semaphore(%run_scoped3A_207 : memref<!tpu.dma_semaphore, #tpu.memory_space<semaphore_mem>>)
      %dma_wait3A = arith.constant 0 : i32
      %dma_wait3A_211 = tpu.memref_slice %arg18[%mul3A_2, %dma_wait3A] : memref<5120x128xf32, #tpu.memory_space<vmem_shared>> -> memref<320x128xf32, #tpu.memory_space<vmem_shared>>
      %dma_wait3A_212 = arith.constant 0 : i32
      %dma_wait3A_213 = tpu.memref_slice %arg7[%mul3A_0, %dma_wait3A_212] : memref<5120x128xf32, #tpu.memory_space<hbm>> -> memref<320x128xf32, #tpu.memory_space<hbm>>
      tpu.wait_dma2 semaphore(%run_scoped3A_207 : memref<!tpu.dma_semaphore, #tpu.memory_space<semaphore_mem>>) src(%dma_wait3A_213 : memref<320x128xf32, #tpu.memory_space<hbm>>) dst(%dma_wait3A_211 : memref<320x128xf32, #tpu.memory_space<vmem_shared>>)
      tpu.yield
    }) : () -> ()
    %mul3A_3 = arith.constant 5632 : i32
    %mul3A_4 = arith.muli %arg1, %mul3A_3 : i32
    %mul3A_5 = arith.constant 5632 : i32
    %mul3A_6 = arith.muli %arg1, %mul3A_5 : i32
    "tpu.region"() ({
      %run_scoped3A_207 = tpu.sem_alloc : memref<!tpu.dma_semaphore, #tpu.memory_space<semaphore_mem>>
      %dma_start3A = tpu.memref_slice %arg19[%mul3A_6] : memref<90112xf32, #tpu.memory_space<vmem_shared>> -> memref<5632xf32, #tpu.memory_space<vmem_shared>>
      %dma_start3A_208 = tpu.memref_slice %arg8[%mul3A_4] : memref<90112xf32, #tpu.memory_space<hbm>> -> memref<5632xf32, #tpu.memory_space<hbm>>
      tpu.enqueue_dma source(%dma_start3A_208 : memref<5632xf32, #tpu.memory_space<hbm>>) target(%dma_start3A : memref<5632xf32, #tpu.memory_space<vmem_shared>>) target_semaphore(%run_scoped3A_207 : memref<!tpu.dma_semaphore, #tpu.memory_space<semaphore_mem>>)
      %dma_wait3A = tpu.memref_slice %arg19[%mul3A_6] : memref<90112xf32, #tpu.memory_space<vmem_shared>> -> memref<5632xf32, #tpu.memory_space<vmem_shared>>
      %dma_wait3A_209 = tpu.memref_slice %arg8[%mul3A_4] : memref<90112xf32, #tpu.memory_space<hbm>> -> memref<5632xf32, #tpu.memory_space<hbm>>
      tpu.wait_dma2 semaphore(%run_scoped3A_207 : memref<!tpu.dma_semaphore, #tpu.memory_space<semaphore_mem>>) src(%dma_wait3A_209 : memref<5632xf32, #tpu.memory_space<hbm>>) dst(%dma_wait3A : memref<5632xf32, #tpu.memory_space<vmem_shared>>)
      tpu.yield
    }) : () -> ()
    "tpu.region"() ({
      %run_scoped3A_207 = tpu.sem_alloc : memref<!tpu.dma_semaphore, #tpu.memory_space<semaphore_mem>>
      tpu.enqueue_dma source(%arg6 : memref<16xi32, #tpu.memory_space<hbm>>) target(%arg16 : memref<16xi32, #tpu.memory_space<vmem>>) target_semaphore(%run_scoped3A_207 : memref<!tpu.dma_semaphore, #tpu.memory_space<semaphore_mem>>)
      tpu.wait_dma2 semaphore(%run_scoped3A_207 : memref<!tpu.dma_semaphore, #tpu.memory_space<semaphore_mem>>) src(%arg6 : memref<16xi32, #tpu.memory_space<hbm>>) dst(%arg16 : memref<16xi32, #tpu.memory_space<vmem>>)
      tpu.yield
    }) : () -> ()
    %get3A = arith.constant 0 : index
    %get3A_7 = tpu.vector_load %arg16[%get3A] {strides = array<i32>} : memref<16xi32, #tpu.memory_space<vmem>>, vector<16xi32>,
    %get3A_8 = vector.shape_cast %get3A_7 : vector<16xi32> to vector<16xi32>
    %slice3A = vector.extract_strided_slice %get3A_8 {offsets = [0], sizes = [1], strides = [1]} : vector<16xi32> to vector<1xi32>
    %squeeze3A = vector.extract %slice3A[0] : i32 from vector<1xi32>
    %slice3A_9 = vector.extract_strided_slice %get3A_8 {offsets = [1], sizes = [1], strides = [1]} : vector<16xi32> to vector<1xi32>
    %squeeze3A_10 = vector.extract %slice3A_9[0] : i32 from vector<1xi32>
    %slice3A_11 = vector.extract_strided_slice %get3A_8 {offsets = [2], sizes = [1], strides = [1]} : vector<16xi32> to vector<1xi32>
    %squeeze3A_12 = vector.extract %slice3A_11[0] : i32 from vector<1xi32>
    %slice3A_13 = vector.extract_strided_slice %get3A_8 {offsets = [3], sizes = [1], strides = [1]} : vector<16xi32> to vector<1xi32>
    %squeeze3A_14 = vector.extract %slice3A_13[0] : i32 from vector<1xi32>
    %slice3A_15 = vector.extract_strided_slice %get3A_8 {offsets = [4], sizes = [1], strides = [1]} : vector<16xi32> to vector<1xi32>
    %squeeze3A_16 = vector.extract %slice3A_15[0] : i32 from vector<1xi32>
    %broadcast_in_dim3A = arith.constant 1.000000e+00 : f32
    %broadcast_in_dim3A_17 = vector.broadcast %broadcast_in_dim3A : f32 to vector<16xf32>
    %swap3A = arith.constant 0 : index
    %swap3A_18 = tpu.vector_load %arg15[%swap3A] {strides = array<i32>} : memref<128xf32, #tpu.memory_space<vmem>>, vector<16xf32>,
    %swap3A_19 = vector.shape_cast %swap3A_18 : vector<16xf32> to vector<16xf32>
    %swap3A_20 = vector.shape_cast %broadcast_in_dim3A_17 : vector<16xf32> to vector<16xf32>
    tpu.vector_store %arg15[%swap3A], %swap3A_20 {strides = array<i32>} : memref<128xf32, #tpu.memory_space<vmem>>, vector<16xf32>,
    %broadcast_in_dim3A_21 = arith.constant 1.000000e+00 : f32
    %broadcast_in_dim3A_22 = vector.broadcast %broadcast_in_dim3A_21 : f32 to vector<16xf32>
    %swap3A_23 = arith.constant 16 : index
    %swap3A_24 = tpu.vector_load %arg15[%swap3A_23] {strides = array<i32>} : memref<128xf32, #tpu.memory_space<vmem>>, vector<16xf32>,
    %swap3A_25 = vector.shape_cast %swap3A_24 : vector<16xf32> to vector<16xf32>
    %swap3A_26 = vector.shape_cast %broadcast_in_dim3A_22 : vector<16xf32> to vector<16xf32>
    tpu.vector_store %arg15[%swap3A_23], %swap3A_26 {strides = array<i32>} : memref<128xf32, #tpu.memory_space<vmem>>, vector<16xf32>,
    %broadcast_in_dim3A_27 = arith.constant 1.000000e+00 : f32
    %broadcast_in_dim3A_28 = vector.broadcast %broadcast_in_dim3A_27 : f32 to vector<16xf32>
    %swap3A_29 = arith.constant 32 : index
    %swap3A_30 = tpu.vector_load %arg15[%swap3A_29] {strides = array<i32>} : memref<128xf32, #tpu.memory_space<vmem>>, vector<16xf32>,
    %swap3A_31 = vector.shape_cast %swap3A_30 : vector<16xf32> to vector<16xf32>
    %swap3A_32 = vector.shape_cast %broadcast_in_dim3A_28 : vector<16xf32> to vector<16xf32>
    tpu.vector_store %arg15[%swap3A_29], %swap3A_32 {strides = array<i32>} : memref<128xf32, #tpu.memory_space<vmem>>, vector<16xf32>,
    %broadcast_in_dim3A_33 = arith.constant 1.000000e+00 : f32
    %broadcast_in_dim3A_34 = vector.broadcast %broadcast_in_dim3A_33 : f32 to vector<16xf32>
    %swap3A_35 = arith.constant 48 : index
    %swap3A_36 = tpu.vector_load %arg15[%swap3A_35] {strides = array<i32>} : memref<128xf32, #tpu.memory_space<vmem>>, vector<16xf32>,
    %swap3A_37 = vector.shape_cast %swap3A_36 : vector<16xf32> to vector<16xf32>
    %swap3A_38 = vector.shape_cast %broadcast_in_dim3A_34 : vector<16xf32> to vector<16xf32>
    tpu.vector_store %arg15[%swap3A_35], %swap3A_38 {strides = array<i32>} : memref<128xf32, #tpu.memory_space<vmem>>, vector<16xf32>,
    %broadcast_in_dim3A_39 = arith.constant 1.000000e+00 : f32
    %broadcast_in_dim3A_40 = vector.broadcast %broadcast_in_dim3A_39 : f32 to vector<16xf32>
    %swap3A_41 = arith.constant 64 : index
    %swap3A_42 = tpu.vector_load %arg15[%swap3A_41] {strides = array<i32>} : memref<128xf32, #tpu.memory_space<vmem>>, vector<16xf32>,
    %swap3A_43 = vector.shape_cast %swap3A_42 : vector<16xf32> to vector<16xf32>
    %swap3A_44 = vector.shape_cast %broadcast_in_dim3A_40 : vector<16xf32> to vector<16xf32>
    tpu.vector_store %arg15[%swap3A_41], %swap3A_44 {strides = array<i32>} : memref<128xf32, #tpu.memory_space<vmem>>, vector<16xf32>,
    %broadcast_in_dim3A_45 = arith.constant 1.000000e+00 : f32
    %broadcast_in_dim3A_46 = vector.broadcast %broadcast_in_dim3A_45 : f32 to vector<16xf32>
    %swap3A_47 = arith.constant 80 : index
    %swap3A_48 = tpu.vector_load %arg15[%swap3A_47] {strides = array<i32>} : memref<128xf32, #tpu.memory_space<vmem>>, vector<16xf32>,
    %swap3A_49 = vector.shape_cast %swap3A_48 : vector<16xf32> to vector<16xf32>
    %swap3A_50 = vector.shape_cast %broadcast_in_dim3A_46 : vector<16xf32> to vector<16xf32>
    tpu.vector_store %arg15[%swap3A_47], %swap3A_50 {strides = array<i32>} : memref<128xf32, #tpu.memory_space<vmem>>, vector<16xf32>,
    %broadcast_in_dim3A_51 = arith.constant 1.000000e+00 : f32
    %broadcast_in_dim3A_52 = vector.broadcast %broadcast_in_dim3A_51 : f32 to vector<16xf32>
    %swap3A_53 = arith.constant 96 : index
    %swap3A_54 = tpu.vector_load %arg15[%swap3A_53] {strides = array<i32>} : memref<128xf32, #tpu.memory_space<vmem>>, vector<16xf32>,
    %swap3A_55 = vector.shape_cast %swap3A_54 : vector<16xf32> to vector<16xf32>
    %swap3A_56 = vector.shape_cast %broadcast_in_dim3A_52 : vector<16xf32> to vector<16xf32>
    tpu.vector_store %arg15[%swap3A_53], %swap3A_56 {strides = array<i32>} : memref<128xf32, #tpu.memory_space<vmem>>, vector<16xf32>,
    %broadcast_in_dim3A_57 = arith.constant 1.000000e+00 : f32
    %broadcast_in_dim3A_58 = vector.broadcast %broadcast_in_dim3A_57 : f32 to vector<16xf32>
    %swap3A_59 = arith.constant 112 : index
    %swap3A_60 = tpu.vector_load %arg15[%swap3A_59] {strides = array<i32>} : memref<128xf32, #tpu.memory_space<vmem>>, vector<16xf32>,
    %swap3A_61 = vector.shape_cast %swap3A_60 : vector<16xf32> to vector<16xf32>
    %swap3A_62 = vector.shape_cast %broadcast_in_dim3A_58 : vector<16xf32> to vector<16xf32>
    tpu.vector_store %arg15[%swap3A_59], %swap3A_62 {strides = array<i32>} : memref<128xf32, #tpu.memory_space<vmem>>, vector<16xf32>,
    %barrier3A = arith.constant 0 : index
    tpu.barrier barrier_id(%barrier3A)
    %mul3A_63 = arith.constant 320 : i32
    %mul3A_64 = arith.muli %arg1, %mul3A_63 : i32
    %mul3A_65 = arith.constant 320 : i32
    %mul3A_66 = arith.muli %arg1, %mul3A_65 : i32
    %run_scoped3A = arith.constant 0 : i32
    "tpu.region"() ({
      %run_scoped3A_207 = tpu.sem_alloc : memref<!tpu.dma_semaphore, #tpu.memory_space<semaphore_mem>>
      %dma_start3A = arith.constant 0 : i32
      %dma_start3A_208 = tpu.memref_slice %arg17[%mul3A_66, %dma_start3A] : memref<5120x128xf32, #tpu.memory_space<vmem_shared>> -> memref<320x128xf32, #tpu.memory_space<vmem_shared>>
      %dma_start3A_209 = arith.constant 0 : i32
      %dma_start3A_210 = arith.constant 0 : i32
      %dma_start3A_211 = tpu.memref_slice %arg2[%run_scoped3A, %dma_start3A_209, %dma_start3A_210] : memref<2x5120x128xf32, #tpu.memory_space<hbm>> -> memref<1x5120x128xf32, #tpu.memory_space<hbm>>
      %dma_start3A_212 = tpu.memref_squeeze %dma_start3A_211 : memref<1x5120x128xf32, #tpu.memory_space<hbm>> -> memref<5120x128xf32, #tpu.memory_space<hbm>>
      %dma_start3A_213 = arith.constant 0 : i32
      %dma_start3A_214 = tpu.memref_slice %dma_start3A_212[%mul3A_64, %dma_start3A_213] : memref<5120x128xf32, #tpu.memory_space<hbm>> -> memref<320x128xf32, #tpu.memory_space<hbm>>
      tpu.enqueue_dma source(%dma_start3A_214 : memref<320x128xf32, #tpu.memory_space<hbm>>) target(%dma_start3A_208 : memref<320x128xf32, #tpu.memory_space<vmem_shared>>) target_semaphore(%run_scoped3A_207 : memref<!tpu.dma_semaphore, #tpu.memory_space<semaphore_mem>>)
      %dma_wait3A = arith.constant 0 : i32
      %dma_wait3A_215 = tpu.memref_slice %arg17[%mul3A_66, %dma_wait3A] : memref<5120x128xf32, #tpu.memory_space<vmem_shared>> -> memref<320x128xf32, #tpu.memory_space<vmem_shared>>
      %dma_wait3A_216 = arith.constant 0 : i32
      %dma_wait3A_217 = arith.constant 0 : i32
      %dma_wait3A_218 = tpu.memref_slice %arg2[%run_scoped3A, %dma_wait3A_216, %dma_wait3A_217] : memref<2x5120x128xf32, #tpu.memory_space<hbm>> -> memref<1x5120x128xf32, #tpu.memory_space<hbm>>
      %dma_wait3A_219 = tpu.memref_squeeze %dma_wait3A_218 : memref<1x5120x128xf32, #tpu.memory_space<hbm>> -> memref<5120x128xf32, #tpu.memory_space<hbm>>
      %dma_wait3A_220 = arith.constant 0 : i32
      %dma_wait3A_221 = tpu.memref_slice %dma_wait3A_219[%mul3A_64, %dma_wait3A_220] : memref<5120x128xf32, #tpu.memory_space<hbm>> -> memref<320x128xf32, #tpu.memory_space<hbm>>
      tpu.wait_dma2 semaphore(%run_scoped3A_207 : memref<!tpu.dma_semaphore, #tpu.memory_space<semaphore_mem>>) src(%dma_wait3A_221 : memref<320x128xf32, #tpu.memory_space<hbm>>) dst(%dma_wait3A_215 : memref<320x128xf32, #tpu.memory_space<vmem_shared>>)
      tpu.yield
    }) : () -> ()
    %barrier3A_67 = arith.constant 0 : index
    tpu.barrier barrier_id(%barrier3A_67)
    %eq3A = arith.constant 0 : i32
    %eq3A_68 = arith.cmpi eq, %arg0, %eq3A : i32
    %select_n3A = arith.select %eq3A_68, %squeeze3A, %squeeze3A_12 : i32
    %eq3A_69 = arith.constant 0 : i32
    %eq3A_70 = arith.cmpi eq, %arg0, %eq3A_69 : i32
    %select_n3A_71 = arith.select %eq3A_70, %squeeze3A_10, %squeeze3A_14 : i32
    %sub3A = arith.subi %select_n3A_71, %select_n3A : i32
    %jit3A = arith.constant 16 : i32
    %div3A = arith.divsi %sub3A, %jit3A : i32
    %sign3A = arith.constant 0 : i32
    %sign3A_72 = arith.cmpi sgt, %sub3A, %sign3A : i32
    %sign3A_73 = arith.extui %sign3A_72 : i1 to i32
    %sign3A_74 = arith.constant 0 : i32
    %sign3A_75 = arith.cmpi slt, %sub3A, %sign3A_74 : i32
    %sign3A_76 = arith.extui %sign3A_75 : i1 to i32
    %sign3A_77 = arith.subi %sign3A_73, %sign3A_76 : i32
    %sign3A_78 = arith.constant 0 : i32
    %sign3A_79 = arith.cmpi sgt, %jit3A, %sign3A_78 : i32
    %sign3A_80 = arith.extui %sign3A_79 : i1 to i32
    %sign3A_81 = arith.constant 0 : i32
    %sign3A_82 = arith.cmpi slt, %jit3A, %sign3A_81 : i32
    %sign3A_83 = arith.extui %sign3A_82 : i1 to i32
    %sign3A_84 = arith.subi %sign3A_80, %sign3A_83 : i32
    %ne3A = arith.cmpi ne, %sign3A_77, %sign3A_84 : i32
    %rem3A = arith.remsi %sub3A, %jit3A : i32
    %ne3A_85 = arith.constant 0 : i32
    %ne3A_86 = arith.cmpi ne, %rem3A, %ne3A_85 : i32
    %and3A = arith.andi %ne3A, %ne3A_86 : i1
    %sub3A_87 = arith.constant 1 : i32
    %sub3A_88 = arith.subi %div3A, %sub3A_87 : i32
    %select_n3A_89 = arith.select %and3A, %sub3A_88, %div3A : i32
    %mul3A_90 = arith.muli %arg1, %select_n3A_89 : i32
    %add3A = arith.addi %select_n3A, %mul3A_90 : i32
    %jit3A_91 = arith.constant 8 : i32
    %div3A_92 = arith.divsi %select_n3A_89, %jit3A_91 : i32
    %sign3A_93 = arith.constant 0 : i32
    %sign3A_94 = arith.cmpi sgt, %select_n3A_89, %sign3A_93 : i32
    %sign3A_95 = arith.extui %sign3A_94 : i1 to i32
    %sign3A_96 = arith.constant 0 : i32
    %sign3A_97 = arith.cmpi slt, %select_n3A_89, %sign3A_96 : i32
    %sign3A_98 = arith.extui %sign3A_97 : i1 to i32
    %sign3A_99 = arith.subi %sign3A_95, %sign3A_98 : i32
    %sign3A_100 = arith.constant 0 : i32
    %sign3A_101 = arith.cmpi sgt, %jit3A_91, %sign3A_100 : i32
    %sign3A_102 = arith.extui %sign3A_101 : i1 to i32
    %sign3A_103 = arith.constant 0 : i32
    %sign3A_104 = arith.cmpi slt, %jit3A_91, %sign3A_103 : i32
    %sign3A_105 = arith.extui %sign3A_104 : i1 to i32
    %sign3A_106 = arith.subi %sign3A_102, %sign3A_105 : i32
    %ne3A_107 = arith.cmpi ne, %sign3A_99, %sign3A_106 : i32
    %rem3A_108 = arith.remsi %select_n3A_89, %jit3A_91 : i32
    %ne3A_109 = arith.constant 0 : i32
    %ne3A_110 = arith.cmpi ne, %rem3A_108, %ne3A_109 : i32
    %and3A_111 = arith.andi %ne3A_107, %ne3A_110 : i1
    %sub3A_112 = arith.constant 1 : i32
    %sub3A_113 = arith.subi %div3A_92, %sub3A_112 : i32
    %select_n3A_114 = arith.select %and3A_111, %sub3A_113, %div3A_92 : i32
    %while3A = arith.constant 0 : i32
    %while3A_115 = arith.constant 0 : i32
    %while3A_116 = arith.subi %select_n3A_114, %while3A_115 : i32
    %while3A_117 = arith.addi %while3A_115, %while3A_116 : i32
    %while3A_118 = arith.constant 1 : i32
    %while3A_119 = arith.divsi %while3A_116, %while3A_118 : i32
    %while3A_120 = arith.muli %while3A_119, %while3A_118 : i32
    %while3A_121 = arith.addi %while3A_115, %while3A_120 : i32
    %while3A_122 = arith.constant 1 : i32
    scf.for %while3A_207 = %while3A_115 to %while3A_121 step %while3A_122  : i32 {
      %mul3A_208 = arith.constant 8 : i32
      %mul3A_209 = arith.muli %while3A_207, %mul3A_208 : i32
      %add3A_210 = arith.addi %add3A, %mul3A_209 : i32
      %multiple_of3A = tpu.assume_multiple %add3A_210, 8 : i32
      "tpu.region"() ({
        %run_scoped3A_425 = tpu.sem_alloc : memref<!tpu.dma_semaphore, #tpu.memory_space<semaphore_mem>>
        %dma_start3A_426 = arith.constant 0 : i32
        %dma_start3A_427 = tpu.memref_slice %arg3[%multiple_of3A, %dma_start3A_426] : memref<3040x128xi32, #tpu.memory_space<hbm>> -> memref<8x128xi32, #tpu.memory_space<hbm>>
        %dma_start3A_428 = arith.constant 0 : i32
        %dma_start3A_429 = tpu.memref_slice %arg3[%multiple_of3A, %dma_start3A_428] : memref<3040x128xi32, #tpu.memory_space<hbm>> -> memref<8x128xi32, #tpu.memory_space<hbm>>
        tpu.enqueue_dma source(%dma_start3A_429 : memref<8x128xi32, #tpu.memory_space<hbm>>) target(%arg11 : memref<8x128xi32, #tpu.memory_space<vmem>>) target_semaphore(%run_scoped3A_425 : memref<!tpu.dma_semaphore, #tpu.memory_space<semaphore_mem>>)
        %dma_wait3A_430 = arith.constant 0 : i32
        %dma_wait3A_431 = tpu.memref_slice %arg3[%multiple_of3A, %dma_wait3A_430] : memref<3040x128xi32, #tpu.memory_space<hbm>> -> memref<8x128xi32, #tpu.memory_space<hbm>>
        %dma_wait3A_432 = arith.constant 0 : i32
        %dma_wait3A_433 = tpu.memref_slice %arg3[%multiple_of3A, %dma_wait3A_432] : memref<3040x128xi32, #tpu.memory_space<hbm>> -> memref<8x128xi32, #tpu.memory_space<hbm>>
        tpu.wait_dma2 semaphore(%run_scoped3A_425 : memref<!tpu.dma_semaphore, #tpu.memory_space<semaphore_mem>>) src(%dma_wait3A_433 : memref<8x128xi32, #tpu.memory_space<hbm>>) dst(%arg11 : memref<8x128xi32, #tpu.memory_space<vmem>>)
        tpu.yield
      }) : () -> ()
      "tpu.region"() ({
        %run_scoped3A_425 = tpu.sem_alloc : memref<!tpu.dma_semaphore, #tpu.memory_space<semaphore_mem>>
        %dma_start3A_426 = arith.constant 0 : i32
        %dma_start3A_427 = tpu.memref_slice %arg4[%multiple_of3A, %dma_start3A_426] : memref<3040x128xi32, #tpu.memory_space<hbm>> -> memref<8x128xi32, #tpu.memory_space<hbm>>
        %dma_start3A_428 = arith.constant 0 : i32
        %dma_start3A_429 = tpu.memref_slice %arg4[%multiple_of3A, %dma_start3A_428] : memref<3040x128xi32, #tpu.memory_space<hbm>> -> memref<8x128xi32, #tpu.memory_space<hbm>>
        tpu.enqueue_dma source(%dma_start3A_429 : memref<8x128xi32, #tpu.memory_space<hbm>>) target(%arg12 : memref<8x128xi32, #tpu.memory_space<vmem>>) target_semaphore(%run_scoped3A_425 : memref<!tpu.dma_semaphore, #tpu.memory_space<semaphore_mem>>)
        %dma_wait3A_430 = arith.constant 0 : i32
        %dma_wait3A_431 = tpu.memref_slice %arg4[%multiple_of3A, %dma_wait3A_430] : memref<3040x128xi32, #tpu.memory_space<hbm>> -> memref<8x128xi32, #tpu.memory_space<hbm>>
        %dma_wait3A_432 = arith.constant 0 : i32
        %dma_wait3A_433 = tpu.memref_slice %arg4[%multiple_of3A, %dma_wait3A_432] : memref<3040x128xi32, #tpu.memory_space<hbm>> -> memref<8x128xi32, #tpu.memory_space<hbm>>
        tpu.wait_dma2 semaphore(%run_scoped3A_425 : memref<!tpu.dma_semaphore, #tpu.memory_space<semaphore_mem>>) src(%dma_wait3A_433 : memref<8x128xi32, #tpu.memory_space<hbm>>) dst(%arg12 : memref<8x128xi32, #tpu.memory_space<vmem>>)
        tpu.yield
      }) : () -> ()
      "tpu.region"() ({
        %run_scoped3A_425 = tpu.sem_alloc : memref<!tpu.dma_semaphore, #tpu.memory_space<semaphore_mem>>
        %dma_start3A_426 = arith.constant 0 : i32
        %dma_start3A_427 = tpu.memref_slice %arg5[%multiple_of3A, %dma_start3A_426] : memref<3040x128xi32, #tpu.memory_space<hbm>> -> memref<8x128xi32, #tpu.memory_space<hbm>>
        %dma_start3A_428 = arith.constant 0 : i32
        %dma_start3A_429 = tpu.memref_slice %arg5[%multiple_of3A, %dma_start3A_428] : memref<3040x128xi32, #tpu.memory_space<hbm>> -> memref<8x128xi32, #tpu.memory_space<hbm>>
        tpu.enqueue_dma source(%dma_start3A_429 : memref<8x128xi32, #tpu.memory_space<hbm>>) target(%arg13 : memref<8x128xi32, #tpu.memory_space<vmem>>) target_semaphore(%run_scoped3A_425 : memref<!tpu.dma_semaphore, #tpu.memory_space<semaphore_mem>>)
        %dma_wait3A_430 = arith.constant 0 : i32
        %dma_wait3A_431 = tpu.memref_slice %arg5[%multiple_of3A, %dma_wait3A_430] : memref<3040x128xi32, #tpu.memory_space<hbm>> -> memref<8x128xi32, #tpu.memory_space<hbm>>
        %dma_wait3A_432 = arith.constant 0 : i32
        %dma_wait3A_433 = tpu.memref_slice %arg5[%multiple_of3A, %dma_wait3A_432] : memref<3040x128xi32, #tpu.memory_space<hbm>> -> memref<8x128xi32, #tpu.memory_space<hbm>>
        tpu.wait_dma2 semaphore(%run_scoped3A_425 : memref<!tpu.dma_semaphore, #tpu.memory_space<semaphore_mem>>) src(%dma_wait3A_433 : memref<8x128xi32, #tpu.memory_space<hbm>>) dst(%arg13 : memref<8x128xi32, #tpu.memory_space<vmem>>)
        tpu.yield
      }) : () -> ()
      %dma_start3A = arith.constant 0 : i32
      %dma_start3A_211 = arith.constant 0 : i32
      %dma_start3A_212 = arith.constant 0 : i32
      %dma_start3A_213 = arith.constant 0 : i32
      %dma_start3A_214 = tpu.memref_slice %arg14[%dma_start3A_211, %dma_start3A_212, %dma_start3A_213] : memref<2x128x128xf32, #tpu.memory_space<vmem>> -> memref<1x128x128xf32, #tpu.memory_space<vmem>>
      %dma_start3A_215 = tpu.memref_squeeze %dma_start3A_214 : memref<1x128x128xf32, #tpu.memory_space<vmem>> -> memref<128x128xf32, #tpu.memory_space<vmem>>
      %dma_start3A_216 = arith.constant 0 : i32
      %dma_start3A_217 = tpu.memref_slice %arg11[%dma_start3A, %dma_start3A_216] : memref<8x128xi32, #tpu.memory_space<vmem>> -> memref<1x128xi32, #tpu.memory_space<vmem>>
      %dma_start3A_218 = tpu.memref_squeeze %dma_start3A_217 : memref<1x128xi32, #tpu.memory_space<vmem>> -> memref<128xi32, #tpu.memory_space<vmem>>
      %dma_start3A_219 = arith.constant 0 : i32
      %dma_start3A_220 = arith.constant 0 : i32
      %dma_start3A_221 = tpu.memref_slice %arg17[%dma_start3A_219, %dma_start3A_220] : memref<5120x128xf32, #tpu.memory_space<vmem_shared>> -> memref<5120x128xf32, #tpu.memory_space<vmem_shared>>
      tpu.enqueue_indirect_dma source(%dma_start3A_221 : memref<5120x128xf32, #tpu.memory_space<vmem_shared>>) target(%dma_start3A_215 : memref<128x128xf32, #tpu.memory_space<vmem>>) offsets(%dma_start3A_218 : memref<128xi32, #tpu.memory_space<vmem>>) semaphore(%arg20 : memref<!tpu.dma_semaphore, #tpu.memory_space<semaphore_mem>>)
      %dma_start3A_222 = arith.constant 1 : i32
      %dma_start3A_223 = arith.constant 1 : i32
      %dma_start3A_224 = arith.constant 0 : i32
      %dma_start3A_225 = arith.constant 0 : i32
      %dma_start3A_226 = tpu.memref_slice %arg14[%dma_start3A_223, %dma_start3A_224, %dma_start3A_225] : memref<2x128x128xf32, #tpu.memory_space<vmem>> -> memref<1x128x128xf32, #tpu.memory_space<vmem>>
      %dma_start3A_227 = tpu.memref_squeeze %dma_start3A_226 : memref<1x128x128xf32, #tpu.memory_space<vmem>> -> memref<128x128xf32, #tpu.memory_space<vmem>>
      %dma_start3A_228 = arith.constant 0 : i32
      %dma_start3A_229 = tpu.memref_slice %arg11[%dma_start3A_222, %dma_start3A_228] : memref<8x128xi32, #tpu.memory_space<vmem>> -> memref<1x128xi32, #tpu.memory_space<vmem>>
      %dma_start3A_230 = tpu.memref_squeeze %dma_start3A_229 : memref<1x128xi32, #tpu.memory_space<vmem>> -> memref<128xi32, #tpu.memory_space<vmem>>
      %dma_start3A_231 = arith.constant 0 : i32
      %dma_start3A_232 = arith.constant 0 : i32
      %dma_start3A_233 = tpu.memref_slice %arg17[%dma_start3A_231, %dma_start3A_232] : memref<5120x128xf32, #tpu.memory_space<vmem_shared>> -> memref<5120x128xf32, #tpu.memory_space<vmem_shared>>
      tpu.enqueue_indirect_dma source(%dma_start3A_233 : memref<5120x128xf32, #tpu.memory_space<vmem_shared>>) target(%dma_start3A_227 : memref<128x128xf32, #tpu.memory_space<vmem>>) offsets(%dma_start3A_230 : memref<128xi32, #tpu.memory_space<vmem>>) semaphore(%arg21 : memref<!tpu.dma_semaphore, #tpu.memory_space<semaphore_mem>>)
      %dma_wait3A = arith.constant 0 : i32
      %dma_wait3A_234 = arith.constant 0 : i32
      %dma_wait3A_235 = arith.constant 0 : i32
      %dma_wait3A_236 = arith.constant 0 : i32
      %dma_wait3A_237 = tpu.memref_slice %arg14[%dma_wait3A_234, %dma_wait3A_235, %dma_wait3A_236] : memref<2x128x128xf32, #tpu.memory_space<vmem>> -> memref<1x128x128xf32, #tpu.memory_space<vmem>>
      %dma_wait3A_238 = tpu.memref_squeeze %dma_wait3A_237 : memref<1x128x128xf32, #tpu.memory_space<vmem>> -> memref<128x128xf32, #tpu.memory_space<vmem>>
      %dma_wait3A_239 = arith.constant 0 : i32
      %dma_wait3A_240 = tpu.memref_slice %arg11[%dma_wait3A, %dma_wait3A_239] : memref<8x128xi32, #tpu.memory_space<vmem>> -> memref<1x128xi32, #tpu.memory_space<vmem>>
      %dma_wait3A_241 = tpu.memref_squeeze %dma_wait3A_240 : memref<1x128xi32, #tpu.memory_space<vmem>> -> memref<128xi32, #tpu.memory_space<vmem>>
      %dma_wait3A_242 = arith.constant 0 : i32
      %dma_wait3A_243 = arith.constant 0 : i32
      %dma_wait3A_244 = tpu.memref_slice %arg17[%dma_wait3A_242, %dma_wait3A_243] : memref<5120x128xf32, #tpu.memory_space<vmem_shared>> -> memref<5120x128xf32, #tpu.memory_space<vmem_shared>>
      tpu.wait_indirect_dma semaphore(%arg20 : memref<!tpu.dma_semaphore, #tpu.memory_space<semaphore_mem>>) src(%dma_wait3A_244 : memref<5120x128xf32, #tpu.memory_space<vmem_shared>>) dst(%dma_wait3A_238 : memref<128x128xf32, #tpu.memory_space<vmem>>)
      %run_scoped3A_245 = arith.constant 0 : i32
      %run_scoped3A_246 = arith.constant 0 : i32
      "tpu.region"() ({
        %run_scoped3A_425 = tpu.sem_alloc : memref<!tpu.dma_semaphore, #tpu.memory_space<semaphore_mem>>
        %dma_start3A_426 = arith.constant 0 : i32
        %dma_start3A_427 = arith.constant 0 : i32
        %dma_start3A_428 = tpu.memref_slice %arg14[%run_scoped3A_245, %dma_start3A_426, %dma_start3A_427] : memref<2x128x128xf32, #tpu.memory_space<vmem>> -> memref<1x128x128xf32, #tpu.memory_space<vmem>>
        %dma_start3A_429 = tpu.memref_squeeze %dma_start3A_428 : memref<1x128x128xf32, #tpu.memory_space<vmem>> -> memref<128x128xf32, #tpu.memory_space<vmem>>
        %dma_start3A_430 = arith.constant 0 : i32
        %dma_start3A_431 = tpu.memref_slice %arg12[%run_scoped3A_246, %dma_start3A_430] : memref<8x128xi32, #tpu.memory_space<vmem>> -> memref<1x128xi32, #tpu.memory_space<vmem>>
        %dma_start3A_432 = tpu.memref_squeeze %dma_start3A_431 : memref<1x128xi32, #tpu.memory_space<vmem>> -> memref<128xi32, #tpu.memory_space<vmem>>
        %dma_start3A_433 = arith.constant 0 : i32
        %dma_start3A_434 = arith.constant 0 : i32
        %dma_start3A_435 = tpu.memref_slice %arg18[%dma_start3A_433, %dma_start3A_434] : memref<5120x128xf32, #tpu.memory_space<vmem_shared>> -> memref<5120x128xf32, #tpu.memory_space<vmem_shared>>
        tpu.enqueue_indirect_dma source(%dma_start3A_429 : memref<128x128xf32, #tpu.memory_space<vmem>>) target(%dma_start3A_435 : memref<5120x128xf32, #tpu.memory_space<vmem_shared>>) offsets(%dma_start3A_432 : memref<128xi32, #tpu.memory_space<vmem>>) semaphore(%run_scoped3A_425 : memref<!tpu.dma_semaphore, #tpu.memory_space<semaphore_mem>>) {add = true}
        %dma_wait3A_436 = arith.constant 0 : i32
        %dma_wait3A_437 = arith.constant 0 : i32
        %dma_wait3A_438 = tpu.memref_slice %arg14[%run_scoped3A_245, %dma_wait3A_436, %dma_wait3A_437] : memref<2x128x128xf32, #tpu.memory_space<vmem>> -> memref<1x128x128xf32, #tpu.memory_space<vmem>>
        %dma_wait3A_439 = tpu.memref_squeeze %dma_wait3A_438 : memref<1x128x128xf32, #tpu.memory_space<vmem>> -> memref<128x128xf32, #tpu.memory_space<vmem>>
        %dma_wait3A_440 = arith.constant 0 : i32
        %dma_wait3A_441 = tpu.memref_slice %arg12[%run_scoped3A_246, %dma_wait3A_440] : memref<8x128xi32, #tpu.memory_space<vmem>> -> memref<1x128xi32, #tpu.memory_space<vmem>>
        %dma_wait3A_442 = tpu.memref_squeeze %dma_wait3A_441 : memref<1x128xi32, #tpu.memory_space<vmem>> -> memref<128xi32, #tpu.memory_space<vmem>>
        %dma_wait3A_443 = arith.constant 0 : i32
        %dma_wait3A_444 = arith.constant 0 : i32
        %dma_wait3A_445 = tpu.memref_slice %arg18[%dma_wait3A_443, %dma_wait3A_444] : memref<5120x128xf32, #tpu.memory_space<vmem_shared>> -> memref<5120x128xf32, #tpu.memory_space<vmem_shared>>
        tpu.wait_indirect_dma semaphore(%run_scoped3A_425 : memref<!tpu.dma_semaphore, #tpu.memory_space<semaphore_mem>>) src(%dma_wait3A_439 : memref<128x128xf32, #tpu.memory_space<vmem>>) dst(%dma_wait3A_445 : memref<5120x128xf32, #tpu.memory_space<vmem_shared>>)
        tpu.yield
      }) : () -> ()
      %run_scoped3A_247 = arith.constant 0 : i32
      "tpu.region"() ({
        %run_scoped3A_425 = tpu.sem_alloc : memref<!tpu.dma_semaphore, #tpu.memory_space<semaphore_mem>>
        %dma_start3A_426 = arith.constant 0 : i32
        %dma_start3A_427 = tpu.memref_slice %arg13[%run_scoped3A_247, %dma_start3A_426] : memref<8x128xi32, #tpu.memory_space<vmem>> -> memref<1x128xi32, #tpu.memory_space<vmem>>
        %dma_start3A_428 = tpu.memref_squeeze %dma_start3A_427 : memref<1x128xi32, #tpu.memory_space<vmem>> -> memref<128xi32, #tpu.memory_space<vmem>>
        %dma_start3A_429 = arith.constant 0 : i32
        %dma_start3A_430 = tpu.memref_slice %arg19[%dma_start3A_429] : memref<90112xf32, #tpu.memory_space<vmem_shared>> -> memref<90112xf32, #tpu.memory_space<vmem_shared>>
        tpu.enqueue_indirect_dma source(%arg15 : memref<128xf32, #tpu.memory_space<vmem>>) target(%dma_start3A_430 : memref<90112xf32, #tpu.memory_space<vmem_shared>>) offsets(%dma_start3A_428 : memref<128xi32, #tpu.memory_space<vmem>>) semaphore(%run_scoped3A_425 : memref<!tpu.dma_semaphore, #tpu.memory_space<semaphore_mem>>) {add = true}
        %dma_wait3A_431 = arith.constant 0 : i32
        %dma_wait3A_432 = tpu.memref_slice %arg13[%run_scoped3A_247, %dma_wait3A_431] : memref<8x128xi32, #tpu.memory_space<vmem>> -> memref<1x128xi32, #tpu.memory_space<vmem>>
        %dma_wait3A_433 = tpu.memref_squeeze %dma_wait3A_432 : memref<1x128xi32, #tpu.memory_space<vmem>> -> memref<128xi32, #tpu.memory_space<vmem>>
        %dma_wait3A_434 = arith.constant 0 : i32
        %dma_wait3A_435 = tpu.memref_slice %arg19[%dma_wait3A_434] : memref<90112xf32, #tpu.memory_space<vmem_shared>> -> memref<90112xf32, #tpu.memory_space<vmem_shared>>
        tpu.wait_indirect_dma semaphore(%run_scoped3A_425 : memref<!tpu.dma_semaphore, #tpu.memory_space<semaphore_mem>>) src(%arg15 : memref<128xf32, #tpu.memory_space<vmem>>) dst(%dma_wait3A_435 : memref<90112xf32, #tpu.memory_space<vmem_shared>>)
        tpu.yield
      }) : () -> ()
      %dma_start3A_248 = arith.constant 2 : i32
      %dma_start3A_249 = arith.constant 0 : i32
      %dma_start3A_250 = arith.constant 0 : i32
      %dma_start3A_251 = arith.constant 0 : i32
      %dma_start3A_252 = tpu.memref_slice %arg14[%dma_start3A_249, %dma_start3A_250, %dma_start3A_251] : memref<2x128x128xf32, #tpu.memory_space<vmem>> -> memref<1x128x128xf32, #tpu.memory_space<vmem>>
      %dma_start3A_253 = tpu.memref_squeeze %dma_start3A_252 : memref<1x128x128xf32, #tpu.memory_space<vmem>> -> memref<128x128xf32, #tpu.memory_space<vmem>>
      %dma_start3A_254 = arith.constant 0 : i32
      %dma_start3A_255 = tpu.memref_slice %arg11[%dma_start3A_248, %dma_start3A_254] : memref<8x128xi32, #tpu.memory_space<vmem>> -> memref<1x128xi32, #tpu.memory_space<vmem>>
      %dma_start3A_256 = tpu.memref_squeeze %dma_start3A_255 : memref<1x128xi32, #tpu.memory_space<vmem>> -> memref<128xi32, #tpu.memory_space<vmem>>
      %dma_start3A_257 = arith.constant 0 : i32
      %dma_start3A_258 = arith.constant 0 : i32
      %dma_start3A_259 = tpu.memref_slice %arg17[%dma_start3A_257, %dma_start3A_258] : memref<5120x128xf32, #tpu.memory_space<vmem_shared>> -> memref<5120x128xf32, #tpu.memory_space<vmem_shared>>
      tpu.enqueue_indirect_dma source(%dma_start3A_259 : memref<5120x128xf32, #tpu.memory_space<vmem_shared>>) target(%dma_start3A_253 : memref<128x128xf32, #tpu.memory_space<vmem>>) offsets(%dma_start3A_256 : memref<128xi32, #tpu.memory_space<vmem>>) semaphore(%arg20 : memref<!tpu.dma_semaphore, #tpu.memory_space<semaphore_mem>>)
      %dma_wait3A_260 = arith.constant 1 : i32
      %dma_wait3A_261 = arith.constant 1 : i32
      %dma_wait3A_262 = arith.constant 0 : i32
      %dma_wait3A_263 = arith.constant 0 : i32
      %dma_wait3A_264 = tpu.memref_slice %arg14[%dma_wait3A_261, %dma_wait3A_262, %dma_wait3A_263] : memref<2x128x128xf32, #tpu.memory_space<vmem>> -> memref<1x128x128xf32, #tpu.memory_space<vmem>>
      %dma_wait3A_265 = tpu.memref_squeeze %dma_wait3A_264 : memref<1x128x128xf32, #tpu.memory_space<vmem>> -> memref<128x128xf32, #tpu.memory_space<vmem>>
      %dma_wait3A_266 = arith.constant 0 : i32
      %dma_wait3A_267 = tpu.memref_slice %arg11[%dma_wait3A_260, %dma_wait3A_266] : memref<8x128xi32, #tpu.memory_space<vmem>> -> memref<1x128xi32, #tpu.memory_space<vmem>>
      %dma_wait3A_268 = tpu.memref_squeeze %dma_wait3A_267 : memref<1x128xi32, #tpu.memory_space<vmem>> -> memref<128xi32, #tpu.memory_space<vmem>>
      %dma_wait3A_269 = arith.constant 0 : i32
      %dma_wait3A_270 = arith.constant 0 : i32
      %dma_wait3A_271 = tpu.memref_slice %arg17[%dma_wait3A_269, %dma_wait3A_270] : memref<5120x128xf32, #tpu.memory_space<vmem_shared>> -> memref<5120x128xf32, #tpu.memory_space<vmem_shared>>
      tpu.wait_indirect_dma semaphore(%arg21 : memref<!tpu.dma_semaphore, #tpu.memory_space<semaphore_mem>>) src(%dma_wait3A_271 : memref<5120x128xf32, #tpu.memory_space<vmem_shared>>) dst(%dma_wait3A_265 : memref<128x128xf32, #tpu.memory_space<vmem>>)
      %run_scoped3A_272 = arith.constant 1 : i32
      %run_scoped3A_273 = arith.constant 1 : i32
      "tpu.region"() ({
        %run_scoped3A_425 = tpu.sem_alloc : memref<!tpu.dma_semaphore, #tpu.memory_space<semaphore_mem>>
        %dma_start3A_426 = arith.constant 0 : i32
        %dma_start3A_427 = arith.constant 0 : i32
        %dma_start3A_428 = tpu.memref_slice %arg14[%run_scoped3A_272, %dma_start3A_426, %dma_start3A_427] : memref<2x128x128xf32, #tpu.memory_space<vmem>> -> memref<1x128x128xf32, #tpu.memory_space<vmem>>
        %dma_start3A_429 = tpu.memref_squeeze %dma_start3A_428 : memref<1x128x128xf32, #tpu.memory_space<vmem>> -> memref<128x128xf32, #tpu.memory_space<vmem>>
        %dma_start3A_430 = arith.constant 0 : i32
        %dma_start3A_431 = tpu.memref_slice %arg12[%run_scoped3A_273, %dma_start3A_430] : memref<8x128xi32, #tpu.memory_space<vmem>> -> memref<1x128xi32, #tpu.memory_space<vmem>>
        %dma_start3A_432 = tpu.memref_squeeze %dma_start3A_431 : memref<1x128xi32, #tpu.memory_space<vmem>> -> memref<128xi32, #tpu.memory_space<vmem>>
        %dma_start3A_433 = arith.constant 0 : i32
        %dma_start3A_434 = arith.constant 0 : i32
        %dma_start3A_435 = tpu.memref_slice %arg18[%dma_start3A_433, %dma_start3A_434] : memref<5120x128xf32, #tpu.memory_space<vmem_shared>> -> memref<5120x128xf32, #tpu.memory_space<vmem_shared>>
        tpu.enqueue_indirect_dma source(%dma_start3A_429 : memref<128x128xf32, #tpu.memory_space<vmem>>) target(%dma_start3A_435 : memref<5120x128xf32, #tpu.memory_space<vmem_shared>>) offsets(%dma_start3A_432 : memref<128xi32, #tpu.memory_space<vmem>>) semaphore(%run_scoped3A_425 : memref<!tpu.dma_semaphore, #tpu.memory_space<semaphore_mem>>) {add = true}
        %dma_wait3A_436 = arith.constant 0 : i32
        %dma_wait3A_437 = arith.constant 0 : i32
        %dma_wait3A_438 = tpu.memref_slice %arg14[%run_scoped3A_272, %dma_wait3A_436, %dma_wait3A_437] : memref<2x128x128xf32, #tpu.memory_space<vmem>> -> memref<1x128x128xf32, #tpu.memory_space<vmem>>
        %dma_wait3A_439 = tpu.memref_squeeze %dma_wait3A_438 : memref<1x128x128xf32, #tpu.memory_space<vmem>> -> memref<128x128xf32, #tpu.memory_space<vmem>>
        %dma_wait3A_440 = arith.constant 0 : i32
        %dma_wait3A_441 = tpu.memref_slice %arg12[%run_scoped3A_273, %dma_wait3A_440] : memref<8x128xi32, #tpu.memory_space<vmem>> -> memref<1x128xi32, #tpu.memory_space<vmem>>
        %dma_wait3A_442 = tpu.memref_squeeze %dma_wait3A_441 : memref<1x128xi32, #tpu.memory_space<vmem>> -> memref<128xi32, #tpu.memory_space<vmem>>
        %dma_wait3A_443 = arith.constant 0 : i32
        %dma_wait3A_444 = arith.constant 0 : i32
        %dma_wait3A_445 = tpu.memref_slice %arg18[%dma_wait3A_443, %dma_wait3A_444] : memref<5120x128xf32, #tpu.memory_space<vmem_shared>> -> memref<5120x128xf32, #tpu.memory_space<vmem_shared>>
        tpu.wait_indirect_dma semaphore(%run_scoped3A_425 : memref<!tpu.dma_semaphore, #tpu.memory_space<semaphore_mem>>) src(%dma_wait3A_439 : memref<128x128xf32, #tpu.memory_space<vmem>>) dst(%dma_wait3A_445 : memref<5120x128xf32, #tpu.memory_space<vmem_shared>>)
        tpu.yield
      }) : () -> ()
      %run_scoped3A_274 = arith.constant 1 : i32
      "tpu.region"() ({
        %run_scoped3A_425 = tpu.sem_alloc : memref<!tpu.dma_semaphore, #tpu.memory_space<semaphore_mem>>
        %dma_start3A_426 = arith.constant 0 : i32
        %dma_start3A_427 = tpu.memref_slice %arg13[%run_scoped3A_274, %dma_start3A_426] : memref<8x128xi32, #tpu.memory_space<vmem>> -> memref<1x128xi32, #tpu.memory_space<vmem>>
        %dma_start3A_428 = tpu.memref_squeeze %dma_start3A_427 : memref<1x128xi32, #tpu.memory_space<vmem>> -> memref<128xi32, #tpu.memory_space<vmem>>
        %dma_start3A_429 = arith.constant 0 : i32
        %dma_start3A_430 = tpu.memref_slice %arg19[%dma_start3A_429] : memref<90112xf32, #tpu.memory_space<vmem_shared>> -> memref<90112xf32, #tpu.memory_space<vmem_shared>>
        tpu.enqueue_indirect_dma source(%arg15 : memref<128xf32, #tpu.memory_space<vmem>>) target(%dma_start3A_430 : memref<90112xf32, #tpu.memory_space<vmem_shared>>) offsets(%dma_start3A_428 : memref<128xi32, #tpu.memory_space<vmem>>) semaphore(%run_scoped3A_425 : memref<!tpu.dma_semaphore, #tpu.memory_space<semaphore_mem>>) {add = true}
        %dma_wait3A_431 = arith.constant 0 : i32
        %dma_wait3A_432 = tpu.memref_slice %arg13[%run_scoped3A_274, %dma_wait3A_431] : memref<8x128xi32, #tpu.memory_space<vmem>> -> memref<1x128xi32, #tpu.memory_space<vmem>>
        %dma_wait3A_433 = tpu.memref_squeeze %dma_wait3A_432 : memref<1x128xi32, #tpu.memory_space<vmem>> -> memref<128xi32, #tpu.memory_space<vmem>>
        %dma_wait3A_434 = arith.constant 0 : i32
        %dma_wait3A_435 = tpu.memref_slice %arg19[%dma_wait3A_434] : memref<90112xf32, #tpu.memory_space<vmem_shared>> -> memref<90112xf32, #tpu.memory_space<vmem_shared>>
        tpu.wait_indirect_dma semaphore(%run_scoped3A_425 : memref<!tpu.dma_semaphore, #tpu.memory_space<semaphore_mem>>) src(%arg15 : memref<128xf32, #tpu.memory_space<vmem>>) dst(%dma_wait3A_435 : memref<90112xf32, #tpu.memory_space<vmem_shared>>)
        tpu.yield
      }) : () -> ()
      %dma_start3A_275 = arith.constant 3 : i32
      %dma_start3A_276 = arith.constant 1 : i32
      %dma_start3A_277 = arith.constant 0 : i32
      %dma_start3A_278 = arith.constant 0 : i32
      %dma_start3A_279 = tpu.memref_slice %arg14[%dma_start3A_276, %dma_start3A_277, %dma_start3A_278] : memref<2x128x128xf32, #tpu.memory_space<vmem>> -> memref<1x128x128xf32, #tpu.memory_space<vmem>>
      %dma_start3A_280 = tpu.memref_squeeze %dma_start3A_279 : memref<1x128x128xf32, #tpu.memory_space<vmem>> -> memref<128x128xf32, #tpu.memory_space<vmem>>
      %dma_start3A_281 = arith.constant 0 : i32
      %dma_start3A_282 = tpu.memref_slice %arg11[%dma_start3A_275, %dma_start3A_281] : memref<8x128xi32, #tpu.memory_space<vmem>> -> memref<1x128xi32, #tpu.memory_space<vmem>>
      %dma_start3A_283 = tpu.memref_squeeze %dma_start3A_282 : memref<1x128xi32, #tpu.memory_space<vmem>> -> memref<128xi32, #tpu.memory_space<vmem>>
      %dma_start3A_284 = arith.constant 0 : i32
      %dma_start3A_285 = arith.constant 0 : i32
      %dma_start3A_286 = tpu.memref_slice %arg17[%dma_start3A_284, %dma_start3A_285] : memref<5120x128xf32, #tpu.memory_space<vmem_shared>> -> memref<5120x128xf32, #tpu.memory_space<vmem_shared>>
      tpu.enqueue_indirect_dma source(%dma_start3A_286 : memref<5120x128xf32, #tpu.memory_space<vmem_shared>>) target(%dma_start3A_280 : memref<128x128xf32, #tpu.memory_space<vmem>>) offsets(%dma_start3A_283 : memref<128xi32, #tpu.memory_space<vmem>>) semaphore(%arg21 : memref<!tpu.dma_semaphore, #tpu.memory_space<semaphore_mem>>)
      %dma_wait3A_287 = arith.constant 2 : i32
      %dma_wait3A_288 = arith.constant 0 : i32
      %dma_wait3A_289 = arith.constant 0 : i32
      %dma_wait3A_290 = arith.constant 0 : i32
      %dma_wait3A_291 = tpu.memref_slice %arg14[%dma_wait3A_288, %dma_wait3A_289, %dma_wait3A_290] : memref<2x128x128xf32, #tpu.memory_space<vmem>> -> memref<1x128x128xf32, #tpu.memory_space<vmem>>
      %dma_wait3A_292 = tpu.memref_squeeze %dma_wait3A_291 : memref<1x128x128xf32, #tpu.memory_space<vmem>> -> memref<128x128xf32, #tpu.memory_space<vmem>>
      %dma_wait3A_293 = arith.constant 0 : i32
      %dma_wait3A_294 = tpu.memref_slice %arg11[%dma_wait3A_287, %dma_wait3A_293] : memref<8x128xi32, #tpu.memory_space<vmem>> -> memref<1x128xi32, #tpu.memory_space<vmem>>
      %dma_wait3A_295 = tpu.memref_squeeze %dma_wait3A_294 : memref<1x128xi32, #tpu.memory_space<vmem>> -> memref<128xi32, #tpu.memory_space<vmem>>
      %dma_wait3A_296 = arith.constant 0 : i32
      %dma_wait3A_297 = arith.constant 0 : i32
      %dma_wait3A_298 = tpu.memref_slice %arg17[%dma_wait3A_296, %dma_wait3A_297] : memref<5120x128xf32, #tpu.memory_space<vmem_shared>> -> memref<5120x128xf32, #tpu.memory_space<vmem_shared>>
      tpu.wait_indirect_dma semaphore(%arg20 : memref<!tpu.dma_semaphore, #tpu.memory_space<semaphore_mem>>) src(%dma_wait3A_298 : memref<5120x128xf32, #tpu.memory_space<vmem_shared>>) dst(%dma_wait3A_292 : memref<128x128xf32, #tpu.memory_space<vmem>>)
      %run_scoped3A_299 = arith.constant 0 : i32
      %run_scoped3A_300 = arith.constant 2 : i32
      "tpu.region"() ({
        %run_scoped3A_425 = tpu.sem_alloc : memref<!tpu.dma_semaphore, #tpu.memory_space<semaphore_mem>>
        %dma_start3A_426 = arith.constant 0 : i32
        %dma_start3A_427 = arith.constant 0 : i32
        %dma_start3A_428 = tpu.memref_slice %arg14[%run_scoped3A_299, %dma_start3A_426, %dma_start3A_427] : memref<2x128x128xf32, #tpu.memory_space<vmem>> -> memref<1x128x128xf32, #tpu.memory_space<vmem>>
        %dma_start3A_429 = tpu.memref_squeeze %dma_start3A_428 : memref<1x128x128xf32, #tpu.memory_space<vmem>> -> memref<128x128xf32, #tpu.memory_space<vmem>>
        %dma_start3A_430 = arith.constant 0 : i32
        %dma_start3A_431 = tpu.memref_slice %arg12[%run_scoped3A_300, %dma_start3A_430] : memref<8x128xi32, #tpu.memory_space<vmem>> -> memref<1x128xi32, #tpu.memory_space<vmem>>
        %dma_start3A_432 = tpu.memref_squeeze %dma_start3A_431 : memref<1x128xi32, #tpu.memory_space<vmem>> -> memref<128xi32, #tpu.memory_space<vmem>>
        %dma_start3A_433 = arith.constant 0 : i32
        %dma_start3A_434 = arith.constant 0 : i32
        %dma_start3A_435 = tpu.memref_slice %arg18[%dma_start3A_433, %dma_start3A_434] : memref<5120x128xf32, #tpu.memory_space<vmem_shared>> -> memref<5120x128xf32, #tpu.memory_space<vmem_shared>>
        tpu.enqueue_indirect_dma source(%dma_start3A_429 : memref<128x128xf32, #tpu.memory_space<vmem>>) target(%dma_start3A_435 : memref<5120x128xf32, #tpu.memory_space<vmem_shared>>) offsets(%dma_start3A_432 : memref<128xi32, #tpu.memory_space<vmem>>) semaphore(%run_scoped3A_425 : memref<!tpu.dma_semaphore, #tpu.memory_space<semaphore_mem>>) {add = true}
        %dma_wait3A_436 = arith.constant 0 : i32
        %dma_wait3A_437 = arith.constant 0 : i32
        %dma_wait3A_438 = tpu.memref_slice %arg14[%run_scoped3A_299, %dma_wait3A_436, %dma_wait3A_437] : memref<2x128x128xf32, #tpu.memory_space<vmem>> -> memref<1x128x128xf32, #tpu.memory_space<vmem>>
        %dma_wait3A_439 = tpu.memref_squeeze %dma_wait3A_438 : memref<1x128x128xf32, #tpu.memory_space<vmem>> -> memref<128x128xf32, #tpu.memory_space<vmem>>
        %dma_wait3A_440 = arith.constant 0 : i32
        %dma_wait3A_441 = tpu.memref_slice %arg12[%run_scoped3A_300, %dma_wait3A_440] : memref<8x128xi32, #tpu.memory_space<vmem>> -> memref<1x128xi32, #tpu.memory_space<vmem>>
        %dma_wait3A_442 = tpu.memref_squeeze %dma_wait3A_441 : memref<1x128xi32, #tpu.memory_space<vmem>> -> memref<128xi32, #tpu.memory_space<vmem>>
        %dma_wait3A_443 = arith.constant 0 : i32
        %dma_wait3A_444 = arith.constant 0 : i32
        %dma_wait3A_445 = tpu.memref_slice %arg18[%dma_wait3A_443, %dma_wait3A_444] : memref<5120x128xf32, #tpu.memory_space<vmem_shared>> -> memref<5120x128xf32, #tpu.memory_space<vmem_shared>>
        tpu.wait_indirect_dma semaphore(%run_scoped3A_425 : memref<!tpu.dma_semaphore, #tpu.memory_space<semaphore_mem>>) src(%dma_wait3A_439 : memref<128x128xf32, #tpu.memory_space<vmem>>) dst(%dma_wait3A_445 : memref<5120x128xf32, #tpu.memory_space<vmem_shared>>)
        tpu.yield
      }) : () -> ()
      %run_scoped3A_301 = arith.constant 2 : i32
      "tpu.region"() ({
        %run_scoped3A_425 = tpu.sem_alloc : memref<!tpu.dma_semaphore, #tpu.memory_space<semaphore_mem>>
        %dma_start3A_426 = arith.constant 0 : i32
        %dma_start3A_427 = tpu.memref_slice %arg13[%run_scoped3A_301, %dma_start3A_426] : memref<8x128xi32, #tpu.memory_space<vmem>> -> memref<1x128xi32, #tpu.memory_space<vmem>>
        %dma_start3A_428 = tpu.memref_squeeze %dma_start3A_427 : memref<1x128xi32, #tpu.memory_space<vmem>> -> memref<128xi32, #tpu.memory_space<vmem>>
        %dma_start3A_429 = arith.constant 0 : i32
        %dma_start3A_430 = tpu.memref_slice %arg19[%dma_start3A_429] : memref<90112xf32, #tpu.memory_space<vmem_shared>> -> memref<90112xf32, #tpu.memory_space<vmem_shared>>
        tpu.enqueue_indirect_dma source(%arg15 : memref<128xf32, #tpu.memory_space<vmem>>) target(%dma_start3A_430 : memref<90112xf32, #tpu.memory_space<vmem_shared>>) offsets(%dma_start3A_428 : memref<128xi32, #tpu.memory_space<vmem>>) semaphore(%run_scoped3A_425 : memref<!tpu.dma_semaphore, #tpu.memory_space<semaphore_mem>>) {add = true}
        %dma_wait3A_431 = arith.constant 0 : i32
        %dma_wait3A_432 = tpu.memref_slice %arg13[%run_scoped3A_301, %dma_wait3A_431] : memref<8x128xi32, #tpu.memory_space<vmem>> -> memref<1x128xi32, #tpu.memory_space<vmem>>
        %dma_wait3A_433 = tpu.memref_squeeze %dma_wait3A_432 : memref<1x128xi32, #tpu.memory_space<vmem>> -> memref<128xi32, #tpu.memory_space<vmem>>
        %dma_wait3A_434 = arith.constant 0 : i32
        %dma_wait3A_435 = tpu.memref_slice %arg19[%dma_wait3A_434] : memref<90112xf32, #tpu.memory_space<vmem_shared>> -> memref<90112xf32, #tpu.memory_space<vmem_shared>>
        tpu.wait_indirect_dma semaphore(%run_scoped3A_425 : memref<!tpu.dma_semaphore, #tpu.memory_space<semaphore_mem>>) src(%arg15 : memref<128xf32, #tpu.memory_space<vmem>>) dst(%dma_wait3A_435 : memref<90112xf32, #tpu.memory_space<vmem_shared>>)
        tpu.yield
      }) : () -> ()
      %dma_start3A_302 = arith.constant 4 : i32
      %dma_start3A_303 = arith.constant 0 : i32
      %dma_start3A_304 = arith.constant 0 : i32
      %dma_start3A_305 = arith.constant 0 : i32
      %dma_start3A_306 = tpu.memref_slice %arg14[%dma_start3A_303, %dma_start3A_304, %dma_start3A_305] : memref<2x128x128xf32, #tpu.memory_space<vmem>> -> memref<1x128x128xf32, #tpu.memory_space<vmem>>
      %dma_start3A_307 = tpu.memref_squeeze %dma_start3A_306 : memref<1x128x128xf32, #tpu.memory_space<vmem>> -> memref<128x128xf32, #tpu.memory_space<vmem>>
      %dma_start3A_308 = arith.constant 0 : i32
      %dma_start3A_309 = tpu.memref_slice %arg11[%dma_start3A_302, %dma_start3A_308] : memref<8x128xi32, #tpu.memory_space<vmem>> -> memref<1x128xi32, #tpu.memory_space<vmem>>
      %dma_start3A_310 = tpu.memref_squeeze %dma_start3A_309 : memref<1x128xi32, #tpu.memory_space<vmem>> -> memref<128xi32, #tpu.memory_space<vmem>>
      %dma_start3A_311 = arith.constant 0 : i32
      %dma_start3A_312 = arith.constant 0 : i32
      %dma_start3A_313 = tpu.memref_slice %arg17[%dma_start3A_311, %dma_start3A_312] : memref<5120x128xf32, #tpu.memory_space<vmem_shared>> -> memref<5120x128xf32, #tpu.memory_space<vmem_shared>>
      tpu.enqueue_indirect_dma source(%dma_start3A_313 : memref<5120x128xf32, #tpu.memory_space<vmem_shared>>) target(%dma_start3A_307 : memref<128x128xf32, #tpu.memory_space<vmem>>) offsets(%dma_start3A_310 : memref<128xi32, #tpu.memory_space<vmem>>) semaphore(%arg20 : memref<!tpu.dma_semaphore, #tpu.memory_space<semaphore_mem>>)
      %dma_wait3A_314 = arith.constant 3 : i32
      %dma_wait3A_315 = arith.constant 1 : i32
      %dma_wait3A_316 = arith.constant 0 : i32
      %dma_wait3A_317 = arith.constant 0 : i32
      %dma_wait3A_318 = tpu.memref_slice %arg14[%dma_wait3A_315, %dma_wait3A_316, %dma_wait3A_317] : memref<2x128x128xf32, #tpu.memory_space<vmem>> -> memref<1x128x128xf32, #tpu.memory_space<vmem>>
      %dma_wait3A_319 = tpu.memref_squeeze %dma_wait3A_318 : memref<1x128x128xf32, #tpu.memory_space<vmem>> -> memref<128x128xf32, #tpu.memory_space<vmem>>
      %dma_wait3A_320 = arith.constant 0 : i32
      %dma_wait3A_321 = tpu.memref_slice %arg11[%dma_wait3A_314, %dma_wait3A_320] : memref<8x128xi32, #tpu.memory_space<vmem>> -> memref<1x128xi32, #tpu.memory_space<vmem>>
      %dma_wait3A_322 = tpu.memref_squeeze %dma_wait3A_321 : memref<1x128xi32, #tpu.memory_space<vmem>> -> memref<128xi32, #tpu.memory_space<vmem>>
      %dma_wait3A_323 = arith.constant 0 : i32
      %dma_wait3A_324 = arith.constant 0 : i32
      %dma_wait3A_325 = tpu.memref_slice %arg17[%dma_wait3A_323, %dma_wait3A_324] : memref<5120x128xf32, #tpu.memory_space<vmem_shared>> -> memref<5120x128xf32, #tpu.memory_space<vmem_shared>>
      tpu.wait_indirect_dma semaphore(%arg21 : memref<!tpu.dma_semaphore, #tpu.memory_space<semaphore_mem>>) src(%dma_wait3A_325 : memref<5120x128xf32, #tpu.memory_space<vmem_shared>>) dst(%dma_wait3A_319 : memref<128x128xf32, #tpu.memory_space<vmem>>)
      %run_scoped3A_326 = arith.constant 1 : i32
      %run_scoped3A_327 = arith.constant 3 : i32
      "tpu.region"() ({
        %run_scoped3A_425 = tpu.sem_alloc : memref<!tpu.dma_semaphore, #tpu.memory_space<semaphore_mem>>
        %dma_start3A_426 = arith.constant 0 : i32
        %dma_start3A_427 = arith.constant 0 : i32
        %dma_start3A_428 = tpu.memref_slice %arg14[%run_scoped3A_326, %dma_start3A_426, %dma_start3A_427] : memref<2x128x128xf32, #tpu.memory_space<vmem>> -> memref<1x128x128xf32, #tpu.memory_space<vmem>>
        %dma_start3A_429 = tpu.memref_squeeze %dma_start3A_428 : memref<1x128x128xf32, #tpu.memory_space<vmem>> -> memref<128x128xf32, #tpu.memory_space<vmem>>
        %dma_start3A_430 = arith.constant 0 : i32
        %dma_start3A_431 = tpu.memref_slice %arg12[%run_scoped3A_327, %dma_start3A_430] : memref<8x128xi32, #tpu.memory_space<vmem>> -> memref<1x128xi32, #tpu.memory_space<vmem>>
        %dma_start3A_432 = tpu.memref_squeeze %dma_start3A_431 : memref<1x128xi32, #tpu.memory_space<vmem>> -> memref<128xi32, #tpu.memory_space<vmem>>
        %dma_start3A_433 = arith.constant 0 : i32
        %dma_start3A_434 = arith.constant 0 : i32
        %dma_start3A_435 = tpu.memref_slice %arg18[%dma_start3A_433, %dma_start3A_434] : memref<5120x128xf32, #tpu.memory_space<vmem_shared>> -> memref<5120x128xf32, #tpu.memory_space<vmem_shared>>
        tpu.enqueue_indirect_dma source(%dma_start3A_429 : memref<128x128xf32, #tpu.memory_space<vmem>>) target(%dma_start3A_435 : memref<5120x128xf32, #tpu.memory_space<vmem_shared>>) offsets(%dma_start3A_432 : memref<128xi32, #tpu.memory_space<vmem>>) semaphore(%run_scoped3A_425 : memref<!tpu.dma_semaphore, #tpu.memory_space<semaphore_mem>>) {add = true}
        %dma_wait3A_436 = arith.constant 0 : i32
        %dma_wait3A_437 = arith.constant 0 : i32
        %dma_wait3A_438 = tpu.memref_slice %arg14[%run_scoped3A_326, %dma_wait3A_436, %dma_wait3A_437] : memref<2x128x128xf32, #tpu.memory_space<vmem>> -> memref<1x128x128xf32, #tpu.memory_space<vmem>>
        %dma_wait3A_439 = tpu.memref_squeeze %dma_wait3A_438 : memref<1x128x128xf32, #tpu.memory_space<vmem>> -> memref<128x128xf32, #tpu.memory_space<vmem>>
        %dma_wait3A_440 = arith.constant 0 : i32
        %dma_wait3A_441 = tpu.memref_slice %arg12[%run_scoped3A_327, %dma_wait3A_440] : memref<8x128xi32, #tpu.memory_space<vmem>> -> memref<1x128xi32, #tpu.memory_space<vmem>>
        %dma_wait3A_442 = tpu.memref_squeeze %dma_wait3A_441 : memref<1x128xi32, #tpu.memory_space<vmem>> -> memref<128xi32, #tpu.memory_space<vmem>>
        %dma_wait3A_443 = arith.constant 0 : i32
        %dma_wait3A_444 = arith.constant 0 : i32
        %dma_wait3A_445 = tpu.memref_slice %arg18[%dma_wait3A_443, %dma_wait3A_444] : memref<5120x128xf32, #tpu.memory_space<vmem_shared>> -> memref<5120x128xf32, #tpu.memory_space<vmem_shared>>
        tpu.wait_indirect_dma semaphore(%run_scoped3A_425 : memref<!tpu.dma_semaphore, #tpu.memory_space<semaphore_mem>>) src(%dma_wait3A_439 : memref<128x128xf32, #tpu.memory_space<vmem>>) dst(%dma_wait3A_445 : memref<5120x128xf32, #tpu.memory_space<vmem_shared>>)
        tpu.yield
      }) : () -> ()
      %run_scoped3A_328 = arith.constant 3 : i32
      "tpu.region"() ({
        %run_scoped3A_425 = tpu.sem_alloc : memref<!tpu.dma_semaphore, #tpu.memory_space<semaphore_mem>>
        %dma_start3A_426 = arith.constant 0 : i32
        %dma_start3A_427 = tpu.memref_slice %arg13[%run_scoped3A_328, %dma_start3A_426] : memref<8x128xi32, #tpu.memory_space<vmem>> -> memref<1x128xi32, #tpu.memory_space<vmem>>
        %dma_start3A_428 = tpu.memref_squeeze %dma_start3A_427 : memref<1x128xi32, #tpu.memory_space<vmem>> -> memref<128xi32, #tpu.memory_space<vmem>>
        %dma_start3A_429 = arith.constant 0 : i32
        %dma_start3A_430 = tpu.memref_slice %arg19[%dma_start3A_429] : memref<90112xf32, #tpu.memory_space<vmem_shared>> -> memref<90112xf32, #tpu.memory_space<vmem_shared>>
        tpu.enqueue_indirect_dma source(%arg15 : memref<128xf32, #tpu.memory_space<vmem>>) target(%dma_start3A_430 : memref<90112xf32, #tpu.memory_space<vmem_shared>>) offsets(%dma_start3A_428 : memref<128xi32, #tpu.memory_space<vmem>>) semaphore(%run_scoped3A_425 : memref<!tpu.dma_semaphore, #tpu.memory_space<semaphore_mem>>) {add = true}
        %dma_wait3A_431 = arith.constant 0 : i32
        %dma_wait3A_432 = tpu.memref_slice %arg13[%run_scoped3A_328, %dma_wait3A_431] : memref<8x128xi32, #tpu.memory_space<vmem>> -> memref<1x128xi32, #tpu.memory_space<vmem>>
        %dma_wait3A_433 = tpu.memref_squeeze %dma_wait3A_432 : memref<1x128xi32, #tpu.memory_space<vmem>> -> memref<128xi32, #tpu.memory_space<vmem>>
        %dma_wait3A_434 = arith.constant 0 : i32
        %dma_wait3A_435 = tpu.memref_slice %arg19[%dma_wait3A_434] : memref<90112xf32, #tpu.memory_space<vmem_shared>> -> memref<90112xf32, #tpu.memory_space<vmem_shared>>
        tpu.wait_indirect_dma semaphore(%run_scoped3A_425 : memref<!tpu.dma_semaphore, #tpu.memory_space<semaphore_mem>>) src(%arg15 : memref<128xf32, #tpu.memory_space<vmem>>) dst(%dma_wait3A_435 : memref<90112xf32, #tpu.memory_space<vmem_shared>>)
        tpu.yield
      }) : () -> ()
      %dma_start3A_329 = arith.constant 5 : i32
      %dma_start3A_330 = arith.constant 1 : i32
      %dma_start3A_331 = arith.constant 0 : i32
      %dma_start3A_332 = arith.constant 0 : i32
      %dma_start3A_333 = tpu.memref_slice %arg14[%dma_start3A_330, %dma_start3A_331, %dma_start3A_332] : memref<2x128x128xf32, #tpu.memory_space<vmem>> -> memref<1x128x128xf32, #tpu.memory_space<vmem>>
      %dma_start3A_334 = tpu.memref_squeeze %dma_start3A_333 : memref<1x128x128xf32, #tpu.memory_space<vmem>> -> memref<128x128xf32, #tpu.memory_space<vmem>>
      %dma_start3A_335 = arith.constant 0 : i32
      %dma_start3A_336 = tpu.memref_slice %arg11[%dma_start3A_329, %dma_start3A_335] : memref<8x128xi32, #tpu.memory_space<vmem>> -> memref<1x128xi32, #tpu.memory_space<vmem>>
      %dma_start3A_337 = tpu.memref_squeeze %dma_start3A_336 : memref<1x128xi32, #tpu.memory_space<vmem>> -> memref<128xi32, #tpu.memory_space<vmem>>
      %dma_start3A_338 = arith.constant 0 : i32
      %dma_start3A_339 = arith.constant 0 : i32
      %dma_start3A_340 = tpu.memref_slice %arg17[%dma_start3A_338, %dma_start3A_339] : memref<5120x128xf32, #tpu.memory_space<vmem_shared>> -> memref<5120x128xf32, #tpu.memory_space<vmem_shared>>
      tpu.enqueue_indirect_dma source(%dma_start3A_340 : memref<5120x128xf32, #tpu.memory_space<vmem_shared>>) target(%dma_start3A_334 : memref<128x128xf32, #tpu.memory_space<vmem>>) offsets(%dma_start3A_337 : memref<128xi32, #tpu.memory_space<vmem>>) semaphore(%arg21 : memref<!tpu.dma_semaphore, #tpu.memory_space<semaphore_mem>>)
      %dma_wait3A_341 = arith.constant 4 : i32
      %dma_wait3A_342 = arith.constant 0 : i32
      %dma_wait3A_343 = arith.constant 0 : i32
      %dma_wait3A_344 = arith.constant 0 : i32
      %dma_wait3A_345 = tpu.memref_slice %arg14[%dma_wait3A_342, %dma_wait3A_343, %dma_wait3A_344] : memref<2x128x128xf32, #tpu.memory_space<vmem>> -> memref<1x128x128xf32, #tpu.memory_space<vmem>>
      %dma_wait3A_346 = tpu.memref_squeeze %dma_wait3A_345 : memref<1x128x128xf32, #tpu.memory_space<vmem>> -> memref<128x128xf32, #tpu.memory_space<vmem>>
      %dma_wait3A_347 = arith.constant 0 : i32
      %dma_wait3A_348 = tpu.memref_slice %arg11[%dma_wait3A_341, %dma_wait3A_347] : memref<8x128xi32, #tpu.memory_space<vmem>> -> memref<1x128xi32, #tpu.memory_space<vmem>>
      %dma_wait3A_349 = tpu.memref_squeeze %dma_wait3A_348 : memref<1x128xi32, #tpu.memory_space<vmem>> -> memref<128xi32, #tpu.memory_space<vmem>>
      %dma_wait3A_350 = arith.constant 0 : i32
      %dma_wait3A_351 = arith.constant 0 : i32
      %dma_wait3A_352 = tpu.memref_slice %arg17[%dma_wait3A_350, %dma_wait3A_351] : memref<5120x128xf32, #tpu.memory_space<vmem_shared>> -> memref<5120x128xf32, #tpu.memory_space<vmem_shared>>
      tpu.wait_indirect_dma semaphore(%arg20 : memref<!tpu.dma_semaphore, #tpu.memory_space<semaphore_mem>>) src(%dma_wait3A_352 : memref<5120x128xf32, #tpu.memory_space<vmem_shared>>) dst(%dma_wait3A_346 : memref<128x128xf32, #tpu.memory_space<vmem>>)
      %run_scoped3A_353 = arith.constant 0 : i32
      %run_scoped3A_354 = arith.constant 4 : i32
      "tpu.region"() ({
        %run_scoped3A_425 = tpu.sem_alloc : memref<!tpu.dma_semaphore, #tpu.memory_space<semaphore_mem>>
        %dma_start3A_426 = arith.constant 0 : i32
        %dma_start3A_427 = arith.constant 0 : i32
        %dma_start3A_428 = tpu.memref_slice %arg14[%run_scoped3A_353, %dma_start3A_426, %dma_start3A_427] : memref<2x128x128xf32, #tpu.memory_space<vmem>> -> memref<1x128x128xf32, #tpu.memory_space<vmem>>
        %dma_start3A_429 = tpu.memref_squeeze %dma_start3A_428 : memref<1x128x128xf32, #tpu.memory_space<vmem>> -> memref<128x128xf32, #tpu.memory_space<vmem>>
        %dma_start3A_430 = arith.constant 0 : i32
        %dma_start3A_431 = tpu.memref_slice %arg12[%run_scoped3A_354, %dma_start3A_430] : memref<8x128xi32, #tpu.memory_space<vmem>> -> memref<1x128xi32, #tpu.memory_space<vmem>>
        %dma_start3A_432 = tpu.memref_squeeze %dma_start3A_431 : memref<1x128xi32, #tpu.memory_space<vmem>> -> memref<128xi32, #tpu.memory_space<vmem>>
        %dma_start3A_433 = arith.constant 0 : i32
        %dma_start3A_434 = arith.constant 0 : i32
        %dma_start3A_435 = tpu.memref_slice %arg18[%dma_start3A_433, %dma_start3A_434] : memref<5120x128xf32, #tpu.memory_space<vmem_shared>> -> memref<5120x128xf32, #tpu.memory_space<vmem_shared>>
        tpu.enqueue_indirect_dma source(%dma_start3A_429 : memref<128x128xf32, #tpu.memory_space<vmem>>) target(%dma_start3A_435 : memref<5120x128xf32, #tpu.memory_space<vmem_shared>>) offsets(%dma_start3A_432 : memref<128xi32, #tpu.memory_space<vmem>>) semaphore(%run_scoped3A_425 : memref<!tpu.dma_semaphore, #tpu.memory_space<semaphore_mem>>) {add = true}
        %dma_wait3A_436 = arith.constant 0 : i32
        %dma_wait3A_437 = arith.constant 0 : i32
        %dma_wait3A_438 = tpu.memref_slice %arg14[%run_scoped3A_353, %dma_wait3A_436, %dma_wait3A_437] : memref<2x128x128xf32, #tpu.memory_space<vmem>> -> memref<1x128x128xf32, #tpu.memory_space<vmem>>
        %dma_wait3A_439 = tpu.memref_squeeze %dma_wait3A_438 : memref<1x128x128xf32, #tpu.memory_space<vmem>> -> memref<128x128xf32, #tpu.memory_space<vmem>>
        %dma_wait3A_440 = arith.constant 0 : i32
        %dma_wait3A_441 = tpu.memref_slice %arg12[%run_scoped3A_354, %dma_wait3A_440] : memref<8x128xi32, #tpu.memory_space<vmem>> -> memref<1x128xi32, #tpu.memory_space<vmem>>
        %dma_wait3A_442 = tpu.memref_squeeze %dma_wait3A_441 : memref<1x128xi32, #tpu.memory_space<vmem>> -> memref<128xi32, #tpu.memory_space<vmem>>
        %dma_wait3A_443 = arith.constant 0 : i32
        %dma_wait3A_444 = arith.constant 0 : i32
        %dma_wait3A_445 = tpu.memref_slice %arg18[%dma_wait3A_443, %dma_wait3A_444] : memref<5120x128xf32, #tpu.memory_space<vmem_shared>> -> memref<5120x128xf32, #tpu.memory_space<vmem_shared>>
        tpu.wait_indirect_dma semaphore(%run_scoped3A_425 : memref<!tpu.dma_semaphore, #tpu.memory_space<semaphore_mem>>) src(%dma_wait3A_439 : memref<128x128xf32, #tpu.memory_space<vmem>>) dst(%dma_wait3A_445 : memref<5120x128xf32, #tpu.memory_space<vmem_shared>>)
        tpu.yield
      }) : () -> ()
      %run_scoped3A_355 = arith.constant 4 : i32
      "tpu.region"() ({
        %run_scoped3A_425 = tpu.sem_alloc : memref<!tpu.dma_semaphore, #tpu.memory_space<semaphore_mem>>
        %dma_start3A_426 = arith.constant 0 : i32
        %dma_start3A_427 = tpu.memref_slice %arg13[%run_scoped3A_355, %dma_start3A_426] : memref<8x128xi32, #tpu.memory_space<vmem>> -> memref<1x128xi32, #tpu.memory_space<vmem>>
        %dma_start3A_428 = tpu.memref_squeeze %dma_start3A_427 : memref<1x128xi32, #tpu.memory_space<vmem>> -> memref<128xi32, #tpu.memory_space<vmem>>
        %dma_start3A_429 = arith.constant 0 : i32
        %dma_start3A_430 = tpu.memref_slice %arg19[%dma_start3A_429] : memref<90112xf32, #tpu.memory_space<vmem_shared>> -> memref<90112xf32, #tpu.memory_space<vmem_shared>>
        tpu.enqueue_indirect_dma source(%arg15 : memref<128xf32, #tpu.memory_space<vmem>>) target(%dma_start3A_430 : memref<90112xf32, #tpu.memory_space<vmem_shared>>) offsets(%dma_start3A_428 : memref<128xi32, #tpu.memory_space<vmem>>) semaphore(%run_scoped3A_425 : memref<!tpu.dma_semaphore, #tpu.memory_space<semaphore_mem>>) {add = true}
        %dma_wait3A_431 = arith.constant 0 : i32
        %dma_wait3A_432 = tpu.memref_slice %arg13[%run_scoped3A_355, %dma_wait3A_431] : memref<8x128xi32, #tpu.memory_space<vmem>> -> memref<1x128xi32, #tpu.memory_space<vmem>>
        %dma_wait3A_433 = tpu.memref_squeeze %dma_wait3A_432 : memref<1x128xi32, #tpu.memory_space<vmem>> -> memref<128xi32, #tpu.memory_space<vmem>>
        %dma_wait3A_434 = arith.constant 0 : i32
        %dma_wait3A_435 = tpu.memref_slice %arg19[%dma_wait3A_434] : memref<90112xf32, #tpu.memory_space<vmem_shared>> -> memref<90112xf32, #tpu.memory_space<vmem_shared>>
        tpu.wait_indirect_dma semaphore(%run_scoped3A_425 : memref<!tpu.dma_semaphore, #tpu.memory_space<semaphore_mem>>) src(%arg15 : memref<128xf32, #tpu.memory_space<vmem>>) dst(%dma_wait3A_435 : memref<90112xf32, #tpu.memory_space<vmem_shared>>)
        tpu.yield
      }) : () -> ()
      %dma_start3A_356 = arith.constant 6 : i32
      %dma_start3A_357 = arith.constant 0 : i32
      %dma_start3A_358 = arith.constant 0 : i32
      %dma_start3A_359 = arith.constant 0 : i32
      %dma_start3A_360 = tpu.memref_slice %arg14[%dma_start3A_357, %dma_start3A_358, %dma_start3A_359] : memref<2x128x128xf32, #tpu.memory_space<vmem>> -> memref<1x128x128xf32, #tpu.memory_space<vmem>>
      %dma_start3A_361 = tpu.memref_squeeze %dma_start3A_360 : memref<1x128x128xf32, #tpu.memory_space<vmem>> -> memref<128x128xf32, #tpu.memory_space<vmem>>
      %dma_start3A_362 = arith.constant 0 : i32
      %dma_start3A_363 = tpu.memref_slice %arg11[%dma_start3A_356, %dma_start3A_362] : memref<8x128xi32, #tpu.memory_space<vmem>> -> memref<1x128xi32, #tpu.memory_space<vmem>>
      %dma_start3A_364 = tpu.memref_squeeze %dma_start3A_363 : memref<1x128xi32, #tpu.memory_space<vmem>> -> memref<128xi32, #tpu.memory_space<vmem>>
      %dma_start3A_365 = arith.constant 0 : i32
      %dma_start3A_366 = arith.constant 0 : i32
      %dma_start3A_367 = tpu.memref_slice %arg17[%dma_start3A_365, %dma_start3A_366] : memref<5120x128xf32, #tpu.memory_space<vmem_shared>> -> memref<5120x128xf32, #tpu.memory_space<vmem_shared>>
      tpu.enqueue_indirect_dma source(%dma_start3A_367 : memref<5120x128xf32, #tpu.memory_space<vmem_shared>>) target(%dma_start3A_361 : memref<128x128xf32, #tpu.memory_space<vmem>>) offsets(%dma_start3A_364 : memref<128xi32, #tpu.memory_space<vmem>>) semaphore(%arg20 : memref<!tpu.dma_semaphore, #tpu.memory_space<semaphore_mem>>)
      %dma_wait3A_368 = arith.constant 5 : i32
      %dma_wait3A_369 = arith.constant 1 : i32
      %dma_wait3A_370 = arith.constant 0 : i32
      %dma_wait3A_371 = arith.constant 0 : i32
      %dma_wait3A_372 = tpu.memref_slice %arg14[%dma_wait3A_369, %dma_wait3A_370, %dma_wait3A_371] : memref<2x128x128xf32, #tpu.memory_space<vmem>> -> memref<1x128x128xf32, #tpu.memory_space<vmem>>
      %dma_wait3A_373 = tpu.memref_squeeze %dma_wait3A_372 : memref<1x128x128xf32, #tpu.memory_space<vmem>> -> memref<128x128xf32, #tpu.memory_space<vmem>>
      %dma_wait3A_374 = arith.constant 0 : i32
      %dma_wait3A_375 = tpu.memref_slice %arg11[%dma_wait3A_368, %dma_wait3A_374] : memref<8x128xi32, #tpu.memory_space<vmem>> -> memref<1x128xi32, #tpu.memory_space<vmem>>
      %dma_wait3A_376 = tpu.memref_squeeze %dma_wait3A_375 : memref<1x128xi32, #tpu.memory_space<vmem>> -> memref<128xi32, #tpu.memory_space<vmem>>
      %dma_wait3A_377 = arith.constant 0 : i32
      %dma_wait3A_378 = arith.constant 0 : i32
      %dma_wait3A_379 = tpu.memref_slice %arg17[%dma_wait3A_377, %dma_wait3A_378] : memref<5120x128xf32, #tpu.memory_space<vmem_shared>> -> memref<5120x128xf32, #tpu.memory_space<vmem_shared>>
      tpu.wait_indirect_dma semaphore(%arg21 : memref<!tpu.dma_semaphore, #tpu.memory_space<semaphore_mem>>) src(%dma_wait3A_379 : memref<5120x128xf32, #tpu.memory_space<vmem_shared>>) dst(%dma_wait3A_373 : memref<128x128xf32, #tpu.memory_space<vmem>>)
      %run_scoped3A_380 = arith.constant 1 : i32
      %run_scoped3A_381 = arith.constant 5 : i32
      "tpu.region"() ({
        %run_scoped3A_425 = tpu.sem_alloc : memref<!tpu.dma_semaphore, #tpu.memory_space<semaphore_mem>>
        %dma_start3A_426 = arith.constant 0 : i32
        %dma_start3A_427 = arith.constant 0 : i32
        %dma_start3A_428 = tpu.memref_slice %arg14[%run_scoped3A_380, %dma_start3A_426, %dma_start3A_427] : memref<2x128x128xf32, #tpu.memory_space<vmem>> -> memref<1x128x128xf32, #tpu.memory_space<vmem>>
        %dma_start3A_429 = tpu.memref_squeeze %dma_start3A_428 : memref<1x128x128xf32, #tpu.memory_space<vmem>> -> memref<128x128xf32, #tpu.memory_space<vmem>>
        %dma_start3A_430 = arith.constant 0 : i32
        %dma_start3A_431 = tpu.memref_slice %arg12[%run_scoped3A_381, %dma_start3A_430] : memref<8x128xi32, #tpu.memory_space<vmem>> -> memref<1x128xi32, #tpu.memory_space<vmem>>
        %dma_start3A_432 = tpu.memref_squeeze %dma_start3A_431 : memref<1x128xi32, #tpu.memory_space<vmem>> -> memref<128xi32, #tpu.memory_space<vmem>>
        %dma_start3A_433 = arith.constant 0 : i32
        %dma_start3A_434 = arith.constant 0 : i32
        %dma_start3A_435 = tpu.memref_slice %arg18[%dma_start3A_433, %dma_start3A_434] : memref<5120x128xf32, #tpu.memory_space<vmem_shared>> -> memref<5120x128xf32, #tpu.memory_space<vmem_shared>>
        tpu.enqueue_indirect_dma source(%dma_start3A_429 : memref<128x128xf32, #tpu.memory_space<vmem>>) target(%dma_start3A_435 : memref<5120x128xf32, #tpu.memory_space<vmem_shared>>) offsets(%dma_start3A_432 : memref<128xi32, #tpu.memory_space<vmem>>) semaphore(%run_scoped3A_425 : memref<!tpu.dma_semaphore, #tpu.memory_space<semaphore_mem>>) {add = true}
        %dma_wait3A_436 = arith.constant 0 : i32
        %dma_wait3A_437 = arith.constant 0 : i32
        %dma_wait3A_438 = tpu.memref_slice %arg14[%run_scoped3A_380, %dma_wait3A_436, %dma_wait3A_437] : memref<2x128x128xf32, #tpu.memory_space<vmem>> -> memref<1x128x128xf32, #tpu.memory_space<vmem>>
        %dma_wait3A_439 = tpu.memref_squeeze %dma_wait3A_438 : memref<1x128x128xf32, #tpu.memory_space<vmem>> -> memref<128x128xf32, #tpu.memory_space<vmem>>
        %dma_wait3A_440 = arith.constant 0 : i32
        %dma_wait3A_441 = tpu.memref_slice %arg12[%run_scoped3A_381, %dma_wait3A_440] : memref<8x128xi32, #tpu.memory_space<vmem>> -> memref<1x128xi32, #tpu.memory_space<vmem>>
        %dma_wait3A_442 = tpu.memref_squeeze %dma_wait3A_441 : memref<1x128xi32, #tpu.memory_space<vmem>> -> memref<128xi32, #tpu.memory_space<vmem>>
        %dma_wait3A_443 = arith.constant 0 : i32
        %dma_wait3A_444 = arith.constant 0 : i32
        %dma_wait3A_445 = tpu.memref_slice %arg18[%dma_wait3A_443, %dma_wait3A_444] : memref<5120x128xf32, #tpu.memory_space<vmem_shared>> -> memref<5120x128xf32, #tpu.memory_space<vmem_shared>>
        tpu.wait_indirect_dma semaphore(%run_scoped3A_425 : memref<!tpu.dma_semaphore, #tpu.memory_space<semaphore_mem>>) src(%dma_wait3A_439 : memref<128x128xf32, #tpu.memory_space<vmem>>) dst(%dma_wait3A_445 : memref<5120x128xf32, #tpu.memory_space<vmem_shared>>)
        tpu.yield
      }) : () -> ()
      %run_scoped3A_382 = arith.constant 5 : i32
      "tpu.region"() ({
        %run_scoped3A_425 = tpu.sem_alloc : memref<!tpu.dma_semaphore, #tpu.memory_space<semaphore_mem>>
        %dma_start3A_426 = arith.constant 0 : i32
        %dma_start3A_427 = tpu.memref_slice %arg13[%run_scoped3A_382, %dma_start3A_426] : memref<8x128xi32, #tpu.memory_space<vmem>> -> memref<1x128xi32, #tpu.memory_space<vmem>>
        %dma_start3A_428 = tpu.memref_squeeze %dma_start3A_427 : memref<1x128xi32, #tpu.memory_space<vmem>> -> memref<128xi32, #tpu.memory_space<vmem>>
        %dma_start3A_429 = arith.constant 0 : i32
        %dma_start3A_430 = tpu.memref_slice %arg19[%dma_start3A_429] : memref<90112xf32, #tpu.memory_space<vmem_shared>> -> memref<90112xf32, #tpu.memory_space<vmem_shared>>
        tpu.enqueue_indirect_dma source(%arg15 : memref<128xf32, #tpu.memory_space<vmem>>) target(%dma_start3A_430 : memref<90112xf32, #tpu.memory_space<vmem_shared>>) offsets(%dma_start3A_428 : memref<128xi32, #tpu.memory_space<vmem>>) semaphore(%run_scoped3A_425 : memref<!tpu.dma_semaphore, #tpu.memory_space<semaphore_mem>>) {add = true}
        %dma_wait3A_431 = arith.constant 0 : i32
        %dma_wait3A_432 = tpu.memref_slice %arg13[%run_scoped3A_382, %dma_wait3A_431] : memref<8x128xi32, #tpu.memory_space<vmem>> -> memref<1x128xi32, #tpu.memory_space<vmem>>
        %dma_wait3A_433 = tpu.memref_squeeze %dma_wait3A_432 : memref<1x128xi32, #tpu.memory_space<vmem>> -> memref<128xi32, #tpu.memory_space<vmem>>
        %dma_wait3A_434 = arith.constant 0 : i32
        %dma_wait3A_435 = tpu.memref_slice %arg19[%dma_wait3A_434] : memref<90112xf32, #tpu.memory_space<vmem_shared>> -> memref<90112xf32, #tpu.memory_space<vmem_shared>>
        tpu.wait_indirect_dma semaphore(%run_scoped3A_425 : memref<!tpu.dma_semaphore, #tpu.memory_space<semaphore_mem>>) src(%arg15 : memref<128xf32, #tpu.memory_space<vmem>>) dst(%dma_wait3A_435 : memref<90112xf32, #tpu.memory_space<vmem_shared>>)
        tpu.yield
      }) : () -> ()
      %dma_start3A_383 = arith.constant 7 : i32
      %dma_start3A_384 = arith.constant 1 : i32
      %dma_start3A_385 = arith.constant 0 : i32
      %dma_start3A_386 = arith.constant 0 : i32
      %dma_start3A_387 = tpu.memref_slice %arg14[%dma_start3A_384, %dma_start3A_385, %dma_start3A_386] : memref<2x128x128xf32, #tpu.memory_space<vmem>> -> memref<1x128x128xf32, #tpu.memory_space<vmem>>
      %dma_start3A_388 = tpu.memref_squeeze %dma_start3A_387 : memref<1x128x128xf32, #tpu.memory_space<vmem>> -> memref<128x128xf32, #tpu.memory_space<vmem>>
      %dma_start3A_389 = arith.constant 0 : i32
      %dma_start3A_390 = tpu.memref_slice %arg11[%dma_start3A_383, %dma_start3A_389] : memref<8x128xi32, #tpu.memory_space<vmem>> -> memref<1x128xi32, #tpu.memory_space<vmem>>
      %dma_start3A_391 = tpu.memref_squeeze %dma_start3A_390 : memref<1x128xi32, #tpu.memory_space<vmem>> -> memref<128xi32, #tpu.memory_space<vmem>>
      %dma_start3A_392 = arith.constant 0 : i32
      %dma_start3A_393 = arith.constant 0 : i32
      %dma_start3A_394 = tpu.memref_slice %arg17[%dma_start3A_392, %dma_start3A_393] : memref<5120x128xf32, #tpu.memory_space<vmem_shared>> -> memref<5120x128xf32, #tpu.memory_space<vmem_shared>>
      tpu.enqueue_indirect_dma source(%dma_start3A_394 : memref<5120x128xf32, #tpu.memory_space<vmem_shared>>) target(%dma_start3A_388 : memref<128x128xf32, #tpu.memory_space<vmem>>) offsets(%dma_start3A_391 : memref<128xi32, #tpu.memory_space<vmem>>) semaphore(%arg21 : memref<!tpu.dma_semaphore, #tpu.memory_space<semaphore_mem>>)
      %dma_wait3A_395 = arith.constant 6 : i32
      %dma_wait3A_396 = arith.constant 0 : i32
      %dma_wait3A_397 = arith.constant 0 : i32
      %dma_wait3A_398 = arith.constant 0 : i32
      %dma_wait3A_399 = tpu.memref_slice %arg14[%dma_wait3A_396, %dma_wait3A_397, %dma_wait3A_398] : memref<2x128x128xf32, #tpu.memory_space<vmem>> -> memref<1x128x128xf32, #tpu.memory_space<vmem>>
      %dma_wait3A_400 = tpu.memref_squeeze %dma_wait3A_399 : memref<1x128x128xf32, #tpu.memory_space<vmem>> -> memref<128x128xf32, #tpu.memory_space<vmem>>
      %dma_wait3A_401 = arith.constant 0 : i32
      %dma_wait3A_402 = tpu.memref_slice %arg11[%dma_wait3A_395, %dma_wait3A_401] : memref<8x128xi32, #tpu.memory_space<vmem>> -> memref<1x128xi32, #tpu.memory_space<vmem>>
      %dma_wait3A_403 = tpu.memref_squeeze %dma_wait3A_402 : memref<1x128xi32, #tpu.memory_space<vmem>> -> memref<128xi32, #tpu.memory_space<vmem>>
      %dma_wait3A_404 = arith.constant 0 : i32
      %dma_wait3A_405 = arith.constant 0 : i32
      %dma_wait3A_406 = tpu.memref_slice %arg17[%dma_wait3A_404, %dma_wait3A_405] : memref<5120x128xf32, #tpu.memory_space<vmem_shared>> -> memref<5120x128xf32, #tpu.memory_space<vmem_shared>>
      tpu.wait_indirect_dma semaphore(%arg20 : memref<!tpu.dma_semaphore, #tpu.memory_space<semaphore_mem>>) src(%dma_wait3A_406 : memref<5120x128xf32, #tpu.memory_space<vmem_shared>>) dst(%dma_wait3A_400 : memref<128x128xf32, #tpu.memory_space<vmem>>)
      %run_scoped3A_407 = arith.constant 0 : i32
      %run_scoped3A_408 = arith.constant 6 : i32
      "tpu.region"() ({
        %run_scoped3A_425 = tpu.sem_alloc : memref<!tpu.dma_semaphore, #tpu.memory_space<semaphore_mem>>
        %dma_start3A_426 = arith.constant 0 : i32
        %dma_start3A_427 = arith.constant 0 : i32
        %dma_start3A_428 = tpu.memref_slice %arg14[%run_scoped3A_407, %dma_start3A_426, %dma_start3A_427] : memref<2x128x128xf32, #tpu.memory_space<vmem>> -> memref<1x128x128xf32, #tpu.memory_space<vmem>>
        %dma_start3A_429 = tpu.memref_squeeze %dma_start3A_428 : memref<1x128x128xf32, #tpu.memory_space<vmem>> -> memref<128x128xf32, #tpu.memory_space<vmem>>
        %dma_start3A_430 = arith.constant 0 : i32
        %dma_start3A_431 = tpu.memref_slice %arg12[%run_scoped3A_408, %dma_start3A_430] : memref<8x128xi32, #tpu.memory_space<vmem>> -> memref<1x128xi32, #tpu.memory_space<vmem>>
        %dma_start3A_432 = tpu.memref_squeeze %dma_start3A_431 : memref<1x128xi32, #tpu.memory_space<vmem>> -> memref<128xi32, #tpu.memory_space<vmem>>
        %dma_start3A_433 = arith.constant 0 : i32
        %dma_start3A_434 = arith.constant 0 : i32
        %dma_start3A_435 = tpu.memref_slice %arg18[%dma_start3A_433, %dma_start3A_434] : memref<5120x128xf32, #tpu.memory_space<vmem_shared>> -> memref<5120x128xf32, #tpu.memory_space<vmem_shared>>
        tpu.enqueue_indirect_dma source(%dma_start3A_429 : memref<128x128xf32, #tpu.memory_space<vmem>>) target(%dma_start3A_435 : memref<5120x128xf32, #tpu.memory_space<vmem_shared>>) offsets(%dma_start3A_432 : memref<128xi32, #tpu.memory_space<vmem>>) semaphore(%run_scoped3A_425 : memref<!tpu.dma_semaphore, #tpu.memory_space<semaphore_mem>>) {add = true}
        %dma_wait3A_436 = arith.constant 0 : i32
        %dma_wait3A_437 = arith.constant 0 : i32
        %dma_wait3A_438 = tpu.memref_slice %arg14[%run_scoped3A_407, %dma_wait3A_436, %dma_wait3A_437] : memref<2x128x128xf32, #tpu.memory_space<vmem>> -> memref<1x128x128xf32, #tpu.memory_space<vmem>>
        %dma_wait3A_439 = tpu.memref_squeeze %dma_wait3A_438 : memref<1x128x128xf32, #tpu.memory_space<vmem>> -> memref<128x128xf32, #tpu.memory_space<vmem>>
        %dma_wait3A_440 = arith.constant 0 : i32
        %dma_wait3A_441 = tpu.memref_slice %arg12[%run_scoped3A_408, %dma_wait3A_440] : memref<8x128xi32, #tpu.memory_space<vmem>> -> memref<1x128xi32, #tpu.memory_space<vmem>>
        %dma_wait3A_442 = tpu.memref_squeeze %dma_wait3A_441 : memref<1x128xi32, #tpu.memory_space<vmem>> -> memref<128xi32, #tpu.memory_space<vmem>>
        %dma_wait3A_443 = arith.constant 0 : i32
        %dma_wait3A_444 = arith.constant 0 : i32
        %dma_wait3A_445 = tpu.memref_slice %arg18[%dma_wait3A_443, %dma_wait3A_444] : memref<5120x128xf32, #tpu.memory_space<vmem_shared>> -> memref<5120x128xf32, #tpu.memory_space<vmem_shared>>
        tpu.wait_indirect_dma semaphore(%run_scoped3A_425 : memref<!tpu.dma_semaphore, #tpu.memory_space<semaphore_mem>>) src(%dma_wait3A_439 : memref<128x128xf32, #tpu.memory_space<vmem>>) dst(%dma_wait3A_445 : memref<5120x128xf32, #tpu.memory_space<vmem_shared>>)
        tpu.yield
      }) : () -> ()
      %run_scoped3A_409 = arith.constant 6 : i32
      "tpu.region"() ({
        %run_scoped3A_425 = tpu.sem_alloc : memref<!tpu.dma_semaphore, #tpu.memory_space<semaphore_mem>>
        %dma_start3A_426 = arith.constant 0 : i32
        %dma_start3A_427 = tpu.memref_slice %arg13[%run_scoped3A_409, %dma_start3A_426] : memref<8x128xi32, #tpu.memory_space<vmem>> -> memref<1x128xi32, #tpu.memory_space<vmem>>
        %dma_start3A_428 = tpu.memref_squeeze %dma_start3A_427 : memref<1x128xi32, #tpu.memory_space<vmem>> -> memref<128xi32, #tpu.memory_space<vmem>>
        %dma_start3A_429 = arith.constant 0 : i32
        %dma_start3A_430 = tpu.memref_slice %arg19[%dma_start3A_429] : memref<90112xf32, #tpu.memory_space<vmem_shared>> -> memref<90112xf32, #tpu.memory_space<vmem_shared>>
        tpu.enqueue_indirect_dma source(%arg15 : memref<128xf32, #tpu.memory_space<vmem>>) target(%dma_start3A_430 : memref<90112xf32, #tpu.memory_space<vmem_shared>>) offsets(%dma_start3A_428 : memref<128xi32, #tpu.memory_space<vmem>>) semaphore(%run_scoped3A_425 : memref<!tpu.dma_semaphore, #tpu.memory_space<semaphore_mem>>) {add = true}
        %dma_wait3A_431 = arith.constant 0 : i32
        %dma_wait3A_432 = tpu.memref_slice %arg13[%run_scoped3A_409, %dma_wait3A_431] : memref<8x128xi32, #tpu.memory_space<vmem>> -> memref<1x128xi32, #tpu.memory_space<vmem>>
        %dma_wait3A_433 = tpu.memref_squeeze %dma_wait3A_432 : memref<1x128xi32, #tpu.memory_space<vmem>> -> memref<128xi32, #tpu.memory_space<vmem>>
        %dma_wait3A_434 = arith.constant 0 : i32
        %dma_wait3A_435 = tpu.memref_slice %arg19[%dma_wait3A_434] : memref<90112xf32, #tpu.memory_space<vmem_shared>> -> memref<90112xf32, #tpu.memory_space<vmem_shared>>
        tpu.wait_indirect_dma semaphore(%run_scoped3A_425 : memref<!tpu.dma_semaphore, #tpu.memory_space<semaphore_mem>>) src(%arg15 : memref<128xf32, #tpu.memory_space<vmem>>) dst(%dma_wait3A_435 : memref<90112xf32, #tpu.memory_space<vmem_shared>>)
        tpu.yield
      }) : () -> ()
      %dma_wait3A_410 = arith.constant 7 : i32
      %dma_wait3A_411 = arith.constant 1 : i32
      %dma_wait3A_412 = arith.constant 0 : i32
      %dma_wait3A_413 = arith.constant 0 : i32
      %dma_wait3A_414 = tpu.memref_slice %arg14[%dma_wait3A_411, %dma_wait3A_412, %dma_wait3A_413] : memref<2x128x128xf32, #tpu.memory_space<vmem>> -> memref<1x128x128xf32, #tpu.memory_space<vmem>>
      %dma_wait3A_415 = tpu.memref_squeeze %dma_wait3A_414 : memref<1x128x128xf32, #tpu.memory_space<vmem>> -> memref<128x128xf32, #tpu.memory_space<vmem>>
      %dma_wait3A_416 = arith.constant 0 : i32
      %dma_wait3A_417 = tpu.memref_slice %arg11[%dma_wait3A_410, %dma_wait3A_416] : memref<8x128xi32, #tpu.memory_space<vmem>> -> memref<1x128xi32, #tpu.memory_space<vmem>>
      %dma_wait3A_418 = tpu.memref_squeeze %dma_wait3A_417 : memref<1x128xi32, #tpu.memory_space<vmem>> -> memref<128xi32, #tpu.memory_space<vmem>>
      %dma_wait3A_419 = arith.constant 0 : i32
      %dma_wait3A_420 = arith.constant 0 : i32
      %dma_wait3A_421 = tpu.memref_slice %arg17[%dma_wait3A_419, %dma_wait3A_420] : memref<5120x128xf32, #tpu.memory_space<vmem_shared>> -> memref<5120x128xf32, #tpu.memory_space<vmem_shared>>
      tpu.wait_indirect_dma semaphore(%arg21 : memref<!tpu.dma_semaphore, #tpu.memory_space<semaphore_mem>>) src(%dma_wait3A_421 : memref<5120x128xf32, #tpu.memory_space<vmem_shared>>) dst(%dma_wait3A_415 : memref<128x128xf32, #tpu.memory_space<vmem>>)
      %run_scoped3A_422 = arith.constant 1 : i32
      %run_scoped3A_423 = arith.constant 7 : i32
      "tpu.region"() ({
        %run_scoped3A_425 = tpu.sem_alloc : memref<!tpu.dma_semaphore, #tpu.memory_space<semaphore_mem>>
        %dma_start3A_426 = arith.constant 0 : i32
        %dma_start3A_427 = arith.constant 0 : i32
        %dma_start3A_428 = tpu.memref_slice %arg14[%run_scoped3A_422, %dma_start3A_426, %dma_start3A_427] : memref<2x128x128xf32, #tpu.memory_space<vmem>> -> memref<1x128x128xf32, #tpu.memory_space<vmem>>
        %dma_start3A_429 = tpu.memref_squeeze %dma_start3A_428 : memref<1x128x128xf32, #tpu.memory_space<vmem>> -> memref<128x128xf32, #tpu.memory_space<vmem>>
        %dma_start3A_430 = arith.constant 0 : i32
        %dma_start3A_431 = tpu.memref_slice %arg12[%run_scoped3A_423, %dma_start3A_430] : memref<8x128xi32, #tpu.memory_space<vmem>> -> memref<1x128xi32, #tpu.memory_space<vmem>>
        %dma_start3A_432 = tpu.memref_squeeze %dma_start3A_431 : memref<1x128xi32, #tpu.memory_space<vmem>> -> memref<128xi32, #tpu.memory_space<vmem>>
        %dma_start3A_433 = arith.constant 0 : i32
        %dma_start3A_434 = arith.constant 0 : i32
        %dma_start3A_435 = tpu.memref_slice %arg18[%dma_start3A_433, %dma_start3A_434] : memref<5120x128xf32, #tpu.memory_space<vmem_shared>> -> memref<5120x128xf32, #tpu.memory_space<vmem_shared>>
        tpu.enqueue_indirect_dma source(%dma_start3A_429 : memref<128x128xf32, #tpu.memory_space<vmem>>) target(%dma_start3A_435 : memref<5120x128xf32, #tpu.memory_space<vmem_shared>>) offsets(%dma_start3A_432 : memref<128xi32, #tpu.memory_space<vmem>>) semaphore(%run_scoped3A_425 : memref<!tpu.dma_semaphore, #tpu.memory_space<semaphore_mem>>) {add = true}
        %dma_wait3A_436 = arith.constant 0 : i32
        %dma_wait3A_437 = arith.constant 0 : i32
        %dma_wait3A_438 = tpu.memref_slice %arg14[%run_scoped3A_422, %dma_wait3A_436, %dma_wait3A_437] : memref<2x128x128xf32, #tpu.memory_space<vmem>> -> memref<1x128x128xf32, #tpu.memory_space<vmem>>
        %dma_wait3A_439 = tpu.memref_squeeze %dma_wait3A_438 : memref<1x128x128xf32, #tpu.memory_space<vmem>> -> memref<128x128xf32, #tpu.memory_space<vmem>>
        %dma_wait3A_440 = arith.constant 0 : i32
        %dma_wait3A_441 = tpu.memref_slice %arg12[%run_scoped3A_423, %dma_wait3A_440] : memref<8x128xi32, #tpu.memory_space<vmem>> -> memref<1x128xi32, #tpu.memory_space<vmem>>
        %dma_wait3A_442 = tpu.memref_squeeze %dma_wait3A_441 : memref<1x128xi32, #tpu.memory_space<vmem>> -> memref<128xi32, #tpu.memory_space<vmem>>
        %dma_wait3A_443 = arith.constant 0 : i32
        %dma_wait3A_444 = arith.constant 0 : i32
        %dma_wait3A_445 = tpu.memref_slice %arg18[%dma_wait3A_443, %dma_wait3A_444] : memref<5120x128xf32, #tpu.memory_space<vmem_shared>> -> memref<5120x128xf32, #tpu.memory_space<vmem_shared>>
        tpu.wait_indirect_dma semaphore(%run_scoped3A_425 : memref<!tpu.dma_semaphore, #tpu.memory_space<semaphore_mem>>) src(%dma_wait3A_439 : memref<128x128xf32, #tpu.memory_space<vmem>>) dst(%dma_wait3A_445 : memref<5120x128xf32, #tpu.memory_space<vmem_shared>>)
        tpu.yield
      }) : () -> ()
      %run_scoped3A_424 = arith.constant 7 : i32
      "tpu.region"() ({
        %run_scoped3A_425 = tpu.sem_alloc : memref<!tpu.dma_semaphore, #tpu.memory_space<semaphore_mem>>
        %dma_start3A_426 = arith.constant 0 : i32
        %dma_start3A_427 = tpu.memref_slice %arg13[%run_scoped3A_424, %dma_start3A_426] : memref<8x128xi32, #tpu.memory_space<vmem>> -> memref<1x128xi32, #tpu.memory_space<vmem>>
        %dma_start3A_428 = tpu.memref_squeeze %dma_start3A_427 : memref<1x128xi32, #tpu.memory_space<vmem>> -> memref<128xi32, #tpu.memory_space<vmem>>
        %dma_start3A_429 = arith.constant 0 : i32
        %dma_start3A_430 = tpu.memref_slice %arg19[%dma_start3A_429] : memref<90112xf32, #tpu.memory_space<vmem_shared>> -> memref<90112xf32, #tpu.memory_space<vmem_shared>>
        tpu.enqueue_indirect_dma source(%arg15 : memref<128xf32, #tpu.memory_space<vmem>>) target(%dma_start3A_430 : memref<90112xf32, #tpu.memory_space<vmem_shared>>) offsets(%dma_start3A_428 : memref<128xi32, #tpu.memory_space<vmem>>) semaphore(%run_scoped3A_425 : memref<!tpu.dma_semaphore, #tpu.memory_space<semaphore_mem>>) {add = true}
        %dma_wait3A_431 = arith.constant 0 : i32
        %dma_wait3A_432 = tpu.memref_slice %arg13[%run_scoped3A_424, %dma_wait3A_431] : memref<8x128xi32, #tpu.memory_space<vmem>> -> memref<1x128xi32, #tpu.memory_space<vmem>>
        %dma_wait3A_433 = tpu.memref_squeeze %dma_wait3A_432 : memref<1x128xi32, #tpu.memory_space<vmem>> -> memref<128xi32, #tpu.memory_space<vmem>>
        %dma_wait3A_434 = arith.constant 0 : i32
        %dma_wait3A_435 = tpu.memref_slice %arg19[%dma_wait3A_434] : memref<90112xf32, #tpu.memory_space<vmem_shared>> -> memref<90112xf32, #tpu.memory_space<vmem_shared>>
        tpu.wait_indirect_dma semaphore(%run_scoped3A_425 : memref<!tpu.dma_semaphore, #tpu.memory_space<semaphore_mem>>) src(%arg15 : memref<128xf32, #tpu.memory_space<vmem>>) dst(%dma_wait3A_435 : memref<90112xf32, #tpu.memory_space<vmem_shared>>)
        tpu.yield
      }) : () -> ()
    }
    %while3A_123 = arith.constant 1 : i32
    scf.for %while3A_207 = %while3A_121 to %while3A_117 step %while3A_123  : i32 {
      %mul3A_208 = arith.constant 8 : i32
      %mul3A_209 = arith.muli %while3A_207, %mul3A_208 : i32
      %add3A_210 = arith.addi %add3A, %mul3A_209 : i32
      %multiple_of3A = tpu.assume_multiple %add3A_210, 8 : i32
      "tpu.region"() ({
        %run_scoped3A_425 = tpu.sem_alloc : memref<!tpu.dma_semaphore, #tpu.memory_space<semaphore_mem>>
        %dma_start3A_426 = arith.constant 0 : i32
        %dma_start3A_427 = tpu.memref_slice %arg3[%multiple_of3A, %dma_start3A_426] : memref<3040x128xi32, #tpu.memory_space<hbm>> -> memref<8x128xi32, #tpu.memory_space<hbm>>
        %dma_start3A_428 = arith.constant 0 : i32
        %dma_start3A_429 = tpu.memref_slice %arg3[%multiple_of3A, %dma_start3A_428] : memref<3040x128xi32, #tpu.memory_space<hbm>> -> memref<8x128xi32, #tpu.memory_space<hbm>>
        tpu.enqueue_dma source(%dma_start3A_429 : memref<8x128xi32, #tpu.memory_space<hbm>>) target(%arg11 : memref<8x128xi32, #tpu.memory_space<vmem>>) target_semaphore(%run_scoped3A_425 : memref<!tpu.dma_semaphore, #tpu.memory_space<semaphore_mem>>)
        %dma_wait3A_430 = arith.constant 0 : i32
        %dma_wait3A_431 = tpu.memref_slice %arg3[%multiple_of3A, %dma_wait3A_430] : memref<3040x128xi32, #tpu.memory_space<hbm>> -> memref<8x128xi32, #tpu.memory_space<hbm>>
        %dma_wait3A_432 = arith.constant 0 : i32
        %dma_wait3A_433 = tpu.memref_slice %arg3[%multiple_of3A, %dma_wait3A_432] : memref<3040x128xi32, #tpu.memory_space<hbm>> -> memref<8x128xi32, #tpu.memory_space<hbm>>
        tpu.wait_dma2 semaphore(%run_scoped3A_425 : memref<!tpu.dma_semaphore, #tpu.memory_space<semaphore_mem>>) src(%dma_wait3A_433 : memref<8x128xi32, #tpu.memory_space<hbm>>) dst(%arg11 : memref<8x128xi32, #tpu.memory_space<vmem>>)
        tpu.yield
      }) : () -> ()
      "tpu.region"() ({
        %run_scoped3A_425 = tpu.sem_alloc : memref<!tpu.dma_semaphore, #tpu.memory_space<semaphore_mem>>
        %dma_start3A_426 = arith.constant 0 : i32
        %dma_start3A_427 = tpu.memref_slice %arg4[%multiple_of3A, %dma_start3A_426] : memref<3040x128xi32, #tpu.memory_space<hbm>> -> memref<8x128xi32, #tpu.memory_space<hbm>>
        %dma_start3A_428 = arith.constant 0 : i32
        %dma_start3A_429 = tpu.memref_slice %arg4[%multiple_of3A, %dma_start3A_428] : memref<3040x128xi32, #tpu.memory_space<hbm>> -> memref<8x128xi32, #tpu.memory_space<hbm>>
        tpu.enqueue_dma source(%dma_start3A_429 : memref<8x128xi32, #tpu.memory_space<hbm>>) target(%arg12 : memref<8x128xi32, #tpu.memory_space<vmem>>) target_semaphore(%run_scoped3A_425 : memref<!tpu.dma_semaphore, #tpu.memory_space<semaphore_mem>>)
        %dma_wait3A_430 = arith.constant 0 : i32
        %dma_wait3A_431 = tpu.memref_slice %arg4[%multiple_of3A, %dma_wait3A_430] : memref<3040x128xi32, #tpu.memory_space<hbm>> -> memref<8x128xi32, #tpu.memory_space<hbm>>
        %dma_wait3A_432 = arith.constant 0 : i32
        %dma_wait3A_433 = tpu.memref_slice %arg4[%multiple_of3A, %dma_wait3A_432] : memref<3040x128xi32, #tpu.memory_space<hbm>> -> memref<8x128xi32, #tpu.memory_space<hbm>>
        tpu.wait_dma2 semaphore(%run_scoped3A_425 : memref<!tpu.dma_semaphore, #tpu.memory_space<semaphore_mem>>) src(%dma_wait3A_433 : memref<8x128xi32, #tpu.memory_space<hbm>>) dst(%arg12 : memref<8x128xi32, #tpu.memory_space<vmem>>)
        tpu.yield
      }) : () -> ()
      "tpu.region"() ({
        %run_scoped3A_425 = tpu.sem_alloc : memref<!tpu.dma_semaphore, #tpu.memory_space<semaphore_mem>>
        %dma_start3A_426 = arith.constant 0 : i32
        %dma_start3A_427 = tpu.memref_slice %arg5[%multiple_of3A, %dma_start3A_426] : memref<3040x128xi32, #tpu.memory_space<hbm>> -> memref<8x128xi32, #tpu.memory_space<hbm>>
        %dma_start3A_428 = arith.constant 0 : i32
        %dma_start3A_429 = tpu.memref_slice %arg5[%multiple_of3A, %dma_start3A_428] : memref<3040x128xi32, #tpu.memory_space<hbm>> -> memref<8x128xi32, #tpu.memory_space<hbm>>
        tpu.enqueue_dma source(%dma_start3A_429 : memref<8x128xi32, #tpu.memory_space<hbm>>) target(%arg13 : memref<8x128xi32, #tpu.memory_space<vmem>>) target_semaphore(%run_scoped3A_425 : memref<!tpu.dma_semaphore, #tpu.memory_space<semaphore_mem>>)
        %dma_wait3A_430 = arith.constant 0 : i32
        %dma_wait3A_431 = tpu.memref_slice %arg5[%multiple_of3A, %dma_wait3A_430] : memref<3040x128xi32, #tpu.memory_space<hbm>> -> memref<8x128xi32, #tpu.memory_space<hbm>>
        %dma_wait3A_432 = arith.constant 0 : i32
        %dma_wait3A_433 = tpu.memref_slice %arg5[%multiple_of3A, %dma_wait3A_432] : memref<3040x128xi32, #tpu.memory_space<hbm>> -> memref<8x128xi32, #tpu.memory_space<hbm>>
        tpu.wait_dma2 semaphore(%run_scoped3A_425 : memref<!tpu.dma_semaphore, #tpu.memory_space<semaphore_mem>>) src(%dma_wait3A_433 : memref<8x128xi32, #tpu.memory_space<hbm>>) dst(%arg13 : memref<8x128xi32, #tpu.memory_space<vmem>>)
        tpu.yield
      }) : () -> ()
      %dma_start3A = arith.constant 0 : i32
      %dma_start3A_211 = arith.constant 0 : i32
      %dma_start3A_212 = arith.constant 0 : i32
      %dma_start3A_213 = arith.constant 0 : i32
      %dma_start3A_214 = tpu.memref_slice %arg14[%dma_start3A_211, %dma_start3A_212, %dma_start3A_213] : memref<2x128x128xf32, #tpu.memory_space<vmem>> -> memref<1x128x128xf32, #tpu.memory_space<vmem>>
      %dma_start3A_215 = tpu.memref_squeeze %dma_start3A_214 : memref<1x128x128xf32, #tpu.memory_space<vmem>> -> memref<128x128xf32, #tpu.memory_space<vmem>>
      %dma_start3A_216 = arith.constant 0 : i32
      %dma_start3A_217 = tpu.memref_slice %arg11[%dma_start3A, %dma_start3A_216] : memref<8x128xi32, #tpu.memory_space<vmem>> -> memref<1x128xi32, #tpu.memory_space<vmem>>
      %dma_start3A_218 = tpu.memref_squeeze %dma_start3A_217 : memref<1x128xi32, #tpu.memory_space<vmem>> -> memref<128xi32, #tpu.memory_space<vmem>>
      %dma_start3A_219 = arith.constant 0 : i32
      %dma_start3A_220 = arith.constant 0 : i32
      %dma_start3A_221 = tpu.memref_slice %arg17[%dma_start3A_219, %dma_start3A_220] : memref<5120x128xf32, #tpu.memory_space<vmem_shared>> -> memref<5120x128xf32, #tpu.memory_space<vmem_shared>>
      tpu.enqueue_indirect_dma source(%dma_start3A_221 : memref<5120x128xf32, #tpu.memory_space<vmem_shared>>) target(%dma_start3A_215 : memref<128x128xf32, #tpu.memory_space<vmem>>) offsets(%dma_start3A_218 : memref<128xi32, #tpu.memory_space<vmem>>) semaphore(%arg20 : memref<!tpu.dma_semaphore, #tpu.memory_space<semaphore_mem>>)
      %dma_start3A_222 = arith.constant 1 : i32
      %dma_start3A_223 = arith.constant 1 : i32
      %dma_start3A_224 = arith.constant 0 : i32
      %dma_start3A_225 = arith.constant 0 : i32
      %dma_start3A_226 = tpu.memref_slice %arg14[%dma_start3A_223, %dma_start3A_224, %dma_start3A_225] : memref<2x128x128xf32, #tpu.memory_space<vmem>> -> memref<1x128x128xf32, #tpu.memory_space<vmem>>
      %dma_start3A_227 = tpu.memref_squeeze %dma_start3A_226 : memref<1x128x128xf32, #tpu.memory_space<vmem>> -> memref<128x128xf32, #tpu.memory_space<vmem>>
      %dma_start3A_228 = arith.constant 0 : i32
      %dma_start3A_229 = tpu.memref_slice %arg11[%dma_start3A_222, %dma_start3A_228] : memref<8x128xi32, #tpu.memory_space<vmem>> -> memref<1x128xi32, #tpu.memory_space<vmem>>
      %dma_start3A_230 = tpu.memref_squeeze %dma_start3A_229 : memref<1x128xi32, #tpu.memory_space<vmem>> -> memref<128xi32, #tpu.memory_space<vmem>>
      %dma_start3A_231 = arith.constant 0 : i32
      %dma_start3A_232 = arith.constant 0 : i32
      %dma_start3A_233 = tpu.memref_slice %arg17[%dma_start3A_231, %dma_start3A_232] : memref<5120x128xf32, #tpu.memory_space<vmem_shared>> -> memref<5120x128xf32, #tpu.memory_space<vmem_shared>>
      tpu.enqueue_indirect_dma source(%dma_start3A_233 : memref<5120x128xf32, #tpu.memory_space<vmem_shared>>) target(%dma_start3A_227 : memref<128x128xf32, #tpu.memory_space<vmem>>) offsets(%dma_start3A_230 : memref<128xi32, #tpu.memory_space<vmem>>) semaphore(%arg21 : memref<!tpu.dma_semaphore, #tpu.memory_space<semaphore_mem>>)
      %dma_wait3A = arith.constant 0 : i32
      %dma_wait3A_234 = arith.constant 0 : i32
      %dma_wait3A_235 = arith.constant 0 : i32
      %dma_wait3A_236 = arith.constant 0 : i32
      %dma_wait3A_237 = tpu.memref_slice %arg14[%dma_wait3A_234, %dma_wait3A_235, %dma_wait3A_236] : memref<2x128x128xf32, #tpu.memory_space<vmem>> -> memref<1x128x128xf32, #tpu.memory_space<vmem>>
      %dma_wait3A_238 = tpu.memref_squeeze %dma_wait3A_237 : memref<1x128x128xf32, #tpu.memory_space<vmem>> -> memref<128x128xf32, #tpu.memory_space<vmem>>
      %dma_wait3A_239 = arith.constant 0 : i32
      %dma_wait3A_240 = tpu.memref_slice %arg11[%dma_wait3A, %dma_wait3A_239] : memref<8x128xi32, #tpu.memory_space<vmem>> -> memref<1x128xi32, #tpu.memory_space<vmem>>
      %dma_wait3A_241 = tpu.memref_squeeze %dma_wait3A_240 : memref<1x128xi32, #tpu.memory_space<vmem>> -> memref<128xi32, #tpu.memory_space<vmem>>
      %dma_wait3A_242 = arith.constant 0 : i32
      %dma_wait3A_243 = arith.constant 0 : i32
      %dma_wait3A_244 = tpu.memref_slice %arg17[%dma_wait3A_242, %dma_wait3A_243] : memref<5120x128xf32, #tpu.memory_space<vmem_shared>> -> memref<5120x128xf32, #tpu.memory_space<vmem_shared>>
      tpu.wait_indirect_dma semaphore(%arg20 : memref<!tpu.dma_semaphore, #tpu.memory_space<semaphore_mem>>) src(%dma_wait3A_244 : memref<5120x128xf32, #tpu.memory_space<vmem_shared>>) dst(%dma_wait3A_238 : memref<128x128xf32, #tpu.memory_space<vmem>>)
      %run_scoped3A_245 = arith.constant 0 : i32
      %run_scoped3A_246 = arith.constant 0 : i32
      "tpu.region"() ({
        %run_scoped3A_425 = tpu.sem_alloc : memref<!tpu.dma_semaphore, #tpu.memory_space<semaphore_mem>>
        %dma_start3A_426 = arith.constant 0 : i32
        %dma_start3A_427 = arith.constant 0 : i32
        %dma_start3A_428 = tpu.memref_slice %arg14[%run_scoped3A_245, %dma_start3A_426, %dma_start3A_427] : memref<2x128x128xf32, #tpu.memory_space<vmem>> -> memref<1x128x128xf32, #tpu.memory_space<vmem>>
        %dma_start3A_429 = tpu.memref_squeeze %dma_start3A_428 : memref<1x128x128xf32, #tpu.memory_space<vmem>> -> memref<128x128xf32, #tpu.memory_space<vmem>>
        %dma_start3A_430 = arith.constant 0 : i32
        %dma_start3A_431 = tpu.memref_slice %arg12[%run_scoped3A_246, %dma_start3A_430] : memref<8x128xi32, #tpu.memory_space<vmem>> -> memref<1x128xi32, #tpu.memory_space<vmem>>
        %dma_start3A_432 = tpu.memref_squeeze %dma_start3A_431 : memref<1x128xi32, #tpu.memory_space<vmem>> -> memref<128xi32, #tpu.memory_space<vmem>>
        %dma_start3A_433 = arith.constant 0 : i32
        %dma_start3A_434 = arith.constant 0 : i32
        %dma_start3A_435 = tpu.memref_slice %arg18[%dma_start3A_433, %dma_start3A_434] : memref<5120x128xf32, #tpu.memory_space<vmem_shared>> -> memref<5120x128xf32, #tpu.memory_space<vmem_shared>>
        tpu.enqueue_indirect_dma source(%dma_start3A_429 : memref<128x128xf32, #tpu.memory_space<vmem>>) target(%dma_start3A_435 : memref<5120x128xf32, #tpu.memory_space<vmem_shared>>) offsets(%dma_start3A_432 : memref<128xi32, #tpu.memory_space<vmem>>) semaphore(%run_scoped3A_425 : memref<!tpu.dma_semaphore, #tpu.memory_space<semaphore_mem>>) {add = true}
        %dma_wait3A_436 = arith.constant 0 : i32
        %dma_wait3A_437 = arith.constant 0 : i32
        %dma_wait3A_438 = tpu.memref_slice %arg14[%run_scoped3A_245, %dma_wait3A_436, %dma_wait3A_437] : memref<2x128x128xf32, #tpu.memory_space<vmem>> -> memref<1x128x128xf32, #tpu.memory_space<vmem>>
        %dma_wait3A_439 = tpu.memref_squeeze %dma_wait3A_438 : memref<1x128x128xf32, #tpu.memory_space<vmem>> -> memref<128x128xf32, #tpu.memory_space<vmem>>
        %dma_wait3A_440 = arith.constant 0 : i32
        %dma_wait3A_441 = tpu.memref_slice %arg12[%run_scoped3A_246, %dma_wait3A_440] : memref<8x128xi32, #tpu.memory_space<vmem>> -> memref<1x128xi32, #tpu.memory_space<vmem>>
        %dma_wait3A_442 = tpu.memref_squeeze %dma_wait3A_441 : memref<1x128xi32, #tpu.memory_space<vmem>> -> memref<128xi32, #tpu.memory_space<vmem>>
        %dma_wait3A_443 = arith.constant 0 : i32
        %dma_wait3A_444 = arith.constant 0 : i32
        %dma_wait3A_445 = tpu.memref_slice %arg18[%dma_wait3A_443, %dma_wait3A_444] : memref<5120x128xf32, #tpu.memory_space<vmem_shared>> -> memref<5120x128xf32, #tpu.memory_space<vmem_shared>>
        tpu.wait_indirect_dma semaphore(%run_scoped3A_425 : memref<!tpu.dma_semaphore, #tpu.memory_space<semaphore_mem>>) src(%dma_wait3A_439 : memref<128x128xf32, #tpu.memory_space<vmem>>) dst(%dma_wait3A_445 : memref<5120x128xf32, #tpu.memory_space<vmem_shared>>)
        tpu.yield
      }) : () -> ()
      %run_scoped3A_247 = arith.constant 0 : i32
      "tpu.region"() ({
        %run_scoped3A_425 = tpu.sem_alloc : memref<!tpu.dma_semaphore, #tpu.memory_space<semaphore_mem>>
        %dma_start3A_426 = arith.constant 0 : i32
        %dma_start3A_427 = tpu.memref_slice %arg13[%run_scoped3A_247, %dma_start3A_426] : memref<8x128xi32, #tpu.memory_space<vmem>> -> memref<1x128xi32, #tpu.memory_space<vmem>>
        %dma_start3A_428 = tpu.memref_squeeze %dma_start3A_427 : memref<1x128xi32, #tpu.memory_space<vmem>> -> memref<128xi32, #tpu.memory_space<vmem>>
        %dma_start3A_429 = arith.constant 0 : i32
        %dma_start3A_430 = tpu.memref_slice %arg19[%dma_start3A_429] : memref<90112xf32, #tpu.memory_space<vmem_shared>> -> memref<90112xf32, #tpu.memory_space<vmem_shared>>
        tpu.enqueue_indirect_dma source(%arg15 : memref<128xf32, #tpu.memory_space<vmem>>) target(%dma_start3A_430 : memref<90112xf32, #tpu.memory_space<vmem_shared>>) offsets(%dma_start3A_428 : memref<128xi32, #tpu.memory_space<vmem>>) semaphore(%run_scoped3A_425 : memref<!tpu.dma_semaphore, #tpu.memory_space<semaphore_mem>>) {add = true}
        %dma_wait3A_431 = arith.constant 0 : i32
        %dma_wait3A_432 = tpu.memref_slice %arg13[%run_scoped3A_247, %dma_wait3A_431] : memref<8x128xi32, #tpu.memory_space<vmem>> -> memref<1x128xi32, #tpu.memory_space<vmem>>
        %dma_wait3A_433 = tpu.memref_squeeze %dma_wait3A_432 : memref<1x128xi32, #tpu.memory_space<vmem>> -> memref<128xi32, #tpu.memory_space<vmem>>
        %dma_wait3A_434 = arith.constant 0 : i32
        %dma_wait3A_435 = tpu.memref_slice %arg19[%dma_wait3A_434] : memref<90112xf32, #tpu.memory_space<vmem_shared>> -> memref<90112xf32, #tpu.memory_space<vmem_shared>>
        tpu.wait_indirect_dma semaphore(%run_scoped3A_425 : memref<!tpu.dma_semaphore, #tpu.memory_space<semaphore_mem>>) src(%arg15 : memref<128xf32, #tpu.memory_space<vmem>>) dst(%dma_wait3A_435 : memref<90112xf32, #tpu.memory_space<vmem_shared>>)
        tpu.yield
      }) : () -> ()
      %dma_start3A_248 = arith.constant 2 : i32
      %dma_start3A_249 = arith.constant 0 : i32
      %dma_start3A_250 = arith.constant 0 : i32
      %dma_start3A_251 = arith.constant 0 : i32
      %dma_start3A_252 = tpu.memref_slice %arg14[%dma_start3A_249, %dma_start3A_250, %dma_start3A_251] : memref<2x128x128xf32, #tpu.memory_space<vmem>> -> memref<1x128x128xf32, #tpu.memory_space<vmem>>
      %dma_start3A_253 = tpu.memref_squeeze %dma_start3A_252 : memref<1x128x128xf32, #tpu.memory_space<vmem>> -> memref<128x128xf32, #tpu.memory_space<vmem>>
      %dma_start3A_254 = arith.constant 0 : i32
      %dma_start3A_255 = tpu.memref_slice %arg11[%dma_start3A_248, %dma_start3A_254] : memref<8x128xi32, #tpu.memory_space<vmem>> -> memref<1x128xi32, #tpu.memory_space<vmem>>
      %dma_start3A_256 = tpu.memref_squeeze %dma_start3A_255 : memref<1x128xi32, #tpu.memory_space<vmem>> -> memref<128xi32, #tpu.memory_space<vmem>>
      %dma_start3A_257 = arith.constant 0 : i32
      %dma_start3A_258 = arith.constant 0 : i32
      %dma_start3A_259 = tpu.memref_slice %arg17[%dma_start3A_257, %dma_start3A_258] : memref<5120x128xf32, #tpu.memory_space<vmem_shared>> -> memref<5120x128xf32, #tpu.memory_space<vmem_shared>>
      tpu.enqueue_indirect_dma source(%dma_start3A_259 : memref<5120x128xf32, #tpu.memory_space<vmem_shared>>) target(%dma_start3A_253 : memref<128x128xf32, #tpu.memory_space<vmem>>) offsets(%dma_start3A_256 : memref<128xi32, #tpu.memory_space<vmem>>) semaphore(%arg20 : memref<!tpu.dma_semaphore, #tpu.memory_space<semaphore_mem>>)
      %dma_wait3A_260 = arith.constant 1 : i32
      %dma_wait3A_261 = arith.constant 1 : i32
      %dma_wait3A_262 = arith.constant 0 : i32
      %dma_wait3A_263 = arith.constant 0 : i32
      %dma_wait3A_264 = tpu.memref_slice %arg14[%dma_wait3A_261, %dma_wait3A_262, %dma_wait3A_263] : memref<2x128x128xf32, #tpu.memory_space<vmem>> -> memref<1x128x128xf32, #tpu.memory_space<vmem>>
      %dma_wait3A_265 = tpu.memref_squeeze %dma_wait3A_264 : memref<1x128x128xf32, #tpu.memory_space<vmem>> -> memref<128x128xf32, #tpu.memory_space<vmem>>
      %dma_wait3A_266 = arith.constant 0 : i32
      %dma_wait3A_267 = tpu.memref_slice %arg11[%dma_wait3A_260, %dma_wait3A_266] : memref<8x128xi32, #tpu.memory_space<vmem>> -> memref<1x128xi32, #tpu.memory_space<vmem>>
      %dma_wait3A_268 = tpu.memref_squeeze %dma_wait3A_267 : memref<1x128xi32, #tpu.memory_space<vmem>> -> memref<128xi32, #tpu.memory_space<vmem>>
      %dma_wait3A_269 = arith.constant 0 : i32
      %dma_wait3A_270 = arith.constant 0 : i32
      %dma_wait3A_271 = tpu.memref_slice %arg17[%dma_wait3A_269, %dma_wait3A_270] : memref<5120x128xf32, #tpu.memory_space<vmem_shared>> -> memref<5120x128xf32, #tpu.memory_space<vmem_shared>>
      tpu.wait_indirect_dma semaphore(%arg21 : memref<!tpu.dma_semaphore, #tpu.memory_space<semaphore_mem>>) src(%dma_wait3A_271 : memref<5120x128xf32, #tpu.memory_space<vmem_shared>>) dst(%dma_wait3A_265 : memref<128x128xf32, #tpu.memory_space<vmem>>)
      %run_scoped3A_272 = arith.constant 1 : i32
      %run_scoped3A_273 = arith.constant 1 : i32
      "tpu.region"() ({
        %run_scoped3A_425 = tpu.sem_alloc : memref<!tpu.dma_semaphore, #tpu.memory_space<semaphore_mem>>
        %dma_start3A_426 = arith.constant 0 : i32
        %dma_start3A_427 = arith.constant 0 : i32
        %dma_start3A_428 = tpu.memref_slice %arg14[%run_scoped3A_272, %dma_start3A_426, %dma_start3A_427] : memref<2x128x128xf32, #tpu.memory_space<vmem>> -> memref<1x128x128xf32, #tpu.memory_space<vmem>>
        %dma_start3A_429 = tpu.memref_squeeze %dma_start3A_428 : memref<1x128x128xf32, #tpu.memory_space<vmem>> -> memref<128x128xf32, #tpu.memory_space<vmem>>
        %dma_start3A_430 = arith.constant 0 : i32
        %dma_start3A_431 = tpu.memref_slice %arg12[%run_scoped3A_273, %dma_start3A_430] : memref<8x128xi32, #tpu.memory_space<vmem>> -> memref<1x128xi32, #tpu.memory_space<vmem>>
        %dma_start3A_432 = tpu.memref_squeeze %dma_start3A_431 : memref<1x128xi32, #tpu.memory_space<vmem>> -> memref<128xi32, #tpu.memory_space<vmem>>
        %dma_start3A_433 = arith.constant 0 : i32
        %dma_start3A_434 = arith.constant 0 : i32
        %dma_start3A_435 = tpu.memref_slice %arg18[%dma_start3A_433, %dma_start3A_434] : memref<5120x128xf32, #tpu.memory_space<vmem_shared>> -> memref<5120x128xf32, #tpu.memory_space<vmem_shared>>
        tpu.enqueue_indirect_dma source(%dma_start3A_429 : memref<128x128xf32, #tpu.memory_space<vmem>>) target(%dma_start3A_435 : memref<5120x128xf32, #tpu.memory_space<vmem_shared>>) offsets(%dma_start3A_432 : memref<128xi32, #tpu.memory_space<vmem>>) semaphore(%run_scoped3A_425 : memref<!tpu.dma_semaphore, #tpu.memory_space<semaphore_mem>>) {add = true}
        %dma_wait3A_436 = arith.constant 0 : i32
        %dma_wait3A_437 = arith.constant 0 : i32
        %dma_wait3A_438 = tpu.memref_slice %arg14[%run_scoped3A_272, %dma_wait3A_436, %dma_wait3A_437] : memref<2x128x128xf32, #tpu.memory_space<vmem>> -> memref<1x128x128xf32, #tpu.memory_space<vmem>>
        %dma_wait3A_439 = tpu.memref_squeeze %dma_wait3A_438 : memref<1x128x128xf32, #tpu.memory_space<vmem>> -> memref<128x128xf32, #tpu.memory_space<vmem>>
        %dma_wait3A_440 = arith.constant 0 : i32
        %dma_wait3A_441 = tpu.memref_slice %arg12[%run_scoped3A_273, %dma_wait3A_440] : memref<8x128xi32, #tpu.memory_space<vmem>> -> memref<1x128xi32, #tpu.memory_space<vmem>>
        %dma_wait3A_442 = tpu.memref_squeeze %dma_wait3A_441 : memref<1x128xi32, #tpu.memory_space<vmem>> -> memref<128xi32, #tpu.memory_space<vmem>>
        %dma_wait3A_443 = arith.constant 0 : i32
        %dma_wait3A_444 = arith.constant 0 : i32
        %dma_wait3A_445 = tpu.memref_slice %arg18[%dma_wait3A_443, %dma_wait3A_444] : memref<5120x128xf32, #tpu.memory_space<vmem_shared>> -> memref<5120x128xf32, #tpu.memory_space<vmem_shared>>
        tpu.wait_indirect_dma semaphore(%run_scoped3A_425 : memref<!tpu.dma_semaphore, #tpu.memory_space<semaphore_mem>>) src(%dma_wait3A_439 : memref<128x128xf32, #tpu.memory_space<vmem>>) dst(%dma_wait3A_445 : memref<5120x128xf32, #tpu.memory_space<vmem_shared>>)
        tpu.yield
      }) : () -> ()
      %run_scoped3A_274 = arith.constant 1 : i32
      "tpu.region"() ({
        %run_scoped3A_425 = tpu.sem_alloc : memref<!tpu.dma_semaphore, #tpu.memory_space<semaphore_mem>>
        %dma_start3A_426 = arith.constant 0 : i32
        %dma_start3A_427 = tpu.memref_slice %arg13[%run_scoped3A_274, %dma_start3A_426] : memref<8x128xi32, #tpu.memory_space<vmem>> -> memref<1x128xi32, #tpu.memory_space<vmem>>
        %dma_start3A_428 = tpu.memref_squeeze %dma_start3A_427 : memref<1x128xi32, #tpu.memory_space<vmem>> -> memref<128xi32, #tpu.memory_space<vmem>>
        %dma_start3A_429 = arith.constant 0 : i32
        %dma_start3A_430 = tpu.memref_slice %arg19[%dma_start3A_429] : memref<90112xf32, #tpu.memory_space<vmem_shared>> -> memref<90112xf32, #tpu.memory_space<vmem_shared>>
        tpu.enqueue_indirect_dma source(%arg15 : memref<128xf32, #tpu.memory_space<vmem>>) target(%dma_start3A_430 : memref<90112xf32, #tpu.memory_space<vmem_shared>>) offsets(%dma_start3A_428 : memref<128xi32, #tpu.memory_space<vmem>>) semaphore(%run_scoped3A_425 : memref<!tpu.dma_semaphore, #tpu.memory_space<semaphore_mem>>) {add = true}
        %dma_wait3A_431 = arith.constant 0 : i32
        %dma_wait3A_432 = tpu.memref_slice %arg13[%run_scoped3A_274, %dma_wait3A_431] : memref<8x128xi32, #tpu.memory_space<vmem>> -> memref<1x128xi32, #tpu.memory_space<vmem>>
        %dma_wait3A_433 = tpu.memref_squeeze %dma_wait3A_432 : memref<1x128xi32, #tpu.memory_space<vmem>> -> memref<128xi32, #tpu.memory_space<vmem>>
        %dma_wait3A_434 = arith.constant 0 : i32
        %dma_wait3A_435 = tpu.memref_slice %arg19[%dma_wait3A_434] : memref<90112xf32, #tpu.memory_space<vmem_shared>> -> memref<90112xf32, #tpu.memory_space<vmem_shared>>
        tpu.wait_indirect_dma semaphore(%run_scoped3A_425 : memref<!tpu.dma_semaphore, #tpu.memory_space<semaphore_mem>>) src(%arg15 : memref<128xf32, #tpu.memory_space<vmem>>) dst(%dma_wait3A_435 : memref<90112xf32, #tpu.memory_space<vmem_shared>>)
        tpu.yield
      }) : () -> ()
      %dma_start3A_275 = arith.constant 3 : i32
      %dma_start3A_276 = arith.constant 1 : i32
      %dma_start3A_277 = arith.constant 0 : i32
      %dma_start3A_278 = arith.constant 0 : i32
      %dma_start3A_279 = tpu.memref_slice %arg14[%dma_start3A_276, %dma_start3A_277, %dma_start3A_278] : memref<2x128x128xf32, #tpu.memory_space<vmem>> -> memref<1x128x128xf32, #tpu.memory_space<vmem>>
      %dma_start3A_280 = tpu.memref_squeeze %dma_start3A_279 : memref<1x128x128xf32, #tpu.memory_space<vmem>> -> memref<128x128xf32, #tpu.memory_space<vmem>>
      %dma_start3A_281 = arith.constant 0 : i32
      %dma_start3A_282 = tpu.memref_slice %arg11[%dma_start3A_275, %dma_start3A_281] : memref<8x128xi32, #tpu.memory_space<vmem>> -> memref<1x128xi32, #tpu.memory_space<vmem>>
      %dma_start3A_283 = tpu.memref_squeeze %dma_start3A_282 : memref<1x128xi32, #tpu.memory_space<vmem>> -> memref<128xi32, #tpu.memory_space<vmem>>
      %dma_start3A_284 = arith.constant 0 : i32
      %dma_start3A_285 = arith.constant 0 : i32
      %dma_start3A_286 = tpu.memref_slice %arg17[%dma_start3A_284, %dma_start3A_285] : memref<5120x128xf32, #tpu.memory_space<vmem_shared>> -> memref<5120x128xf32, #tpu.memory_space<vmem_shared>>
      tpu.enqueue_indirect_dma source(%dma_start3A_286 : memref<5120x128xf32, #tpu.memory_space<vmem_shared>>) target(%dma_start3A_280 : memref<128x128xf32, #tpu.memory_space<vmem>>) offsets(%dma_start3A_283 : memref<128xi32, #tpu.memory_space<vmem>>) semaphore(%arg21 : memref<!tpu.dma_semaphore, #tpu.memory_space<semaphore_mem>>)
      %dma_wait3A_287 = arith.constant 2 : i32
      %dma_wait3A_288 = arith.constant 0 : i32
      %dma_wait3A_289 = arith.constant 0 : i32
      %dma_wait3A_290 = arith.constant 0 : i32
      %dma_wait3A_291 = tpu.memref_slice %arg14[%dma_wait3A_288, %dma_wait3A_289, %dma_wait3A_290] : memref<2x128x128xf32, #tpu.memory_space<vmem>> -> memref<1x128x128xf32, #tpu.memory_space<vmem>>
      %dma_wait3A_292 = tpu.memref_squeeze %dma_wait3A_291 : memref<1x128x128xf32, #tpu.memory_space<vmem>> -> memref<128x128xf32, #tpu.memory_space<vmem>>
      %dma_wait3A_293 = arith.constant 0 : i32
      %dma_wait3A_294 = tpu.memref_slice %arg11[%dma_wait3A_287, %dma_wait3A_293] : memref<8x128xi32, #tpu.memory_space<vmem>> -> memref<1x128xi32, #tpu.memory_space<vmem>>
      %dma_wait3A_295 = tpu.memref_squeeze %dma_wait3A_294 : memref<1x128xi32, #tpu.memory_space<vmem>> -> memref<128xi32, #tpu.memory_space<vmem>>
      %dma_wait3A_296 = arith.constant 0 : i32
      %dma_wait3A_297 = arith.constant 0 : i32
      %dma_wait3A_298 = tpu.memref_slice %arg17[%dma_wait3A_296, %dma_wait3A_297] : memref<5120x128xf32, #tpu.memory_space<vmem_shared>> -> memref<5120x128xf32, #tpu.memory_space<vmem_shared>>
      tpu.wait_indirect_dma semaphore(%arg20 : memref<!tpu.dma_semaphore, #tpu.memory_space<semaphore_mem>>) src(%dma_wait3A_298 : memref<5120x128xf32, #tpu.memory_space<vmem_shared>>) dst(%dma_wait3A_292 : memref<128x128xf32, #tpu.memory_space<vmem>>)
      %run_scoped3A_299 = arith.constant 0 : i32
      %run_scoped3A_300 = arith.constant 2 : i32
      "tpu.region"() ({
        %run_scoped3A_425 = tpu.sem_alloc : memref<!tpu.dma_semaphore, #tpu.memory_space<semaphore_mem>>
        %dma_start3A_426 = arith.constant 0 : i32
        %dma_start3A_427 = arith.constant 0 : i32
        %dma_start3A_428 = tpu.memref_slice %arg14[%run_scoped3A_299, %dma_start3A_426, %dma_start3A_427] : memref<2x128x128xf32, #tpu.memory_space<vmem>> -> memref<1x128x128xf32, #tpu.memory_space<vmem>>
        %dma_start3A_429 = tpu.memref_squeeze %dma_start3A_428 : memref<1x128x128xf32, #tpu.memory_space<vmem>> -> memref<128x128xf32, #tpu.memory_space<vmem>>
        %dma_start3A_430 = arith.constant 0 : i32
        %dma_start3A_431 = tpu.memref_slice %arg12[%run_scoped3A_300, %dma_start3A_430] : memref<8x128xi32, #tpu.memory_space<vmem>> -> memref<1x128xi32, #tpu.memory_space<vmem>>
        %dma_start3A_432 = tpu.memref_squeeze %dma_start3A_431 : memref<1x128xi32, #tpu.memory_space<vmem>> -> memref<128xi32, #tpu.memory_space<vmem>>
        %dma_start3A_433 = arith.constant 0 : i32
        %dma_start3A_434 = arith.constant 0 : i32
        %dma_start3A_435 = tpu.memref_slice %arg18[%dma_start3A_433, %dma_start3A_434] : memref<5120x128xf32, #tpu.memory_space<vmem_shared>> -> memref<5120x128xf32, #tpu.memory_space<vmem_shared>>
        tpu.enqueue_indirect_dma source(%dma_start3A_429 : memref<128x128xf32, #tpu.memory_space<vmem>>) target(%dma_start3A_435 : memref<5120x128xf32, #tpu.memory_space<vmem_shared>>) offsets(%dma_start3A_432 : memref<128xi32, #tpu.memory_space<vmem>>) semaphore(%run_scoped3A_425 : memref<!tpu.dma_semaphore, #tpu.memory_space<semaphore_mem>>) {add = true}
        %dma_wait3A_436 = arith.constant 0 : i32
        %dma_wait3A_437 = arith.constant 0 : i32
        %dma_wait3A_438 = tpu.memref_slice %arg14[%run_scoped3A_299, %dma_wait3A_436, %dma_wait3A_437] : memref<2x128x128xf32, #tpu.memory_space<vmem>> -> memref<1x128x128xf32, #tpu.memory_space<vmem>>
        %dma_wait3A_439 = tpu.memref_squeeze %dma_wait3A_438 : memref<1x128x128xf32, #tpu.memory_space<vmem>> -> memref<128x128xf32, #tpu.memory_space<vmem>>
        %dma_wait3A_440 = arith.constant 0 : i32
        %dma_wait3A_441 = tpu.memref_slice %arg12[%run_scoped3A_300, %dma_wait3A_440] : memref<8x128xi32, #tpu.memory_space<vmem>> -> memref<1x128xi32, #tpu.memory_space<vmem>>
        %dma_wait3A_442 = tpu.memref_squeeze %dma_wait3A_441 : memref<1x128xi32, #tpu.memory_space<vmem>> -> memref<128xi32, #tpu.memory_space<vmem>>
        %dma_wait3A_443 = arith.constant 0 : i32
        %dma_wait3A_444 = arith.constant 0 : i32
        %dma_wait3A_445 = tpu.memref_slice %arg18[%dma_wait3A_443, %dma_wait3A_444] : memref<5120x128xf32, #tpu.memory_space<vmem_shared>> -> memref<5120x128xf32, #tpu.memory_space<vmem_shared>>
        tpu.wait_indirect_dma semaphore(%run_scoped3A_425 : memref<!tpu.dma_semaphore, #tpu.memory_space<semaphore_mem>>) src(%dma_wait3A_439 : memref<128x128xf32, #tpu.memory_space<vmem>>) dst(%dma_wait3A_445 : memref<5120x128xf32, #tpu.memory_space<vmem_shared>>)
        tpu.yield
      }) : () -> ()
      %run_scoped3A_301 = arith.constant 2 : i32
      "tpu.region"() ({
        %run_scoped3A_425 = tpu.sem_alloc : memref<!tpu.dma_semaphore, #tpu.memory_space<semaphore_mem>>
        %dma_start3A_426 = arith.constant 0 : i32
        %dma_start3A_427 = tpu.memref_slice %arg13[%run_scoped3A_301, %dma_start3A_426] : memref<8x128xi32, #tpu.memory_space<vmem>> -> memref<1x128xi32, #tpu.memory_space<vmem>>
        %dma_start3A_428 = tpu.memref_squeeze %dma_start3A_427 : memref<1x128xi32, #tpu.memory_space<vmem>> -> memref<128xi32, #tpu.memory_space<vmem>>
        %dma_start3A_429 = arith.constant 0 : i32
        %dma_start3A_430 = tpu.memref_slice %arg19[%dma_start3A_429] : memref<90112xf32, #tpu.memory_space<vmem_shared>> -> memref<90112xf32, #tpu.memory_space<vmem_shared>>
        tpu.enqueue_indirect_dma source(%arg15 : memref<128xf32, #tpu.memory_space<vmem>>) target(%dma_start3A_430 : memref<90112xf32, #tpu.memory_space<vmem_shared>>) offsets(%dma_start3A_428 : memref<128xi32, #tpu.memory_space<vmem>>) semaphore(%run_scoped3A_425 : memref<!tpu.dma_semaphore, #tpu.memory_space<semaphore_mem>>) {add = true}
        %dma_wait3A_431 = arith.constant 0 : i32
        %dma_wait3A_432 = tpu.memref_slice %arg13[%run_scoped3A_301, %dma_wait3A_431] : memref<8x128xi32, #tpu.memory_space<vmem>> -> memref<1x128xi32, #tpu.memory_space<vmem>>
        %dma_wait3A_433 = tpu.memref_squeeze %dma_wait3A_432 : memref<1x128xi32, #tpu.memory_space<vmem>> -> memref<128xi32, #tpu.memory_space<vmem>>
        %dma_wait3A_434 = arith.constant 0 : i32
        %dma_wait3A_435 = tpu.memref_slice %arg19[%dma_wait3A_434] : memref<90112xf32, #tpu.memory_space<vmem_shared>> -> memref<90112xf32, #tpu.memory_space<vmem_shared>>
        tpu.wait_indirect_dma semaphore(%run_scoped3A_425 : memref<!tpu.dma_semaphore, #tpu.memory_space<semaphore_mem>>) src(%arg15 : memref<128xf32, #tpu.memory_space<vmem>>) dst(%dma_wait3A_435 : memref<90112xf32, #tpu.memory_space<vmem_shared>>)
        tpu.yield
      }) : () -> ()
      %dma_start3A_302 = arith.constant 4 : i32
      %dma_start3A_303 = arith.constant 0 : i32
      %dma_start3A_304 = arith.constant 0 : i32
      %dma_start3A_305 = arith.constant 0 : i32
      %dma_start3A_306 = tpu.memref_slice %arg14[%dma_start3A_303, %dma_start3A_304, %dma_start3A_305] : memref<2x128x128xf32, #tpu.memory_space<vmem>> -> memref<1x128x128xf32, #tpu.memory_space<vmem>>
      %dma_start3A_307 = tpu.memref_squeeze %dma_start3A_306 : memref<1x128x128xf32, #tpu.memory_space<vmem>> -> memref<128x128xf32, #tpu.memory_space<vmem>>
      %dma_start3A_308 = arith.constant 0 : i32
      %dma_start3A_309 = tpu.memref_slice %arg11[%dma_start3A_302, %dma_start3A_308] : memref<8x128xi32, #tpu.memory_space<vmem>> -> memref<1x128xi32, #tpu.memory_space<vmem>>
      %dma_start3A_310 = tpu.memref_squeeze %dma_start3A_309 : memref<1x128xi32, #tpu.memory_space<vmem>> -> memref<128xi32, #tpu.memory_space<vmem>>
      %dma_start3A_311 = arith.constant 0 : i32
      %dma_start3A_312 = arith.constant 0 : i32
      %dma_start3A_313 = tpu.memref_slice %arg17[%dma_start3A_311, %dma_start3A_312] : memref<5120x128xf32, #tpu.memory_space<vmem_shared>> -> memref<5120x128xf32, #tpu.memory_space<vmem_shared>>
      tpu.enqueue_indirect_dma source(%dma_start3A_313 : memref<5120x128xf32, #tpu.memory_space<vmem_shared>>) target(%dma_start3A_307 : memref<128x128xf32, #tpu.memory_space<vmem>>) offsets(%dma_start3A_310 : memref<128xi32, #tpu.memory_space<vmem>>) semaphore(%arg20 : memref<!tpu.dma_semaphore, #tpu.memory_space<semaphore_mem>>)
      %dma_wait3A_314 = arith.constant 3 : i32
      %dma_wait3A_315 = arith.constant 1 : i32
      %dma_wait3A_316 = arith.constant 0 : i32
      %dma_wait3A_317 = arith.constant 0 : i32
      %dma_wait3A_318 = tpu.memref_slice %arg14[%dma_wait3A_315, %dma_wait3A_316, %dma_wait3A_317] : memref<2x128x128xf32, #tpu.memory_space<vmem>> -> memref<1x128x128xf32, #tpu.memory_space<vmem>>
      %dma_wait3A_319 = tpu.memref_squeeze %dma_wait3A_318 : memref<1x128x128xf32, #tpu.memory_space<vmem>> -> memref<128x128xf32, #tpu.memory_space<vmem>>
      %dma_wait3A_320 = arith.constant 0 : i32
      %dma_wait3A_321 = tpu.memref_slice %arg11[%dma_wait3A_314, %dma_wait3A_320] : memref<8x128xi32, #tpu.memory_space<vmem>> -> memref<1x128xi32, #tpu.memory_space<vmem>>
      %dma_wait3A_322 = tpu.memref_squeeze %dma_wait3A_321 : memref<1x128xi32, #tpu.memory_space<vmem>> -> memref<128xi32, #tpu.memory_space<vmem>>
      %dma_wait3A_323 = arith.constant 0 : i32
      %dma_wait3A_324 = arith.constant 0 : i32
      %dma_wait3A_325 = tpu.memref_slice %arg17[%dma_wait3A_323, %dma_wait3A_324] : memref<5120x128xf32, #tpu.memory_space<vmem_shared>> -> memref<5120x128xf32, #tpu.memory_space<vmem_shared>>
      tpu.wait_indirect_dma semaphore(%arg21 : memref<!tpu.dma_semaphore, #tpu.memory_space<semaphore_mem>>) src(%dma_wait3A_325 : memref<5120x128xf32, #tpu.memory_space<vmem_shared>>) dst(%dma_wait3A_319 : memref<128x128xf32, #tpu.memory_space<vmem>>)
      %run_scoped3A_326 = arith.constant 1 : i32
      %run_scoped3A_327 = arith.constant 3 : i32
      "tpu.region"() ({
        %run_scoped3A_425 = tpu.sem_alloc : memref<!tpu.dma_semaphore, #tpu.memory_space<semaphore_mem>>
        %dma_start3A_426 = arith.constant 0 : i32
        %dma_start3A_427 = arith.constant 0 : i32
        %dma_start3A_428 = tpu.memref_slice %arg14[%run_scoped3A_326, %dma_start3A_426, %dma_start3A_427] : memref<2x128x128xf32, #tpu.memory_space<vmem>> -> memref<1x128x128xf32, #tpu.memory_space<vmem>>
        %dma_start3A_429 = tpu.memref_squeeze %dma_start3A_428 : memref<1x128x128xf32, #tpu.memory_space<vmem>> -> memref<128x128xf32, #tpu.memory_space<vmem>>
        %dma_start3A_430 = arith.constant 0 : i32
        %dma_start3A_431 = tpu.memref_slice %arg12[%run_scoped3A_327, %dma_start3A_430] : memref<8x128xi32, #tpu.memory_space<vmem>> -> memref<1x128xi32, #tpu.memory_space<vmem>>
        %dma_start3A_432 = tpu.memref_squeeze %dma_start3A_431 : memref<1x128xi32, #tpu.memory_space<vmem>> -> memref<128xi32, #tpu.memory_space<vmem>>
        %dma_start3A_433 = arith.constant 0 : i32
        %dma_start3A_434 = arith.constant 0 : i32
        %dma_start3A_435 = tpu.memref_slice %arg18[%dma_start3A_433, %dma_start3A_434] : memref<5120x128xf32, #tpu.memory_space<vmem_shared>> -> memref<5120x128xf32, #tpu.memory_space<vmem_shared>>
        tpu.enqueue_indirect_dma source(%dma_start3A_429 : memref<128x128xf32, #tpu.memory_space<vmem>>) target(%dma_start3A_435 : memref<5120x128xf32, #tpu.memory_space<vmem_shared>>) offsets(%dma_start3A_432 : memref<128xi32, #tpu.memory_space<vmem>>) semaphore(%run_scoped3A_425 : memref<!tpu.dma_semaphore, #tpu.memory_space<semaphore_mem>>) {add = true}
        %dma_wait3A_436 = arith.constant 0 : i32
        %dma_wait3A_437 = arith.constant 0 : i32
        %dma_wait3A_438 = tpu.memref_slice %arg14[%run_scoped3A_326, %dma_wait3A_436, %dma_wait3A_437] : memref<2x128x128xf32, #tpu.memory_space<vmem>> -> memref<1x128x128xf32, #tpu.memory_space<vmem>>
        %dma_wait3A_439 = tpu.memref_squeeze %dma_wait3A_438 : memref<1x128x128xf32, #tpu.memory_space<vmem>> -> memref<128x128xf32, #tpu.memory_space<vmem>>
        %dma_wait3A_440 = arith.constant 0 : i32
        %dma_wait3A_441 = tpu.memref_slice %arg12[%run_scoped3A_327, %dma_wait3A_440] : memref<8x128xi32, #tpu.memory_space<vmem>> -> memref<1x128xi32, #tpu.memory_space<vmem>>
        %dma_wait3A_442 = tpu.memref_squeeze %dma_wait3A_441 : memref<1x128xi32, #tpu.memory_space<vmem>> -> memref<128xi32, #tpu.memory_space<vmem>>
        %dma_wait3A_443 = arith.constant 0 : i32
        %dma_wait3A_444 = arith.constant 0 : i32
        %dma_wait3A_445 = tpu.memref_slice %arg18[%dma_wait3A_443, %dma_wait3A_444] : memref<5120x128xf32, #tpu.memory_space<vmem_shared>> -> memref<5120x128xf32, #tpu.memory_space<vmem_shared>>
        tpu.wait_indirect_dma semaphore(%run_scoped3A_425 : memref<!tpu.dma_semaphore, #tpu.memory_space<semaphore_mem>>) src(%dma_wait3A_439 : memref<128x128xf32, #tpu.memory_space<vmem>>) dst(%dma_wait3A_445 : memref<5120x128xf32, #tpu.memory_space<vmem_shared>>)
        tpu.yield
      }) : () -> ()
      %run_scoped3A_328 = arith.constant 3 : i32
      "tpu.region"() ({
        %run_scoped3A_425 = tpu.sem_alloc : memref<!tpu.dma_semaphore, #tpu.memory_space<semaphore_mem>>
        %dma_start3A_426 = arith.constant 0 : i32
        %dma_start3A_427 = tpu.memref_slice %arg13[%run_scoped3A_328, %dma_start3A_426] : memref<8x128xi32, #tpu.memory_space<vmem>> -> memref<1x128xi32, #tpu.memory_space<vmem>>
        %dma_start3A_428 = tpu.memref_squeeze %dma_start3A_427 : memref<1x128xi32, #tpu.memory_space<vmem>> -> memref<128xi32, #tpu.memory_space<vmem>>
        %dma_start3A_429 = arith.constant 0 : i32
        %dma_start3A_430 = tpu.memref_slice %arg19[%dma_start3A_429] : memref<90112xf32, #tpu.memory_space<vmem_shared>> -> memref<90112xf32, #tpu.memory_space<vmem_shared>>
        tpu.enqueue_indirect_dma source(%arg15 : memref<128xf32, #tpu.memory_space<vmem>>) target(%dma_start3A_430 : memref<90112xf32, #tpu.memory_space<vmem_shared>>) offsets(%dma_start3A_428 : memref<128xi32, #tpu.memory_space<vmem>>) semaphore(%run_scoped3A_425 : memref<!tpu.dma_semaphore, #tpu.memory_space<semaphore_mem>>) {add = true}
        %dma_wait3A_431 = arith.constant 0 : i32
        %dma_wait3A_432 = tpu.memref_slice %arg13[%run_scoped3A_328, %dma_wait3A_431] : memref<8x128xi32, #tpu.memory_space<vmem>> -> memref<1x128xi32, #tpu.memory_space<vmem>>
        %dma_wait3A_433 = tpu.memref_squeeze %dma_wait3A_432 : memref<1x128xi32, #tpu.memory_space<vmem>> -> memref<128xi32, #tpu.memory_space<vmem>>
        %dma_wait3A_434 = arith.constant 0 : i32
        %dma_wait3A_435 = tpu.memref_slice %arg19[%dma_wait3A_434] : memref<90112xf32, #tpu.memory_space<vmem_shared>> -> memref<90112xf32, #tpu.memory_space<vmem_shared>>
        tpu.wait_indirect_dma semaphore(%run_scoped3A_425 : memref<!tpu.dma_semaphore, #tpu.memory_space<semaphore_mem>>) src(%arg15 : memref<128xf32, #tpu.memory_space<vmem>>) dst(%dma_wait3A_435 : memref<90112xf32, #tpu.memory_space<vmem_shared>>)
        tpu.yield
      }) : () -> ()
      %dma_start3A_329 = arith.constant 5 : i32
      %dma_start3A_330 = arith.constant 1 : i32
      %dma_start3A_331 = arith.constant 0 : i32
      %dma_start3A_332 = arith.constant 0 : i32
      %dma_start3A_333 = tpu.memref_slice %arg14[%dma_start3A_330, %dma_start3A_331, %dma_start3A_332] : memref<2x128x128xf32, #tpu.memory_space<vmem>> -> memref<1x128x128xf32, #tpu.memory_space<vmem>>
      %dma_start3A_334 = tpu.memref_squeeze %dma_start3A_333 : memref<1x128x128xf32, #tpu.memory_space<vmem>> -> memref<128x128xf32, #tpu.memory_space<vmem>>
      %dma_start3A_335 = arith.constant 0 : i32
      %dma_start3A_336 = tpu.memref_slice %arg11[%dma_start3A_329, %dma_start3A_335] : memref<8x128xi32, #tpu.memory_space<vmem>> -> memref<1x128xi32, #tpu.memory_space<vmem>>
      %dma_start3A_337 = tpu.memref_squeeze %dma_start3A_336 : memref<1x128xi32, #tpu.memory_space<vmem>> -> memref<128xi32, #tpu.memory_space<vmem>>
      %dma_start3A_338 = arith.constant 0 : i32
      %dma_start3A_339 = arith.constant 0 : i32
      %dma_start3A_340 = tpu.memref_slice %arg17[%dma_start3A_338, %dma_start3A_339] : memref<5120x128xf32, #tpu.memory_space<vmem_shared>> -> memref<5120x128xf32, #tpu.memory_space<vmem_shared>>
      tpu.enqueue_indirect_dma source(%dma_start3A_340 : memref<5120x128xf32, #tpu.memory_space<vmem_shared>>) target(%dma_start3A_334 : memref<128x128xf32, #tpu.memory_space<vmem>>) offsets(%dma_start3A_337 : memref<128xi32, #tpu.memory_space<vmem>>) semaphore(%arg21 : memref<!tpu.dma_semaphore, #tpu.memory_space<semaphore_mem>>)
      %dma_wait3A_341 = arith.constant 4 : i32
      %dma_wait3A_342 = arith.constant 0 : i32
      %dma_wait3A_343 = arith.constant 0 : i32
      %dma_wait3A_344 = arith.constant 0 : i32
      %dma_wait3A_345 = tpu.memref_slice %arg14[%dma_wait3A_342, %dma_wait3A_343, %dma_wait3A_344] : memref<2x128x128xf32, #tpu.memory_space<vmem>> -> memref<1x128x128xf32, #tpu.memory_space<vmem>>
      %dma_wait3A_346 = tpu.memref_squeeze %dma_wait3A_345 : memref<1x128x128xf32, #tpu.memory_space<vmem>> -> memref<128x128xf32, #tpu.memory_space<vmem>>
      %dma_wait3A_347 = arith.constant 0 : i32
      %dma_wait3A_348 = tpu.memref_slice %arg11[%dma_wait3A_341, %dma_wait3A_347] : memref<8x128xi32, #tpu.memory_space<vmem>> -> memref<1x128xi32, #tpu.memory_space<vmem>>
      %dma_wait3A_349 = tpu.memref_squeeze %dma_wait3A_348 : memref<1x128xi32, #tpu.memory_space<vmem>> -> memref<128xi32, #tpu.memory_space<vmem>>
      %dma_wait3A_350 = arith.constant 0 : i32
      %dma_wait3A_351 = arith.constant 0 : i32
      %dma_wait3A_352 = tpu.memref_slice %arg17[%dma_wait3A_350, %dma_wait3A_351] : memref<5120x128xf32, #tpu.memory_space<vmem_shared>> -> memref<5120x128xf32, #tpu.memory_space<vmem_shared>>
      tpu.wait_indirect_dma semaphore(%arg20 : memref<!tpu.dma_semaphore, #tpu.memory_space<semaphore_mem>>) src(%dma_wait3A_352 : memref<5120x128xf32, #tpu.memory_space<vmem_shared>>) dst(%dma_wait3A_346 : memref<128x128xf32, #tpu.memory_space<vmem>>)
      %run_scoped3A_353 = arith.constant 0 : i32
      %run_scoped3A_354 = arith.constant 4 : i32
      "tpu.region"() ({
        %run_scoped3A_425 = tpu.sem_alloc : memref<!tpu.dma_semaphore, #tpu.memory_space<semaphore_mem>>
        %dma_start3A_426 = arith.constant 0 : i32
        %dma_start3A_427 = arith.constant 0 : i32
        %dma_start3A_428 = tpu.memref_slice %arg14[%run_scoped3A_353, %dma_start3A_426, %dma_start3A_427] : memref<2x128x128xf32, #tpu.memory_space<vmem>> -> memref<1x128x128xf32, #tpu.memory_space<vmem>>
        %dma_start3A_429 = tpu.memref_squeeze %dma_start3A_428 : memref<1x128x128xf32, #tpu.memory_space<vmem>> -> memref<128x128xf32, #tpu.memory_space<vmem>>
        %dma_start3A_430 = arith.constant 0 : i32
        %dma_start3A_431 = tpu.memref_slice %arg12[%run_scoped3A_354, %dma_start3A_430] : memref<8x128xi32, #tpu.memory_space<vmem>> -> memref<1x128xi32, #tpu.memory_space<vmem>>
        %dma_start3A_432 = tpu.memref_squeeze %dma_start3A_431 : memref<1x128xi32, #tpu.memory_space<vmem>> -> memref<128xi32, #tpu.memory_space<vmem>>
        %dma_start3A_433 = arith.constant 0 : i32
        %dma_start3A_434 = arith.constant 0 : i32
        %dma_start3A_435 = tpu.memref_slice %arg18[%dma_start3A_433, %dma_start3A_434] : memref<5120x128xf32, #tpu.memory_space<vmem_shared>> -> memref<5120x128xf32, #tpu.memory_space<vmem_shared>>
        tpu.enqueue_indirect_dma source(%dma_start3A_429 : memref<128x128xf32, #tpu.memory_space<vmem>>) target(%dma_start3A_435 : memref<5120x128xf32, #tpu.memory_space<vmem_shared>>) offsets(%dma_start3A_432 : memref<128xi32, #tpu.memory_space<vmem>>) semaphore(%run_scoped3A_425 : memref<!tpu.dma_semaphore, #tpu.memory_space<semaphore_mem>>) {add = true}
        %dma_wait3A_436 = arith.constant 0 : i32
        %dma_wait3A_437 = arith.constant 0 : i32
        %dma_wait3A_438 = tpu.memref_slice %arg14[%run_scoped3A_353, %dma_wait3A_436, %dma_wait3A_437] : memref<2x128x128xf32, #tpu.memory_space<vmem>> -> memref<1x128x128xf32, #tpu.memory_space<vmem>>
        %dma_wait3A_439 = tpu.memref_squeeze %dma_wait3A_438 : memref<1x128x128xf32, #tpu.memory_space<vmem>> -> memref<128x128xf32, #tpu.memory_space<vmem>>
        %dma_wait3A_440 = arith.constant 0 : i32
        %dma_wait3A_441 = tpu.memref_slice %arg12[%run_scoped3A_354, %dma_wait3A_440] : memref<8x128xi32, #tpu.memory_space<vmem>> -> memref<1x128xi32, #tpu.memory_space<vmem>>
        %dma_wait3A_442 = tpu.memref_squeeze %dma_wait3A_441 : memref<1x128xi32, #tpu.memory_space<vmem>> -> memref<128xi32, #tpu.memory_space<vmem>>
        %dma_wait3A_443 = arith.constant 0 : i32
        %dma_wait3A_444 = arith.constant 0 : i32
        %dma_wait3A_445 = tpu.memref_slice %arg18[%dma_wait3A_443, %dma_wait3A_444] : memref<5120x128xf32, #tpu.memory_space<vmem_shared>> -> memref<5120x128xf32, #tpu.memory_space<vmem_shared>>
        tpu.wait_indirect_dma semaphore(%run_scoped3A_425 : memref<!tpu.dma_semaphore, #tpu.memory_space<semaphore_mem>>) src(%dma_wait3A_439 : memref<128x128xf32, #tpu.memory_space<vmem>>) dst(%dma_wait3A_445 : memref<5120x128xf32, #tpu.memory_space<vmem_shared>>)
        tpu.yield
      }) : () -> ()
      %run_scoped3A_355 = arith.constant 4 : i32
      "tpu.region"() ({
        %run_scoped3A_425 = tpu.sem_alloc : memref<!tpu.dma_semaphore, #tpu.memory_space<semaphore_mem>>
        %dma_start3A_426 = arith.constant 0 : i32
        %dma_start3A_427 = tpu.memref_slice %arg13[%run_scoped3A_355, %dma_start3A_426] : memref<8x128xi32, #tpu.memory_space<vmem>> -> memref<1x128xi32, #tpu.memory_space<vmem>>
        %dma_start3A_428 = tpu.memref_squeeze %dma_start3A_427 : memref<1x128xi32, #tpu.memory_space<vmem>> -> memref<128xi32, #tpu.memory_space<vmem>>
        %dma_start3A_429 = arith.constant 0 : i32
        %dma_start3A_430 = tpu.memref_slice %arg19[%dma_start3A_429] : memref<90112xf32, #tpu.memory_space<vmem_shared>> -> memref<90112xf32, #tpu.memory_space<vmem_shared>>
        tpu.enqueue_indirect_dma source(%arg15 : memref<128xf32, #tpu.memory_space<vmem>>) target(%dma_start3A_430 : memref<90112xf32, #tpu.memory_space<vmem_shared>>) offsets(%dma_start3A_428 : memref<128xi32, #tpu.memory_space<vmem>>) semaphore(%run_scoped3A_425 : memref<!tpu.dma_semaphore, #tpu.memory_space<semaphore_mem>>) {add = true}
        %dma_wait3A_431 = arith.constant 0 : i32
        %dma_wait3A_432 = tpu.memref_slice %arg13[%run_scoped3A_355, %dma_wait3A_431] : memref<8x128xi32, #tpu.memory_space<vmem>> -> memref<1x128xi32, #tpu.memory_space<vmem>>
        %dma_wait3A_433 = tpu.memref_squeeze %dma_wait3A_432 : memref<1x128xi32, #tpu.memory_space<vmem>> -> memref<128xi32, #tpu.memory_space<vmem>>
        %dma_wait3A_434 = arith.constant 0 : i32
        %dma_wait3A_435 = tpu.memref_slice %arg19[%dma_wait3A_434] : memref<90112xf32, #tpu.memory_space<vmem_shared>> -> memref<90112xf32, #tpu.memory_space<vmem_shared>>
        tpu.wait_indirect_dma semaphore(%run_scoped3A_425 : memref<!tpu.dma_semaphore, #tpu.memory_space<semaphore_mem>>) src(%arg15 : memref<128xf32, #tpu.memory_space<vmem>>) dst(%dma_wait3A_435 : memref<90112xf32, #tpu.memory_space<vmem_shared>>)
        tpu.yield
      }) : () -> ()
      %dma_start3A_356 = arith.constant 6 : i32
      %dma_start3A_357 = arith.constant 0 : i32
      %dma_start3A_358 = arith.constant 0 : i32
      %dma_start3A_359 = arith.constant 0 : i32
      %dma_start3A_360 = tpu.memref_slice %arg14[%dma_start3A_357, %dma_start3A_358, %dma_start3A_359] : memref<2x128x128xf32, #tpu.memory_space<vmem>> -> memref<1x128x128xf32, #tpu.memory_space<vmem>>
      %dma_start3A_361 = tpu.memref_squeeze %dma_start3A_360 : memref<1x128x128xf32, #tpu.memory_space<vmem>> -> memref<128x128xf32, #tpu.memory_space<vmem>>
      %dma_start3A_362 = arith.constant 0 : i32
      %dma_start3A_363 = tpu.memref_slice %arg11[%dma_start3A_356, %dma_start3A_362] : memref<8x128xi32, #tpu.memory_space<vmem>> -> memref<1x128xi32, #tpu.memory_space<vmem>>
      %dma_start3A_364 = tpu.memref_squeeze %dma_start3A_363 : memref<1x128xi32, #tpu.memory_space<vmem>> -> memref<128xi32, #tpu.memory_space<vmem>>
      %dma_start3A_365 = arith.constant 0 : i32
      %dma_start3A_366 = arith.constant 0 : i32
      %dma_start3A_367 = tpu.memref_slice %arg17[%dma_start3A_365, %dma_start3A_366] : memref<5120x128xf32, #tpu.memory_space<vmem_shared>> -> memref<5120x128xf32, #tpu.memory_space<vmem_shared>>
      tpu.enqueue_indirect_dma source(%dma_start3A_367 : memref<5120x128xf32, #tpu.memory_space<vmem_shared>>) target(%dma_start3A_361 : memref<128x128xf32, #tpu.memory_space<vmem>>) offsets(%dma_start3A_364 : memref<128xi32, #tpu.memory_space<vmem>>) semaphore(%arg20 : memref<!tpu.dma_semaphore, #tpu.memory_space<semaphore_mem>>)
      %dma_wait3A_368 = arith.constant 5 : i32
      %dma_wait3A_369 = arith.constant 1 : i32
      %dma_wait3A_370 = arith.constant 0 : i32
      %dma_wait3A_371 = arith.constant 0 : i32
      %dma_wait3A_372 = tpu.memref_slice %arg14[%dma_wait3A_369, %dma_wait3A_370, %dma_wait3A_371] : memref<2x128x128xf32, #tpu.memory_space<vmem>> -> memref<1x128x128xf32, #tpu.memory_space<vmem>>
      %dma_wait3A_373 = tpu.memref_squeeze %dma_wait3A_372 : memref<1x128x128xf32, #tpu.memory_space<vmem>> -> memref<128x128xf32, #tpu.memory_space<vmem>>
      %dma_wait3A_374 = arith.constant 0 : i32
      %dma_wait3A_375 = tpu.memref_slice %arg11[%dma_wait3A_368, %dma_wait3A_374] : memref<8x128xi32, #tpu.memory_space<vmem>> -> memref<1x128xi32, #tpu.memory_space<vmem>>
      %dma_wait3A_376 = tpu.memref_squeeze %dma_wait3A_375 : memref<1x128xi32, #tpu.memory_space<vmem>> -> memref<128xi32, #tpu.memory_space<vmem>>
      %dma_wait3A_377 = arith.constant 0 : i32
      %dma_wait3A_378 = arith.constant 0 : i32
      %dma_wait3A_379 = tpu.memref_slice %arg17[%dma_wait3A_377, %dma_wait3A_378] : memref<5120x128xf32, #tpu.memory_space<vmem_shared>> -> memref<5120x128xf32, #tpu.memory_space<vmem_shared>>
      tpu.wait_indirect_dma semaphore(%arg21 : memref<!tpu.dma_semaphore, #tpu.memory_space<semaphore_mem>>) src(%dma_wait3A_379 : memref<5120x128xf32, #tpu.memory_space<vmem_shared>>) dst(%dma_wait3A_373 : memref<128x128xf32, #tpu.memory_space<vmem>>)
      %run_scoped3A_380 = arith.constant 1 : i32
      %run_scoped3A_381 = arith.constant 5 : i32
      "tpu.region"() ({
        %run_scoped3A_425 = tpu.sem_alloc : memref<!tpu.dma_semaphore, #tpu.memory_space<semaphore_mem>>
        %dma_start3A_426 = arith.constant 0 : i32
        %dma_start3A_427 = arith.constant 0 : i32
        %dma_start3A_428 = tpu.memref_slice %arg14[%run_scoped3A_380, %dma_start3A_426, %dma_start3A_427] : memref<2x128x128xf32, #tpu.memory_space<vmem>> -> memref<1x128x128xf32, #tpu.memory_space<vmem>>
        %dma_start3A_429 = tpu.memref_squeeze %dma_start3A_428 : memref<1x128x128xf32, #tpu.memory_space<vmem>> -> memref<128x128xf32, #tpu.memory_space<vmem>>
        %dma_start3A_430 = arith.constant 0 : i32
        %dma_start3A_431 = tpu.memref_slice %arg12[%run_scoped3A_381, %dma_start3A_430] : memref<8x128xi32, #tpu.memory_space<vmem>> -> memref<1x128xi32, #tpu.memory_space<vmem>>
        %dma_start3A_432 = tpu.memref_squeeze %dma_start3A_431 : memref<1x128xi32, #tpu.memory_space<vmem>> -> memref<128xi32, #tpu.memory_space<vmem>>
        %dma_start3A_433 = arith.constant 0 : i32
        %dma_start3A_434 = arith.constant 0 : i32
        %dma_start3A_435 = tpu.memref_slice %arg18[%dma_start3A_433, %dma_start3A_434] : memref<5120x128xf32, #tpu.memory_space<vmem_shared>> -> memref<5120x128xf32, #tpu.memory_space<vmem_shared>>
        tpu.enqueue_indirect_dma source(%dma_start3A_429 : memref<128x128xf32, #tpu.memory_space<vmem>>) target(%dma_start3A_435 : memref<5120x128xf32, #tpu.memory_space<vmem_shared>>) offsets(%dma_start3A_432 : memref<128xi32, #tpu.memory_space<vmem>>) semaphore(%run_scoped3A_425 : memref<!tpu.dma_semaphore, #tpu.memory_space<semaphore_mem>>) {add = true}
        %dma_wait3A_436 = arith.constant 0 : i32
        %dma_wait3A_437 = arith.constant 0 : i32
        %dma_wait3A_438 = tpu.memref_slice %arg14[%run_scoped3A_380, %dma_wait3A_436, %dma_wait3A_437] : memref<2x128x128xf32, #tpu.memory_space<vmem>> -> memref<1x128x128xf32, #tpu.memory_space<vmem>>
        %dma_wait3A_439 = tpu.memref_squeeze %dma_wait3A_438 : memref<1x128x128xf32, #tpu.memory_space<vmem>> -> memref<128x128xf32, #tpu.memory_space<vmem>>
        %dma_wait3A_440 = arith.constant 0 : i32
        %dma_wait3A_441 = tpu.memref_slice %arg12[%run_scoped3A_381, %dma_wait3A_440] : memref<8x128xi32, #tpu.memory_space<vmem>> -> memref<1x128xi32, #tpu.memory_space<vmem>>
        %dma_wait3A_442 = tpu.memref_squeeze %dma_wait3A_441 : memref<1x128xi32, #tpu.memory_space<vmem>> -> memref<128xi32, #tpu.memory_space<vmem>>
        %dma_wait3A_443 = arith.constant 0 : i32
        %dma_wait3A_444 = arith.constant 0 : i32
        %dma_wait3A_445 = tpu.memref_slice %arg18[%dma_wait3A_443, %dma_wait3A_444] : memref<5120x128xf32, #tpu.memory_space<vmem_shared>> -> memref<5120x128xf32, #tpu.memory_space<vmem_shared>>
        tpu.wait_indirect_dma semaphore(%run_scoped3A_425 : memref<!tpu.dma_semaphore, #tpu.memory_space<semaphore_mem>>) src(%dma_wait3A_439 : memref<128x128xf32, #tpu.memory_space<vmem>>) dst(%dma_wait3A_445 : memref<5120x128xf32, #tpu.memory_space<vmem_shared>>)
        tpu.yield
      }) : () -> ()
      %run_scoped3A_382 = arith.constant 5 : i32
      "tpu.region"() ({
        %run_scoped3A_425 = tpu.sem_alloc : memref<!tpu.dma_semaphore, #tpu.memory_space<semaphore_mem>>
        %dma_start3A_426 = arith.constant 0 : i32
        %dma_start3A_427 = tpu.memref_slice %arg13[%run_scoped3A_382, %dma_start3A_426] : memref<8x128xi32, #tpu.memory_space<vmem>> -> memref<1x128xi32, #tpu.memory_space<vmem>>
        %dma_start3A_428 = tpu.memref_squeeze %dma_start3A_427 : memref<1x128xi32, #tpu.memory_space<vmem>> -> memref<128xi32, #tpu.memory_space<vmem>>
        %dma_start3A_429 = arith.constant 0 : i32
        %dma_start3A_430 = tpu.memref_slice %arg19[%dma_start3A_429] : memref<90112xf32, #tpu.memory_space<vmem_shared>> -> memref<90112xf32, #tpu.memory_space<vmem_shared>>
        tpu.enqueue_indirect_dma source(%arg15 : memref<128xf32, #tpu.memory_space<vmem>>) target(%dma_start3A_430 : memref<90112xf32, #tpu.memory_space<vmem_shared>>) offsets(%dma_start3A_428 : memref<128xi32, #tpu.memory_space<vmem>>) semaphore(%run_scoped3A_425 : memref<!tpu.dma_semaphore, #tpu.memory_space<semaphore_mem>>) {add = true}
        %dma_wait3A_431 = arith.constant 0 : i32
        %dma_wait3A_432 = tpu.memref_slice %arg13[%run_scoped3A_382, %dma_wait3A_431] : memref<8x128xi32, #tpu.memory_space<vmem>> -> memref<1x128xi32, #tpu.memory_space<vmem>>
        %dma_wait3A_433 = tpu.memref_squeeze %dma_wait3A_432 : memref<1x128xi32, #tpu.memory_space<vmem>> -> memref<128xi32, #tpu.memory_space<vmem>>
        %dma_wait3A_434 = arith.constant 0 : i32
        %dma_wait3A_435 = tpu.memref_slice %arg19[%dma_wait3A_434] : memref<90112xf32, #tpu.memory_space<vmem_shared>> -> memref<90112xf32, #tpu.memory_space<vmem_shared>>
        tpu.wait_indirect_dma semaphore(%run_scoped3A_425 : memref<!tpu.dma_semaphore, #tpu.memory_space<semaphore_mem>>) src(%arg15 : memref<128xf32, #tpu.memory_space<vmem>>) dst(%dma_wait3A_435 : memref<90112xf32, #tpu.memory_space<vmem_shared>>)
        tpu.yield
      }) : () -> ()
      %dma_start3A_383 = arith.constant 7 : i32
      %dma_start3A_384 = arith.constant 1 : i32
      %dma_start3A_385 = arith.constant 0 : i32
      %dma_start3A_386 = arith.constant 0 : i32
      %dma_start3A_387 = tpu.memref_slice %arg14[%dma_start3A_384, %dma_start3A_385, %dma_start3A_386] : memref<2x128x128xf32, #tpu.memory_space<vmem>> -> memref<1x128x128xf32, #tpu.memory_space<vmem>>
      %dma_start3A_388 = tpu.memref_squeeze %dma_start3A_387 : memref<1x128x128xf32, #tpu.memory_space<vmem>> -> memref<128x128xf32, #tpu.memory_space<vmem>>
      %dma_start3A_389 = arith.constant 0 : i32
      %dma_start3A_390 = tpu.memref_slice %arg11[%dma_start3A_383, %dma_start3A_389] : memref<8x128xi32, #tpu.memory_space<vmem>> -> memref<1x128xi32, #tpu.memory_space<vmem>>
      %dma_start3A_391 = tpu.memref_squeeze %dma_start3A_390 : memref<1x128xi32, #tpu.memory_space<vmem>> -> memref<128xi32, #tpu.memory_space<vmem>>
      %dma_start3A_392 = arith.constant 0 : i32
      %dma_start3A_393 = arith.constant 0 : i32
      %dma_start3A_394 = tpu.memref_slice %arg17[%dma_start3A_392, %dma_start3A_393] : memref<5120x128xf32, #tpu.memory_space<vmem_shared>> -> memref<5120x128xf32, #tpu.memory_space<vmem_shared>>
      tpu.enqueue_indirect_dma source(%dma_start3A_394 : memref<5120x128xf32, #tpu.memory_space<vmem_shared>>) target(%dma_start3A_388 : memref<128x128xf32, #tpu.memory_space<vmem>>) offsets(%dma_start3A_391 : memref<128xi32, #tpu.memory_space<vmem>>) semaphore(%arg21 : memref<!tpu.dma_semaphore, #tpu.memory_space<semaphore_mem>>)
      %dma_wait3A_395 = arith.constant 6 : i32
      %dma_wait3A_396 = arith.constant 0 : i32
      %dma_wait3A_397 = arith.constant 0 : i32
      %dma_wait3A_398 = arith.constant 0 : i32
      %dma_wait3A_399 = tpu.memref_slice %arg14[%dma_wait3A_396, %dma_wait3A_397, %dma_wait3A_398] : memref<2x128x128xf32, #tpu.memory_space<vmem>> -> memref<1x128x128xf32, #tpu.memory_space<vmem>>
      %dma_wait3A_400 = tpu.memref_squeeze %dma_wait3A_399 : memref<1x128x128xf32, #tpu.memory_space<vmem>> -> memref<128x128xf32, #tpu.memory_space<vmem>>
      %dma_wait3A_401 = arith.constant 0 : i32
      %dma_wait3A_402 = tpu.memref_slice %arg11[%dma_wait3A_395, %dma_wait3A_401] : memref<8x128xi32, #tpu.memory_space<vmem>> -> memref<1x128xi32, #tpu.memory_space<vmem>>
      %dma_wait3A_403 = tpu.memref_squeeze %dma_wait3A_402 : memref<1x128xi32, #tpu.memory_space<vmem>> -> memref<128xi32, #tpu.memory_space<vmem>>
      %dma_wait3A_404 = arith.constant 0 : i32
      %dma_wait3A_405 = arith.constant 0 : i32
      %dma_wait3A_406 = tpu.memref_slice %arg17[%dma_wait3A_404, %dma_wait3A_405] : memref<5120x128xf32, #tpu.memory_space<vmem_shared>> -> memref<5120x128xf32, #tpu.memory_space<vmem_shared>>
      tpu.wait_indirect_dma semaphore(%arg20 : memref<!tpu.dma_semaphore, #tpu.memory_space<semaphore_mem>>) src(%dma_wait3A_406 : memref<5120x128xf32, #tpu.memory_space<vmem_shared>>) dst(%dma_wait3A_400 : memref<128x128xf32, #tpu.memory_space<vmem>>)
      %run_scoped3A_407 = arith.constant 0 : i32
      %run_scoped3A_408 = arith.constant 6 : i32
      "tpu.region"() ({
        %run_scoped3A_425 = tpu.sem_alloc : memref<!tpu.dma_semaphore, #tpu.memory_space<semaphore_mem>>
        %dma_start3A_426 = arith.constant 0 : i32
        %dma_start3A_427 = arith.constant 0 : i32
        %dma_start3A_428 = tpu.memref_slice %arg14[%run_scoped3A_407, %dma_start3A_426, %dma_start3A_427] : memref<2x128x128xf32, #tpu.memory_space<vmem>> -> memref<1x128x128xf32, #tpu.memory_space<vmem>>
        %dma_start3A_429 = tpu.memref_squeeze %dma_start3A_428 : memref<1x128x128xf32, #tpu.memory_space<vmem>> -> memref<128x128xf32, #tpu.memory_space<vmem>>
        %dma_start3A_430 = arith.constant 0 : i32
        %dma_start3A_431 = tpu.memref_slice %arg12[%run_scoped3A_408, %dma_start3A_430] : memref<8x128xi32, #tpu.memory_space<vmem>> -> memref<1x128xi32, #tpu.memory_space<vmem>>
        %dma_start3A_432 = tpu.memref_squeeze %dma_start3A_431 : memref<1x128xi32, #tpu.memory_space<vmem>> -> memref<128xi32, #tpu.memory_space<vmem>>
        %dma_start3A_433 = arith.constant 0 : i32
        %dma_start3A_434 = arith.constant 0 : i32
        %dma_start3A_435 = tpu.memref_slice %arg18[%dma_start3A_433, %dma_start3A_434] : memref<5120x128xf32, #tpu.memory_space<vmem_shared>> -> memref<5120x128xf32, #tpu.memory_space<vmem_shared>>
        tpu.enqueue_indirect_dma source(%dma_start3A_429 : memref<128x128xf32, #tpu.memory_space<vmem>>) target(%dma_start3A_435 : memref<5120x128xf32, #tpu.memory_space<vmem_shared>>) offsets(%dma_start3A_432 : memref<128xi32, #tpu.memory_space<vmem>>) semaphore(%run_scoped3A_425 : memref<!tpu.dma_semaphore, #tpu.memory_space<semaphore_mem>>) {add = true}
        %dma_wait3A_436 = arith.constant 0 : i32
        %dma_wait3A_437 = arith.constant 0 : i32
        %dma_wait3A_438 = tpu.memref_slice %arg14[%run_scoped3A_407, %dma_wait3A_436, %dma_wait3A_437] : memref<2x128x128xf32, #tpu.memory_space<vmem>> -> memref<1x128x128xf32, #tpu.memory_space<vmem>>
        %dma_wait3A_439 = tpu.memref_squeeze %dma_wait3A_438 : memref<1x128x128xf32, #tpu.memory_space<vmem>> -> memref<128x128xf32, #tpu.memory_space<vmem>>
        %dma_wait3A_440 = arith.constant 0 : i32
        %dma_wait3A_441 = tpu.memref_slice %arg12[%run_scoped3A_408, %dma_wait3A_440] : memref<8x128xi32, #tpu.memory_space<vmem>> -> memref<1x128xi32, #tpu.memory_space<vmem>>
        %dma_wait3A_442 = tpu.memref_squeeze %dma_wait3A_441 : memref<1x128xi32, #tpu.memory_space<vmem>> -> memref<128xi32, #tpu.memory_space<vmem>>
        %dma_wait3A_443 = arith.constant 0 : i32
        %dma_wait3A_444 = arith.constant 0 : i32
        %dma_wait3A_445 = tpu.memref_slice %arg18[%dma_wait3A_443, %dma_wait3A_444] : memref<5120x128xf32, #tpu.memory_space<vmem_shared>> -> memref<5120x128xf32, #tpu.memory_space<vmem_shared>>
        tpu.wait_indirect_dma semaphore(%run_scoped3A_425 : memref<!tpu.dma_semaphore, #tpu.memory_space<semaphore_mem>>) src(%dma_wait3A_439 : memref<128x128xf32, #tpu.memory_space<vmem>>) dst(%dma_wait3A_445 : memref<5120x128xf32, #tpu.memory_space<vmem_shared>>)
        tpu.yield
      }) : () -> ()
      %run_scoped3A_409 = arith.constant 6 : i32
      "tpu.region"() ({
        %run_scoped3A_425 = tpu.sem_alloc : memref<!tpu.dma_semaphore, #tpu.memory_space<semaphore_mem>>
        %dma_start3A_426 = arith.constant 0 : i32
        %dma_start3A_427 = tpu.memref_slice %arg13[%run_scoped3A_409, %dma_start3A_426] : memref<8x128xi32, #tpu.memory_space<vmem>> -> memref<1x128xi32, #tpu.memory_space<vmem>>
        %dma_start3A_428 = tpu.memref_squeeze %dma_start3A_427 : memref<1x128xi32, #tpu.memory_space<vmem>> -> memref<128xi32, #tpu.memory_space<vmem>>
        %dma_start3A_429 = arith.constant 0 : i32
        %dma_start3A_430 = tpu.memref_slice %arg19[%dma_start3A_429] : memref<90112xf32, #tpu.memory_space<vmem_shared>> -> memref<90112xf32, #tpu.memory_space<vmem_shared>>
        tpu.enqueue_indirect_dma source(%arg15 : memref<128xf32, #tpu.memory_space<vmem>>) target(%dma_start3A_430 : memref<90112xf32, #tpu.memory_space<vmem_shared>>) offsets(%dma_start3A_428 : memref<128xi32, #tpu.memory_space<vmem>>) semaphore(%run_scoped3A_425 : memref<!tpu.dma_semaphore, #tpu.memory_space<semaphore_mem>>) {add = true}
        %dma_wait3A_431 = arith.constant 0 : i32
        %dma_wait3A_432 = tpu.memref_slice %arg13[%run_scoped3A_409, %dma_wait3A_431] : memref<8x128xi32, #tpu.memory_space<vmem>> -> memref<1x128xi32, #tpu.memory_space<vmem>>
        %dma_wait3A_433 = tpu.memref_squeeze %dma_wait3A_432 : memref<1x128xi32, #tpu.memory_space<vmem>> -> memref<128xi32, #tpu.memory_space<vmem>>
        %dma_wait3A_434 = arith.constant 0 : i32
        %dma_wait3A_435 = tpu.memref_slice %arg19[%dma_wait3A_434] : memref<90112xf32, #tpu.memory_space<vmem_shared>> -> memref<90112xf32, #tpu.memory_space<vmem_shared>>
        tpu.wait_indirect_dma semaphore(%run_scoped3A_425 : memref<!tpu.dma_semaphore, #tpu.memory_space<semaphore_mem>>) src(%arg15 : memref<128xf32, #tpu.memory_space<vmem>>) dst(%dma_wait3A_435 : memref<90112xf32, #tpu.memory_space<vmem_shared>>)
        tpu.yield
      }) : () -> ()
      %dma_wait3A_410 = arith.constant 7 : i32
      %dma_wait3A_411 = arith.constant 1 : i32
      %dma_wait3A_412 = arith.constant 0 : i32
      %dma_wait3A_413 = arith.constant 0 : i32
      %dma_wait3A_414 = tpu.memref_slice %arg14[%dma_wait3A_411, %dma_wait3A_412, %dma_wait3A_413] : memref<2x128x128xf32, #tpu.memory_space<vmem>> -> memref<1x128x128xf32, #tpu.memory_space<vmem>>
      %dma_wait3A_415 = tpu.memref_squeeze %dma_wait3A_414 : memref<1x128x128xf32, #tpu.memory_space<vmem>> -> memref<128x128xf32, #tpu.memory_space<vmem>>
      %dma_wait3A_416 = arith.constant 0 : i32
      %dma_wait3A_417 = tpu.memref_slice %arg11[%dma_wait3A_410, %dma_wait3A_416] : memref<8x128xi32, #tpu.memory_space<vmem>> -> memref<1x128xi32, #tpu.memory_space<vmem>>
      %dma_wait3A_418 = tpu.memref_squeeze %dma_wait3A_417 : memref<1x128xi32, #tpu.memory_space<vmem>> -> memref<128xi32, #tpu.memory_space<vmem>>
      %dma_wait3A_419 = arith.constant 0 : i32
      %dma_wait3A_420 = arith.constant 0 : i32
      %dma_wait3A_421 = tpu.memref_slice %arg17[%dma_wait3A_419, %dma_wait3A_420] : memref<5120x128xf32, #tpu.memory_space<vmem_shared>> -> memref<5120x128xf32, #tpu.memory_space<vmem_shared>>
      tpu.wait_indirect_dma semaphore(%arg21 : memref<!tpu.dma_semaphore, #tpu.memory_space<semaphore_mem>>) src(%dma_wait3A_421 : memref<5120x128xf32, #tpu.memory_space<vmem_shared>>) dst(%dma_wait3A_415 : memref<128x128xf32, #tpu.memory_space<vmem>>)
      %run_scoped3A_422 = arith.constant 1 : i32
      %run_scoped3A_423 = arith.constant 7 : i32
      "tpu.region"() ({
        %run_scoped3A_425 = tpu.sem_alloc : memref<!tpu.dma_semaphore, #tpu.memory_space<semaphore_mem>>
        %dma_start3A_426 = arith.constant 0 : i32
        %dma_start3A_427 = arith.constant 0 : i32
        %dma_start3A_428 = tpu.memref_slice %arg14[%run_scoped3A_422, %dma_start3A_426, %dma_start3A_427] : memref<2x128x128xf32, #tpu.memory_space<vmem>> -> memref<1x128x128xf32, #tpu.memory_space<vmem>>
        %dma_start3A_429 = tpu.memref_squeeze %dma_start3A_428 : memref<1x128x128xf32, #tpu.memory_space<vmem>> -> memref<128x128xf32, #tpu.memory_space<vmem>>
        %dma_start3A_430 = arith.constant 0 : i32
        %dma_start3A_431 = tpu.memref_slice %arg12[%run_scoped3A_423, %dma_start3A_430] : memref<8x128xi32, #tpu.memory_space<vmem>> -> memref<1x128xi32, #tpu.memory_space<vmem>>
        %dma_start3A_432 = tpu.memref_squeeze %dma_start3A_431 : memref<1x128xi32, #tpu.memory_space<vmem>> -> memref<128xi32, #tpu.memory_space<vmem>>
        %dma_start3A_433 = arith.constant 0 : i32
        %dma_start3A_434 = arith.constant 0 : i32
        %dma_start3A_435 = tpu.memref_slice %arg18[%dma_start3A_433, %dma_start3A_434] : memref<5120x128xf32, #tpu.memory_space<vmem_shared>> -> memref<5120x128xf32, #tpu.memory_space<vmem_shared>>
        tpu.enqueue_indirect_dma source(%dma_start3A_429 : memref<128x128xf32, #tpu.memory_space<vmem>>) target(%dma_start3A_435 : memref<5120x128xf32, #tpu.memory_space<vmem_shared>>) offsets(%dma_start3A_432 : memref<128xi32, #tpu.memory_space<vmem>>) semaphore(%run_scoped3A_425 : memref<!tpu.dma_semaphore, #tpu.memory_space<semaphore_mem>>) {add = true}
        %dma_wait3A_436 = arith.constant 0 : i32
        %dma_wait3A_437 = arith.constant 0 : i32
        %dma_wait3A_438 = tpu.memref_slice %arg14[%run_scoped3A_422, %dma_wait3A_436, %dma_wait3A_437] : memref<2x128x128xf32, #tpu.memory_space<vmem>> -> memref<1x128x128xf32, #tpu.memory_space<vmem>>
        %dma_wait3A_439 = tpu.memref_squeeze %dma_wait3A_438 : memref<1x128x128xf32, #tpu.memory_space<vmem>> -> memref<128x128xf32, #tpu.memory_space<vmem>>
        %dma_wait3A_440 = arith.constant 0 : i32
        %dma_wait3A_441 = tpu.memref_slice %arg12[%run_scoped3A_423, %dma_wait3A_440] : memref<8x128xi32, #tpu.memory_space<vmem>> -> memref<1x128xi32, #tpu.memory_space<vmem>>
        %dma_wait3A_442 = tpu.memref_squeeze %dma_wait3A_441 : memref<1x128xi32, #tpu.memory_space<vmem>> -> memref<128xi32, #tpu.memory_space<vmem>>
        %dma_wait3A_443 = arith.constant 0 : i32
        %dma_wait3A_444 = arith.constant 0 : i32
        %dma_wait3A_445 = tpu.memref_slice %arg18[%dma_wait3A_443, %dma_wait3A_444] : memref<5120x128xf32, #tpu.memory_space<vmem_shared>> -> memref<5120x128xf32, #tpu.memory_space<vmem_shared>>
        tpu.wait_indirect_dma semaphore(%run_scoped3A_425 : memref<!tpu.dma_semaphore, #tpu.memory_space<semaphore_mem>>) src(%dma_wait3A_439 : memref<128x128xf32, #tpu.memory_space<vmem>>) dst(%dma_wait3A_445 : memref<5120x128xf32, #tpu.memory_space<vmem_shared>>)
        tpu.yield
      }) : () -> ()
      %run_scoped3A_424 = arith.constant 7 : i32
      "tpu.region"() ({
        %run_scoped3A_425 = tpu.sem_alloc : memref<!tpu.dma_semaphore, #tpu.memory_space<semaphore_mem>>
        %dma_start3A_426 = arith.constant 0 : i32
        %dma_start3A_427 = tpu.memref_slice %arg13[%run_scoped3A_424, %dma_start3A_426] : memref<8x128xi32, #tpu.memory_space<vmem>> -> memref<1x128xi32, #tpu.memory_space<vmem>>
        %dma_start3A_428 = tpu.memref_squeeze %dma_start3A_427 : memref<1x128xi32, #tpu.memory_space<vmem>> -> memref<128xi32, #tpu.memory_space<vmem>>
        %dma_start3A_429 = arith.constant 0 : i32
        %dma_start3A_430 = tpu.memref_slice %arg19[%dma_start3A_429] : memref<90112xf32, #tpu.memory_space<vmem_shared>> -> memref<90112xf32, #tpu.memory_space<vmem_shared>>
        tpu.enqueue_indirect_dma source(%arg15 : memref<128xf32, #tpu.memory_space<vmem>>) target(%dma_start3A_430 : memref<90112xf32, #tpu.memory_space<vmem_shared>>) offsets(%dma_start3A_428 : memref<128xi32, #tpu.memory_space<vmem>>) semaphore(%run_scoped3A_425 : memref<!tpu.dma_semaphore, #tpu.memory_space<semaphore_mem>>) {add = true}
        %dma_wait3A_431 = arith.constant 0 : i32
        %dma_wait3A_432 = tpu.memref_slice %arg13[%run_scoped3A_424, %dma_wait3A_431] : memref<8x128xi32, #tpu.memory_space<vmem>> -> memref<1x128xi32, #tpu.memory_space<vmem>>
        %dma_wait3A_433 = tpu.memref_squeeze %dma_wait3A_432 : memref<1x128xi32, #tpu.memory_space<vmem>> -> memref<128xi32, #tpu.memory_space<vmem>>
        %dma_wait3A_434 = arith.constant 0 : i32
        %dma_wait3A_435 = tpu.memref_slice %arg19[%dma_wait3A_434] : memref<90112xf32, #tpu.memory_space<vmem_shared>> -> memref<90112xf32, #tpu.memory_space<vmem_shared>>
        tpu.wait_indirect_dma semaphore(%run_scoped3A_425 : memref<!tpu.dma_semaphore, #tpu.memory_space<semaphore_mem>>) src(%arg15 : memref<128xf32, #tpu.memory_space<vmem>>) dst(%dma_wait3A_435 : memref<90112xf32, #tpu.memory_space<vmem_shared>>)
        tpu.yield
      }) : () -> ()
    }
    %barrier3A_124 = arith.constant 0 : index
    tpu.barrier barrier_id(%barrier3A_124)
    %mul3A_125 = arith.constant 320 : i32
    %mul3A_126 = arith.muli %arg1, %mul3A_125 : i32
    %mul3A_127 = arith.constant 320 : i32
    %mul3A_128 = arith.muli %arg1, %mul3A_127 : i32
    %run_scoped3A_129 = arith.constant 1 : i32
    "tpu.region"() ({
      %run_scoped3A_207 = tpu.sem_alloc : memref<!tpu.dma_semaphore, #tpu.memory_space<semaphore_mem>>
      %dma_start3A = arith.constant 0 : i32
      %dma_start3A_208 = tpu.memref_slice %arg17[%mul3A_128, %dma_start3A] : memref<5120x128xf32, #tpu.memory_space<vmem_shared>> -> memref<320x128xf32, #tpu.memory_space<vmem_shared>>
      %dma_start3A_209 = arith.constant 0 : i32
      %dma_start3A_210 = arith.constant 0 : i32
      %dma_start3A_211 = tpu.memref_slice %arg2[%run_scoped3A_129, %dma_start3A_209, %dma_start3A_210] : memref<2x5120x128xf32, #tpu.memory_space<hbm>> -> memref<1x5120x128xf32, #tpu.memory_space<hbm>>
      %dma_start3A_212 = tpu.memref_squeeze %dma_start3A_211 : memref<1x5120x128xf32, #tpu.memory_space<hbm>> -> memref<5120x128xf32, #tpu.memory_space<hbm>>
      %dma_start3A_213 = arith.constant 0 : i32
      %dma_start3A_214 = tpu.memref_slice %dma_start3A_212[%mul3A_126, %dma_start3A_213] : memref<5120x128xf32, #tpu.memory_space<hbm>> -> memref<320x128xf32, #tpu.memory_space<hbm>>
      tpu.enqueue_dma source(%dma_start3A_214 : memref<320x128xf32, #tpu.memory_space<hbm>>) target(%dma_start3A_208 : memref<320x128xf32, #tpu.memory_space<vmem_shared>>) target_semaphore(%run_scoped3A_207 : memref<!tpu.dma_semaphore, #tpu.memory_space<semaphore_mem>>)
      %dma_wait3A = arith.constant 0 : i32
      %dma_wait3A_215 = tpu.memref_slice %arg17[%mul3A_128, %dma_wait3A] : memref<5120x128xf32, #tpu.memory_space<vmem_shared>> -> memref<320x128xf32, #tpu.memory_space<vmem_shared>>
      %dma_wait3A_216 = arith.constant 0 : i32
      %dma_wait3A_217 = arith.constant 0 : i32
      %dma_wait3A_218 = tpu.memref_slice %arg2[%run_scoped3A_129, %dma_wait3A_216, %dma_wait3A_217] : memref<2x5120x128xf32, #tpu.memory_space<hbm>> -> memref<1x5120x128xf32, #tpu.memory_space<hbm>>
      %dma_wait3A_219 = tpu.memref_squeeze %dma_wait3A_218 : memref<1x5120x128xf32, #tpu.memory_space<hbm>> -> memref<5120x128xf32, #tpu.memory_space<hbm>>
      %dma_wait3A_220 = arith.constant 0 : i32
      %dma_wait3A_221 = tpu.memref_slice %dma_wait3A_219[%mul3A_126, %dma_wait3A_220] : memref<5120x128xf32, #tpu.memory_space<hbm>> -> memref<320x128xf32, #tpu.memory_space<hbm>>
      tpu.wait_dma2 semaphore(%run_scoped3A_207 : memref<!tpu.dma_semaphore, #tpu.memory_space<semaphore_mem>>) src(%dma_wait3A_221 : memref<320x128xf32, #tpu.memory_space<hbm>>) dst(%dma_wait3A_215 : memref<320x128xf32, #tpu.memory_space<vmem_shared>>)
      tpu.yield
    }) : () -> ()
    %barrier3A_130 = arith.constant 0 : index
    tpu.barrier barrier_id(%barrier3A_130)
    %eq3A_131 = arith.constant 0 : i32
    %eq3A_132 = arith.cmpi eq, %arg0, %eq3A_131 : i32
    %select_n3A_133 = arith.select %eq3A_132, %squeeze3A_10, %squeeze3A_14 : i32
    %eq3A_134 = arith.constant 0 : i32
    %eq3A_135 = arith.cmpi eq, %arg0, %eq3A_134 : i32
    %select_n3A_136 = arith.select %eq3A_135, %squeeze3A_12, %squeeze3A_16 : i32
    %sub3A_137 = arith.subi %select_n3A_136, %select_n3A_133 : i32
    %jit3A_138 = arith.constant 16 : i32
    %div3A_139 = arith.divsi %sub3A_137, %jit3A_138 : i32
    %sign3A_140 = arith.constant 0 : i32
    %sign3A_141 = arith.cmpi sgt, %sub3A_137, %sign3A_140 : i32
    %sign3A_142 = arith.extui %sign3A_141 : i1 to i32
    %sign3A_143 = arith.constant 0 : i32
    %sign3A_144 = arith.cmpi slt, %sub3A_137, %sign3A_143 : i32
    %sign3A_145 = arith.extui %sign3A_144 : i1 to i32
    %sign3A_146 = arith.subi %sign3A_142, %sign3A_145 : i32
    %sign3A_147 = arith.constant 0 : i32
    %sign3A_148 = arith.cmpi sgt, %jit3A_138, %sign3A_147 : i32
    %sign3A_149 = arith.extui %sign3A_148 : i1 to i32
    %sign3A_150 = arith.constant 0 : i32
    %sign3A_151 = arith.cmpi slt, %jit3A_138, %sign3A_150 : i32
    %sign3A_152 = arith.extui %sign3A_151 : i1 to i32
    %sign3A_153 = arith.subi %sign3A_149, %sign3A_152 : i32
    %ne3A_154 = arith.cmpi ne, %sign3A_146, %sign3A_153 : i32
    %rem3A_155 = arith.remsi %sub3A_137, %jit3A_138 : i32
    %ne3A_156 = arith.constant 0 : i32
    %ne3A_157 = arith.cmpi ne, %rem3A_155, %ne3A_156 : i32
    %and3A_158 = arith.andi %ne3A_154, %ne3A_157 : i1
    %sub3A_159 = arith.constant 1 : i32
    %sub3A_160 = arith.subi %div3A_139, %sub3A_159 : i32
    %select_n3A_161 = arith.select %and3A_158, %sub3A_160, %div3A_139 : i32
    %mul3A_162 = arith.muli %arg1, %select_n3A_161 : i32
    %add3A_163 = arith.addi %select_n3A_133, %mul3A_162 : i32
    %jit3A_164 = arith.constant 8 : i32
    %div3A_165 = arith.divsi %select_n3A_161, %jit3A_164 : i32
    %sign3A_166 = arith.constant 0 : i32
    %sign3A_167 = arith.cmpi sgt, %select_n3A_161, %sign3A_166 : i32
    %sign3A_168 = arith.extui %sign3A_167 : i1 to i32
    %sign3A_169 = arith.constant 0 : i32
    %sign3A_170 = arith.cmpi slt, %select_n3A_161, %sign3A_169 : i32
    %sign3A_171 = arith.extui %sign3A_170 : i1 to i32
    %sign3A_172 = arith.subi %sign3A_168, %sign3A_171 : i32
    %sign3A_173 = arith.constant 0 : i32
    %sign3A_174 = arith.cmpi sgt, %jit3A_164, %sign3A_173 : i32
    %sign3A_175 = arith.extui %sign3A_174 : i1 to i32
    %sign3A_176 = arith.constant 0 : i32
    %sign3A_177 = arith.cmpi slt, %jit3A_164, %sign3A_176 : i32
    %sign3A_178 = arith.extui %sign3A_177 : i1 to i32
    %sign3A_179 = arith.subi %sign3A_175, %sign3A_178 : i32
    %ne3A_180 = arith.cmpi ne, %sign3A_172, %sign3A_179 : i32
    %rem3A_181 = arith.remsi %select_n3A_161, %jit3A_164 : i32
    %ne3A_182 = arith.constant 0 : i32
    %ne3A_183 = arith.cmpi ne, %rem3A_181, %ne3A_182 : i32
    %and3A_184 = arith.andi %ne3A_180, %ne3A_183 : i1
    %sub3A_185 = arith.constant 1 : i32
    %sub3A_186 = arith.subi %div3A_165, %sub3A_185 : i32
    %select_n3A_187 = arith.select %and3A_184, %sub3A_186, %div3A_165 : i32
    %while3A_188 = arith.constant 0 : i32
    %while3A_189 = arith.constant 0 : i32
    %while3A_190 = arith.subi %select_n3A_187, %while3A_189 : i32
    %while3A_191 = arith.addi %while3A_189, %while3A_190 : i32
    %while3A_192 = arith.constant 1 : i32
    %while3A_193 = arith.divsi %while3A_190, %while3A_192 : i32
    %while3A_194 = arith.muli %while3A_193, %while3A_192 : i32
    %while3A_195 = arith.addi %while3A_189, %while3A_194 : i32
    %while3A_196 = arith.constant 1 : i32
    scf.for %while3A_207 = %while3A_189 to %while3A_195 step %while3A_196  : i32 {
      %mul3A_208 = arith.constant 8 : i32
      %mul3A_209 = arith.muli %while3A_207, %mul3A_208 : i32
      %add3A_210 = arith.addi %add3A_163, %mul3A_209 : i32
      %multiple_of3A = tpu.assume_multiple %add3A_210, 8 : i32
      "tpu.region"() ({
        %run_scoped3A_425 = tpu.sem_alloc : memref<!tpu.dma_semaphore, #tpu.memory_space<semaphore_mem>>
        %dma_start3A_426 = arith.constant 0 : i32
        %dma_start3A_427 = tpu.memref_slice %arg3[%multiple_of3A, %dma_start3A_426] : memref<3040x128xi32, #tpu.memory_space<hbm>> -> memref<8x128xi32, #tpu.memory_space<hbm>>
        %dma_start3A_428 = arith.constant 0 : i32
        %dma_start3A_429 = tpu.memref_slice %arg3[%multiple_of3A, %dma_start3A_428] : memref<3040x128xi32, #tpu.memory_space<hbm>> -> memref<8x128xi32, #tpu.memory_space<hbm>>
        tpu.enqueue_dma source(%dma_start3A_429 : memref<8x128xi32, #tpu.memory_space<hbm>>) target(%arg11 : memref<8x128xi32, #tpu.memory_space<vmem>>) target_semaphore(%run_scoped3A_425 : memref<!tpu.dma_semaphore, #tpu.memory_space<semaphore_mem>>)
        %dma_wait3A_430 = arith.constant 0 : i32
        %dma_wait3A_431 = tpu.memref_slice %arg3[%multiple_of3A, %dma_wait3A_430] : memref<3040x128xi32, #tpu.memory_space<hbm>> -> memref<8x128xi32, #tpu.memory_space<hbm>>
        %dma_wait3A_432 = arith.constant 0 : i32
        %dma_wait3A_433 = tpu.memref_slice %arg3[%multiple_of3A, %dma_wait3A_432] : memref<3040x128xi32, #tpu.memory_space<hbm>> -> memref<8x128xi32, #tpu.memory_space<hbm>>
        tpu.wait_dma2 semaphore(%run_scoped3A_425 : memref<!tpu.dma_semaphore, #tpu.memory_space<semaphore_mem>>) src(%dma_wait3A_433 : memref<8x128xi32, #tpu.memory_space<hbm>>) dst(%arg11 : memref<8x128xi32, #tpu.memory_space<vmem>>)
        tpu.yield
      }) : () -> ()
      "tpu.region"() ({
        %run_scoped3A_425 = tpu.sem_alloc : memref<!tpu.dma_semaphore, #tpu.memory_space<semaphore_mem>>
        %dma_start3A_426 = arith.constant 0 : i32
        %dma_start3A_427 = tpu.memref_slice %arg4[%multiple_of3A, %dma_start3A_426] : memref<3040x128xi32, #tpu.memory_space<hbm>> -> memref<8x128xi32, #tpu.memory_space<hbm>>
        %dma_start3A_428 = arith.constant 0 : i32
        %dma_start3A_429 = tpu.memref_slice %arg4[%multiple_of3A, %dma_start3A_428] : memref<3040x128xi32, #tpu.memory_space<hbm>> -> memref<8x128xi32, #tpu.memory_space<hbm>>
        tpu.enqueue_dma source(%dma_start3A_429 : memref<8x128xi32, #tpu.memory_space<hbm>>) target(%arg12 : memref<8x128xi32, #tpu.memory_space<vmem>>) target_semaphore(%run_scoped3A_425 : memref<!tpu.dma_semaphore, #tpu.memory_space<semaphore_mem>>)
        %dma_wait3A_430 = arith.constant 0 : i32
        %dma_wait3A_431 = tpu.memref_slice %arg4[%multiple_of3A, %dma_wait3A_430] : memref<3040x128xi32, #tpu.memory_space<hbm>> -> memref<8x128xi32, #tpu.memory_space<hbm>>
        %dma_wait3A_432 = arith.constant 0 : i32
        %dma_wait3A_433 = tpu.memref_slice %arg4[%multiple_of3A, %dma_wait3A_432] : memref<3040x128xi32, #tpu.memory_space<hbm>> -> memref<8x128xi32, #tpu.memory_space<hbm>>
        tpu.wait_dma2 semaphore(%run_scoped3A_425 : memref<!tpu.dma_semaphore, #tpu.memory_space<semaphore_mem>>) src(%dma_wait3A_433 : memref<8x128xi32, #tpu.memory_space<hbm>>) dst(%arg12 : memref<8x128xi32, #tpu.memory_space<vmem>>)
        tpu.yield
      }) : () -> ()
      "tpu.region"() ({
        %run_scoped3A_425 = tpu.sem_alloc : memref<!tpu.dma_semaphore, #tpu.memory_space<semaphore_mem>>
        %dma_start3A_426 = arith.constant 0 : i32
        %dma_start3A_427 = tpu.memref_slice %arg5[%multiple_of3A, %dma_start3A_426] : memref<3040x128xi32, #tpu.memory_space<hbm>> -> memref<8x128xi32, #tpu.memory_space<hbm>>
        %dma_start3A_428 = arith.constant 0 : i32
        %dma_start3A_429 = tpu.memref_slice %arg5[%multiple_of3A, %dma_start3A_428] : memref<3040x128xi32, #tpu.memory_space<hbm>> -> memref<8x128xi32, #tpu.memory_space<hbm>>
        tpu.enqueue_dma source(%dma_start3A_429 : memref<8x128xi32, #tpu.memory_space<hbm>>) target(%arg13 : memref<8x128xi32, #tpu.memory_space<vmem>>) target_semaphore(%run_scoped3A_425 : memref<!tpu.dma_semaphore, #tpu.memory_space<semaphore_mem>>)
        %dma_wait3A_430 = arith.constant 0 : i32
        %dma_wait3A_431 = tpu.memref_slice %arg5[%multiple_of3A, %dma_wait3A_430] : memref<3040x128xi32, #tpu.memory_space<hbm>> -> memref<8x128xi32, #tpu.memory_space<hbm>>
        %dma_wait3A_432 = arith.constant 0 : i32
        %dma_wait3A_433 = tpu.memref_slice %arg5[%multiple_of3A, %dma_wait3A_432] : memref<3040x128xi32, #tpu.memory_space<hbm>> -> memref<8x128xi32, #tpu.memory_space<hbm>>
        tpu.wait_dma2 semaphore(%run_scoped3A_425 : memref<!tpu.dma_semaphore, #tpu.memory_space<semaphore_mem>>) src(%dma_wait3A_433 : memref<8x128xi32, #tpu.memory_space<hbm>>) dst(%arg13 : memref<8x128xi32, #tpu.memory_space<vmem>>)
        tpu.yield
      }) : () -> ()
      %dma_start3A = arith.constant 0 : i32
      %dma_start3A_211 = arith.constant 0 : i32
      %dma_start3A_212 = arith.constant 0 : i32
      %dma_start3A_213 = arith.constant 0 : i32
      %dma_start3A_214 = tpu.memref_slice %arg14[%dma_start3A_211, %dma_start3A_212, %dma_start3A_213] : memref<2x128x128xf32, #tpu.memory_space<vmem>> -> memref<1x128x128xf32, #tpu.memory_space<vmem>>
      %dma_start3A_215 = tpu.memref_squeeze %dma_start3A_214 : memref<1x128x128xf32, #tpu.memory_space<vmem>> -> memref<128x128xf32, #tpu.memory_space<vmem>>
      %dma_start3A_216 = arith.constant 0 : i32
      %dma_start3A_217 = tpu.memref_slice %arg11[%dma_start3A, %dma_start3A_216] : memref<8x128xi32, #tpu.memory_space<vmem>> -> memref<1x128xi32, #tpu.memory_space<vmem>>
      %dma_start3A_218 = tpu.memref_squeeze %dma_start3A_217 : memref<1x128xi32, #tpu.memory_space<vmem>> -> memref<128xi32, #tpu.memory_space<vmem>>
      %dma_start3A_219 = arith.constant 0 : i32
      %dma_start3A_220 = arith.constant 0 : i32
      %dma_start3A_221 = tpu.memref_slice %arg17[%dma_start3A_219, %dma_start3A_220] : memref<5120x128xf32, #tpu.memory_space<vmem_shared>> -> memref<5120x128xf32, #tpu.memory_space<vmem_shared>>
      tpu.enqueue_indirect_dma source(%dma_start3A_221 : memref<5120x128xf32, #tpu.memory_space<vmem_shared>>) target(%dma_start3A_215 : memref<128x128xf32, #tpu.memory_space<vmem>>) offsets(%dma_start3A_218 : memref<128xi32, #tpu.memory_space<vmem>>) semaphore(%arg20 : memref<!tpu.dma_semaphore, #tpu.memory_space<semaphore_mem>>)
      %dma_start3A_222 = arith.constant 1 : i32
      %dma_start3A_223 = arith.constant 1 : i32
      %dma_start3A_224 = arith.constant 0 : i32
      %dma_start3A_225 = arith.constant 0 : i32
      %dma_start3A_226 = tpu.memref_slice %arg14[%dma_start3A_223, %dma_start3A_224, %dma_start3A_225] : memref<2x128x128xf32, #tpu.memory_space<vmem>> -> memref<1x128x128xf32, #tpu.memory_space<vmem>>
      %dma_start3A_227 = tpu.memref_squeeze %dma_start3A_226 : memref<1x128x128xf32, #tpu.memory_space<vmem>> -> memref<128x128xf32, #tpu.memory_space<vmem>>
      %dma_start3A_228 = arith.constant 0 : i32
      %dma_start3A_229 = tpu.memref_slice %arg11[%dma_start3A_222, %dma_start3A_228] : memref<8x128xi32, #tpu.memory_space<vmem>> -> memref<1x128xi32, #tpu.memory_space<vmem>>
      %dma_start3A_230 = tpu.memref_squeeze %dma_start3A_229 : memref<1x128xi32, #tpu.memory_space<vmem>> -> memref<128xi32, #tpu.memory_space<vmem>>
      %dma_start3A_231 = arith.constant 0 : i32
      %dma_start3A_232 = arith.constant 0 : i32
      %dma_start3A_233 = tpu.memref_slice %arg17[%dma_start3A_231, %dma_start3A_232] : memref<5120x128xf32, #tpu.memory_space<vmem_shared>> -> memref<5120x128xf32, #tpu.memory_space<vmem_shared>>
      tpu.enqueue_indirect_dma source(%dma_start3A_233 : memref<5120x128xf32, #tpu.memory_space<vmem_shared>>) target(%dma_start3A_227 : memref<128x128xf32, #tpu.memory_space<vmem>>) offsets(%dma_start3A_230 : memref<128xi32, #tpu.memory_space<vmem>>) semaphore(%arg21 : memref<!tpu.dma_semaphore, #tpu.memory_space<semaphore_mem>>)
      %dma_wait3A = arith.constant 0 : i32
      %dma_wait3A_234 = arith.constant 0 : i32
      %dma_wait3A_235 = arith.constant 0 : i32
      %dma_wait3A_236 = arith.constant 0 : i32
      %dma_wait3A_237 = tpu.memref_slice %arg14[%dma_wait3A_234, %dma_wait3A_235, %dma_wait3A_236] : memref<2x128x128xf32, #tpu.memory_space<vmem>> -> memref<1x128x128xf32, #tpu.memory_space<vmem>>
      %dma_wait3A_238 = tpu.memref_squeeze %dma_wait3A_237 : memref<1x128x128xf32, #tpu.memory_space<vmem>> -> memref<128x128xf32, #tpu.memory_space<vmem>>
      %dma_wait3A_239 = arith.constant 0 : i32
      %dma_wait3A_240 = tpu.memref_slice %arg11[%dma_wait3A, %dma_wait3A_239] : memref<8x128xi32, #tpu.memory_space<vmem>> -> memref<1x128xi32, #tpu.memory_space<vmem>>
      %dma_wait3A_241 = tpu.memref_squeeze %dma_wait3A_240 : memref<1x128xi32, #tpu.memory_space<vmem>> -> memref<128xi32, #tpu.memory_space<vmem>>
      %dma_wait3A_242 = arith.constant 0 : i32
      %dma_wait3A_243 = arith.constant 0 : i32
      %dma_wait3A_244 = tpu.memref_slice %arg17[%dma_wait3A_242, %dma_wait3A_243] : memref<5120x128xf32, #tpu.memory_space<vmem_shared>> -> memref<5120x128xf32, #tpu.memory_space<vmem_shared>>
      tpu.wait_indirect_dma semaphore(%arg20 : memref<!tpu.dma_semaphore, #tpu.memory_space<semaphore_mem>>) src(%dma_wait3A_244 : memref<5120x128xf32, #tpu.memory_space<vmem_shared>>) dst(%dma_wait3A_238 : memref<128x128xf32, #tpu.memory_space<vmem>>)
      %run_scoped3A_245 = arith.constant 0 : i32
      %run_scoped3A_246 = arith.constant 0 : i32
      "tpu.region"() ({
        %run_scoped3A_425 = tpu.sem_alloc : memref<!tpu.dma_semaphore, #tpu.memory_space<semaphore_mem>>
        %dma_start3A_426 = arith.constant 0 : i32
        %dma_start3A_427 = arith.constant 0 : i32
        %dma_start3A_428 = tpu.memref_slice %arg14[%run_scoped3A_245, %dma_start3A_426, %dma_start3A_427] : memref<2x128x128xf32, #tpu.memory_space<vmem>> -> memref<1x128x128xf32, #tpu.memory_space<vmem>>
        %dma_start3A_429 = tpu.memref_squeeze %dma_start3A_428 : memref<1x128x128xf32, #tpu.memory_space<vmem>> -> memref<128x128xf32, #tpu.memory_space<vmem>>
        %dma_start3A_430 = arith.constant 0 : i32
        %dma_start3A_431 = tpu.memref_slice %arg12[%run_scoped3A_246, %dma_start3A_430] : memref<8x128xi32, #tpu.memory_space<vmem>> -> memref<1x128xi32, #tpu.memory_space<vmem>>
        %dma_start3A_432 = tpu.memref_squeeze %dma_start3A_431 : memref<1x128xi32, #tpu.memory_space<vmem>> -> memref<128xi32, #tpu.memory_space<vmem>>
        %dma_start3A_433 = arith.constant 0 : i32
        %dma_start3A_434 = arith.constant 0 : i32
        %dma_start3A_435 = tpu.memref_slice %arg18[%dma_start3A_433, %dma_start3A_434] : memref<5120x128xf32, #tpu.memory_space<vmem_shared>> -> memref<5120x128xf32, #tpu.memory_space<vmem_shared>>
        tpu.enqueue_indirect_dma source(%dma_start3A_429 : memref<128x128xf32, #tpu.memory_space<vmem>>) target(%dma_start3A_435 : memref<5120x128xf32, #tpu.memory_space<vmem_shared>>) offsets(%dma_start3A_432 : memref<128xi32, #tpu.memory_space<vmem>>) semaphore(%run_scoped3A_425 : memref<!tpu.dma_semaphore, #tpu.memory_space<semaphore_mem>>) {add = true}
        %dma_wait3A_436 = arith.constant 0 : i32
        %dma_wait3A_437 = arith.constant 0 : i32
        %dma_wait3A_438 = tpu.memref_slice %arg14[%run_scoped3A_245, %dma_wait3A_436, %dma_wait3A_437] : memref<2x128x128xf32, #tpu.memory_space<vmem>> -> memref<1x128x128xf32, #tpu.memory_space<vmem>>
        %dma_wait3A_439 = tpu.memref_squeeze %dma_wait3A_438 : memref<1x128x128xf32, #tpu.memory_space<vmem>> -> memref<128x128xf32, #tpu.memory_space<vmem>>
        %dma_wait3A_440 = arith.constant 0 : i32
        %dma_wait3A_441 = tpu.memref_slice %arg12[%run_scoped3A_246, %dma_wait3A_440] : memref<8x128xi32, #tpu.memory_space<vmem>> -> memref<1x128xi32, #tpu.memory_space<vmem>>
        %dma_wait3A_442 = tpu.memref_squeeze %dma_wait3A_441 : memref<1x128xi32, #tpu.memory_space<vmem>> -> memref<128xi32, #tpu.memory_space<vmem>>
        %dma_wait3A_443 = arith.constant 0 : i32
        %dma_wait3A_444 = arith.constant 0 : i32
        %dma_wait3A_445 = tpu.memref_slice %arg18[%dma_wait3A_443, %dma_wait3A_444] : memref<5120x128xf32, #tpu.memory_space<vmem_shared>> -> memref<5120x128xf32, #tpu.memory_space<vmem_shared>>
        tpu.wait_indirect_dma semaphore(%run_scoped3A_425 : memref<!tpu.dma_semaphore, #tpu.memory_space<semaphore_mem>>) src(%dma_wait3A_439 : memref<128x128xf32, #tpu.memory_space<vmem>>) dst(%dma_wait3A_445 : memref<5120x128xf32, #tpu.memory_space<vmem_shared>>)
        tpu.yield
      }) : () -> ()
      %run_scoped3A_247 = arith.constant 0 : i32
      "tpu.region"() ({
        %run_scoped3A_425 = tpu.sem_alloc : memref<!tpu.dma_semaphore, #tpu.memory_space<semaphore_mem>>
        %dma_start3A_426 = arith.constant 0 : i32
        %dma_start3A_427 = tpu.memref_slice %arg13[%run_scoped3A_247, %dma_start3A_426] : memref<8x128xi32, #tpu.memory_space<vmem>> -> memref<1x128xi32, #tpu.memory_space<vmem>>
        %dma_start3A_428 = tpu.memref_squeeze %dma_start3A_427 : memref<1x128xi32, #tpu.memory_space<vmem>> -> memref<128xi32, #tpu.memory_space<vmem>>
        %dma_start3A_429 = arith.constant 0 : i32
        %dma_start3A_430 = tpu.memref_slice %arg19[%dma_start3A_429] : memref<90112xf32, #tpu.memory_space<vmem_shared>> -> memref<90112xf32, #tpu.memory_space<vmem_shared>>
        tpu.enqueue_indirect_dma source(%arg15 : memref<128xf32, #tpu.memory_space<vmem>>) target(%dma_start3A_430 : memref<90112xf32, #tpu.memory_space<vmem_shared>>) offsets(%dma_start3A_428 : memref<128xi32, #tpu.memory_space<vmem>>) semaphore(%run_scoped3A_425 : memref<!tpu.dma_semaphore, #tpu.memory_space<semaphore_mem>>) {add = true}
        %dma_wait3A_431 = arith.constant 0 : i32
        %dma_wait3A_432 = tpu.memref_slice %arg13[%run_scoped3A_247, %dma_wait3A_431] : memref<8x128xi32, #tpu.memory_space<vmem>> -> memref<1x128xi32, #tpu.memory_space<vmem>>
        %dma_wait3A_433 = tpu.memref_squeeze %dma_wait3A_432 : memref<1x128xi32, #tpu.memory_space<vmem>> -> memref<128xi32, #tpu.memory_space<vmem>>
        %dma_wait3A_434 = arith.constant 0 : i32
        %dma_wait3A_435 = tpu.memref_slice %arg19[%dma_wait3A_434] : memref<90112xf32, #tpu.memory_space<vmem_shared>> -> memref<90112xf32, #tpu.memory_space<vmem_shared>>
        tpu.wait_indirect_dma semaphore(%run_scoped3A_425 : memref<!tpu.dma_semaphore, #tpu.memory_space<semaphore_mem>>) src(%arg15 : memref<128xf32, #tpu.memory_space<vmem>>) dst(%dma_wait3A_435 : memref<90112xf32, #tpu.memory_space<vmem_shared>>)
        tpu.yield
      }) : () -> ()
      %dma_start3A_248 = arith.constant 2 : i32
      %dma_start3A_249 = arith.constant 0 : i32
      %dma_start3A_250 = arith.constant 0 : i32
      %dma_start3A_251 = arith.constant 0 : i32
      %dma_start3A_252 = tpu.memref_slice %arg14[%dma_start3A_249, %dma_start3A_250, %dma_start3A_251] : memref<2x128x128xf32, #tpu.memory_space<vmem>> -> memref<1x128x128xf32, #tpu.memory_space<vmem>>
      %dma_start3A_253 = tpu.memref_squeeze %dma_start3A_252 : memref<1x128x128xf32, #tpu.memory_space<vmem>> -> memref<128x128xf32, #tpu.memory_space<vmem>>
      %dma_start3A_254 = arith.constant 0 : i32
      %dma_start3A_255 = tpu.memref_slice %arg11[%dma_start3A_248, %dma_start3A_254] : memref<8x128xi32, #tpu.memory_space<vmem>> -> memref<1x128xi32, #tpu.memory_space<vmem>>
      %dma_start3A_256 = tpu.memref_squeeze %dma_start3A_255 : memref<1x128xi32, #tpu.memory_space<vmem>> -> memref<128xi32, #tpu.memory_space<vmem>>
      %dma_start3A_257 = arith.constant 0 : i32
      %dma_start3A_258 = arith.constant 0 : i32
      %dma_start3A_259 = tpu.memref_slice %arg17[%dma_start3A_257, %dma_start3A_258] : memref<5120x128xf32, #tpu.memory_space<vmem_shared>> -> memref<5120x128xf32, #tpu.memory_space<vmem_shared>>
      tpu.enqueue_indirect_dma source(%dma_start3A_259 : memref<5120x128xf32, #tpu.memory_space<vmem_shared>>) target(%dma_start3A_253 : memref<128x128xf32, #tpu.memory_space<vmem>>) offsets(%dma_start3A_256 : memref<128xi32, #tpu.memory_space<vmem>>) semaphore(%arg20 : memref<!tpu.dma_semaphore, #tpu.memory_space<semaphore_mem>>)
      %dma_wait3A_260 = arith.constant 1 : i32
      %dma_wait3A_261 = arith.constant 1 : i32
      %dma_wait3A_262 = arith.constant 0 : i32
      %dma_wait3A_263 = arith.constant 0 : i32
      %dma_wait3A_264 = tpu.memref_slice %arg14[%dma_wait3A_261, %dma_wait3A_262, %dma_wait3A_263] : memref<2x128x128xf32, #tpu.memory_space<vmem>> -> memref<1x128x128xf32, #tpu.memory_space<vmem>>
      %dma_wait3A_265 = tpu.memref_squeeze %dma_wait3A_264 : memref<1x128x128xf32, #tpu.memory_space<vmem>> -> memref<128x128xf32, #tpu.memory_space<vmem>>
      %dma_wait3A_266 = arith.constant 0 : i32
      %dma_wait3A_267 = tpu.memref_slice %arg11[%dma_wait3A_260, %dma_wait3A_266] : memref<8x128xi32, #tpu.memory_space<vmem>> -> memref<1x128xi32, #tpu.memory_space<vmem>>
      %dma_wait3A_268 = tpu.memref_squeeze %dma_wait3A_267 : memref<1x128xi32, #tpu.memory_space<vmem>> -> memref<128xi32, #tpu.memory_space<vmem>>
      %dma_wait3A_269 = arith.constant 0 : i32
      %dma_wait3A_270 = arith.constant 0 : i32
      %dma_wait3A_271 = tpu.memref_slice %arg17[%dma_wait3A_269, %dma_wait3A_270] : memref<5120x128xf32, #tpu.memory_space<vmem_shared>> -> memref<5120x128xf32, #tpu.memory_space<vmem_shared>>
      tpu.wait_indirect_dma semaphore(%arg21 : memref<!tpu.dma_semaphore, #tpu.memory_space<semaphore_mem>>) src(%dma_wait3A_271 : memref<5120x128xf32, #tpu.memory_space<vmem_shared>>) dst(%dma_wait3A_265 : memref<128x128xf32, #tpu.memory_space<vmem>>)
      %run_scoped3A_272 = arith.constant 1 : i32
      %run_scoped3A_273 = arith.constant 1 : i32
      "tpu.region"() ({
        %run_scoped3A_425 = tpu.sem_alloc : memref<!tpu.dma_semaphore, #tpu.memory_space<semaphore_mem>>
        %dma_start3A_426 = arith.constant 0 : i32
        %dma_start3A_427 = arith.constant 0 : i32
        %dma_start3A_428 = tpu.memref_slice %arg14[%run_scoped3A_272, %dma_start3A_426, %dma_start3A_427] : memref<2x128x128xf32, #tpu.memory_space<vmem>> -> memref<1x128x128xf32, #tpu.memory_space<vmem>>
        %dma_start3A_429 = tpu.memref_squeeze %dma_start3A_428 : memref<1x128x128xf32, #tpu.memory_space<vmem>> -> memref<128x128xf32, #tpu.memory_space<vmem>>
        %dma_start3A_430 = arith.constant 0 : i32
        %dma_start3A_431 = tpu.memref_slice %arg12[%run_scoped3A_273, %dma_start3A_430] : memref<8x128xi32, #tpu.memory_space<vmem>> -> memref<1x128xi32, #tpu.memory_space<vmem>>
        %dma_start3A_432 = tpu.memref_squeeze %dma_start3A_431 : memref<1x128xi32, #tpu.memory_space<vmem>> -> memref<128xi32, #tpu.memory_space<vmem>>
        %dma_start3A_433 = arith.constant 0 : i32
        %dma_start3A_434 = arith.constant 0 : i32
        %dma_start3A_435 = tpu.memref_slice %arg18[%dma_start3A_433, %dma_start3A_434] : memref<5120x128xf32, #tpu.memory_space<vmem_shared>> -> memref<5120x128xf32, #tpu.memory_space<vmem_shared>>
        tpu.enqueue_indirect_dma source(%dma_start3A_429 : memref<128x128xf32, #tpu.memory_space<vmem>>) target(%dma_start3A_435 : memref<5120x128xf32, #tpu.memory_space<vmem_shared>>) offsets(%dma_start3A_432 : memref<128xi32, #tpu.memory_space<vmem>>) semaphore(%run_scoped3A_425 : memref<!tpu.dma_semaphore, #tpu.memory_space<semaphore_mem>>) {add = true}
        %dma_wait3A_436 = arith.constant 0 : i32
        %dma_wait3A_437 = arith.constant 0 : i32
        %dma_wait3A_438 = tpu.memref_slice %arg14[%run_scoped3A_272, %dma_wait3A_436, %dma_wait3A_437] : memref<2x128x128xf32, #tpu.memory_space<vmem>> -> memref<1x128x128xf32, #tpu.memory_space<vmem>>
        %dma_wait3A_439 = tpu.memref_squeeze %dma_wait3A_438 : memref<1x128x128xf32, #tpu.memory_space<vmem>> -> memref<128x128xf32, #tpu.memory_space<vmem>>
        %dma_wait3A_440 = arith.constant 0 : i32
        %dma_wait3A_441 = tpu.memref_slice %arg12[%run_scoped3A_273, %dma_wait3A_440] : memref<8x128xi32, #tpu.memory_space<vmem>> -> memref<1x128xi32, #tpu.memory_space<vmem>>
        %dma_wait3A_442 = tpu.memref_squeeze %dma_wait3A_441 : memref<1x128xi32, #tpu.memory_space<vmem>> -> memref<128xi32, #tpu.memory_space<vmem>>
        %dma_wait3A_443 = arith.constant 0 : i32
        %dma_wait3A_444 = arith.constant 0 : i32
        %dma_wait3A_445 = tpu.memref_slice %arg18[%dma_wait3A_443, %dma_wait3A_444] : memref<5120x128xf32, #tpu.memory_space<vmem_shared>> -> memref<5120x128xf32, #tpu.memory_space<vmem_shared>>
        tpu.wait_indirect_dma semaphore(%run_scoped3A_425 : memref<!tpu.dma_semaphore, #tpu.memory_space<semaphore_mem>>) src(%dma_wait3A_439 : memref<128x128xf32, #tpu.memory_space<vmem>>) dst(%dma_wait3A_445 : memref<5120x128xf32, #tpu.memory_space<vmem_shared>>)
        tpu.yield
      }) : () -> ()
      %run_scoped3A_274 = arith.constant 1 : i32
      "tpu.region"() ({
        %run_scoped3A_425 = tpu.sem_alloc : memref<!tpu.dma_semaphore, #tpu.memory_space<semaphore_mem>>
        %dma_start3A_426 = arith.constant 0 : i32
        %dma_start3A_427 = tpu.memref_slice %arg13[%run_scoped3A_274, %dma_start3A_426] : memref<8x128xi32, #tpu.memory_space<vmem>> -> memref<1x128xi32, #tpu.memory_space<vmem>>
        %dma_start3A_428 = tpu.memref_squeeze %dma_start3A_427 : memref<1x128xi32, #tpu.memory_space<vmem>> -> memref<128xi32, #tpu.memory_space<vmem>>
        %dma_start3A_429 = arith.constant 0 : i32
        %dma_start3A_430 = tpu.memref_slice %arg19[%dma_start3A_429] : memref<90112xf32, #tpu.memory_space<vmem_shared>> -> memref<90112xf32, #tpu.memory_space<vmem_shared>>
        tpu.enqueue_indirect_dma source(%arg15 : memref<128xf32, #tpu.memory_space<vmem>>) target(%dma_start3A_430 : memref<90112xf32, #tpu.memory_space<vmem_shared>>) offsets(%dma_start3A_428 : memref<128xi32, #tpu.memory_space<vmem>>) semaphore(%run_scoped3A_425 : memref<!tpu.dma_semaphore, #tpu.memory_space<semaphore_mem>>) {add = true}
        %dma_wait3A_431 = arith.constant 0 : i32
        %dma_wait3A_432 = tpu.memref_slice %arg13[%run_scoped3A_274, %dma_wait3A_431] : memref<8x128xi32, #tpu.memory_space<vmem>> -> memref<1x128xi32, #tpu.memory_space<vmem>>
        %dma_wait3A_433 = tpu.memref_squeeze %dma_wait3A_432 : memref<1x128xi32, #tpu.memory_space<vmem>> -> memref<128xi32, #tpu.memory_space<vmem>>
        %dma_wait3A_434 = arith.constant 0 : i32
        %dma_wait3A_435 = tpu.memref_slice %arg19[%dma_wait3A_434] : memref<90112xf32, #tpu.memory_space<vmem_shared>> -> memref<90112xf32, #tpu.memory_space<vmem_shared>>
        tpu.wait_indirect_dma semaphore(%run_scoped3A_425 : memref<!tpu.dma_semaphore, #tpu.memory_space<semaphore_mem>>) src(%arg15 : memref<128xf32, #tpu.memory_space<vmem>>) dst(%dma_wait3A_435 : memref<90112xf32, #tpu.memory_space<vmem_shared>>)
        tpu.yield
      }) : () -> ()
      %dma_start3A_275 = arith.constant 3 : i32
      %dma_start3A_276 = arith.constant 1 : i32
      %dma_start3A_277 = arith.constant 0 : i32
      %dma_start3A_278 = arith.constant 0 : i32
      %dma_start3A_279 = tpu.memref_slice %arg14[%dma_start3A_276, %dma_start3A_277, %dma_start3A_278] : memref<2x128x128xf32, #tpu.memory_space<vmem>> -> memref<1x128x128xf32, #tpu.memory_space<vmem>>
      %dma_start3A_280 = tpu.memref_squeeze %dma_start3A_279 : memref<1x128x128xf32, #tpu.memory_space<vmem>> -> memref<128x128xf32, #tpu.memory_space<vmem>>
      %dma_start3A_281 = arith.constant 0 : i32
      %dma_start3A_282 = tpu.memref_slice %arg11[%dma_start3A_275, %dma_start3A_281] : memref<8x128xi32, #tpu.memory_space<vmem>> -> memref<1x128xi32, #tpu.memory_space<vmem>>
      %dma_start3A_283 = tpu.memref_squeeze %dma_start3A_282 : memref<1x128xi32, #tpu.memory_space<vmem>> -> memref<128xi32, #tpu.memory_space<vmem>>
      %dma_start3A_284 = arith.constant 0 : i32
      %dma_start3A_285 = arith.constant 0 : i32
      %dma_start3A_286 = tpu.memref_slice %arg17[%dma_start3A_284, %dma_start3A_285] : memref<5120x128xf32, #tpu.memory_space<vmem_shared>> -> memref<5120x128xf32, #tpu.memory_space<vmem_shared>>
      tpu.enqueue_indirect_dma source(%dma_start3A_286 : memref<5120x128xf32, #tpu.memory_space<vmem_shared>>) target(%dma_start3A_280 : memref<128x128xf32, #tpu.memory_space<vmem>>) offsets(%dma_start3A_283 : memref<128xi32, #tpu.memory_space<vmem>>) semaphore(%arg21 : memref<!tpu.dma_semaphore, #tpu.memory_space<semaphore_mem>>)
      %dma_wait3A_287 = arith.constant 2 : i32
      %dma_wait3A_288 = arith.constant 0 : i32
      %dma_wait3A_289 = arith.constant 0 : i32
      %dma_wait3A_290 = arith.constant 0 : i32
      %dma_wait3A_291 = tpu.memref_slice %arg14[%dma_wait3A_288, %dma_wait3A_289, %dma_wait3A_290] : memref<2x128x128xf32, #tpu.memory_space<vmem>> -> memref<1x128x128xf32, #tpu.memory_space<vmem>>
      %dma_wait3A_292 = tpu.memref_squeeze %dma_wait3A_291 : memref<1x128x128xf32, #tpu.memory_space<vmem>> -> memref<128x128xf32, #tpu.memory_space<vmem>>
      %dma_wait3A_293 = arith.constant 0 : i32
      %dma_wait3A_294 = tpu.memref_slice %arg11[%dma_wait3A_287, %dma_wait3A_293] : memref<8x128xi32, #tpu.memory_space<vmem>> -> memref<1x128xi32, #tpu.memory_space<vmem>>
      %dma_wait3A_295 = tpu.memref_squeeze %dma_wait3A_294 : memref<1x128xi32, #tpu.memory_space<vmem>> -> memref<128xi32, #tpu.memory_space<vmem>>
      %dma_wait3A_296 = arith.constant 0 : i32
      %dma_wait3A_297 = arith.constant 0 : i32
      %dma_wait3A_298 = tpu.memref_slice %arg17[%dma_wait3A_296, %dma_wait3A_297] : memref<5120x128xf32, #tpu.memory_space<vmem_shared>> -> memref<5120x128xf32, #tpu.memory_space<vmem_shared>>
      tpu.wait_indirect_dma semaphore(%arg20 : memref<!tpu.dma_semaphore, #tpu.memory_space<semaphore_mem>>) src(%dma_wait3A_298 : memref<5120x128xf32, #tpu.memory_space<vmem_shared>>) dst(%dma_wait3A_292 : memref<128x128xf32, #tpu.memory_space<vmem>>)
      %run_scoped3A_299 = arith.constant 0 : i32
      %run_scoped3A_300 = arith.constant 2 : i32
      "tpu.region"() ({
        %run_scoped3A_425 = tpu.sem_alloc : memref<!tpu.dma_semaphore, #tpu.memory_space<semaphore_mem>>
        %dma_start3A_426 = arith.constant 0 : i32
        %dma_start3A_427 = arith.constant 0 : i32
        %dma_start3A_428 = tpu.memref_slice %arg14[%run_scoped3A_299, %dma_start3A_426, %dma_start3A_427] : memref<2x128x128xf32, #tpu.memory_space<vmem>> -> memref<1x128x128xf32, #tpu.memory_space<vmem>>
        %dma_start3A_429 = tpu.memref_squeeze %dma_start3A_428 : memref<1x128x128xf32, #tpu.memory_space<vmem>> -> memref<128x128xf32, #tpu.memory_space<vmem>>
        %dma_start3A_430 = arith.constant 0 : i32
        %dma_start3A_431 = tpu.memref_slice %arg12[%run_scoped3A_300, %dma_start3A_430] : memref<8x128xi32, #tpu.memory_space<vmem>> -> memref<1x128xi32, #tpu.memory_space<vmem>>
        %dma_start3A_432 = tpu.memref_squeeze %dma_start3A_431 : memref<1x128xi32, #tpu.memory_space<vmem>> -> memref<128xi32, #tpu.memory_space<vmem>>
        %dma_start3A_433 = arith.constant 0 : i32
        %dma_start3A_434 = arith.constant 0 : i32
        %dma_start3A_435 = tpu.memref_slice %arg18[%dma_start3A_433, %dma_start3A_434] : memref<5120x128xf32, #tpu.memory_space<vmem_shared>> -> memref<5120x128xf32, #tpu.memory_space<vmem_shared>>
        tpu.enqueue_indirect_dma source(%dma_start3A_429 : memref<128x128xf32, #tpu.memory_space<vmem>>) target(%dma_start3A_435 : memref<5120x128xf32, #tpu.memory_space<vmem_shared>>) offsets(%dma_start3A_432 : memref<128xi32, #tpu.memory_space<vmem>>) semaphore(%run_scoped3A_425 : memref<!tpu.dma_semaphore, #tpu.memory_space<semaphore_mem>>) {add = true}
        %dma_wait3A_436 = arith.constant 0 : i32
        %dma_wait3A_437 = arith.constant 0 : i32
        %dma_wait3A_438 = tpu.memref_slice %arg14[%run_scoped3A_299, %dma_wait3A_436, %dma_wait3A_437] : memref<2x128x128xf32, #tpu.memory_space<vmem>> -> memref<1x128x128xf32, #tpu.memory_space<vmem>>
        %dma_wait3A_439 = tpu.memref_squeeze %dma_wait3A_438 : memref<1x128x128xf32, #tpu.memory_space<vmem>> -> memref<128x128xf32, #tpu.memory_space<vmem>>
        %dma_wait3A_440 = arith.constant 0 : i32
        %dma_wait3A_441 = tpu.memref_slice %arg12[%run_scoped3A_300, %dma_wait3A_440] : memref<8x128xi32, #tpu.memory_space<vmem>> -> memref<1x128xi32, #tpu.memory_space<vmem>>
        %dma_wait3A_442 = tpu.memref_squeeze %dma_wait3A_441 : memref<1x128xi32, #tpu.memory_space<vmem>> -> memref<128xi32, #tpu.memory_space<vmem>>
        %dma_wait3A_443 = arith.constant 0 : i32
        %dma_wait3A_444 = arith.constant 0 : i32
        %dma_wait3A_445 = tpu.memref_slice %arg18[%dma_wait3A_443, %dma_wait3A_444] : memref<5120x128xf32, #tpu.memory_space<vmem_shared>> -> memref<5120x128xf32, #tpu.memory_space<vmem_shared>>
        tpu.wait_indirect_dma semaphore(%run_scoped3A_425 : memref<!tpu.dma_semaphore, #tpu.memory_space<semaphore_mem>>) src(%dma_wait3A_439 : memref<128x128xf32, #tpu.memory_space<vmem>>) dst(%dma_wait3A_445 : memref<5120x128xf32, #tpu.memory_space<vmem_shared>>)
        tpu.yield
      }) : () -> ()
      %run_scoped3A_301 = arith.constant 2 : i32
      "tpu.region"() ({
        %run_scoped3A_425 = tpu.sem_alloc : memref<!tpu.dma_semaphore, #tpu.memory_space<semaphore_mem>>
        %dma_start3A_426 = arith.constant 0 : i32
        %dma_start3A_427 = tpu.memref_slice %arg13[%run_scoped3A_301, %dma_start3A_426] : memref<8x128xi32, #tpu.memory_space<vmem>> -> memref<1x128xi32, #tpu.memory_space<vmem>>
        %dma_start3A_428 = tpu.memref_squeeze %dma_start3A_427 : memref<1x128xi32, #tpu.memory_space<vmem>> -> memref<128xi32, #tpu.memory_space<vmem>>
        %dma_start3A_429 = arith.constant 0 : i32
        %dma_start3A_430 = tpu.memref_slice %arg19[%dma_start3A_429] : memref<90112xf32, #tpu.memory_space<vmem_shared>> -> memref<90112xf32, #tpu.memory_space<vmem_shared>>
        tpu.enqueue_indirect_dma source(%arg15 : memref<128xf32, #tpu.memory_space<vmem>>) target(%dma_start3A_430 : memref<90112xf32, #tpu.memory_space<vmem_shared>>) offsets(%dma_start3A_428 : memref<128xi32, #tpu.memory_space<vmem>>) semaphore(%run_scoped3A_425 : memref<!tpu.dma_semaphore, #tpu.memory_space<semaphore_mem>>) {add = true}
        %dma_wait3A_431 = arith.constant 0 : i32
        %dma_wait3A_432 = tpu.memref_slice %arg13[%run_scoped3A_301, %dma_wait3A_431] : memref<8x128xi32, #tpu.memory_space<vmem>> -> memref<1x128xi32, #tpu.memory_space<vmem>>
        %dma_wait3A_433 = tpu.memref_squeeze %dma_wait3A_432 : memref<1x128xi32, #tpu.memory_space<vmem>> -> memref<128xi32, #tpu.memory_space<vmem>>
        %dma_wait3A_434 = arith.constant 0 : i32
        %dma_wait3A_435 = tpu.memref_slice %arg19[%dma_wait3A_434] : memref<90112xf32, #tpu.memory_space<vmem_shared>> -> memref<90112xf32, #tpu.memory_space<vmem_shared>>
        tpu.wait_indirect_dma semaphore(%run_scoped3A_425 : memref<!tpu.dma_semaphore, #tpu.memory_space<semaphore_mem>>) src(%arg15 : memref<128xf32, #tpu.memory_space<vmem>>) dst(%dma_wait3A_435 : memref<90112xf32, #tpu.memory_space<vmem_shared>>)
        tpu.yield
      }) : () -> ()
      %dma_start3A_302 = arith.constant 4 : i32
      %dma_start3A_303 = arith.constant 0 : i32
      %dma_start3A_304 = arith.constant 0 : i32
      %dma_start3A_305 = arith.constant 0 : i32
      %dma_start3A_306 = tpu.memref_slice %arg14[%dma_start3A_303, %dma_start3A_304, %dma_start3A_305] : memref<2x128x128xf32, #tpu.memory_space<vmem>> -> memref<1x128x128xf32, #tpu.memory_space<vmem>>
      %dma_start3A_307 = tpu.memref_squeeze %dma_start3A_306 : memref<1x128x128xf32, #tpu.memory_space<vmem>> -> memref<128x128xf32, #tpu.memory_space<vmem>>
      %dma_start3A_308 = arith.constant 0 : i32
      %dma_start3A_309 = tpu.memref_slice %arg11[%dma_start3A_302, %dma_start3A_308] : memref<8x128xi32, #tpu.memory_space<vmem>> -> memref<1x128xi32, #tpu.memory_space<vmem>>
      %dma_start3A_310 = tpu.memref_squeeze %dma_start3A_309 : memref<1x128xi32, #tpu.memory_space<vmem>> -> memref<128xi32, #tpu.memory_space<vmem>>
      %dma_start3A_311 = arith.constant 0 : i32
      %dma_start3A_312 = arith.constant 0 : i32
      %dma_start3A_313 = tpu.memref_slice %arg17[%dma_start3A_311, %dma_start3A_312] : memref<5120x128xf32, #tpu.memory_space<vmem_shared>> -> memref<5120x128xf32, #tpu.memory_space<vmem_shared>>
      tpu.enqueue_indirect_dma source(%dma_start3A_313 : memref<5120x128xf32, #tpu.memory_space<vmem_shared>>) target(%dma_start3A_307 : memref<128x128xf32, #tpu.memory_space<vmem>>) offsets(%dma_start3A_310 : memref<128xi32, #tpu.memory_space<vmem>>) semaphore(%arg20 : memref<!tpu.dma_semaphore, #tpu.memory_space<semaphore_mem>>)
      %dma_wait3A_314 = arith.constant 3 : i32
      %dma_wait3A_315 = arith.constant 1 : i32
      %dma_wait3A_316 = arith.constant 0 : i32
      %dma_wait3A_317 = arith.constant 0 : i32
      %dma_wait3A_318 = tpu.memref_slice %arg14[%dma_wait3A_315, %dma_wait3A_316, %dma_wait3A_317] : memref<2x128x128xf32, #tpu.memory_space<vmem>> -> memref<1x128x128xf32, #tpu.memory_space<vmem>>
      %dma_wait3A_319 = tpu.memref_squeeze %dma_wait3A_318 : memref<1x128x128xf32, #tpu.memory_space<vmem>> -> memref<128x128xf32, #tpu.memory_space<vmem>>
      %dma_wait3A_320 = arith.constant 0 : i32
      %dma_wait3A_321 = tpu.memref_slice %arg11[%dma_wait3A_314, %dma_wait3A_320] : memref<8x128xi32, #tpu.memory_space<vmem>> -> memref<1x128xi32, #tpu.memory_space<vmem>>
      %dma_wait3A_322 = tpu.memref_squeeze %dma_wait3A_321 : memref<1x128xi32, #tpu.memory_space<vmem>> -> memref<128xi32, #tpu.memory_space<vmem>>
      %dma_wait3A_323 = arith.constant 0 : i32
      %dma_wait3A_324 = arith.constant 0 : i32
      %dma_wait3A_325 = tpu.memref_slice %arg17[%dma_wait3A_323, %dma_wait3A_324] : memref<5120x128xf32, #tpu.memory_space<vmem_shared>> -> memref<5120x128xf32, #tpu.memory_space<vmem_shared>>
      tpu.wait_indirect_dma semaphore(%arg21 : memref<!tpu.dma_semaphore, #tpu.memory_space<semaphore_mem>>) src(%dma_wait3A_325 : memref<5120x128xf32, #tpu.memory_space<vmem_shared>>) dst(%dma_wait3A_319 : memref<128x128xf32, #tpu.memory_space<vmem>>)
      %run_scoped3A_326 = arith.constant 1 : i32
      %run_scoped3A_327 = arith.constant 3 : i32
      "tpu.region"() ({
        %run_scoped3A_425 = tpu.sem_alloc : memref<!tpu.dma_semaphore, #tpu.memory_space<semaphore_mem>>
        %dma_start3A_426 = arith.constant 0 : i32
        %dma_start3A_427 = arith.constant 0 : i32
        %dma_start3A_428 = tpu.memref_slice %arg14[%run_scoped3A_326, %dma_start3A_426, %dma_start3A_427] : memref<2x128x128xf32, #tpu.memory_space<vmem>> -> memref<1x128x128xf32, #tpu.memory_space<vmem>>
        %dma_start3A_429 = tpu.memref_squeeze %dma_start3A_428 : memref<1x128x128xf32, #tpu.memory_space<vmem>> -> memref<128x128xf32, #tpu.memory_space<vmem>>
        %dma_start3A_430 = arith.constant 0 : i32
        %dma_start3A_431 = tpu.memref_slice %arg12[%run_scoped3A_327, %dma_start3A_430] : memref<8x128xi32, #tpu.memory_space<vmem>> -> memref<1x128xi32, #tpu.memory_space<vmem>>
        %dma_start3A_432 = tpu.memref_squeeze %dma_start3A_431 : memref<1x128xi32, #tpu.memory_space<vmem>> -> memref<128xi32, #tpu.memory_space<vmem>>
        %dma_start3A_433 = arith.constant 0 : i32
        %dma_start3A_434 = arith.constant 0 : i32
        %dma_start3A_435 = tpu.memref_slice %arg18[%dma_start3A_433, %dma_start3A_434] : memref<5120x128xf32, #tpu.memory_space<vmem_shared>> -> memref<5120x128xf32, #tpu.memory_space<vmem_shared>>
        tpu.enqueue_indirect_dma source(%dma_start3A_429 : memref<128x128xf32, #tpu.memory_space<vmem>>) target(%dma_start3A_435 : memref<5120x128xf32, #tpu.memory_space<vmem_shared>>) offsets(%dma_start3A_432 : memref<128xi32, #tpu.memory_space<vmem>>) semaphore(%run_scoped3A_425 : memref<!tpu.dma_semaphore, #tpu.memory_space<semaphore_mem>>) {add = true}
        %dma_wait3A_436 = arith.constant 0 : i32
        %dma_wait3A_437 = arith.constant 0 : i32
        %dma_wait3A_438 = tpu.memref_slice %arg14[%run_scoped3A_326, %dma_wait3A_436, %dma_wait3A_437] : memref<2x128x128xf32, #tpu.memory_space<vmem>> -> memref<1x128x128xf32, #tpu.memory_space<vmem>>
        %dma_wait3A_439 = tpu.memref_squeeze %dma_wait3A_438 : memref<1x128x128xf32, #tpu.memory_space<vmem>> -> memref<128x128xf32, #tpu.memory_space<vmem>>
        %dma_wait3A_440 = arith.constant 0 : i32
        %dma_wait3A_441 = tpu.memref_slice %arg12[%run_scoped3A_327, %dma_wait3A_440] : memref<8x128xi32, #tpu.memory_space<vmem>> -> memref<1x128xi32, #tpu.memory_space<vmem>>
        %dma_wait3A_442 = tpu.memref_squeeze %dma_wait3A_441 : memref<1x128xi32, #tpu.memory_space<vmem>> -> memref<128xi32, #tpu.memory_space<vmem>>
        %dma_wait3A_443 = arith.constant 0 : i32
        %dma_wait3A_444 = arith.constant 0 : i32
        %dma_wait3A_445 = tpu.memref_slice %arg18[%dma_wait3A_443, %dma_wait3A_444] : memref<5120x128xf32, #tpu.memory_space<vmem_shared>> -> memref<5120x128xf32, #tpu.memory_space<vmem_shared>>
        tpu.wait_indirect_dma semaphore(%run_scoped3A_425 : memref<!tpu.dma_semaphore, #tpu.memory_space<semaphore_mem>>) src(%dma_wait3A_439 : memref<128x128xf32, #tpu.memory_space<vmem>>) dst(%dma_wait3A_445 : memref<5120x128xf32, #tpu.memory_space<vmem_shared>>)
        tpu.yield
      }) : () -> ()
      %run_scoped3A_328 = arith.constant 3 : i32
      "tpu.region"() ({
        %run_scoped3A_425 = tpu.sem_alloc : memref<!tpu.dma_semaphore, #tpu.memory_space<semaphore_mem>>
        %dma_start3A_426 = arith.constant 0 : i32
        %dma_start3A_427 = tpu.memref_slice %arg13[%run_scoped3A_328, %dma_start3A_426] : memref<8x128xi32, #tpu.memory_space<vmem>> -> memref<1x128xi32, #tpu.memory_space<vmem>>
        %dma_start3A_428 = tpu.memref_squeeze %dma_start3A_427 : memref<1x128xi32, #tpu.memory_space<vmem>> -> memref<128xi32, #tpu.memory_space<vmem>>
        %dma_start3A_429 = arith.constant 0 : i32
        %dma_start3A_430 = tpu.memref_slice %arg19[%dma_start3A_429] : memref<90112xf32, #tpu.memory_space<vmem_shared>> -> memref<90112xf32, #tpu.memory_space<vmem_shared>>
        tpu.enqueue_indirect_dma source(%arg15 : memref<128xf32, #tpu.memory_space<vmem>>) target(%dma_start3A_430 : memref<90112xf32, #tpu.memory_space<vmem_shared>>) offsets(%dma_start3A_428 : memref<128xi32, #tpu.memory_space<vmem>>) semaphore(%run_scoped3A_425 : memref<!tpu.dma_semaphore, #tpu.memory_space<semaphore_mem>>) {add = true}
        %dma_wait3A_431 = arith.constant 0 : i32
        %dma_wait3A_432 = tpu.memref_slice %arg13[%run_scoped3A_328, %dma_wait3A_431] : memref<8x128xi32, #tpu.memory_space<vmem>> -> memref<1x128xi32, #tpu.memory_space<vmem>>
        %dma_wait3A_433 = tpu.memref_squeeze %dma_wait3A_432 : memref<1x128xi32, #tpu.memory_space<vmem>> -> memref<128xi32, #tpu.memory_space<vmem>>
        %dma_wait3A_434 = arith.constant 0 : i32
        %dma_wait3A_435 = tpu.memref_slice %arg19[%dma_wait3A_434] : memref<90112xf32, #tpu.memory_space<vmem_shared>> -> memref<90112xf32, #tpu.memory_space<vmem_shared>>
        tpu.wait_indirect_dma semaphore(%run_scoped3A_425 : memref<!tpu.dma_semaphore, #tpu.memory_space<semaphore_mem>>) src(%arg15 : memref<128xf32, #tpu.memory_space<vmem>>) dst(%dma_wait3A_435 : memref<90112xf32, #tpu.memory_space<vmem_shared>>)
        tpu.yield
      }) : () -> ()
      %dma_start3A_329 = arith.constant 5 : i32
      %dma_start3A_330 = arith.constant 1 : i32
      %dma_start3A_331 = arith.constant 0 : i32
      %dma_start3A_332 = arith.constant 0 : i32
      %dma_start3A_333 = tpu.memref_slice %arg14[%dma_start3A_330, %dma_start3A_331, %dma_start3A_332] : memref<2x128x128xf32, #tpu.memory_space<vmem>> -> memref<1x128x128xf32, #tpu.memory_space<vmem>>
      %dma_start3A_334 = tpu.memref_squeeze %dma_start3A_333 : memref<1x128x128xf32, #tpu.memory_space<vmem>> -> memref<128x128xf32, #tpu.memory_space<vmem>>
      %dma_start3A_335 = arith.constant 0 : i32
      %dma_start3A_336 = tpu.memref_slice %arg11[%dma_start3A_329, %dma_start3A_335] : memref<8x128xi32, #tpu.memory_space<vmem>> -> memref<1x128xi32, #tpu.memory_space<vmem>>
      %dma_start3A_337 = tpu.memref_squeeze %dma_start3A_336 : memref<1x128xi32, #tpu.memory_space<vmem>> -> memref<128xi32, #tpu.memory_space<vmem>>
      %dma_start3A_338 = arith.constant 0 : i32
      %dma_start3A_339 = arith.constant 0 : i32
      %dma_start3A_340 = tpu.memref_slice %arg17[%dma_start3A_338, %dma_start3A_339] : memref<5120x128xf32, #tpu.memory_space<vmem_shared>> -> memref<5120x128xf32, #tpu.memory_space<vmem_shared>>
      tpu.enqueue_indirect_dma source(%dma_start3A_340 : memref<5120x128xf32, #tpu.memory_space<vmem_shared>>) target(%dma_start3A_334 : memref<128x128xf32, #tpu.memory_space<vmem>>) offsets(%dma_start3A_337 : memref<128xi32, #tpu.memory_space<vmem>>) semaphore(%arg21 : memref<!tpu.dma_semaphore, #tpu.memory_space<semaphore_mem>>)
      %dma_wait3A_341 = arith.constant 4 : i32
      %dma_wait3A_342 = arith.constant 0 : i32
      %dma_wait3A_343 = arith.constant 0 : i32
      %dma_wait3A_344 = arith.constant 0 : i32
      %dma_wait3A_345 = tpu.memref_slice %arg14[%dma_wait3A_342, %dma_wait3A_343, %dma_wait3A_344] : memref<2x128x128xf32, #tpu.memory_space<vmem>> -> memref<1x128x128xf32, #tpu.memory_space<vmem>>
      %dma_wait3A_346 = tpu.memref_squeeze %dma_wait3A_345 : memref<1x128x128xf32, #tpu.memory_space<vmem>> -> memref<128x128xf32, #tpu.memory_space<vmem>>
      %dma_wait3A_347 = arith.constant 0 : i32
      %dma_wait3A_348 = tpu.memref_slice %arg11[%dma_wait3A_341, %dma_wait3A_347] : memref<8x128xi32, #tpu.memory_space<vmem>> -> memref<1x128xi32, #tpu.memory_space<vmem>>
      %dma_wait3A_349 = tpu.memref_squeeze %dma_wait3A_348 : memref<1x128xi32, #tpu.memory_space<vmem>> -> memref<128xi32, #tpu.memory_space<vmem>>
      %dma_wait3A_350 = arith.constant 0 : i32
      %dma_wait3A_351 = arith.constant 0 : i32
      %dma_wait3A_352 = tpu.memref_slice %arg17[%dma_wait3A_350, %dma_wait3A_351] : memref<5120x128xf32, #tpu.memory_space<vmem_shared>> -> memref<5120x128xf32, #tpu.memory_space<vmem_shared>>
      tpu.wait_indirect_dma semaphore(%arg20 : memref<!tpu.dma_semaphore, #tpu.memory_space<semaphore_mem>>) src(%dma_wait3A_352 : memref<5120x128xf32, #tpu.memory_space<vmem_shared>>) dst(%dma_wait3A_346 : memref<128x128xf32, #tpu.memory_space<vmem>>)
      %run_scoped3A_353 = arith.constant 0 : i32
      %run_scoped3A_354 = arith.constant 4 : i32
      "tpu.region"() ({
        %run_scoped3A_425 = tpu.sem_alloc : memref<!tpu.dma_semaphore, #tpu.memory_space<semaphore_mem>>
        %dma_start3A_426 = arith.constant 0 : i32
        %dma_start3A_427 = arith.constant 0 : i32
        %dma_start3A_428 = tpu.memref_slice %arg14[%run_scoped3A_353, %dma_start3A_426, %dma_start3A_427] : memref<2x128x128xf32, #tpu.memory_space<vmem>> -> memref<1x128x128xf32, #tpu.memory_space<vmem>>
        %dma_start3A_429 = tpu.memref_squeeze %dma_start3A_428 : memref<1x128x128xf32, #tpu.memory_space<vmem>> -> memref<128x128xf32, #tpu.memory_space<vmem>>
        %dma_start3A_430 = arith.constant 0 : i32
        %dma_start3A_431 = tpu.memref_slice %arg12[%run_scoped3A_354, %dma_start3A_430] : memref<8x128xi32, #tpu.memory_space<vmem>> -> memref<1x128xi32, #tpu.memory_space<vmem>>
        %dma_start3A_432 = tpu.memref_squeeze %dma_start3A_431 : memref<1x128xi32, #tpu.memory_space<vmem>> -> memref<128xi32, #tpu.memory_space<vmem>>
        %dma_start3A_433 = arith.constant 0 : i32
        %dma_start3A_434 = arith.constant 0 : i32
        %dma_start3A_435 = tpu.memref_slice %arg18[%dma_start3A_433, %dma_start3A_434] : memref<5120x128xf32, #tpu.memory_space<vmem_shared>> -> memref<5120x128xf32, #tpu.memory_space<vmem_shared>>
        tpu.enqueue_indirect_dma source(%dma_start3A_429 : memref<128x128xf32, #tpu.memory_space<vmem>>) target(%dma_start3A_435 : memref<5120x128xf32, #tpu.memory_space<vmem_shared>>) offsets(%dma_start3A_432 : memref<128xi32, #tpu.memory_space<vmem>>) semaphore(%run_scoped3A_425 : memref<!tpu.dma_semaphore, #tpu.memory_space<semaphore_mem>>) {add = true}
        %dma_wait3A_436 = arith.constant 0 : i32
        %dma_wait3A_437 = arith.constant 0 : i32
        %dma_wait3A_438 = tpu.memref_slice %arg14[%run_scoped3A_353, %dma_wait3A_436, %dma_wait3A_437] : memref<2x128x128xf32, #tpu.memory_space<vmem>> -> memref<1x128x128xf32, #tpu.memory_space<vmem>>
        %dma_wait3A_439 = tpu.memref_squeeze %dma_wait3A_438 : memref<1x128x128xf32, #tpu.memory_space<vmem>> -> memref<128x128xf32, #tpu.memory_space<vmem>>
        %dma_wait3A_440 = arith.constant 0 : i32
        %dma_wait3A_441 = tpu.memref_slice %arg12[%run_scoped3A_354, %dma_wait3A_440] : memref<8x128xi32, #tpu.memory_space<vmem>> -> memref<1x128xi32, #tpu.memory_space<vmem>>
        %dma_wait3A_442 = tpu.memref_squeeze %dma_wait3A_441 : memref<1x128xi32, #tpu.memory_space<vmem>> -> memref<128xi32, #tpu.memory_space<vmem>>
        %dma_wait3A_443 = arith.constant 0 : i32
        %dma_wait3A_444 = arith.constant 0 : i32
        %dma_wait3A_445 = tpu.memref_slice %arg18[%dma_wait3A_443, %dma_wait3A_444] : memref<5120x128xf32, #tpu.memory_space<vmem_shared>> -> memref<5120x128xf32, #tpu.memory_space<vmem_shared>>
        tpu.wait_indirect_dma semaphore(%run_scoped3A_425 : memref<!tpu.dma_semaphore, #tpu.memory_space<semaphore_mem>>) src(%dma_wait3A_439 : memref<128x128xf32, #tpu.memory_space<vmem>>) dst(%dma_wait3A_445 : memref<5120x128xf32, #tpu.memory_space<vmem_shared>>)
        tpu.yield
      }) : () -> ()
      %run_scoped3A_355 = arith.constant 4 : i32
      "tpu.region"() ({
        %run_scoped3A_425 = tpu.sem_alloc : memref<!tpu.dma_semaphore, #tpu.memory_space<semaphore_mem>>
        %dma_start3A_426 = arith.constant 0 : i32
        %dma_start3A_427 = tpu.memref_slice %arg13[%run_scoped3A_355, %dma_start3A_426] : memref<8x128xi32, #tpu.memory_space<vmem>> -> memref<1x128xi32, #tpu.memory_space<vmem>>
        %dma_start3A_428 = tpu.memref_squeeze %dma_start3A_427 : memref<1x128xi32, #tpu.memory_space<vmem>> -> memref<128xi32, #tpu.memory_space<vmem>>
        %dma_start3A_429 = arith.constant 0 : i32
        %dma_start3A_430 = tpu.memref_slice %arg19[%dma_start3A_429] : memref<90112xf32, #tpu.memory_space<vmem_shared>> -> memref<90112xf32, #tpu.memory_space<vmem_shared>>
        tpu.enqueue_indirect_dma source(%arg15 : memref<128xf32, #tpu.memory_space<vmem>>) target(%dma_start3A_430 : memref<90112xf32, #tpu.memory_space<vmem_shared>>) offsets(%dma_start3A_428 : memref<128xi32, #tpu.memory_space<vmem>>) semaphore(%run_scoped3A_425 : memref<!tpu.dma_semaphore, #tpu.memory_space<semaphore_mem>>) {add = true}
        %dma_wait3A_431 = arith.constant 0 : i32
        %dma_wait3A_432 = tpu.memref_slice %arg13[%run_scoped3A_355, %dma_wait3A_431] : memref<8x128xi32, #tpu.memory_space<vmem>> -> memref<1x128xi32, #tpu.memory_space<vmem>>
        %dma_wait3A_433 = tpu.memref_squeeze %dma_wait3A_432 : memref<1x128xi32, #tpu.memory_space<vmem>> -> memref<128xi32, #tpu.memory_space<vmem>>
        %dma_wait3A_434 = arith.constant 0 : i32
        %dma_wait3A_435 = tpu.memref_slice %arg19[%dma_wait3A_434] : memref<90112xf32, #tpu.memory_space<vmem_shared>> -> memref<90112xf32, #tpu.memory_space<vmem_shared>>
        tpu.wait_indirect_dma semaphore(%run_scoped3A_425 : memref<!tpu.dma_semaphore, #tpu.memory_space<semaphore_mem>>) src(%arg15 : memref<128xf32, #tpu.memory_space<vmem>>) dst(%dma_wait3A_435 : memref<90112xf32, #tpu.memory_space<vmem_shared>>)
        tpu.yield
      }) : () -> ()
      %dma_start3A_356 = arith.constant 6 : i32
      %dma_start3A_357 = arith.constant 0 : i32
      %dma_start3A_358 = arith.constant 0 : i32
      %dma_start3A_359 = arith.constant 0 : i32
      %dma_start3A_360 = tpu.memref_slice %arg14[%dma_start3A_357, %dma_start3A_358, %dma_start3A_359] : memref<2x128x128xf32, #tpu.memory_space<vmem>> -> memref<1x128x128xf32, #tpu.memory_space<vmem>>
      %dma_start3A_361 = tpu.memref_squeeze %dma_start3A_360 : memref<1x128x128xf32, #tpu.memory_space<vmem>> -> memref<128x128xf32, #tpu.memory_space<vmem>>
      %dma_start3A_362 = arith.constant 0 : i32
      %dma_start3A_363 = tpu.memref_slice %arg11[%dma_start3A_356, %dma_start3A_362] : memref<8x128xi32, #tpu.memory_space<vmem>> -> memref<1x128xi32, #tpu.memory_space<vmem>>
      %dma_start3A_364 = tpu.memref_squeeze %dma_start3A_363 : memref<1x128xi32, #tpu.memory_space<vmem>> -> memref<128xi32, #tpu.memory_space<vmem>>
      %dma_start3A_365 = arith.constant 0 : i32
      %dma_start3A_366 = arith.constant 0 : i32
      %dma_start3A_367 = tpu.memref_slice %arg17[%dma_start3A_365, %dma_start3A_366] : memref<5120x128xf32, #tpu.memory_space<vmem_shared>> -> memref<5120x128xf32, #tpu.memory_space<vmem_shared>>
      tpu.enqueue_indirect_dma source(%dma_start3A_367 : memref<5120x128xf32, #tpu.memory_space<vmem_shared>>) target(%dma_start3A_361 : memref<128x128xf32, #tpu.memory_space<vmem>>) offsets(%dma_start3A_364 : memref<128xi32, #tpu.memory_space<vmem>>) semaphore(%arg20 : memref<!tpu.dma_semaphore, #tpu.memory_space<semaphore_mem>>)
      %dma_wait3A_368 = arith.constant 5 : i32
      %dma_wait3A_369 = arith.constant 1 : i32
      %dma_wait3A_370 = arith.constant 0 : i32
      %dma_wait3A_371 = arith.constant 0 : i32
      %dma_wait3A_372 = tpu.memref_slice %arg14[%dma_wait3A_369, %dma_wait3A_370, %dma_wait3A_371] : memref<2x128x128xf32, #tpu.memory_space<vmem>> -> memref<1x128x128xf32, #tpu.memory_space<vmem>>
      %dma_wait3A_373 = tpu.memref_squeeze %dma_wait3A_372 : memref<1x128x128xf32, #tpu.memory_space<vmem>> -> memref<128x128xf32, #tpu.memory_space<vmem>>
      %dma_wait3A_374 = arith.constant 0 : i32
      %dma_wait3A_375 = tpu.memref_slice %arg11[%dma_wait3A_368, %dma_wait3A_374] : memref<8x128xi32, #tpu.memory_space<vmem>> -> memref<1x128xi32, #tpu.memory_space<vmem>>
      %dma_wait3A_376 = tpu.memref_squeeze %dma_wait3A_375 : memref<1x128xi32, #tpu.memory_space<vmem>> -> memref<128xi32, #tpu.memory_space<vmem>>
      %dma_wait3A_377 = arith.constant 0 : i32
      %dma_wait3A_378 = arith.constant 0 : i32
      %dma_wait3A_379 = tpu.memref_slice %arg17[%dma_wait3A_377, %dma_wait3A_378] : memref<5120x128xf32, #tpu.memory_space<vmem_shared>> -> memref<5120x128xf32, #tpu.memory_space<vmem_shared>>
      tpu.wait_indirect_dma semaphore(%arg21 : memref<!tpu.dma_semaphore, #tpu.memory_space<semaphore_mem>>) src(%dma_wait3A_379 : memref<5120x128xf32, #tpu.memory_space<vmem_shared>>) dst(%dma_wait3A_373 : memref<128x128xf32, #tpu.memory_space<vmem>>)
      %run_scoped3A_380 = arith.constant 1 : i32
      %run_scoped3A_381 = arith.constant 5 : i32
      "tpu.region"() ({
        %run_scoped3A_425 = tpu.sem_alloc : memref<!tpu.dma_semaphore, #tpu.memory_space<semaphore_mem>>
        %dma_start3A_426 = arith.constant 0 : i32
        %dma_start3A_427 = arith.constant 0 : i32
        %dma_start3A_428 = tpu.memref_slice %arg14[%run_scoped3A_380, %dma_start3A_426, %dma_start3A_427] : memref<2x128x128xf32, #tpu.memory_space<vmem>> -> memref<1x128x128xf32, #tpu.memory_space<vmem>>
        %dma_start3A_429 = tpu.memref_squeeze %dma_start3A_428 : memref<1x128x128xf32, #tpu.memory_space<vmem>> -> memref<128x128xf32, #tpu.memory_space<vmem>>
        %dma_start3A_430 = arith.constant 0 : i32
        %dma_start3A_431 = tpu.memref_slice %arg12[%run_scoped3A_381, %dma_start3A_430] : memref<8x128xi32, #tpu.memory_space<vmem>> -> memref<1x128xi32, #tpu.memory_space<vmem>>
        %dma_start3A_432 = tpu.memref_squeeze %dma_start3A_431 : memref<1x128xi32, #tpu.memory_space<vmem>> -> memref<128xi32, #tpu.memory_space<vmem>>
        %dma_start3A_433 = arith.constant 0 : i32
        %dma_start3A_434 = arith.constant 0 : i32
        %dma_start3A_435 = tpu.memref_slice %arg18[%dma_start3A_433, %dma_start3A_434] : memref<5120x128xf32, #tpu.memory_space<vmem_shared>> -> memref<5120x128xf32, #tpu.memory_space<vmem_shared>>
        tpu.enqueue_indirect_dma source(%dma_start3A_429 : memref<128x128xf32, #tpu.memory_space<vmem>>) target(%dma_start3A_435 : memref<5120x128xf32, #tpu.memory_space<vmem_shared>>) offsets(%dma_start3A_432 : memref<128xi32, #tpu.memory_space<vmem>>) semaphore(%run_scoped3A_425 : memref<!tpu.dma_semaphore, #tpu.memory_space<semaphore_mem>>) {add = true}
        %dma_wait3A_436 = arith.constant 0 : i32
        %dma_wait3A_437 = arith.constant 0 : i32
        %dma_wait3A_438 = tpu.memref_slice %arg14[%run_scoped3A_380, %dma_wait3A_436, %dma_wait3A_437] : memref<2x128x128xf32, #tpu.memory_space<vmem>> -> memref<1x128x128xf32, #tpu.memory_space<vmem>>
        %dma_wait3A_439 = tpu.memref_squeeze %dma_wait3A_438 : memref<1x128x128xf32, #tpu.memory_space<vmem>> -> memref<128x128xf32, #tpu.memory_space<vmem>>
        %dma_wait3A_440 = arith.constant 0 : i32
        %dma_wait3A_441 = tpu.memref_slice %arg12[%run_scoped3A_381, %dma_wait3A_440] : memref<8x128xi32, #tpu.memory_space<vmem>> -> memref<1x128xi32, #tpu.memory_space<vmem>>
        %dma_wait3A_442 = tpu.memref_squeeze %dma_wait3A_441 : memref<1x128xi32, #tpu.memory_space<vmem>> -> memref<128xi32, #tpu.memory_space<vmem>>
        %dma_wait3A_443 = arith.constant 0 : i32
        %dma_wait3A_444 = arith.constant 0 : i32
        %dma_wait3A_445 = tpu.memref_slice %arg18[%dma_wait3A_443, %dma_wait3A_444] : memref<5120x128xf32, #tpu.memory_space<vmem_shared>> -> memref<5120x128xf32, #tpu.memory_space<vmem_shared>>
        tpu.wait_indirect_dma semaphore(%run_scoped3A_425 : memref<!tpu.dma_semaphore, #tpu.memory_space<semaphore_mem>>) src(%dma_wait3A_439 : memref<128x128xf32, #tpu.memory_space<vmem>>) dst(%dma_wait3A_445 : memref<5120x128xf32, #tpu.memory_space<vmem_shared>>)
        tpu.yield
      }) : () -> ()
      %run_scoped3A_382 = arith.constant 5 : i32
      "tpu.region"() ({
        %run_scoped3A_425 = tpu.sem_alloc : memref<!tpu.dma_semaphore, #tpu.memory_space<semaphore_mem>>
        %dma_start3A_426 = arith.constant 0 : i32
        %dma_start3A_427 = tpu.memref_slice %arg13[%run_scoped3A_382, %dma_start3A_426] : memref<8x128xi32, #tpu.memory_space<vmem>> -> memref<1x128xi32, #tpu.memory_space<vmem>>
        %dma_start3A_428 = tpu.memref_squeeze %dma_start3A_427 : memref<1x128xi32, #tpu.memory_space<vmem>> -> memref<128xi32, #tpu.memory_space<vmem>>
        %dma_start3A_429 = arith.constant 0 : i32
        %dma_start3A_430 = tpu.memref_slice %arg19[%dma_start3A_429] : memref<90112xf32, #tpu.memory_space<vmem_shared>> -> memref<90112xf32, #tpu.memory_space<vmem_shared>>
        tpu.enqueue_indirect_dma source(%arg15 : memref<128xf32, #tpu.memory_space<vmem>>) target(%dma_start3A_430 : memref<90112xf32, #tpu.memory_space<vmem_shared>>) offsets(%dma_start3A_428 : memref<128xi32, #tpu.memory_space<vmem>>) semaphore(%run_scoped3A_425 : memref<!tpu.dma_semaphore, #tpu.memory_space<semaphore_mem>>) {add = true}
        %dma_wait3A_431 = arith.constant 0 : i32
        %dma_wait3A_432 = tpu.memref_slice %arg13[%run_scoped3A_382, %dma_wait3A_431] : memref<8x128xi32, #tpu.memory_space<vmem>> -> memref<1x128xi32, #tpu.memory_space<vmem>>
        %dma_wait3A_433 = tpu.memref_squeeze %dma_wait3A_432 : memref<1x128xi32, #tpu.memory_space<vmem>> -> memref<128xi32, #tpu.memory_space<vmem>>
        %dma_wait3A_434 = arith.constant 0 : i32
        %dma_wait3A_435 = tpu.memref_slice %arg19[%dma_wait3A_434] : memref<90112xf32, #tpu.memory_space<vmem_shared>> -> memref<90112xf32, #tpu.memory_space<vmem_shared>>
        tpu.wait_indirect_dma semaphore(%run_scoped3A_425 : memref<!tpu.dma_semaphore, #tpu.memory_space<semaphore_mem>>) src(%arg15 : memref<128xf32, #tpu.memory_space<vmem>>) dst(%dma_wait3A_435 : memref<90112xf32, #tpu.memory_space<vmem_shared>>)
        tpu.yield
      }) : () -> ()
      %dma_start3A_383 = arith.constant 7 : i32
      %dma_start3A_384 = arith.constant 1 : i32
      %dma_start3A_385 = arith.constant 0 : i32
      %dma_start3A_386 = arith.constant 0 : i32
      %dma_start3A_387 = tpu.memref_slice %arg14[%dma_start3A_384, %dma_start3A_385, %dma_start3A_386] : memref<2x128x128xf32, #tpu.memory_space<vmem>> -> memref<1x128x128xf32, #tpu.memory_space<vmem>>
      %dma_start3A_388 = tpu.memref_squeeze %dma_start3A_387 : memref<1x128x128xf32, #tpu.memory_space<vmem>> -> memref<128x128xf32, #tpu.memory_space<vmem>>
      %dma_start3A_389 = arith.constant 0 : i32
      %dma_start3A_390 = tpu.memref_slice %arg11[%dma_start3A_383, %dma_start3A_389] : memref<8x128xi32, #tpu.memory_space<vmem>> -> memref<1x128xi32, #tpu.memory_space<vmem>>
      %dma_start3A_391 = tpu.memref_squeeze %dma_start3A_390 : memref<1x128xi32, #tpu.memory_space<vmem>> -> memref<128xi32, #tpu.memory_space<vmem>>
      %dma_start3A_392 = arith.constant 0 : i32
      %dma_start3A_393 = arith.constant 0 : i32
      %dma_start3A_394 = tpu.memref_slice %arg17[%dma_start3A_392, %dma_start3A_393] : memref<5120x128xf32, #tpu.memory_space<vmem_shared>> -> memref<5120x128xf32, #tpu.memory_space<vmem_shared>>
      tpu.enqueue_indirect_dma source(%dma_start3A_394 : memref<5120x128xf32, #tpu.memory_space<vmem_shared>>) target(%dma_start3A_388 : memref<128x128xf32, #tpu.memory_space<vmem>>) offsets(%dma_start3A_391 : memref<128xi32, #tpu.memory_space<vmem>>) semaphore(%arg21 : memref<!tpu.dma_semaphore, #tpu.memory_space<semaphore_mem>>)
      %dma_wait3A_395 = arith.constant 6 : i32
      %dma_wait3A_396 = arith.constant 0 : i32
      %dma_wait3A_397 = arith.constant 0 : i32
      %dma_wait3A_398 = arith.constant 0 : i32
      %dma_wait3A_399 = tpu.memref_slice %arg14[%dma_wait3A_396, %dma_wait3A_397, %dma_wait3A_398] : memref<2x128x128xf32, #tpu.memory_space<vmem>> -> memref<1x128x128xf32, #tpu.memory_space<vmem>>
      %dma_wait3A_400 = tpu.memref_squeeze %dma_wait3A_399 : memref<1x128x128xf32, #tpu.memory_space<vmem>> -> memref<128x128xf32, #tpu.memory_space<vmem>>
      %dma_wait3A_401 = arith.constant 0 : i32
      %dma_wait3A_402 = tpu.memref_slice %arg11[%dma_wait3A_395, %dma_wait3A_401] : memref<8x128xi32, #tpu.memory_space<vmem>> -> memref<1x128xi32, #tpu.memory_space<vmem>>
      %dma_wait3A_403 = tpu.memref_squeeze %dma_wait3A_402 : memref<1x128xi32, #tpu.memory_space<vmem>> -> memref<128xi32, #tpu.memory_space<vmem>>
      %dma_wait3A_404 = arith.constant 0 : i32
      %dma_wait3A_405 = arith.constant 0 : i32
      %dma_wait3A_406 = tpu.memref_slice %arg17[%dma_wait3A_404, %dma_wait3A_405] : memref<5120x128xf32, #tpu.memory_space<vmem_shared>> -> memref<5120x128xf32, #tpu.memory_space<vmem_shared>>
      tpu.wait_indirect_dma semaphore(%arg20 : memref<!tpu.dma_semaphore, #tpu.memory_space<semaphore_mem>>) src(%dma_wait3A_406 : memref<5120x128xf32, #tpu.memory_space<vmem_shared>>) dst(%dma_wait3A_400 : memref<128x128xf32, #tpu.memory_space<vmem>>)
      %run_scoped3A_407 = arith.constant 0 : i32
      %run_scoped3A_408 = arith.constant 6 : i32
      "tpu.region"() ({
        %run_scoped3A_425 = tpu.sem_alloc : memref<!tpu.dma_semaphore, #tpu.memory_space<semaphore_mem>>
        %dma_start3A_426 = arith.constant 0 : i32
        %dma_start3A_427 = arith.constant 0 : i32
        %dma_start3A_428 = tpu.memref_slice %arg14[%run_scoped3A_407, %dma_start3A_426, %dma_start3A_427] : memref<2x128x128xf32, #tpu.memory_space<vmem>> -> memref<1x128x128xf32, #tpu.memory_space<vmem>>
        %dma_start3A_429 = tpu.memref_squeeze %dma_start3A_428 : memref<1x128x128xf32, #tpu.memory_space<vmem>> -> memref<128x128xf32, #tpu.memory_space<vmem>>
        %dma_start3A_430 = arith.constant 0 : i32
        %dma_start3A_431 = tpu.memref_slice %arg12[%run_scoped3A_408, %dma_start3A_430] : memref<8x128xi32, #tpu.memory_space<vmem>> -> memref<1x128xi32, #tpu.memory_space<vmem>>
        %dma_start3A_432 = tpu.memref_squeeze %dma_start3A_431 : memref<1x128xi32, #tpu.memory_space<vmem>> -> memref<128xi32, #tpu.memory_space<vmem>>
        %dma_start3A_433 = arith.constant 0 : i32
        %dma_start3A_434 = arith.constant 0 : i32
        %dma_start3A_435 = tpu.memref_slice %arg18[%dma_start3A_433, %dma_start3A_434] : memref<5120x128xf32, #tpu.memory_space<vmem_shared>> -> memref<5120x128xf32, #tpu.memory_space<vmem_shared>>
        tpu.enqueue_indirect_dma source(%dma_start3A_429 : memref<128x128xf32, #tpu.memory_space<vmem>>) target(%dma_start3A_435 : memref<5120x128xf32, #tpu.memory_space<vmem_shared>>) offsets(%dma_start3A_432 : memref<128xi32, #tpu.memory_space<vmem>>) semaphore(%run_scoped3A_425 : memref<!tpu.dma_semaphore, #tpu.memory_space<semaphore_mem>>) {add = true}
        %dma_wait3A_436 = arith.constant 0 : i32
        %dma_wait3A_437 = arith.constant 0 : i32
        %dma_wait3A_438 = tpu.memref_slice %arg14[%run_scoped3A_407, %dma_wait3A_436, %dma_wait3A_437] : memref<2x128x128xf32, #tpu.memory_space<vmem>> -> memref<1x128x128xf32, #tpu.memory_space<vmem>>
        %dma_wait3A_439 = tpu.memref_squeeze %dma_wait3A_438 : memref<1x128x128xf32, #tpu.memory_space<vmem>> -> memref<128x128xf32, #tpu.memory_space<vmem>>
        %dma_wait3A_440 = arith.constant 0 : i32
        %dma_wait3A_441 = tpu.memref_slice %arg12[%run_scoped3A_408, %dma_wait3A_440] : memref<8x128xi32, #tpu.memory_space<vmem>> -> memref<1x128xi32, #tpu.memory_space<vmem>>
        %dma_wait3A_442 = tpu.memref_squeeze %dma_wait3A_441 : memref<1x128xi32, #tpu.memory_space<vmem>> -> memref<128xi32, #tpu.memory_space<vmem>>
        %dma_wait3A_443 = arith.constant 0 : i32
        %dma_wait3A_444 = arith.constant 0 : i32
        %dma_wait3A_445 = tpu.memref_slice %arg18[%dma_wait3A_443, %dma_wait3A_444] : memref<5120x128xf32, #tpu.memory_space<vmem_shared>> -> memref<5120x128xf32, #tpu.memory_space<vmem_shared>>
        tpu.wait_indirect_dma semaphore(%run_scoped3A_425 : memref<!tpu.dma_semaphore, #tpu.memory_space<semaphore_mem>>) src(%dma_wait3A_439 : memref<128x128xf32, #tpu.memory_space<vmem>>) dst(%dma_wait3A_445 : memref<5120x128xf32, #tpu.memory_space<vmem_shared>>)
        tpu.yield
      }) : () -> ()
      %run_scoped3A_409 = arith.constant 6 : i32
      "tpu.region"() ({
        %run_scoped3A_425 = tpu.sem_alloc : memref<!tpu.dma_semaphore, #tpu.memory_space<semaphore_mem>>
        %dma_start3A_426 = arith.constant 0 : i32
        %dma_start3A_427 = tpu.memref_slice %arg13[%run_scoped3A_409, %dma_start3A_426] : memref<8x128xi32, #tpu.memory_space<vmem>> -> memref<1x128xi32, #tpu.memory_space<vmem>>
        %dma_start3A_428 = tpu.memref_squeeze %dma_start3A_427 : memref<1x128xi32, #tpu.memory_space<vmem>> -> memref<128xi32, #tpu.memory_space<vmem>>
        %dma_start3A_429 = arith.constant 0 : i32
        %dma_start3A_430 = tpu.memref_slice %arg19[%dma_start3A_429] : memref<90112xf32, #tpu.memory_space<vmem_shared>> -> memref<90112xf32, #tpu.memory_space<vmem_shared>>
        tpu.enqueue_indirect_dma source(%arg15 : memref<128xf32, #tpu.memory_space<vmem>>) target(%dma_start3A_430 : memref<90112xf32, #tpu.memory_space<vmem_shared>>) offsets(%dma_start3A_428 : memref<128xi32, #tpu.memory_space<vmem>>) semaphore(%run_scoped3A_425 : memref<!tpu.dma_semaphore, #tpu.memory_space<semaphore_mem>>) {add = true}
        %dma_wait3A_431 = arith.constant 0 : i32
        %dma_wait3A_432 = tpu.memref_slice %arg13[%run_scoped3A_409, %dma_wait3A_431] : memref<8x128xi32, #tpu.memory_space<vmem>> -> memref<1x128xi32, #tpu.memory_space<vmem>>
        %dma_wait3A_433 = tpu.memref_squeeze %dma_wait3A_432 : memref<1x128xi32, #tpu.memory_space<vmem>> -> memref<128xi32, #tpu.memory_space<vmem>>
        %dma_wait3A_434 = arith.constant 0 : i32
        %dma_wait3A_435 = tpu.memref_slice %arg19[%dma_wait3A_434] : memref<90112xf32, #tpu.memory_space<vmem_shared>> -> memref<90112xf32, #tpu.memory_space<vmem_shared>>
        tpu.wait_indirect_dma semaphore(%run_scoped3A_425 : memref<!tpu.dma_semaphore, #tpu.memory_space<semaphore_mem>>) src(%arg15 : memref<128xf32, #tpu.memory_space<vmem>>) dst(%dma_wait3A_435 : memref<90112xf32, #tpu.memory_space<vmem_shared>>)
        tpu.yield
      }) : () -> ()
      %dma_wait3A_410 = arith.constant 7 : i32
      %dma_wait3A_411 = arith.constant 1 : i32
      %dma_wait3A_412 = arith.constant 0 : i32
      %dma_wait3A_413 = arith.constant 0 : i32
      %dma_wait3A_414 = tpu.memref_slice %arg14[%dma_wait3A_411, %dma_wait3A_412, %dma_wait3A_413] : memref<2x128x128xf32, #tpu.memory_space<vmem>> -> memref<1x128x128xf32, #tpu.memory_space<vmem>>
      %dma_wait3A_415 = tpu.memref_squeeze %dma_wait3A_414 : memref<1x128x128xf32, #tpu.memory_space<vmem>> -> memref<128x128xf32, #tpu.memory_space<vmem>>
      %dma_wait3A_416 = arith.constant 0 : i32
      %dma_wait3A_417 = tpu.memref_slice %arg11[%dma_wait3A_410, %dma_wait3A_416] : memref<8x128xi32, #tpu.memory_space<vmem>> -> memref<1x128xi32, #tpu.memory_space<vmem>>
      %dma_wait3A_418 = tpu.memref_squeeze %dma_wait3A_417 : memref<1x128xi32, #tpu.memory_space<vmem>> -> memref<128xi32, #tpu.memory_space<vmem>>
      %dma_wait3A_419 = arith.constant 0 : i32
      %dma_wait3A_420 = arith.constant 0 : i32
      %dma_wait3A_421 = tpu.memref_slice %arg17[%dma_wait3A_419, %dma_wait3A_420] : memref<5120x128xf32, #tpu.memory_space<vmem_shared>> -> memref<5120x128xf32, #tpu.memory_space<vmem_shared>>
      tpu.wait_indirect_dma semaphore(%arg21 : memref<!tpu.dma_semaphore, #tpu.memory_space<semaphore_mem>>) src(%dma_wait3A_421 : memref<5120x128xf32, #tpu.memory_space<vmem_shared>>) dst(%dma_wait3A_415 : memref<128x128xf32, #tpu.memory_space<vmem>>)
      %run_scoped3A_422 = arith.constant 1 : i32
      %run_scoped3A_423 = arith.constant 7 : i32
      "tpu.region"() ({
        %run_scoped3A_425 = tpu.sem_alloc : memref<!tpu.dma_semaphore, #tpu.memory_space<semaphore_mem>>
        %dma_start3A_426 = arith.constant 0 : i32
        %dma_start3A_427 = arith.constant 0 : i32
        %dma_start3A_428 = tpu.memref_slice %arg14[%run_scoped3A_422, %dma_start3A_426, %dma_start3A_427] : memref<2x128x128xf32, #tpu.memory_space<vmem>> -> memref<1x128x128xf32, #tpu.memory_space<vmem>>
        %dma_start3A_429 = tpu.memref_squeeze %dma_start3A_428 : memref<1x128x128xf32, #tpu.memory_space<vmem>> -> memref<128x128xf32, #tpu.memory_space<vmem>>
        %dma_start3A_430 = arith.constant 0 : i32
        %dma_start3A_431 = tpu.memref_slice %arg12[%run_scoped3A_423, %dma_start3A_430] : memref<8x128xi32, #tpu.memory_space<vmem>> -> memref<1x128xi32, #tpu.memory_space<vmem>>
        %dma_start3A_432 = tpu.memref_squeeze %dma_start3A_431 : memref<1x128xi32, #tpu.memory_space<vmem>> -> memref<128xi32, #tpu.memory_space<vmem>>
        %dma_start3A_433 = arith.constant 0 : i32
        %dma_start3A_434 = arith.constant 0 : i32
        %dma_start3A_435 = tpu.memref_slice %arg18[%dma_start3A_433, %dma_start3A_434] : memref<5120x128xf32, #tpu.memory_space<vmem_shared>> -> memref<5120x128xf32, #tpu.memory_space<vmem_shared>>
        tpu.enqueue_indirect_dma source(%dma_start3A_429 : memref<128x128xf32, #tpu.memory_space<vmem>>) target(%dma_start3A_435 : memref<5120x128xf32, #tpu.memory_space<vmem_shared>>) offsets(%dma_start3A_432 : memref<128xi32, #tpu.memory_space<vmem>>) semaphore(%run_scoped3A_425 : memref<!tpu.dma_semaphore, #tpu.memory_space<semaphore_mem>>) {add = true}
        %dma_wait3A_436 = arith.constant 0 : i32
        %dma_wait3A_437 = arith.constant 0 : i32
        %dma_wait3A_438 = tpu.memref_slice %arg14[%run_scoped3A_422, %dma_wait3A_436, %dma_wait3A_437] : memref<2x128x128xf32, #tpu.memory_space<vmem>> -> memref<1x128x128xf32, #tpu.memory_space<vmem>>
        %dma_wait3A_439 = tpu.memref_squeeze %dma_wait3A_438 : memref<1x128x128xf32, #tpu.memory_space<vmem>> -> memref<128x128xf32, #tpu.memory_space<vmem>>
        %dma_wait3A_440 = arith.constant 0 : i32
        %dma_wait3A_441 = tpu.memref_slice %arg12[%run_scoped3A_423, %dma_wait3A_440] : memref<8x128xi32, #tpu.memory_space<vmem>> -> memref<1x128xi32, #tpu.memory_space<vmem>>
        %dma_wait3A_442 = tpu.memref_squeeze %dma_wait3A_441 : memref<1x128xi32, #tpu.memory_space<vmem>> -> memref<128xi32, #tpu.memory_space<vmem>>
        %dma_wait3A_443 = arith.constant 0 : i32
        %dma_wait3A_444 = arith.constant 0 : i32
        %dma_wait3A_445 = tpu.memref_slice %arg18[%dma_wait3A_443, %dma_wait3A_444] : memref<5120x128xf32, #tpu.memory_space<vmem_shared>> -> memref<5120x128xf32, #tpu.memory_space<vmem_shared>>
        tpu.wait_indirect_dma semaphore(%run_scoped3A_425 : memref<!tpu.dma_semaphore, #tpu.memory_space<semaphore_mem>>) src(%dma_wait3A_439 : memref<128x128xf32, #tpu.memory_space<vmem>>) dst(%dma_wait3A_445 : memref<5120x128xf32, #tpu.memory_space<vmem_shared>>)
        tpu.yield
      }) : () -> ()
      %run_scoped3A_424 = arith.constant 7 : i32
      "tpu.region"() ({
        %run_scoped3A_425 = tpu.sem_alloc : memref<!tpu.dma_semaphore, #tpu.memory_space<semaphore_mem>>
        %dma_start3A_426 = arith.constant 0 : i32
        %dma_start3A_427 = tpu.memref_slice %arg13[%run_scoped3A_424, %dma_start3A_426] : memref<8x128xi32, #tpu.memory_space<vmem>> -> memref<1x128xi32, #tpu.memory_space<vmem>>
        %dma_start3A_428 = tpu.memref_squeeze %dma_start3A_427 : memref<1x128xi32, #tpu.memory_space<vmem>> -> memref<128xi32, #tpu.memory_space<vmem>>
        %dma_start3A_429 = arith.constant 0 : i32
        %dma_start3A_430 = tpu.memref_slice %arg19[%dma_start3A_429] : memref<90112xf32, #tpu.memory_space<vmem_shared>> -> memref<90112xf32, #tpu.memory_space<vmem_shared>>
        tpu.enqueue_indirect_dma source(%arg15 : memref<128xf32, #tpu.memory_space<vmem>>) target(%dma_start3A_430 : memref<90112xf32, #tpu.memory_space<vmem_shared>>) offsets(%dma_start3A_428 : memref<128xi32, #tpu.memory_space<vmem>>) semaphore(%run_scoped3A_425 : memref<!tpu.dma_semaphore, #tpu.memory_space<semaphore_mem>>) {add = true}
        %dma_wait3A_431 = arith.constant 0 : i32
        %dma_wait3A_432 = tpu.memref_slice %arg13[%run_scoped3A_424, %dma_wait3A_431] : memref<8x128xi32, #tpu.memory_space<vmem>> -> memref<1x128xi32, #tpu.memory_space<vmem>>
        %dma_wait3A_433 = tpu.memref_squeeze %dma_wait3A_432 : memref<1x128xi32, #tpu.memory_space<vmem>> -> memref<128xi32, #tpu.memory_space<vmem>>
        %dma_wait3A_434 = arith.constant 0 : i32
        %dma_wait3A_435 = tpu.memref_slice %arg19[%dma_wait3A_434] : memref<90112xf32, #tpu.memory_space<vmem_shared>> -> memref<90112xf32, #tpu.memory_space<vmem_shared>>
        tpu.wait_indirect_dma semaphore(%run_scoped3A_425 : memref<!tpu.dma_semaphore, #tpu.memory_space<semaphore_mem>>) src(%arg15 : memref<128xf32, #tpu.memory_space<vmem>>) dst(%dma_wait3A_435 : memref<90112xf32, #tpu.memory_space<vmem_shared>>)
        tpu.yield
      }) : () -> ()
    }
    %while3A_197 = arith.constant 1 : i32
    scf.for %while3A_207 = %while3A_195 to %while3A_191 step %while3A_197  : i32 {
      %mul3A_208 = arith.constant 8 : i32
      %mul3A_209 = arith.muli %while3A_207, %mul3A_208 : i32
      %add3A_210 = arith.addi %add3A_163, %mul3A_209 : i32
      %multiple_of3A = tpu.assume_multiple %add3A_210, 8 : i32
      "tpu.region"() ({
        %run_scoped3A_425 = tpu.sem_alloc : memref<!tpu.dma_semaphore, #tpu.memory_space<semaphore_mem>>
        %dma_start3A_426 = arith.constant 0 : i32
        %dma_start3A_427 = tpu.memref_slice %arg3[%multiple_of3A, %dma_start3A_426] : memref<3040x128xi32, #tpu.memory_space<hbm>> -> memref<8x128xi32, #tpu.memory_space<hbm>>
        %dma_start3A_428 = arith.constant 0 : i32
        %dma_start3A_429 = tpu.memref_slice %arg3[%multiple_of3A, %dma_start3A_428] : memref<3040x128xi32, #tpu.memory_space<hbm>> -> memref<8x128xi32, #tpu.memory_space<hbm>>
        tpu.enqueue_dma source(%dma_start3A_429 : memref<8x128xi32, #tpu.memory_space<hbm>>) target(%arg11 : memref<8x128xi32, #tpu.memory_space<vmem>>) target_semaphore(%run_scoped3A_425 : memref<!tpu.dma_semaphore, #tpu.memory_space<semaphore_mem>>)
        %dma_wait3A_430 = arith.constant 0 : i32
        %dma_wait3A_431 = tpu.memref_slice %arg3[%multiple_of3A, %dma_wait3A_430] : memref<3040x128xi32, #tpu.memory_space<hbm>> -> memref<8x128xi32, #tpu.memory_space<hbm>>
        %dma_wait3A_432 = arith.constant 0 : i32
        %dma_wait3A_433 = tpu.memref_slice %arg3[%multiple_of3A, %dma_wait3A_432] : memref<3040x128xi32, #tpu.memory_space<hbm>> -> memref<8x128xi32, #tpu.memory_space<hbm>>
        tpu.wait_dma2 semaphore(%run_scoped3A_425 : memref<!tpu.dma_semaphore, #tpu.memory_space<semaphore_mem>>) src(%dma_wait3A_433 : memref<8x128xi32, #tpu.memory_space<hbm>>) dst(%arg11 : memref<8x128xi32, #tpu.memory_space<vmem>>)
        tpu.yield
      }) : () -> ()
      "tpu.region"() ({
        %run_scoped3A_425 = tpu.sem_alloc : memref<!tpu.dma_semaphore, #tpu.memory_space<semaphore_mem>>
        %dma_start3A_426 = arith.constant 0 : i32
        %dma_start3A_427 = tpu.memref_slice %arg4[%multiple_of3A, %dma_start3A_426] : memref<3040x128xi32, #tpu.memory_space<hbm>> -> memref<8x128xi32, #tpu.memory_space<hbm>>
        %dma_start3A_428 = arith.constant 0 : i32
        %dma_start3A_429 = tpu.memref_slice %arg4[%multiple_of3A, %dma_start3A_428] : memref<3040x128xi32, #tpu.memory_space<hbm>> -> memref<8x128xi32, #tpu.memory_space<hbm>>
        tpu.enqueue_dma source(%dma_start3A_429 : memref<8x128xi32, #tpu.memory_space<hbm>>) target(%arg12 : memref<8x128xi32, #tpu.memory_space<vmem>>) target_semaphore(%run_scoped3A_425 : memref<!tpu.dma_semaphore, #tpu.memory_space<semaphore_mem>>)
        %dma_wait3A_430 = arith.constant 0 : i32
        %dma_wait3A_431 = tpu.memref_slice %arg4[%multiple_of3A, %dma_wait3A_430] : memref<3040x128xi32, #tpu.memory_space<hbm>> -> memref<8x128xi32, #tpu.memory_space<hbm>>
        %dma_wait3A_432 = arith.constant 0 : i32
        %dma_wait3A_433 = tpu.memref_slice %arg4[%multiple_of3A, %dma_wait3A_432] : memref<3040x128xi32, #tpu.memory_space<hbm>> -> memref<8x128xi32, #tpu.memory_space<hbm>>
        tpu.wait_dma2 semaphore(%run_scoped3A_425 : memref<!tpu.dma_semaphore, #tpu.memory_space<semaphore_mem>>) src(%dma_wait3A_433 : memref<8x128xi32, #tpu.memory_space<hbm>>) dst(%arg12 : memref<8x128xi32, #tpu.memory_space<vmem>>)
        tpu.yield
      }) : () -> ()
      "tpu.region"() ({
        %run_scoped3A_425 = tpu.sem_alloc : memref<!tpu.dma_semaphore, #tpu.memory_space<semaphore_mem>>
        %dma_start3A_426 = arith.constant 0 : i32
        %dma_start3A_427 = tpu.memref_slice %arg5[%multiple_of3A, %dma_start3A_426] : memref<3040x128xi32, #tpu.memory_space<hbm>> -> memref<8x128xi32, #tpu.memory_space<hbm>>
        %dma_start3A_428 = arith.constant 0 : i32
        %dma_start3A_429 = tpu.memref_slice %arg5[%multiple_of3A, %dma_start3A_428] : memref<3040x128xi32, #tpu.memory_space<hbm>> -> memref<8x128xi32, #tpu.memory_space<hbm>>
        tpu.enqueue_dma source(%dma_start3A_429 : memref<8x128xi32, #tpu.memory_space<hbm>>) target(%arg13 : memref<8x128xi32, #tpu.memory_space<vmem>>) target_semaphore(%run_scoped3A_425 : memref<!tpu.dma_semaphore, #tpu.memory_space<semaphore_mem>>)
        %dma_wait3A_430 = arith.constant 0 : i32
        %dma_wait3A_431 = tpu.memref_slice %arg5[%multiple_of3A, %dma_wait3A_430] : memref<3040x128xi32, #tpu.memory_space<hbm>> -> memref<8x128xi32, #tpu.memory_space<hbm>>
        %dma_wait3A_432 = arith.constant 0 : i32
        %dma_wait3A_433 = tpu.memref_slice %arg5[%multiple_of3A, %dma_wait3A_432] : memref<3040x128xi32, #tpu.memory_space<hbm>> -> memref<8x128xi32, #tpu.memory_space<hbm>>
        tpu.wait_dma2 semaphore(%run_scoped3A_425 : memref<!tpu.dma_semaphore, #tpu.memory_space<semaphore_mem>>) src(%dma_wait3A_433 : memref<8x128xi32, #tpu.memory_space<hbm>>) dst(%arg13 : memref<8x128xi32, #tpu.memory_space<vmem>>)
        tpu.yield
      }) : () -> ()
      %dma_start3A = arith.constant 0 : i32
      %dma_start3A_211 = arith.constant 0 : i32
      %dma_start3A_212 = arith.constant 0 : i32
      %dma_start3A_213 = arith.constant 0 : i32
      %dma_start3A_214 = tpu.memref_slice %arg14[%dma_start3A_211, %dma_start3A_212, %dma_start3A_213] : memref<2x128x128xf32, #tpu.memory_space<vmem>> -> memref<1x128x128xf32, #tpu.memory_space<vmem>>
      %dma_start3A_215 = tpu.memref_squeeze %dma_start3A_214 : memref<1x128x128xf32, #tpu.memory_space<vmem>> -> memref<128x128xf32, #tpu.memory_space<vmem>>
      %dma_start3A_216 = arith.constant 0 : i32
      %dma_start3A_217 = tpu.memref_slice %arg11[%dma_start3A, %dma_start3A_216] : memref<8x128xi32, #tpu.memory_space<vmem>> -> memref<1x128xi32, #tpu.memory_space<vmem>>
      %dma_start3A_218 = tpu.memref_squeeze %dma_start3A_217 : memref<1x128xi32, #tpu.memory_space<vmem>> -> memref<128xi32, #tpu.memory_space<vmem>>
      %dma_start3A_219 = arith.constant 0 : i32
      %dma_start3A_220 = arith.constant 0 : i32
      %dma_start3A_221 = tpu.memref_slice %arg17[%dma_start3A_219, %dma_start3A_220] : memref<5120x128xf32, #tpu.memory_space<vmem_shared>> -> memref<5120x128xf32, #tpu.memory_space<vmem_shared>>
      tpu.enqueue_indirect_dma source(%dma_start3A_221 : memref<5120x128xf32, #tpu.memory_space<vmem_shared>>) target(%dma_start3A_215 : memref<128x128xf32, #tpu.memory_space<vmem>>) offsets(%dma_start3A_218 : memref<128xi32, #tpu.memory_space<vmem>>) semaphore(%arg20 : memref<!tpu.dma_semaphore, #tpu.memory_space<semaphore_mem>>)
      %dma_start3A_222 = arith.constant 1 : i32
      %dma_start3A_223 = arith.constant 1 : i32
      %dma_start3A_224 = arith.constant 0 : i32
      %dma_start3A_225 = arith.constant 0 : i32
      %dma_start3A_226 = tpu.memref_slice %arg14[%dma_start3A_223, %dma_start3A_224, %dma_start3A_225] : memref<2x128x128xf32, #tpu.memory_space<vmem>> -> memref<1x128x128xf32, #tpu.memory_space<vmem>>
      %dma_start3A_227 = tpu.memref_squeeze %dma_start3A_226 : memref<1x128x128xf32, #tpu.memory_space<vmem>> -> memref<128x128xf32, #tpu.memory_space<vmem>>
      %dma_start3A_228 = arith.constant 0 : i32
      %dma_start3A_229 = tpu.memref_slice %arg11[%dma_start3A_222, %dma_start3A_228] : memref<8x128xi32, #tpu.memory_space<vmem>> -> memref<1x128xi32, #tpu.memory_space<vmem>>
      %dma_start3A_230 = tpu.memref_squeeze %dma_start3A_229 : memref<1x128xi32, #tpu.memory_space<vmem>> -> memref<128xi32, #tpu.memory_space<vmem>>
      %dma_start3A_231 = arith.constant 0 : i32
      %dma_start3A_232 = arith.constant 0 : i32
      %dma_start3A_233 = tpu.memref_slice %arg17[%dma_start3A_231, %dma_start3A_232] : memref<5120x128xf32, #tpu.memory_space<vmem_shared>> -> memref<5120x128xf32, #tpu.memory_space<vmem_shared>>
      tpu.enqueue_indirect_dma source(%dma_start3A_233 : memref<5120x128xf32, #tpu.memory_space<vmem_shared>>) target(%dma_start3A_227 : memref<128x128xf32, #tpu.memory_space<vmem>>) offsets(%dma_start3A_230 : memref<128xi32, #tpu.memory_space<vmem>>) semaphore(%arg21 : memref<!tpu.dma_semaphore, #tpu.memory_space<semaphore_mem>>)
      %dma_wait3A = arith.constant 0 : i32
      %dma_wait3A_234 = arith.constant 0 : i32
      %dma_wait3A_235 = arith.constant 0 : i32
      %dma_wait3A_236 = arith.constant 0 : i32
      %dma_wait3A_237 = tpu.memref_slice %arg14[%dma_wait3A_234, %dma_wait3A_235, %dma_wait3A_236] : memref<2x128x128xf32, #tpu.memory_space<vmem>> -> memref<1x128x128xf32, #tpu.memory_space<vmem>>
      %dma_wait3A_238 = tpu.memref_squeeze %dma_wait3A_237 : memref<1x128x128xf32, #tpu.memory_space<vmem>> -> memref<128x128xf32, #tpu.memory_space<vmem>>
      %dma_wait3A_239 = arith.constant 0 : i32
      %dma_wait3A_240 = tpu.memref_slice %arg11[%dma_wait3A, %dma_wait3A_239] : memref<8x128xi32, #tpu.memory_space<vmem>> -> memref<1x128xi32, #tpu.memory_space<vmem>>
      %dma_wait3A_241 = tpu.memref_squeeze %dma_wait3A_240 : memref<1x128xi32, #tpu.memory_space<vmem>> -> memref<128xi32, #tpu.memory_space<vmem>>
      %dma_wait3A_242 = arith.constant 0 : i32
      %dma_wait3A_243 = arith.constant 0 : i32
      %dma_wait3A_244 = tpu.memref_slice %arg17[%dma_wait3A_242, %dma_wait3A_243] : memref<5120x128xf32, #tpu.memory_space<vmem_shared>> -> memref<5120x128xf32, #tpu.memory_space<vmem_shared>>
      tpu.wait_indirect_dma semaphore(%arg20 : memref<!tpu.dma_semaphore, #tpu.memory_space<semaphore_mem>>) src(%dma_wait3A_244 : memref<5120x128xf32, #tpu.memory_space<vmem_shared>>) dst(%dma_wait3A_238 : memref<128x128xf32, #tpu.memory_space<vmem>>)
      %run_scoped3A_245 = arith.constant 0 : i32
      %run_scoped3A_246 = arith.constant 0 : i32
      "tpu.region"() ({
        %run_scoped3A_425 = tpu.sem_alloc : memref<!tpu.dma_semaphore, #tpu.memory_space<semaphore_mem>>
        %dma_start3A_426 = arith.constant 0 : i32
        %dma_start3A_427 = arith.constant 0 : i32
        %dma_start3A_428 = tpu.memref_slice %arg14[%run_scoped3A_245, %dma_start3A_426, %dma_start3A_427] : memref<2x128x128xf32, #tpu.memory_space<vmem>> -> memref<1x128x128xf32, #tpu.memory_space<vmem>>
        %dma_start3A_429 = tpu.memref_squeeze %dma_start3A_428 : memref<1x128x128xf32, #tpu.memory_space<vmem>> -> memref<128x128xf32, #tpu.memory_space<vmem>>
        %dma_start3A_430 = arith.constant 0 : i32
        %dma_start3A_431 = tpu.memref_slice %arg12[%run_scoped3A_246, %dma_start3A_430] : memref<8x128xi32, #tpu.memory_space<vmem>> -> memref<1x128xi32, #tpu.memory_space<vmem>>
        %dma_start3A_432 = tpu.memref_squeeze %dma_start3A_431 : memref<1x128xi32, #tpu.memory_space<vmem>> -> memref<128xi32, #tpu.memory_space<vmem>>
        %dma_start3A_433 = arith.constant 0 : i32
        %dma_start3A_434 = arith.constant 0 : i32
        %dma_start3A_435 = tpu.memref_slice %arg18[%dma_start3A_433, %dma_start3A_434] : memref<5120x128xf32, #tpu.memory_space<vmem_shared>> -> memref<5120x128xf32, #tpu.memory_space<vmem_shared>>
        tpu.enqueue_indirect_dma source(%dma_start3A_429 : memref<128x128xf32, #tpu.memory_space<vmem>>) target(%dma_start3A_435 : memref<5120x128xf32, #tpu.memory_space<vmem_shared>>) offsets(%dma_start3A_432 : memref<128xi32, #tpu.memory_space<vmem>>) semaphore(%run_scoped3A_425 : memref<!tpu.dma_semaphore, #tpu.memory_space<semaphore_mem>>) {add = true}
        %dma_wait3A_436 = arith.constant 0 : i32
        %dma_wait3A_437 = arith.constant 0 : i32
        %dma_wait3A_438 = tpu.memref_slice %arg14[%run_scoped3A_245, %dma_wait3A_436, %dma_wait3A_437] : memref<2x128x128xf32, #tpu.memory_space<vmem>> -> memref<1x128x128xf32, #tpu.memory_space<vmem>>
        %dma_wait3A_439 = tpu.memref_squeeze %dma_wait3A_438 : memref<1x128x128xf32, #tpu.memory_space<vmem>> -> memref<128x128xf32, #tpu.memory_space<vmem>>
        %dma_wait3A_440 = arith.constant 0 : i32
        %dma_wait3A_441 = tpu.memref_slice %arg12[%run_scoped3A_246, %dma_wait3A_440] : memref<8x128xi32, #tpu.memory_space<vmem>> -> memref<1x128xi32, #tpu.memory_space<vmem>>
        %dma_wait3A_442 = tpu.memref_squeeze %dma_wait3A_441 : memref<1x128xi32, #tpu.memory_space<vmem>> -> memref<128xi32, #tpu.memory_space<vmem>>
        %dma_wait3A_443 = arith.constant 0 : i32
        %dma_wait3A_444 = arith.constant 0 : i32
        %dma_wait3A_445 = tpu.memref_slice %arg18[%dma_wait3A_443, %dma_wait3A_444] : memref<5120x128xf32, #tpu.memory_space<vmem_shared>> -> memref<5120x128xf32, #tpu.memory_space<vmem_shared>>
        tpu.wait_indirect_dma semaphore(%run_scoped3A_425 : memref<!tpu.dma_semaphore, #tpu.memory_space<semaphore_mem>>) src(%dma_wait3A_439 : memref<128x128xf32, #tpu.memory_space<vmem>>) dst(%dma_wait3A_445 : memref<5120x128xf32, #tpu.memory_space<vmem_shared>>)
        tpu.yield
      }) : () -> ()
      %run_scoped3A_247 = arith.constant 0 : i32
      "tpu.region"() ({
        %run_scoped3A_425 = tpu.sem_alloc : memref<!tpu.dma_semaphore, #tpu.memory_space<semaphore_mem>>
        %dma_start3A_426 = arith.constant 0 : i32
        %dma_start3A_427 = tpu.memref_slice %arg13[%run_scoped3A_247, %dma_start3A_426] : memref<8x128xi32, #tpu.memory_space<vmem>> -> memref<1x128xi32, #tpu.memory_space<vmem>>
        %dma_start3A_428 = tpu.memref_squeeze %dma_start3A_427 : memref<1x128xi32, #tpu.memory_space<vmem>> -> memref<128xi32, #tpu.memory_space<vmem>>
        %dma_start3A_429 = arith.constant 0 : i32
        %dma_start3A_430 = tpu.memref_slice %arg19[%dma_start3A_429] : memref<90112xf32, #tpu.memory_space<vmem_shared>> -> memref<90112xf32, #tpu.memory_space<vmem_shared>>
        tpu.enqueue_indirect_dma source(%arg15 : memref<128xf32, #tpu.memory_space<vmem>>) target(%dma_start3A_430 : memref<90112xf32, #tpu.memory_space<vmem_shared>>) offsets(%dma_start3A_428 : memref<128xi32, #tpu.memory_space<vmem>>) semaphore(%run_scoped3A_425 : memref<!tpu.dma_semaphore, #tpu.memory_space<semaphore_mem>>) {add = true}
        %dma_wait3A_431 = arith.constant 0 : i32
        %dma_wait3A_432 = tpu.memref_slice %arg13[%run_scoped3A_247, %dma_wait3A_431] : memref<8x128xi32, #tpu.memory_space<vmem>> -> memref<1x128xi32, #tpu.memory_space<vmem>>
        %dma_wait3A_433 = tpu.memref_squeeze %dma_wait3A_432 : memref<1x128xi32, #tpu.memory_space<vmem>> -> memref<128xi32, #tpu.memory_space<vmem>>
        %dma_wait3A_434 = arith.constant 0 : i32
        %dma_wait3A_435 = tpu.memref_slice %arg19[%dma_wait3A_434] : memref<90112xf32, #tpu.memory_space<vmem_shared>> -> memref<90112xf32, #tpu.memory_space<vmem_shared>>
        tpu.wait_indirect_dma semaphore(%run_scoped3A_425 : memref<!tpu.dma_semaphore, #tpu.memory_space<semaphore_mem>>) src(%arg15 : memref<128xf32, #tpu.memory_space<vmem>>) dst(%dma_wait3A_435 : memref<90112xf32, #tpu.memory_space<vmem_shared>>)
        tpu.yield
      }) : () -> ()
      %dma_start3A_248 = arith.constant 2 : i32
      %dma_start3A_249 = arith.constant 0 : i32
      %dma_start3A_250 = arith.constant 0 : i32
      %dma_start3A_251 = arith.constant 0 : i32
      %dma_start3A_252 = tpu.memref_slice %arg14[%dma_start3A_249, %dma_start3A_250, %dma_start3A_251] : memref<2x128x128xf32, #tpu.memory_space<vmem>> -> memref<1x128x128xf32, #tpu.memory_space<vmem>>
      %dma_start3A_253 = tpu.memref_squeeze %dma_start3A_252 : memref<1x128x128xf32, #tpu.memory_space<vmem>> -> memref<128x128xf32, #tpu.memory_space<vmem>>
      %dma_start3A_254 = arith.constant 0 : i32
      %dma_start3A_255 = tpu.memref_slice %arg11[%dma_start3A_248, %dma_start3A_254] : memref<8x128xi32, #tpu.memory_space<vmem>> -> memref<1x128xi32, #tpu.memory_space<vmem>>
      %dma_start3A_256 = tpu.memref_squeeze %dma_start3A_255 : memref<1x128xi32, #tpu.memory_space<vmem>> -> memref<128xi32, #tpu.memory_space<vmem>>
      %dma_start3A_257 = arith.constant 0 : i32
      %dma_start3A_258 = arith.constant 0 : i32
      %dma_start3A_259 = tpu.memref_slice %arg17[%dma_start3A_257, %dma_start3A_258] : memref<5120x128xf32, #tpu.memory_space<vmem_shared>> -> memref<5120x128xf32, #tpu.memory_space<vmem_shared>>
      tpu.enqueue_indirect_dma source(%dma_start3A_259 : memref<5120x128xf32, #tpu.memory_space<vmem_shared>>) target(%dma_start3A_253 : memref<128x128xf32, #tpu.memory_space<vmem>>) offsets(%dma_start3A_256 : memref<128xi32, #tpu.memory_space<vmem>>) semaphore(%arg20 : memref<!tpu.dma_semaphore, #tpu.memory_space<semaphore_mem>>)
      %dma_wait3A_260 = arith.constant 1 : i32
      %dma_wait3A_261 = arith.constant 1 : i32
      %dma_wait3A_262 = arith.constant 0 : i32
      %dma_wait3A_263 = arith.constant 0 : i32
      %dma_wait3A_264 = tpu.memref_slice %arg14[%dma_wait3A_261, %dma_wait3A_262, %dma_wait3A_263] : memref<2x128x128xf32, #tpu.memory_space<vmem>> -> memref<1x128x128xf32, #tpu.memory_space<vmem>>
      %dma_wait3A_265 = tpu.memref_squeeze %dma_wait3A_264 : memref<1x128x128xf32, #tpu.memory_space<vmem>> -> memref<128x128xf32, #tpu.memory_space<vmem>>
      %dma_wait3A_266 = arith.constant 0 : i32
      %dma_wait3A_267 = tpu.memref_slice %arg11[%dma_wait3A_260, %dma_wait3A_266] : memref<8x128xi32, #tpu.memory_space<vmem>> -> memref<1x128xi32, #tpu.memory_space<vmem>>
      %dma_wait3A_268 = tpu.memref_squeeze %dma_wait3A_267 : memref<1x128xi32, #tpu.memory_space<vmem>> -> memref<128xi32, #tpu.memory_space<vmem>>
      %dma_wait3A_269 = arith.constant 0 : i32
      %dma_wait3A_270 = arith.constant 0 : i32
      %dma_wait3A_271 = tpu.memref_slice %arg17[%dma_wait3A_269, %dma_wait3A_270] : memref<5120x128xf32, #tpu.memory_space<vmem_shared>> -> memref<5120x128xf32, #tpu.memory_space<vmem_shared>>
      tpu.wait_indirect_dma semaphore(%arg21 : memref<!tpu.dma_semaphore, #tpu.memory_space<semaphore_mem>>) src(%dma_wait3A_271 : memref<5120x128xf32, #tpu.memory_space<vmem_shared>>) dst(%dma_wait3A_265 : memref<128x128xf32, #tpu.memory_space<vmem>>)
      %run_scoped3A_272 = arith.constant 1 : i32
      %run_scoped3A_273 = arith.constant 1 : i32
      "tpu.region"() ({
        %run_scoped3A_425 = tpu.sem_alloc : memref<!tpu.dma_semaphore, #tpu.memory_space<semaphore_mem>>
        %dma_start3A_426 = arith.constant 0 : i32
        %dma_start3A_427 = arith.constant 0 : i32
        %dma_start3A_428 = tpu.memref_slice %arg14[%run_scoped3A_272, %dma_start3A_426, %dma_start3A_427] : memref<2x128x128xf32, #tpu.memory_space<vmem>> -> memref<1x128x128xf32, #tpu.memory_space<vmem>>
        %dma_start3A_429 = tpu.memref_squeeze %dma_start3A_428 : memref<1x128x128xf32, #tpu.memory_space<vmem>> -> memref<128x128xf32, #tpu.memory_space<vmem>>
        %dma_start3A_430 = arith.constant 0 : i32
        %dma_start3A_431 = tpu.memref_slice %arg12[%run_scoped3A_273, %dma_start3A_430] : memref<8x128xi32, #tpu.memory_space<vmem>> -> memref<1x128xi32, #tpu.memory_space<vmem>>
        %dma_start3A_432 = tpu.memref_squeeze %dma_start3A_431 : memref<1x128xi32, #tpu.memory_space<vmem>> -> memref<128xi32, #tpu.memory_space<vmem>>
        %dma_start3A_433 = arith.constant 0 : i32
        %dma_start3A_434 = arith.constant 0 : i32
        %dma_start3A_435 = tpu.memref_slice %arg18[%dma_start3A_433, %dma_start3A_434] : memref<5120x128xf32, #tpu.memory_space<vmem_shared>> -> memref<5120x128xf32, #tpu.memory_space<vmem_shared>>
        tpu.enqueue_indirect_dma source(%dma_start3A_429 : memref<128x128xf32, #tpu.memory_space<vmem>>) target(%dma_start3A_435 : memref<5120x128xf32, #tpu.memory_space<vmem_shared>>) offsets(%dma_start3A_432 : memref<128xi32, #tpu.memory_space<vmem>>) semaphore(%run_scoped3A_425 : memref<!tpu.dma_semaphore, #tpu.memory_space<semaphore_mem>>) {add = true}
        %dma_wait3A_436 = arith.constant 0 : i32
        %dma_wait3A_437 = arith.constant 0 : i32
        %dma_wait3A_438 = tpu.memref_slice %arg14[%run_scoped3A_272, %dma_wait3A_436, %dma_wait3A_437] : memref<2x128x128xf32, #tpu.memory_space<vmem>> -> memref<1x128x128xf32, #tpu.memory_space<vmem>>
        %dma_wait3A_439 = tpu.memref_squeeze %dma_wait3A_438 : memref<1x128x128xf32, #tpu.memory_space<vmem>> -> memref<128x128xf32, #tpu.memory_space<vmem>>
        %dma_wait3A_440 = arith.constant 0 : i32
        %dma_wait3A_441 = tpu.memref_slice %arg12[%run_scoped3A_273, %dma_wait3A_440] : memref<8x128xi32, #tpu.memory_space<vmem>> -> memref<1x128xi32, #tpu.memory_space<vmem>>
        %dma_wait3A_442 = tpu.memref_squeeze %dma_wait3A_441 : memref<1x128xi32, #tpu.memory_space<vmem>> -> memref<128xi32, #tpu.memory_space<vmem>>
        %dma_wait3A_443 = arith.constant 0 : i32
        %dma_wait3A_444 = arith.constant 0 : i32
        %dma_wait3A_445 = tpu.memref_slice %arg18[%dma_wait3A_443, %dma_wait3A_444] : memref<5120x128xf32, #tpu.memory_space<vmem_shared>> -> memref<5120x128xf32, #tpu.memory_space<vmem_shared>>
        tpu.wait_indirect_dma semaphore(%run_scoped3A_425 : memref<!tpu.dma_semaphore, #tpu.memory_space<semaphore_mem>>) src(%dma_wait3A_439 : memref<128x128xf32, #tpu.memory_space<vmem>>) dst(%dma_wait3A_445 : memref<5120x128xf32, #tpu.memory_space<vmem_shared>>)
        tpu.yield
      }) : () -> ()
      %run_scoped3A_274 = arith.constant 1 : i32
      "tpu.region"() ({
        %run_scoped3A_425 = tpu.sem_alloc : memref<!tpu.dma_semaphore, #tpu.memory_space<semaphore_mem>>
        %dma_start3A_426 = arith.constant 0 : i32
        %dma_start3A_427 = tpu.memref_slice %arg13[%run_scoped3A_274, %dma_start3A_426] : memref<8x128xi32, #tpu.memory_space<vmem>> -> memref<1x128xi32, #tpu.memory_space<vmem>>
        %dma_start3A_428 = tpu.memref_squeeze %dma_start3A_427 : memref<1x128xi32, #tpu.memory_space<vmem>> -> memref<128xi32, #tpu.memory_space<vmem>>
        %dma_start3A_429 = arith.constant 0 : i32
        %dma_start3A_430 = tpu.memref_slice %arg19[%dma_start3A_429] : memref<90112xf32, #tpu.memory_space<vmem_shared>> -> memref<90112xf32, #tpu.memory_space<vmem_shared>>
        tpu.enqueue_indirect_dma source(%arg15 : memref<128xf32, #tpu.memory_space<vmem>>) target(%dma_start3A_430 : memref<90112xf32, #tpu.memory_space<vmem_shared>>) offsets(%dma_start3A_428 : memref<128xi32, #tpu.memory_space<vmem>>) semaphore(%run_scoped3A_425 : memref<!tpu.dma_semaphore, #tpu.memory_space<semaphore_mem>>) {add = true}
        %dma_wait3A_431 = arith.constant 0 : i32
        %dma_wait3A_432 = tpu.memref_slice %arg13[%run_scoped3A_274, %dma_wait3A_431] : memref<8x128xi32, #tpu.memory_space<vmem>> -> memref<1x128xi32, #tpu.memory_space<vmem>>
        %dma_wait3A_433 = tpu.memref_squeeze %dma_wait3A_432 : memref<1x128xi32, #tpu.memory_space<vmem>> -> memref<128xi32, #tpu.memory_space<vmem>>
        %dma_wait3A_434 = arith.constant 0 : i32
        %dma_wait3A_435 = tpu.memref_slice %arg19[%dma_wait3A_434] : memref<90112xf32, #tpu.memory_space<vmem_shared>> -> memref<90112xf32, #tpu.memory_space<vmem_shared>>
        tpu.wait_indirect_dma semaphore(%run_scoped3A_425 : memref<!tpu.dma_semaphore, #tpu.memory_space<semaphore_mem>>) src(%arg15 : memref<128xf32, #tpu.memory_space<vmem>>) dst(%dma_wait3A_435 : memref<90112xf32, #tpu.memory_space<vmem_shared>>)
        tpu.yield
      }) : () -> ()
      %dma_start3A_275 = arith.constant 3 : i32
      %dma_start3A_276 = arith.constant 1 : i32
      %dma_start3A_277 = arith.constant 0 : i32
      %dma_start3A_278 = arith.constant 0 : i32
      %dma_start3A_279 = tpu.memref_slice %arg14[%dma_start3A_276, %dma_start3A_277, %dma_start3A_278] : memref<2x128x128xf32, #tpu.memory_space<vmem>> -> memref<1x128x128xf32, #tpu.memory_space<vmem>>
      %dma_start3A_280 = tpu.memref_squeeze %dma_start3A_279 : memref<1x128x128xf32, #tpu.memory_space<vmem>> -> memref<128x128xf32, #tpu.memory_space<vmem>>
      %dma_start3A_281 = arith.constant 0 : i32
      %dma_start3A_282 = tpu.memref_slice %arg11[%dma_start3A_275, %dma_start3A_281] : memref<8x128xi32, #tpu.memory_space<vmem>> -> memref<1x128xi32, #tpu.memory_space<vmem>>
      %dma_start3A_283 = tpu.memref_squeeze %dma_start3A_282 : memref<1x128xi32, #tpu.memory_space<vmem>> -> memref<128xi32, #tpu.memory_space<vmem>>
      %dma_start3A_284 = arith.constant 0 : i32
      %dma_start3A_285 = arith.constant 0 : i32
      %dma_start3A_286 = tpu.memref_slice %arg17[%dma_start3A_284, %dma_start3A_285] : memref<5120x128xf32, #tpu.memory_space<vmem_shared>> -> memref<5120x128xf32, #tpu.memory_space<vmem_shared>>
      tpu.enqueue_indirect_dma source(%dma_start3A_286 : memref<5120x128xf32, #tpu.memory_space<vmem_shared>>) target(%dma_start3A_280 : memref<128x128xf32, #tpu.memory_space<vmem>>) offsets(%dma_start3A_283 : memref<128xi32, #tpu.memory_space<vmem>>) semaphore(%arg21 : memref<!tpu.dma_semaphore, #tpu.memory_space<semaphore_mem>>)
      %dma_wait3A_287 = arith.constant 2 : i32
      %dma_wait3A_288 = arith.constant 0 : i32
      %dma_wait3A_289 = arith.constant 0 : i32
      %dma_wait3A_290 = arith.constant 0 : i32
      %dma_wait3A_291 = tpu.memref_slice %arg14[%dma_wait3A_288, %dma_wait3A_289, %dma_wait3A_290] : memref<2x128x128xf32, #tpu.memory_space<vmem>> -> memref<1x128x128xf32, #tpu.memory_space<vmem>>
      %dma_wait3A_292 = tpu.memref_squeeze %dma_wait3A_291 : memref<1x128x128xf32, #tpu.memory_space<vmem>> -> memref<128x128xf32, #tpu.memory_space<vmem>>
      %dma_wait3A_293 = arith.constant 0 : i32
      %dma_wait3A_294 = tpu.memref_slice %arg11[%dma_wait3A_287, %dma_wait3A_293] : memref<8x128xi32, #tpu.memory_space<vmem>> -> memref<1x128xi32, #tpu.memory_space<vmem>>
      %dma_wait3A_295 = tpu.memref_squeeze %dma_wait3A_294 : memref<1x128xi32, #tpu.memory_space<vmem>> -> memref<128xi32, #tpu.memory_space<vmem>>
      %dma_wait3A_296 = arith.constant 0 : i32
      %dma_wait3A_297 = arith.constant 0 : i32
      %dma_wait3A_298 = tpu.memref_slice %arg17[%dma_wait3A_296, %dma_wait3A_297] : memref<5120x128xf32, #tpu.memory_space<vmem_shared>> -> memref<5120x128xf32, #tpu.memory_space<vmem_shared>>
      tpu.wait_indirect_dma semaphore(%arg20 : memref<!tpu.dma_semaphore, #tpu.memory_space<semaphore_mem>>) src(%dma_wait3A_298 : memref<5120x128xf32, #tpu.memory_space<vmem_shared>>) dst(%dma_wait3A_292 : memref<128x128xf32, #tpu.memory_space<vmem>>)
      %run_scoped3A_299 = arith.constant 0 : i32
      %run_scoped3A_300 = arith.constant 2 : i32
      "tpu.region"() ({
        %run_scoped3A_425 = tpu.sem_alloc : memref<!tpu.dma_semaphore, #tpu.memory_space<semaphore_mem>>
        %dma_start3A_426 = arith.constant 0 : i32
        %dma_start3A_427 = arith.constant 0 : i32
        %dma_start3A_428 = tpu.memref_slice %arg14[%run_scoped3A_299, %dma_start3A_426, %dma_start3A_427] : memref<2x128x128xf32, #tpu.memory_space<vmem>> -> memref<1x128x128xf32, #tpu.memory_space<vmem>>
        %dma_start3A_429 = tpu.memref_squeeze %dma_start3A_428 : memref<1x128x128xf32, #tpu.memory_space<vmem>> -> memref<128x128xf32, #tpu.memory_space<vmem>>
        %dma_start3A_430 = arith.constant 0 : i32
        %dma_start3A_431 = tpu.memref_slice %arg12[%run_scoped3A_300, %dma_start3A_430] : memref<8x128xi32, #tpu.memory_space<vmem>> -> memref<1x128xi32, #tpu.memory_space<vmem>>
        %dma_start3A_432 = tpu.memref_squeeze %dma_start3A_431 : memref<1x128xi32, #tpu.memory_space<vmem>> -> memref<128xi32, #tpu.memory_space<vmem>>
        %dma_start3A_433 = arith.constant 0 : i32
        %dma_start3A_434 = arith.constant 0 : i32
        %dma_start3A_435 = tpu.memref_slice %arg18[%dma_start3A_433, %dma_start3A_434] : memref<5120x128xf32, #tpu.memory_space<vmem_shared>> -> memref<5120x128xf32, #tpu.memory_space<vmem_shared>>
        tpu.enqueue_indirect_dma source(%dma_start3A_429 : memref<128x128xf32, #tpu.memory_space<vmem>>) target(%dma_start3A_435 : memref<5120x128xf32, #tpu.memory_space<vmem_shared>>) offsets(%dma_start3A_432 : memref<128xi32, #tpu.memory_space<vmem>>) semaphore(%run_scoped3A_425 : memref<!tpu.dma_semaphore, #tpu.memory_space<semaphore_mem>>) {add = true}
        %dma_wait3A_436 = arith.constant 0 : i32
        %dma_wait3A_437 = arith.constant 0 : i32
        %dma_wait3A_438 = tpu.memref_slice %arg14[%run_scoped3A_299, %dma_wait3A_436, %dma_wait3A_437] : memref<2x128x128xf32, #tpu.memory_space<vmem>> -> memref<1x128x128xf32, #tpu.memory_space<vmem>>
        %dma_wait3A_439 = tpu.memref_squeeze %dma_wait3A_438 : memref<1x128x128xf32, #tpu.memory_space<vmem>> -> memref<128x128xf32, #tpu.memory_space<vmem>>
        %dma_wait3A_440 = arith.constant 0 : i32
        %dma_wait3A_441 = tpu.memref_slice %arg12[%run_scoped3A_300, %dma_wait3A_440] : memref<8x128xi32, #tpu.memory_space<vmem>> -> memref<1x128xi32, #tpu.memory_space<vmem>>
        %dma_wait3A_442 = tpu.memref_squeeze %dma_wait3A_441 : memref<1x128xi32, #tpu.memory_space<vmem>> -> memref<128xi32, #tpu.memory_space<vmem>>
        %dma_wait3A_443 = arith.constant 0 : i32
        %dma_wait3A_444 = arith.constant 0 : i32
        %dma_wait3A_445 = tpu.memref_slice %arg18[%dma_wait3A_443, %dma_wait3A_444] : memref<5120x128xf32, #tpu.memory_space<vmem_shared>> -> memref<5120x128xf32, #tpu.memory_space<vmem_shared>>
        tpu.wait_indirect_dma semaphore(%run_scoped3A_425 : memref<!tpu.dma_semaphore, #tpu.memory_space<semaphore_mem>>) src(%dma_wait3A_439 : memref<128x128xf32, #tpu.memory_space<vmem>>) dst(%dma_wait3A_445 : memref<5120x128xf32, #tpu.memory_space<vmem_shared>>)
        tpu.yield
      }) : () -> ()
      %run_scoped3A_301 = arith.constant 2 : i32
      "tpu.region"() ({
        %run_scoped3A_425 = tpu.sem_alloc : memref<!tpu.dma_semaphore, #tpu.memory_space<semaphore_mem>>
        %dma_start3A_426 = arith.constant 0 : i32
        %dma_start3A_427 = tpu.memref_slice %arg13[%run_scoped3A_301, %dma_start3A_426] : memref<8x128xi32, #tpu.memory_space<vmem>> -> memref<1x128xi32, #tpu.memory_space<vmem>>
        %dma_start3A_428 = tpu.memref_squeeze %dma_start3A_427 : memref<1x128xi32, #tpu.memory_space<vmem>> -> memref<128xi32, #tpu.memory_space<vmem>>
        %dma_start3A_429 = arith.constant 0 : i32
        %dma_start3A_430 = tpu.memref_slice %arg19[%dma_start3A_429] : memref<90112xf32, #tpu.memory_space<vmem_shared>> -> memref<90112xf32, #tpu.memory_space<vmem_shared>>
        tpu.enqueue_indirect_dma source(%arg15 : memref<128xf32, #tpu.memory_space<vmem>>) target(%dma_start3A_430 : memref<90112xf32, #tpu.memory_space<vmem_shared>>) offsets(%dma_start3A_428 : memref<128xi32, #tpu.memory_space<vmem>>) semaphore(%run_scoped3A_425 : memref<!tpu.dma_semaphore, #tpu.memory_space<semaphore_mem>>) {add = true}
        %dma_wait3A_431 = arith.constant 0 : i32
        %dma_wait3A_432 = tpu.memref_slice %arg13[%run_scoped3A_301, %dma_wait3A_431] : memref<8x128xi32, #tpu.memory_space<vmem>> -> memref<1x128xi32, #tpu.memory_space<vmem>>
        %dma_wait3A_433 = tpu.memref_squeeze %dma_wait3A_432 : memref<1x128xi32, #tpu.memory_space<vmem>> -> memref<128xi32, #tpu.memory_space<vmem>>
        %dma_wait3A_434 = arith.constant 0 : i32
        %dma_wait3A_435 = tpu.memref_slice %arg19[%dma_wait3A_434] : memref<90112xf32, #tpu.memory_space<vmem_shared>> -> memref<90112xf32, #tpu.memory_space<vmem_shared>>
        tpu.wait_indirect_dma semaphore(%run_scoped3A_425 : memref<!tpu.dma_semaphore, #tpu.memory_space<semaphore_mem>>) src(%arg15 : memref<128xf32, #tpu.memory_space<vmem>>) dst(%dma_wait3A_435 : memref<90112xf32, #tpu.memory_space<vmem_shared>>)
        tpu.yield
      }) : () -> ()
      %dma_start3A_302 = arith.constant 4 : i32
      %dma_start3A_303 = arith.constant 0 : i32
      %dma_start3A_304 = arith.constant 0 : i32
      %dma_start3A_305 = arith.constant 0 : i32
      %dma_start3A_306 = tpu.memref_slice %arg14[%dma_start3A_303, %dma_start3A_304, %dma_start3A_305] : memref<2x128x128xf32, #tpu.memory_space<vmem>> -> memref<1x128x128xf32, #tpu.memory_space<vmem>>
      %dma_start3A_307 = tpu.memref_squeeze %dma_start3A_306 : memref<1x128x128xf32, #tpu.memory_space<vmem>> -> memref<128x128xf32, #tpu.memory_space<vmem>>
      %dma_start3A_308 = arith.constant 0 : i32
      %dma_start3A_309 = tpu.memref_slice %arg11[%dma_start3A_302, %dma_start3A_308] : memref<8x128xi32, #tpu.memory_space<vmem>> -> memref<1x128xi32, #tpu.memory_space<vmem>>
      %dma_start3A_310 = tpu.memref_squeeze %dma_start3A_309 : memref<1x128xi32, #tpu.memory_space<vmem>> -> memref<128xi32, #tpu.memory_space<vmem>>
      %dma_start3A_311 = arith.constant 0 : i32
      %dma_start3A_312 = arith.constant 0 : i32
      %dma_start3A_313 = tpu.memref_slice %arg17[%dma_start3A_311, %dma_start3A_312] : memref<5120x128xf32, #tpu.memory_space<vmem_shared>> -> memref<5120x128xf32, #tpu.memory_space<vmem_shared>>
      tpu.enqueue_indirect_dma source(%dma_start3A_313 : memref<5120x128xf32, #tpu.memory_space<vmem_shared>>) target(%dma_start3A_307 : memref<128x128xf32, #tpu.memory_space<vmem>>) offsets(%dma_start3A_310 : memref<128xi32, #tpu.memory_space<vmem>>) semaphore(%arg20 : memref<!tpu.dma_semaphore, #tpu.memory_space<semaphore_mem>>)
      %dma_wait3A_314 = arith.constant 3 : i32
      %dma_wait3A_315 = arith.constant 1 : i32
      %dma_wait3A_316 = arith.constant 0 : i32
      %dma_wait3A_317 = arith.constant 0 : i32
      %dma_wait3A_318 = tpu.memref_slice %arg14[%dma_wait3A_315, %dma_wait3A_316, %dma_wait3A_317] : memref<2x128x128xf32, #tpu.memory_space<vmem>> -> memref<1x128x128xf32, #tpu.memory_space<vmem>>
      %dma_wait3A_319 = tpu.memref_squeeze %dma_wait3A_318 : memref<1x128x128xf32, #tpu.memory_space<vmem>> -> memref<128x128xf32, #tpu.memory_space<vmem>>
      %dma_wait3A_320 = arith.constant 0 : i32
      %dma_wait3A_321 = tpu.memref_slice %arg11[%dma_wait3A_314, %dma_wait3A_320] : memref<8x128xi32, #tpu.memory_space<vmem>> -> memref<1x128xi32, #tpu.memory_space<vmem>>
      %dma_wait3A_322 = tpu.memref_squeeze %dma_wait3A_321 : memref<1x128xi32, #tpu.memory_space<vmem>> -> memref<128xi32, #tpu.memory_space<vmem>>
      %dma_wait3A_323 = arith.constant 0 : i32
      %dma_wait3A_324 = arith.constant 0 : i32
      %dma_wait3A_325 = tpu.memref_slice %arg17[%dma_wait3A_323, %dma_wait3A_324] : memref<5120x128xf32, #tpu.memory_space<vmem_shared>> -> memref<5120x128xf32, #tpu.memory_space<vmem_shared>>
      tpu.wait_indirect_dma semaphore(%arg21 : memref<!tpu.dma_semaphore, #tpu.memory_space<semaphore_mem>>) src(%dma_wait3A_325 : memref<5120x128xf32, #tpu.memory_space<vmem_shared>>) dst(%dma_wait3A_319 : memref<128x128xf32, #tpu.memory_space<vmem>>)
      %run_scoped3A_326 = arith.constant 1 : i32
      %run_scoped3A_327 = arith.constant 3 : i32
      "tpu.region"() ({
        %run_scoped3A_425 = tpu.sem_alloc : memref<!tpu.dma_semaphore, #tpu.memory_space<semaphore_mem>>
        %dma_start3A_426 = arith.constant 0 : i32
        %dma_start3A_427 = arith.constant 0 : i32
        %dma_start3A_428 = tpu.memref_slice %arg14[%run_scoped3A_326, %dma_start3A_426, %dma_start3A_427] : memref<2x128x128xf32, #tpu.memory_space<vmem>> -> memref<1x128x128xf32, #tpu.memory_space<vmem>>
        %dma_start3A_429 = tpu.memref_squeeze %dma_start3A_428 : memref<1x128x128xf32, #tpu.memory_space<vmem>> -> memref<128x128xf32, #tpu.memory_space<vmem>>
        %dma_start3A_430 = arith.constant 0 : i32
        %dma_start3A_431 = tpu.memref_slice %arg12[%run_scoped3A_327, %dma_start3A_430] : memref<8x128xi32, #tpu.memory_space<vmem>> -> memref<1x128xi32, #tpu.memory_space<vmem>>
        %dma_start3A_432 = tpu.memref_squeeze %dma_start3A_431 : memref<1x128xi32, #tpu.memory_space<vmem>> -> memref<128xi32, #tpu.memory_space<vmem>>
        %dma_start3A_433 = arith.constant 0 : i32
        %dma_start3A_434 = arith.constant 0 : i32
        %dma_start3A_435 = tpu.memref_slice %arg18[%dma_start3A_433, %dma_start3A_434] : memref<5120x128xf32, #tpu.memory_space<vmem_shared>> -> memref<5120x128xf32, #tpu.memory_space<vmem_shared>>
        tpu.enqueue_indirect_dma source(%dma_start3A_429 : memref<128x128xf32, #tpu.memory_space<vmem>>) target(%dma_start3A_435 : memref<5120x128xf32, #tpu.memory_space<vmem_shared>>) offsets(%dma_start3A_432 : memref<128xi32, #tpu.memory_space<vmem>>) semaphore(%run_scoped3A_425 : memref<!tpu.dma_semaphore, #tpu.memory_space<semaphore_mem>>) {add = true}
        %dma_wait3A_436 = arith.constant 0 : i32
        %dma_wait3A_437 = arith.constant 0 : i32
        %dma_wait3A_438 = tpu.memref_slice %arg14[%run_scoped3A_326, %dma_wait3A_436, %dma_wait3A_437] : memref<2x128x128xf32, #tpu.memory_space<vmem>> -> memref<1x128x128xf32, #tpu.memory_space<vmem>>
        %dma_wait3A_439 = tpu.memref_squeeze %dma_wait3A_438 : memref<1x128x128xf32, #tpu.memory_space<vmem>> -> memref<128x128xf32, #tpu.memory_space<vmem>>
        %dma_wait3A_440 = arith.constant 0 : i32
        %dma_wait3A_441 = tpu.memref_slice %arg12[%run_scoped3A_327, %dma_wait3A_440] : memref<8x128xi32, #tpu.memory_space<vmem>> -> memref<1x128xi32, #tpu.memory_space<vmem>>
        %dma_wait3A_442 = tpu.memref_squeeze %dma_wait3A_441 : memref<1x128xi32, #tpu.memory_space<vmem>> -> memref<128xi32, #tpu.memory_space<vmem>>
        %dma_wait3A_443 = arith.constant 0 : i32
        %dma_wait3A_444 = arith.constant 0 : i32
        %dma_wait3A_445 = tpu.memref_slice %arg18[%dma_wait3A_443, %dma_wait3A_444] : memref<5120x128xf32, #tpu.memory_space<vmem_shared>> -> memref<5120x128xf32, #tpu.memory_space<vmem_shared>>
        tpu.wait_indirect_dma semaphore(%run_scoped3A_425 : memref<!tpu.dma_semaphore, #tpu.memory_space<semaphore_mem>>) src(%dma_wait3A_439 : memref<128x128xf32, #tpu.memory_space<vmem>>) dst(%dma_wait3A_445 : memref<5120x128xf32, #tpu.memory_space<vmem_shared>>)
        tpu.yield
      }) : () -> ()
      %run_scoped3A_328 = arith.constant 3 : i32
      "tpu.region"() ({
        %run_scoped3A_425 = tpu.sem_alloc : memref<!tpu.dma_semaphore, #tpu.memory_space<semaphore_mem>>
        %dma_start3A_426 = arith.constant 0 : i32
        %dma_start3A_427 = tpu.memref_slice %arg13[%run_scoped3A_328, %dma_start3A_426] : memref<8x128xi32, #tpu.memory_space<vmem>> -> memref<1x128xi32, #tpu.memory_space<vmem>>
        %dma_start3A_428 = tpu.memref_squeeze %dma_start3A_427 : memref<1x128xi32, #tpu.memory_space<vmem>> -> memref<128xi32, #tpu.memory_space<vmem>>
        %dma_start3A_429 = arith.constant 0 : i32
        %dma_start3A_430 = tpu.memref_slice %arg19[%dma_start3A_429] : memref<90112xf32, #tpu.memory_space<vmem_shared>> -> memref<90112xf32, #tpu.memory_space<vmem_shared>>
        tpu.enqueue_indirect_dma source(%arg15 : memref<128xf32, #tpu.memory_space<vmem>>) target(%dma_start3A_430 : memref<90112xf32, #tpu.memory_space<vmem_shared>>) offsets(%dma_start3A_428 : memref<128xi32, #tpu.memory_space<vmem>>) semaphore(%run_scoped3A_425 : memref<!tpu.dma_semaphore, #tpu.memory_space<semaphore_mem>>) {add = true}
        %dma_wait3A_431 = arith.constant 0 : i32
        %dma_wait3A_432 = tpu.memref_slice %arg13[%run_scoped3A_328, %dma_wait3A_431] : memref<8x128xi32, #tpu.memory_space<vmem>> -> memref<1x128xi32, #tpu.memory_space<vmem>>
        %dma_wait3A_433 = tpu.memref_squeeze %dma_wait3A_432 : memref<1x128xi32, #tpu.memory_space<vmem>> -> memref<128xi32, #tpu.memory_space<vmem>>
        %dma_wait3A_434 = arith.constant 0 : i32
        %dma_wait3A_435 = tpu.memref_slice %arg19[%dma_wait3A_434] : memref<90112xf32, #tpu.memory_space<vmem_shared>> -> memref<90112xf32, #tpu.memory_space<vmem_shared>>
        tpu.wait_indirect_dma semaphore(%run_scoped3A_425 : memref<!tpu.dma_semaphore, #tpu.memory_space<semaphore_mem>>) src(%arg15 : memref<128xf32, #tpu.memory_space<vmem>>) dst(%dma_wait3A_435 : memref<90112xf32, #tpu.memory_space<vmem_shared>>)
        tpu.yield
      }) : () -> ()
      %dma_start3A_329 = arith.constant 5 : i32
      %dma_start3A_330 = arith.constant 1 : i32
      %dma_start3A_331 = arith.constant 0 : i32
      %dma_start3A_332 = arith.constant 0 : i32
      %dma_start3A_333 = tpu.memref_slice %arg14[%dma_start3A_330, %dma_start3A_331, %dma_start3A_332] : memref<2x128x128xf32, #tpu.memory_space<vmem>> -> memref<1x128x128xf32, #tpu.memory_space<vmem>>
      %dma_start3A_334 = tpu.memref_squeeze %dma_start3A_333 : memref<1x128x128xf32, #tpu.memory_space<vmem>> -> memref<128x128xf32, #tpu.memory_space<vmem>>
      %dma_start3A_335 = arith.constant 0 : i32
      %dma_start3A_336 = tpu.memref_slice %arg11[%dma_start3A_329, %dma_start3A_335] : memref<8x128xi32, #tpu.memory_space<vmem>> -> memref<1x128xi32, #tpu.memory_space<vmem>>
      %dma_start3A_337 = tpu.memref_squeeze %dma_start3A_336 : memref<1x128xi32, #tpu.memory_space<vmem>> -> memref<128xi32, #tpu.memory_space<vmem>>
      %dma_start3A_338 = arith.constant 0 : i32
      %dma_start3A_339 = arith.constant 0 : i32
      %dma_start3A_340 = tpu.memref_slice %arg17[%dma_start3A_338, %dma_start3A_339] : memref<5120x128xf32, #tpu.memory_space<vmem_shared>> -> memref<5120x128xf32, #tpu.memory_space<vmem_shared>>
      tpu.enqueue_indirect_dma source(%dma_start3A_340 : memref<5120x128xf32, #tpu.memory_space<vmem_shared>>) target(%dma_start3A_334 : memref<128x128xf32, #tpu.memory_space<vmem>>) offsets(%dma_start3A_337 : memref<128xi32, #tpu.memory_space<vmem>>) semaphore(%arg21 : memref<!tpu.dma_semaphore, #tpu.memory_space<semaphore_mem>>)
      %dma_wait3A_341 = arith.constant 4 : i32
      %dma_wait3A_342 = arith.constant 0 : i32
      %dma_wait3A_343 = arith.constant 0 : i32
      %dma_wait3A_344 = arith.constant 0 : i32
      %dma_wait3A_345 = tpu.memref_slice %arg14[%dma_wait3A_342, %dma_wait3A_343, %dma_wait3A_344] : memref<2x128x128xf32, #tpu.memory_space<vmem>> -> memref<1x128x128xf32, #tpu.memory_space<vmem>>
      %dma_wait3A_346 = tpu.memref_squeeze %dma_wait3A_345 : memref<1x128x128xf32, #tpu.memory_space<vmem>> -> memref<128x128xf32, #tpu.memory_space<vmem>>
      %dma_wait3A_347 = arith.constant 0 : i32
      %dma_wait3A_348 = tpu.memref_slice %arg11[%dma_wait3A_341, %dma_wait3A_347] : memref<8x128xi32, #tpu.memory_space<vmem>> -> memref<1x128xi32, #tpu.memory_space<vmem>>
      %dma_wait3A_349 = tpu.memref_squeeze %dma_wait3A_348 : memref<1x128xi32, #tpu.memory_space<vmem>> -> memref<128xi32, #tpu.memory_space<vmem>>
      %dma_wait3A_350 = arith.constant 0 : i32
      %dma_wait3A_351 = arith.constant 0 : i32
      %dma_wait3A_352 = tpu.memref_slice %arg17[%dma_wait3A_350, %dma_wait3A_351] : memref<5120x128xf32, #tpu.memory_space<vmem_shared>> -> memref<5120x128xf32, #tpu.memory_space<vmem_shared>>
      tpu.wait_indirect_dma semaphore(%arg20 : memref<!tpu.dma_semaphore, #tpu.memory_space<semaphore_mem>>) src(%dma_wait3A_352 : memref<5120x128xf32, #tpu.memory_space<vmem_shared>>) dst(%dma_wait3A_346 : memref<128x128xf32, #tpu.memory_space<vmem>>)
      %run_scoped3A_353 = arith.constant 0 : i32
      %run_scoped3A_354 = arith.constant 4 : i32
      "tpu.region"() ({
        %run_scoped3A_425 = tpu.sem_alloc : memref<!tpu.dma_semaphore, #tpu.memory_space<semaphore_mem>>
        %dma_start3A_426 = arith.constant 0 : i32
        %dma_start3A_427 = arith.constant 0 : i32
        %dma_start3A_428 = tpu.memref_slice %arg14[%run_scoped3A_353, %dma_start3A_426, %dma_start3A_427] : memref<2x128x128xf32, #tpu.memory_space<vmem>> -> memref<1x128x128xf32, #tpu.memory_space<vmem>>
        %dma_start3A_429 = tpu.memref_squeeze %dma_start3A_428 : memref<1x128x128xf32, #tpu.memory_space<vmem>> -> memref<128x128xf32, #tpu.memory_space<vmem>>
        %dma_start3A_430 = arith.constant 0 : i32
        %dma_start3A_431 = tpu.memref_slice %arg12[%run_scoped3A_354, %dma_start3A_430] : memref<8x128xi32, #tpu.memory_space<vmem>> -> memref<1x128xi32, #tpu.memory_space<vmem>>
        %dma_start3A_432 = tpu.memref_squeeze %dma_start3A_431 : memref<1x128xi32, #tpu.memory_space<vmem>> -> memref<128xi32, #tpu.memory_space<vmem>>
        %dma_start3A_433 = arith.constant 0 : i32
        %dma_start3A_434 = arith.constant 0 : i32
        %dma_start3A_435 = tpu.memref_slice %arg18[%dma_start3A_433, %dma_start3A_434] : memref<5120x128xf32, #tpu.memory_space<vmem_shared>> -> memref<5120x128xf32, #tpu.memory_space<vmem_shared>>
        tpu.enqueue_indirect_dma source(%dma_start3A_429 : memref<128x128xf32, #tpu.memory_space<vmem>>) target(%dma_start3A_435 : memref<5120x128xf32, #tpu.memory_space<vmem_shared>>) offsets(%dma_start3A_432 : memref<128xi32, #tpu.memory_space<vmem>>) semaphore(%run_scoped3A_425 : memref<!tpu.dma_semaphore, #tpu.memory_space<semaphore_mem>>) {add = true}
        %dma_wait3A_436 = arith.constant 0 : i32
        %dma_wait3A_437 = arith.constant 0 : i32
        %dma_wait3A_438 = tpu.memref_slice %arg14[%run_scoped3A_353, %dma_wait3A_436, %dma_wait3A_437] : memref<2x128x128xf32, #tpu.memory_space<vmem>> -> memref<1x128x128xf32, #tpu.memory_space<vmem>>
        %dma_wait3A_439 = tpu.memref_squeeze %dma_wait3A_438 : memref<1x128x128xf32, #tpu.memory_space<vmem>> -> memref<128x128xf32, #tpu.memory_space<vmem>>
        %dma_wait3A_440 = arith.constant 0 : i32
        %dma_wait3A_441 = tpu.memref_slice %arg12[%run_scoped3A_354, %dma_wait3A_440] : memref<8x128xi32, #tpu.memory_space<vmem>> -> memref<1x128xi32, #tpu.memory_space<vmem>>
        %dma_wait3A_442 = tpu.memref_squeeze %dma_wait3A_441 : memref<1x128xi32, #tpu.memory_space<vmem>> -> memref<128xi32, #tpu.memory_space<vmem>>
        %dma_wait3A_443 = arith.constant 0 : i32
        %dma_wait3A_444 = arith.constant 0 : i32
        %dma_wait3A_445 = tpu.memref_slice %arg18[%dma_wait3A_443, %dma_wait3A_444] : memref<5120x128xf32, #tpu.memory_space<vmem_shared>> -> memref<5120x128xf32, #tpu.memory_space<vmem_shared>>
        tpu.wait_indirect_dma semaphore(%run_scoped3A_425 : memref<!tpu.dma_semaphore, #tpu.memory_space<semaphore_mem>>) src(%dma_wait3A_439 : memref<128x128xf32, #tpu.memory_space<vmem>>) dst(%dma_wait3A_445 : memref<5120x128xf32, #tpu.memory_space<vmem_shared>>)
        tpu.yield
      }) : () -> ()
      %run_scoped3A_355 = arith.constant 4 : i32
      "tpu.region"() ({
        %run_scoped3A_425 = tpu.sem_alloc : memref<!tpu.dma_semaphore, #tpu.memory_space<semaphore_mem>>
        %dma_start3A_426 = arith.constant 0 : i32
        %dma_start3A_427 = tpu.memref_slice %arg13[%run_scoped3A_355, %dma_start3A_426] : memref<8x128xi32, #tpu.memory_space<vmem>> -> memref<1x128xi32, #tpu.memory_space<vmem>>
        %dma_start3A_428 = tpu.memref_squeeze %dma_start3A_427 : memref<1x128xi32, #tpu.memory_space<vmem>> -> memref<128xi32, #tpu.memory_space<vmem>>
        %dma_start3A_429 = arith.constant 0 : i32
        %dma_start3A_430 = tpu.memref_slice %arg19[%dma_start3A_429] : memref<90112xf32, #tpu.memory_space<vmem_shared>> -> memref<90112xf32, #tpu.memory_space<vmem_shared>>
        tpu.enqueue_indirect_dma source(%arg15 : memref<128xf32, #tpu.memory_space<vmem>>) target(%dma_start3A_430 : memref<90112xf32, #tpu.memory_space<vmem_shared>>) offsets(%dma_start3A_428 : memref<128xi32, #tpu.memory_space<vmem>>) semaphore(%run_scoped3A_425 : memref<!tpu.dma_semaphore, #tpu.memory_space<semaphore_mem>>) {add = true}
        %dma_wait3A_431 = arith.constant 0 : i32
        %dma_wait3A_432 = tpu.memref_slice %arg13[%run_scoped3A_355, %dma_wait3A_431] : memref<8x128xi32, #tpu.memory_space<vmem>> -> memref<1x128xi32, #tpu.memory_space<vmem>>
        %dma_wait3A_433 = tpu.memref_squeeze %dma_wait3A_432 : memref<1x128xi32, #tpu.memory_space<vmem>> -> memref<128xi32, #tpu.memory_space<vmem>>
        %dma_wait3A_434 = arith.constant 0 : i32
        %dma_wait3A_435 = tpu.memref_slice %arg19[%dma_wait3A_434] : memref<90112xf32, #tpu.memory_space<vmem_shared>> -> memref<90112xf32, #tpu.memory_space<vmem_shared>>
        tpu.wait_indirect_dma semaphore(%run_scoped3A_425 : memref<!tpu.dma_semaphore, #tpu.memory_space<semaphore_mem>>) src(%arg15 : memref<128xf32, #tpu.memory_space<vmem>>) dst(%dma_wait3A_435 : memref<90112xf32, #tpu.memory_space<vmem_shared>>)
        tpu.yield
      }) : () -> ()
      %dma_start3A_356 = arith.constant 6 : i32
      %dma_start3A_357 = arith.constant 0 : i32
      %dma_start3A_358 = arith.constant 0 : i32
      %dma_start3A_359 = arith.constant 0 : i32
      %dma_start3A_360 = tpu.memref_slice %arg14[%dma_start3A_357, %dma_start3A_358, %dma_start3A_359] : memref<2x128x128xf32, #tpu.memory_space<vmem>> -> memref<1x128x128xf32, #tpu.memory_space<vmem>>
      %dma_start3A_361 = tpu.memref_squeeze %dma_start3A_360 : memref<1x128x128xf32, #tpu.memory_space<vmem>> -> memref<128x128xf32, #tpu.memory_space<vmem>>
      %dma_start3A_362 = arith.constant 0 : i32
      %dma_start3A_363 = tpu.memref_slice %arg11[%dma_start3A_356, %dma_start3A_362] : memref<8x128xi32, #tpu.memory_space<vmem>> -> memref<1x128xi32, #tpu.memory_space<vmem>>
      %dma_start3A_364 = tpu.memref_squeeze %dma_start3A_363 : memref<1x128xi32, #tpu.memory_space<vmem>> -> memref<128xi32, #tpu.memory_space<vmem>>
      %dma_start3A_365 = arith.constant 0 : i32
      %dma_start3A_366 = arith.constant 0 : i32
      %dma_start3A_367 = tpu.memref_slice %arg17[%dma_start3A_365, %dma_start3A_366] : memref<5120x128xf32, #tpu.memory_space<vmem_shared>> -> memref<5120x128xf32, #tpu.memory_space<vmem_shared>>
      tpu.enqueue_indirect_dma source(%dma_start3A_367 : memref<5120x128xf32, #tpu.memory_space<vmem_shared>>) target(%dma_start3A_361 : memref<128x128xf32, #tpu.memory_space<vmem>>) offsets(%dma_start3A_364 : memref<128xi32, #tpu.memory_space<vmem>>) semaphore(%arg20 : memref<!tpu.dma_semaphore, #tpu.memory_space<semaphore_mem>>)
      %dma_wait3A_368 = arith.constant 5 : i32
      %dma_wait3A_369 = arith.constant 1 : i32
      %dma_wait3A_370 = arith.constant 0 : i32
      %dma_wait3A_371 = arith.constant 0 : i32
      %dma_wait3A_372 = tpu.memref_slice %arg14[%dma_wait3A_369, %dma_wait3A_370, %dma_wait3A_371] : memref<2x128x128xf32, #tpu.memory_space<vmem>> -> memref<1x128x128xf32, #tpu.memory_space<vmem>>
      %dma_wait3A_373 = tpu.memref_squeeze %dma_wait3A_372 : memref<1x128x128xf32, #tpu.memory_space<vmem>> -> memref<128x128xf32, #tpu.memory_space<vmem>>
      %dma_wait3A_374 = arith.constant 0 : i32
      %dma_wait3A_375 = tpu.memref_slice %arg11[%dma_wait3A_368, %dma_wait3A_374] : memref<8x128xi32, #tpu.memory_space<vmem>> -> memref<1x128xi32, #tpu.memory_space<vmem>>
      %dma_wait3A_376 = tpu.memref_squeeze %dma_wait3A_375 : memref<1x128xi32, #tpu.memory_space<vmem>> -> memref<128xi32, #tpu.memory_space<vmem>>
      %dma_wait3A_377 = arith.constant 0 : i32
      %dma_wait3A_378 = arith.constant 0 : i32
      %dma_wait3A_379 = tpu.memref_slice %arg17[%dma_wait3A_377, %dma_wait3A_378] : memref<5120x128xf32, #tpu.memory_space<vmem_shared>> -> memref<5120x128xf32, #tpu.memory_space<vmem_shared>>
      tpu.wait_indirect_dma semaphore(%arg21 : memref<!tpu.dma_semaphore, #tpu.memory_space<semaphore_mem>>) src(%dma_wait3A_379 : memref<5120x128xf32, #tpu.memory_space<vmem_shared>>) dst(%dma_wait3A_373 : memref<128x128xf32, #tpu.memory_space<vmem>>)
      %run_scoped3A_380 = arith.constant 1 : i32
      %run_scoped3A_381 = arith.constant 5 : i32
      "tpu.region"() ({
        %run_scoped3A_425 = tpu.sem_alloc : memref<!tpu.dma_semaphore, #tpu.memory_space<semaphore_mem>>
        %dma_start3A_426 = arith.constant 0 : i32
        %dma_start3A_427 = arith.constant 0 : i32
        %dma_start3A_428 = tpu.memref_slice %arg14[%run_scoped3A_380, %dma_start3A_426, %dma_start3A_427] : memref<2x128x128xf32, #tpu.memory_space<vmem>> -> memref<1x128x128xf32, #tpu.memory_space<vmem>>
        %dma_start3A_429 = tpu.memref_squeeze %dma_start3A_428 : memref<1x128x128xf32, #tpu.memory_space<vmem>> -> memref<128x128xf32, #tpu.memory_space<vmem>>
        %dma_start3A_430 = arith.constant 0 : i32
        %dma_start3A_431 = tpu.memref_slice %arg12[%run_scoped3A_381, %dma_start3A_430] : memref<8x128xi32, #tpu.memory_space<vmem>> -> memref<1x128xi32, #tpu.memory_space<vmem>>
        %dma_start3A_432 = tpu.memref_squeeze %dma_start3A_431 : memref<1x128xi32, #tpu.memory_space<vmem>> -> memref<128xi32, #tpu.memory_space<vmem>>
        %dma_start3A_433 = arith.constant 0 : i32
        %dma_start3A_434 = arith.constant 0 : i32
        %dma_start3A_435 = tpu.memref_slice %arg18[%dma_start3A_433, %dma_start3A_434] : memref<5120x128xf32, #tpu.memory_space<vmem_shared>> -> memref<5120x128xf32, #tpu.memory_space<vmem_shared>>
        tpu.enqueue_indirect_dma source(%dma_start3A_429 : memref<128x128xf32, #tpu.memory_space<vmem>>) target(%dma_start3A_435 : memref<5120x128xf32, #tpu.memory_space<vmem_shared>>) offsets(%dma_start3A_432 : memref<128xi32, #tpu.memory_space<vmem>>) semaphore(%run_scoped3A_425 : memref<!tpu.dma_semaphore, #tpu.memory_space<semaphore_mem>>) {add = true}
        %dma_wait3A_436 = arith.constant 0 : i32
        %dma_wait3A_437 = arith.constant 0 : i32
        %dma_wait3A_438 = tpu.memref_slice %arg14[%run_scoped3A_380, %dma_wait3A_436, %dma_wait3A_437] : memref<2x128x128xf32, #tpu.memory_space<vmem>> -> memref<1x128x128xf32, #tpu.memory_space<vmem>>
        %dma_wait3A_439 = tpu.memref_squeeze %dma_wait3A_438 : memref<1x128x128xf32, #tpu.memory_space<vmem>> -> memref<128x128xf32, #tpu.memory_space<vmem>>
        %dma_wait3A_440 = arith.constant 0 : i32
        %dma_wait3A_441 = tpu.memref_slice %arg12[%run_scoped3A_381, %dma_wait3A_440] : memref<8x128xi32, #tpu.memory_space<vmem>> -> memref<1x128xi32, #tpu.memory_space<vmem>>
        %dma_wait3A_442 = tpu.memref_squeeze %dma_wait3A_441 : memref<1x128xi32, #tpu.memory_space<vmem>> -> memref<128xi32, #tpu.memory_space<vmem>>
        %dma_wait3A_443 = arith.constant 0 : i32
        %dma_wait3A_444 = arith.constant 0 : i32
        %dma_wait3A_445 = tpu.memref_slice %arg18[%dma_wait3A_443, %dma_wait3A_444] : memref<5120x128xf32, #tpu.memory_space<vmem_shared>> -> memref<5120x128xf32, #tpu.memory_space<vmem_shared>>
        tpu.wait_indirect_dma semaphore(%run_scoped3A_425 : memref<!tpu.dma_semaphore, #tpu.memory_space<semaphore_mem>>) src(%dma_wait3A_439 : memref<128x128xf32, #tpu.memory_space<vmem>>) dst(%dma_wait3A_445 : memref<5120x128xf32, #tpu.memory_space<vmem_shared>>)
        tpu.yield
      }) : () -> ()
      %run_scoped3A_382 = arith.constant 5 : i32
      "tpu.region"() ({
        %run_scoped3A_425 = tpu.sem_alloc : memref<!tpu.dma_semaphore, #tpu.memory_space<semaphore_mem>>
        %dma_start3A_426 = arith.constant 0 : i32
        %dma_start3A_427 = tpu.memref_slice %arg13[%run_scoped3A_382, %dma_start3A_426] : memref<8x128xi32, #tpu.memory_space<vmem>> -> memref<1x128xi32, #tpu.memory_space<vmem>>
        %dma_start3A_428 = tpu.memref_squeeze %dma_start3A_427 : memref<1x128xi32, #tpu.memory_space<vmem>> -> memref<128xi32, #tpu.memory_space<vmem>>
        %dma_start3A_429 = arith.constant 0 : i32
        %dma_start3A_430 = tpu.memref_slice %arg19[%dma_start3A_429] : memref<90112xf32, #tpu.memory_space<vmem_shared>> -> memref<90112xf32, #tpu.memory_space<vmem_shared>>
        tpu.enqueue_indirect_dma source(%arg15 : memref<128xf32, #tpu.memory_space<vmem>>) target(%dma_start3A_430 : memref<90112xf32, #tpu.memory_space<vmem_shared>>) offsets(%dma_start3A_428 : memref<128xi32, #tpu.memory_space<vmem>>) semaphore(%run_scoped3A_425 : memref<!tpu.dma_semaphore, #tpu.memory_space<semaphore_mem>>) {add = true}
        %dma_wait3A_431 = arith.constant 0 : i32
        %dma_wait3A_432 = tpu.memref_slice %arg13[%run_scoped3A_382, %dma_wait3A_431] : memref<8x128xi32, #tpu.memory_space<vmem>> -> memref<1x128xi32, #tpu.memory_space<vmem>>
        %dma_wait3A_433 = tpu.memref_squeeze %dma_wait3A_432 : memref<1x128xi32, #tpu.memory_space<vmem>> -> memref<128xi32, #tpu.memory_space<vmem>>
        %dma_wait3A_434 = arith.constant 0 : i32
        %dma_wait3A_435 = tpu.memref_slice %arg19[%dma_wait3A_434] : memref<90112xf32, #tpu.memory_space<vmem_shared>> -> memref<90112xf32, #tpu.memory_space<vmem_shared>>
        tpu.wait_indirect_dma semaphore(%run_scoped3A_425 : memref<!tpu.dma_semaphore, #tpu.memory_space<semaphore_mem>>) src(%arg15 : memref<128xf32, #tpu.memory_space<vmem>>) dst(%dma_wait3A_435 : memref<90112xf32, #tpu.memory_space<vmem_shared>>)
        tpu.yield
      }) : () -> ()
      %dma_start3A_383 = arith.constant 7 : i32
      %dma_start3A_384 = arith.constant 1 : i32
      %dma_start3A_385 = arith.constant 0 : i32
      %dma_start3A_386 = arith.constant 0 : i32
      %dma_start3A_387 = tpu.memref_slice %arg14[%dma_start3A_384, %dma_start3A_385, %dma_start3A_386] : memref<2x128x128xf32, #tpu.memory_space<vmem>> -> memref<1x128x128xf32, #tpu.memory_space<vmem>>
      %dma_start3A_388 = tpu.memref_squeeze %dma_start3A_387 : memref<1x128x128xf32, #tpu.memory_space<vmem>> -> memref<128x128xf32, #tpu.memory_space<vmem>>
      %dma_start3A_389 = arith.constant 0 : i32
      %dma_start3A_390 = tpu.memref_slice %arg11[%dma_start3A_383, %dma_start3A_389] : memref<8x128xi32, #tpu.memory_space<vmem>> -> memref<1x128xi32, #tpu.memory_space<vmem>>
      %dma_start3A_391 = tpu.memref_squeeze %dma_start3A_390 : memref<1x128xi32, #tpu.memory_space<vmem>> -> memref<128xi32, #tpu.memory_space<vmem>>
      %dma_start3A_392 = arith.constant 0 : i32
      %dma_start3A_393 = arith.constant 0 : i32
      %dma_start3A_394 = tpu.memref_slice %arg17[%dma_start3A_392, %dma_start3A_393] : memref<5120x128xf32, #tpu.memory_space<vmem_shared>> -> memref<5120x128xf32, #tpu.memory_space<vmem_shared>>
      tpu.enqueue_indirect_dma source(%dma_start3A_394 : memref<5120x128xf32, #tpu.memory_space<vmem_shared>>) target(%dma_start3A_388 : memref<128x128xf32, #tpu.memory_space<vmem>>) offsets(%dma_start3A_391 : memref<128xi32, #tpu.memory_space<vmem>>) semaphore(%arg21 : memref<!tpu.dma_semaphore, #tpu.memory_space<semaphore_mem>>)
      %dma_wait3A_395 = arith.constant 6 : i32
      %dma_wait3A_396 = arith.constant 0 : i32
      %dma_wait3A_397 = arith.constant 0 : i32
      %dma_wait3A_398 = arith.constant 0 : i32
      %dma_wait3A_399 = tpu.memref_slice %arg14[%dma_wait3A_396, %dma_wait3A_397, %dma_wait3A_398] : memref<2x128x128xf32, #tpu.memory_space<vmem>> -> memref<1x128x128xf32, #tpu.memory_space<vmem>>
      %dma_wait3A_400 = tpu.memref_squeeze %dma_wait3A_399 : memref<1x128x128xf32, #tpu.memory_space<vmem>> -> memref<128x128xf32, #tpu.memory_space<vmem>>
      %dma_wait3A_401 = arith.constant 0 : i32
      %dma_wait3A_402 = tpu.memref_slice %arg11[%dma_wait3A_395, %dma_wait3A_401] : memref<8x128xi32, #tpu.memory_space<vmem>> -> memref<1x128xi32, #tpu.memory_space<vmem>>
      %dma_wait3A_403 = tpu.memref_squeeze %dma_wait3A_402 : memref<1x128xi32, #tpu.memory_space<vmem>> -> memref<128xi32, #tpu.memory_space<vmem>>
      %dma_wait3A_404 = arith.constant 0 : i32
      %dma_wait3A_405 = arith.constant 0 : i32
      %dma_wait3A_406 = tpu.memref_slice %arg17[%dma_wait3A_404, %dma_wait3A_405] : memref<5120x128xf32, #tpu.memory_space<vmem_shared>> -> memref<5120x128xf32, #tpu.memory_space<vmem_shared>>
      tpu.wait_indirect_dma semaphore(%arg20 : memref<!tpu.dma_semaphore, #tpu.memory_space<semaphore_mem>>) src(%dma_wait3A_406 : memref<5120x128xf32, #tpu.memory_space<vmem_shared>>) dst(%dma_wait3A_400 : memref<128x128xf32, #tpu.memory_space<vmem>>)
      %run_scoped3A_407 = arith.constant 0 : i32
      %run_scoped3A_408 = arith.constant 6 : i32
      "tpu.region"() ({
        %run_scoped3A_425 = tpu.sem_alloc : memref<!tpu.dma_semaphore, #tpu.memory_space<semaphore_mem>>
        %dma_start3A_426 = arith.constant 0 : i32
        %dma_start3A_427 = arith.constant 0 : i32
        %dma_start3A_428 = tpu.memref_slice %arg14[%run_scoped3A_407, %dma_start3A_426, %dma_start3A_427] : memref<2x128x128xf32, #tpu.memory_space<vmem>> -> memref<1x128x128xf32, #tpu.memory_space<vmem>>
        %dma_start3A_429 = tpu.memref_squeeze %dma_start3A_428 : memref<1x128x128xf32, #tpu.memory_space<vmem>> -> memref<128x128xf32, #tpu.memory_space<vmem>>
        %dma_start3A_430 = arith.constant 0 : i32
        %dma_start3A_431 = tpu.memref_slice %arg12[%run_scoped3A_408, %dma_start3A_430] : memref<8x128xi32, #tpu.memory_space<vmem>> -> memref<1x128xi32, #tpu.memory_space<vmem>>
        %dma_start3A_432 = tpu.memref_squeeze %dma_start3A_431 : memref<1x128xi32, #tpu.memory_space<vmem>> -> memref<128xi32, #tpu.memory_space<vmem>>
        %dma_start3A_433 = arith.constant 0 : i32
        %dma_start3A_434 = arith.constant 0 : i32
        %dma_start3A_435 = tpu.memref_slice %arg18[%dma_start3A_433, %dma_start3A_434] : memref<5120x128xf32, #tpu.memory_space<vmem_shared>> -> memref<5120x128xf32, #tpu.memory_space<vmem_shared>>
        tpu.enqueue_indirect_dma source(%dma_start3A_429 : memref<128x128xf32, #tpu.memory_space<vmem>>) target(%dma_start3A_435 : memref<5120x128xf32, #tpu.memory_space<vmem_shared>>) offsets(%dma_start3A_432 : memref<128xi32, #tpu.memory_space<vmem>>) semaphore(%run_scoped3A_425 : memref<!tpu.dma_semaphore, #tpu.memory_space<semaphore_mem>>) {add = true}
        %dma_wait3A_436 = arith.constant 0 : i32
        %dma_wait3A_437 = arith.constant 0 : i32
        %dma_wait3A_438 = tpu.memref_slice %arg14[%run_scoped3A_407, %dma_wait3A_436, %dma_wait3A_437] : memref<2x128x128xf32, #tpu.memory_space<vmem>> -> memref<1x128x128xf32, #tpu.memory_space<vmem>>
        %dma_wait3A_439 = tpu.memref_squeeze %dma_wait3A_438 : memref<1x128x128xf32, #tpu.memory_space<vmem>> -> memref<128x128xf32, #tpu.memory_space<vmem>>
        %dma_wait3A_440 = arith.constant 0 : i32
        %dma_wait3A_441 = tpu.memref_slice %arg12[%run_scoped3A_408, %dma_wait3A_440] : memref<8x128xi32, #tpu.memory_space<vmem>> -> memref<1x128xi32, #tpu.memory_space<vmem>>
        %dma_wait3A_442 = tpu.memref_squeeze %dma_wait3A_441 : memref<1x128xi32, #tpu.memory_space<vmem>> -> memref<128xi32, #tpu.memory_space<vmem>>
        %dma_wait3A_443 = arith.constant 0 : i32
        %dma_wait3A_444 = arith.constant 0 : i32
        %dma_wait3A_445 = tpu.memref_slice %arg18[%dma_wait3A_443, %dma_wait3A_444] : memref<5120x128xf32, #tpu.memory_space<vmem_shared>> -> memref<5120x128xf32, #tpu.memory_space<vmem_shared>>
        tpu.wait_indirect_dma semaphore(%run_scoped3A_425 : memref<!tpu.dma_semaphore, #tpu.memory_space<semaphore_mem>>) src(%dma_wait3A_439 : memref<128x128xf32, #tpu.memory_space<vmem>>) dst(%dma_wait3A_445 : memref<5120x128xf32, #tpu.memory_space<vmem_shared>>)
        tpu.yield
      }) : () -> ()
      %run_scoped3A_409 = arith.constant 6 : i32
      "tpu.region"() ({
        %run_scoped3A_425 = tpu.sem_alloc : memref<!tpu.dma_semaphore, #tpu.memory_space<semaphore_mem>>
        %dma_start3A_426 = arith.constant 0 : i32
        %dma_start3A_427 = tpu.memref_slice %arg13[%run_scoped3A_409, %dma_start3A_426] : memref<8x128xi32, #tpu.memory_space<vmem>> -> memref<1x128xi32, #tpu.memory_space<vmem>>
        %dma_start3A_428 = tpu.memref_squeeze %dma_start3A_427 : memref<1x128xi32, #tpu.memory_space<vmem>> -> memref<128xi32, #tpu.memory_space<vmem>>
        %dma_start3A_429 = arith.constant 0 : i32
        %dma_start3A_430 = tpu.memref_slice %arg19[%dma_start3A_429] : memref<90112xf32, #tpu.memory_space<vmem_shared>> -> memref<90112xf32, #tpu.memory_space<vmem_shared>>
        tpu.enqueue_indirect_dma source(%arg15 : memref<128xf32, #tpu.memory_space<vmem>>) target(%dma_start3A_430 : memref<90112xf32, #tpu.memory_space<vmem_shared>>) offsets(%dma_start3A_428 : memref<128xi32, #tpu.memory_space<vmem>>) semaphore(%run_scoped3A_425 : memref<!tpu.dma_semaphore, #tpu.memory_space<semaphore_mem>>) {add = true}
        %dma_wait3A_431 = arith.constant 0 : i32
        %dma_wait3A_432 = tpu.memref_slice %arg13[%run_scoped3A_409, %dma_wait3A_431] : memref<8x128xi32, #tpu.memory_space<vmem>> -> memref<1x128xi32, #tpu.memory_space<vmem>>
        %dma_wait3A_433 = tpu.memref_squeeze %dma_wait3A_432 : memref<1x128xi32, #tpu.memory_space<vmem>> -> memref<128xi32, #tpu.memory_space<vmem>>
        %dma_wait3A_434 = arith.constant 0 : i32
        %dma_wait3A_435 = tpu.memref_slice %arg19[%dma_wait3A_434] : memref<90112xf32, #tpu.memory_space<vmem_shared>> -> memref<90112xf32, #tpu.memory_space<vmem_shared>>
        tpu.wait_indirect_dma semaphore(%run_scoped3A_425 : memref<!tpu.dma_semaphore, #tpu.memory_space<semaphore_mem>>) src(%arg15 : memref<128xf32, #tpu.memory_space<vmem>>) dst(%dma_wait3A_435 : memref<90112xf32, #tpu.memory_space<vmem_shared>>)
        tpu.yield
      }) : () -> ()
      %dma_wait3A_410 = arith.constant 7 : i32
      %dma_wait3A_411 = arith.constant 1 : i32
      %dma_wait3A_412 = arith.constant 0 : i32
      %dma_wait3A_413 = arith.constant 0 : i32
      %dma_wait3A_414 = tpu.memref_slice %arg14[%dma_wait3A_411, %dma_wait3A_412, %dma_wait3A_413] : memref<2x128x128xf32, #tpu.memory_space<vmem>> -> memref<1x128x128xf32, #tpu.memory_space<vmem>>
      %dma_wait3A_415 = tpu.memref_squeeze %dma_wait3A_414 : memref<1x128x128xf32, #tpu.memory_space<vmem>> -> memref<128x128xf32, #tpu.memory_space<vmem>>
      %dma_wait3A_416 = arith.constant 0 : i32
      %dma_wait3A_417 = tpu.memref_slice %arg11[%dma_wait3A_410, %dma_wait3A_416] : memref<8x128xi32, #tpu.memory_space<vmem>> -> memref<1x128xi32, #tpu.memory_space<vmem>>
      %dma_wait3A_418 = tpu.memref_squeeze %dma_wait3A_417 : memref<1x128xi32, #tpu.memory_space<vmem>> -> memref<128xi32, #tpu.memory_space<vmem>>
      %dma_wait3A_419 = arith.constant 0 : i32
      %dma_wait3A_420 = arith.constant 0 : i32
      %dma_wait3A_421 = tpu.memref_slice %arg17[%dma_wait3A_419, %dma_wait3A_420] : memref<5120x128xf32, #tpu.memory_space<vmem_shared>> -> memref<5120x128xf32, #tpu.memory_space<vmem_shared>>
      tpu.wait_indirect_dma semaphore(%arg21 : memref<!tpu.dma_semaphore, #tpu.memory_space<semaphore_mem>>) src(%dma_wait3A_421 : memref<5120x128xf32, #tpu.memory_space<vmem_shared>>) dst(%dma_wait3A_415 : memref<128x128xf32, #tpu.memory_space<vmem>>)
      %run_scoped3A_422 = arith.constant 1 : i32
      %run_scoped3A_423 = arith.constant 7 : i32
      "tpu.region"() ({
        %run_scoped3A_425 = tpu.sem_alloc : memref<!tpu.dma_semaphore, #tpu.memory_space<semaphore_mem>>
        %dma_start3A_426 = arith.constant 0 : i32
        %dma_start3A_427 = arith.constant 0 : i32
        %dma_start3A_428 = tpu.memref_slice %arg14[%run_scoped3A_422, %dma_start3A_426, %dma_start3A_427] : memref<2x128x128xf32, #tpu.memory_space<vmem>> -> memref<1x128x128xf32, #tpu.memory_space<vmem>>
        %dma_start3A_429 = tpu.memref_squeeze %dma_start3A_428 : memref<1x128x128xf32, #tpu.memory_space<vmem>> -> memref<128x128xf32, #tpu.memory_space<vmem>>
        %dma_start3A_430 = arith.constant 0 : i32
        %dma_start3A_431 = tpu.memref_slice %arg12[%run_scoped3A_423, %dma_start3A_430] : memref<8x128xi32, #tpu.memory_space<vmem>> -> memref<1x128xi32, #tpu.memory_space<vmem>>
        %dma_start3A_432 = tpu.memref_squeeze %dma_start3A_431 : memref<1x128xi32, #tpu.memory_space<vmem>> -> memref<128xi32, #tpu.memory_space<vmem>>
        %dma_start3A_433 = arith.constant 0 : i32
        %dma_start3A_434 = arith.constant 0 : i32
        %dma_start3A_435 = tpu.memref_slice %arg18[%dma_start3A_433, %dma_start3A_434] : memref<5120x128xf32, #tpu.memory_space<vmem_shared>> -> memref<5120x128xf32, #tpu.memory_space<vmem_shared>>
        tpu.enqueue_indirect_dma source(%dma_start3A_429 : memref<128x128xf32, #tpu.memory_space<vmem>>) target(%dma_start3A_435 : memref<5120x128xf32, #tpu.memory_space<vmem_shared>>) offsets(%dma_start3A_432 : memref<128xi32, #tpu.memory_space<vmem>>) semaphore(%run_scoped3A_425 : memref<!tpu.dma_semaphore, #tpu.memory_space<semaphore_mem>>) {add = true}
        %dma_wait3A_436 = arith.constant 0 : i32
        %dma_wait3A_437 = arith.constant 0 : i32
        %dma_wait3A_438 = tpu.memref_slice %arg14[%run_scoped3A_422, %dma_wait3A_436, %dma_wait3A_437] : memref<2x128x128xf32, #tpu.memory_space<vmem>> -> memref<1x128x128xf32, #tpu.memory_space<vmem>>
        %dma_wait3A_439 = tpu.memref_squeeze %dma_wait3A_438 : memref<1x128x128xf32, #tpu.memory_space<vmem>> -> memref<128x128xf32, #tpu.memory_space<vmem>>
        %dma_wait3A_440 = arith.constant 0 : i32
        %dma_wait3A_441 = tpu.memref_slice %arg12[%run_scoped3A_423, %dma_wait3A_440] : memref<8x128xi32, #tpu.memory_space<vmem>> -> memref<1x128xi32, #tpu.memory_space<vmem>>
        %dma_wait3A_442 = tpu.memref_squeeze %dma_wait3A_441 : memref<1x128xi32, #tpu.memory_space<vmem>> -> memref<128xi32, #tpu.memory_space<vmem>>
        %dma_wait3A_443 = arith.constant 0 : i32
        %dma_wait3A_444 = arith.constant 0 : i32
        %dma_wait3A_445 = tpu.memref_slice %arg18[%dma_wait3A_443, %dma_wait3A_444] : memref<5120x128xf32, #tpu.memory_space<vmem_shared>> -> memref<5120x128xf32, #tpu.memory_space<vmem_shared>>
        tpu.wait_indirect_dma semaphore(%run_scoped3A_425 : memref<!tpu.dma_semaphore, #tpu.memory_space<semaphore_mem>>) src(%dma_wait3A_439 : memref<128x128xf32, #tpu.memory_space<vmem>>) dst(%dma_wait3A_445 : memref<5120x128xf32, #tpu.memory_space<vmem_shared>>)
        tpu.yield
      }) : () -> ()
      %run_scoped3A_424 = arith.constant 7 : i32
      "tpu.region"() ({
        %run_scoped3A_425 = tpu.sem_alloc : memref<!tpu.dma_semaphore, #tpu.memory_space<semaphore_mem>>
        %dma_start3A_426 = arith.constant 0 : i32
        %dma_start3A_427 = tpu.memref_slice %arg13[%run_scoped3A_424, %dma_start3A_426] : memref<8x128xi32, #tpu.memory_space<vmem>> -> memref<1x128xi32, #tpu.memory_space<vmem>>
        %dma_start3A_428 = tpu.memref_squeeze %dma_start3A_427 : memref<1x128xi32, #tpu.memory_space<vmem>> -> memref<128xi32, #tpu.memory_space<vmem>>
        %dma_start3A_429 = arith.constant 0 : i32
        %dma_start3A_430 = tpu.memref_slice %arg19[%dma_start3A_429] : memref<90112xf32, #tpu.memory_space<vmem_shared>> -> memref<90112xf32, #tpu.memory_space<vmem_shared>>
        tpu.enqueue_indirect_dma source(%arg15 : memref<128xf32, #tpu.memory_space<vmem>>) target(%dma_start3A_430 : memref<90112xf32, #tpu.memory_space<vmem_shared>>) offsets(%dma_start3A_428 : memref<128xi32, #tpu.memory_space<vmem>>) semaphore(%run_scoped3A_425 : memref<!tpu.dma_semaphore, #tpu.memory_space<semaphore_mem>>) {add = true}
        %dma_wait3A_431 = arith.constant 0 : i32
        %dma_wait3A_432 = tpu.memref_slice %arg13[%run_scoped3A_424, %dma_wait3A_431] : memref<8x128xi32, #tpu.memory_space<vmem>> -> memref<1x128xi32, #tpu.memory_space<vmem>>
        %dma_wait3A_433 = tpu.memref_squeeze %dma_wait3A_432 : memref<1x128xi32, #tpu.memory_space<vmem>> -> memref<128xi32, #tpu.memory_space<vmem>>
        %dma_wait3A_434 = arith.constant 0 : i32
        %dma_wait3A_435 = tpu.memref_slice %arg19[%dma_wait3A_434] : memref<90112xf32, #tpu.memory_space<vmem_shared>> -> memref<90112xf32, #tpu.memory_space<vmem_shared>>
        tpu.wait_indirect_dma semaphore(%run_scoped3A_425 : memref<!tpu.dma_semaphore, #tpu.memory_space<semaphore_mem>>) src(%arg15 : memref<128xf32, #tpu.memory_space<vmem>>) dst(%dma_wait3A_435 : memref<90112xf32, #tpu.memory_space<vmem_shared>>)
        tpu.yield
      }) : () -> ()
    }
    %barrier3A_198 = arith.constant 0 : index
    tpu.barrier barrier_id(%barrier3A_198)
    %mul3A_199 = arith.constant 320 : i32
    %mul3A_200 = arith.muli %arg1, %mul3A_199 : i32
    %mul3A_201 = arith.constant 320 : i32
    %mul3A_202 = arith.muli %arg1, %mul3A_201 : i32
    "tpu.region"() ({
      %run_scoped3A_207 = tpu.sem_alloc : memref<!tpu.dma_semaphore, #tpu.memory_space<semaphore_mem>>
      %dma_start3A = arith.constant 0 : i32
      %dma_start3A_208 = arith.constant 0 : i32
      %dma_start3A_209 = tpu.memref_slice %arg9[%arg0, %dma_start3A, %dma_start3A_208] : memref<2x5120x128xf32, #tpu.memory_space<hbm>> -> memref<1x5120x128xf32, #tpu.memory_space<hbm>>
      %dma_start3A_210 = tpu.memref_squeeze %dma_start3A_209 : memref<1x5120x128xf32, #tpu.memory_space<hbm>> -> memref<5120x128xf32, #tpu.memory_space<hbm>>
      %dma_start3A_211 = arith.constant 0 : i32
      %dma_start3A_212 = tpu.memref_slice %dma_start3A_210[%mul3A_202, %dma_start3A_211] : memref<5120x128xf32, #tpu.memory_space<hbm>> -> memref<320x128xf32, #tpu.memory_space<hbm>>
      %dma_start3A_213 = arith.constant 0 : i32
      %dma_start3A_214 = tpu.memref_slice %arg18[%mul3A_200, %dma_start3A_213] : memref<5120x128xf32, #tpu.memory_space<vmem_shared>> -> memref<320x128xf32, #tpu.memory_space<vmem_shared>>
      tpu.enqueue_dma source(%dma_start3A_214 : memref<320x128xf32, #tpu.memory_space<vmem_shared>>) target(%dma_start3A_212 : memref<320x128xf32, #tpu.memory_space<hbm>>) target_semaphore(%run_scoped3A_207 : memref<!tpu.dma_semaphore, #tpu.memory_space<semaphore_mem>>)
      %dma_wait3A = arith.constant 0 : i32
      %dma_wait3A_215 = arith.constant 0 : i32
      %dma_wait3A_216 = tpu.memref_slice %arg9[%arg0, %dma_wait3A, %dma_wait3A_215] : memref<2x5120x128xf32, #tpu.memory_space<hbm>> -> memref<1x5120x128xf32, #tpu.memory_space<hbm>>
      %dma_wait3A_217 = tpu.memref_squeeze %dma_wait3A_216 : memref<1x5120x128xf32, #tpu.memory_space<hbm>> -> memref<5120x128xf32, #tpu.memory_space<hbm>>
      %dma_wait3A_218 = arith.constant 0 : i32
      %dma_wait3A_219 = tpu.memref_slice %dma_wait3A_217[%mul3A_202, %dma_wait3A_218] : memref<5120x128xf32, #tpu.memory_space<hbm>> -> memref<320x128xf32, #tpu.memory_space<hbm>>
      %dma_wait3A_220 = arith.constant 0 : i32
      %dma_wait3A_221 = tpu.memref_slice %arg18[%mul3A_200, %dma_wait3A_220] : memref<5120x128xf32, #tpu.memory_space<vmem_shared>> -> memref<320x128xf32, #tpu.memory_space<vmem_shared>>
      tpu.wait_dma2 semaphore(%run_scoped3A_207 : memref<!tpu.dma_semaphore, #tpu.memory_space<semaphore_mem>>) src(%dma_wait3A_221 : memref<320x128xf32, #tpu.memory_space<vmem_shared>>) dst(%dma_wait3A_219 : memref<320x128xf32, #tpu.memory_space<hbm>>)
      tpu.yield
    }) : () -> ()
    %mul3A_203 = arith.constant 5632 : i32
    %mul3A_204 = arith.muli %arg1, %mul3A_203 : i32
    %mul3A_205 = arith.constant 5632 : i32
    %mul3A_206 = arith.muli %arg1, %mul3A_205 : i32
    "tpu.region"() ({
      %run_scoped3A_207 = tpu.sem_alloc : memref<!tpu.dma_semaphore, #tpu.memory_space<semaphore_mem>>
      %dma_start3A = arith.constant 0 : i32
      %dma_start3A_208 = tpu.memref_slice %arg10[%arg0, %dma_start3A] : memref<2x90112xf32, #tpu.memory_space<hbm>> -> memref<1x90112xf32, #tpu.memory_space<hbm>>
      %dma_start3A_209 = tpu.memref_squeeze %dma_start3A_208 : memref<1x90112xf32, #tpu.memory_space<hbm>> -> memref<90112xf32, #tpu.memory_space<hbm>>
      %dma_start3A_210 = tpu.memref_slice %dma_start3A_209[%mul3A_206] : memref<90112xf32, #tpu.memory_space<hbm>> -> memref<5632xf32, #tpu.memory_space<hbm>>
      %dma_start3A_211 = tpu.memref_slice %arg19[%mul3A_204] : memref<90112xf32, #tpu.memory_space<vmem_shared>> -> memref<5632xf32, #tpu.memory_space<vmem_shared>>
      tpu.enqueue_dma source(%dma_start3A_211 : memref<5632xf32, #tpu.memory_space<vmem_shared>>) target(%dma_start3A_210 : memref<5632xf32, #tpu.memory_space<hbm>>) target_semaphore(%run_scoped3A_207 : memref<!tpu.dma_semaphore, #tpu.memory_space<semaphore_mem>>)
      %dma_wait3A = arith.constant 0 : i32
      %dma_wait3A_212 = tpu.memref_slice %arg10[%arg0, %dma_wait3A] : memref<2x90112xf32, #tpu.memory_space<hbm>> -> memref<1x90112xf32, #tpu.memory_space<hbm>>
      %dma_wait3A_213 = tpu.memref_squeeze %dma_wait3A_212 : memref<1x90112xf32, #tpu.memory_space<hbm>> -> memref<90112xf32, #tpu.memory_space<hbm>>
      %dma_wait3A_214 = tpu.memref_slice %dma_wait3A_213[%mul3A_206] : memref<90112xf32, #tpu.memory_space<hbm>> -> memref<5632xf32, #tpu.memory_space<hbm>>
      %dma_wait3A_215 = tpu.memref_slice %arg19[%mul3A_204] : memref<90112xf32, #tpu.memory_space<vmem_shared>> -> memref<5632xf32, #tpu.memory_space<vmem_shared>>
      tpu.wait_dma2 semaphore(%run_scoped3A_207 : memref<!tpu.dma_semaphore, #tpu.memory_space<semaphore_mem>>) src(%dma_wait3A_215 : memref<5632xf32, #tpu.memory_space<vmem_shared>>) dst(%dma_wait3A_214 : memref<5632xf32, #tpu.memory_space<hbm>>)
      tpu.yield
    }) : () -> ()
    return
  }
}

#map = affine_map<(d0, d1) -> (0, 0, 0)>
#map1 = affine_map<(d0, d1) -> (0)>
#map2 = affine_map<(d0, d1) -> (0, 0)>
module attributes {stable_mosaic.version = 14 : i64} {
  func.func @part_kernel(%arg0: i32, %arg1: i32, %arg2: memref<32x96x128xi32, #tpu.memory_space<hbm>>, %arg3: memref<32x96x128xi32, #tpu.memory_space<hbm>>, %arg4: memref<389120xi32, #tpu.memory_space<hbm>>, %arg5: memref<2x389120xi32, #tpu.memory_space<hbm>>, %arg6: memref<8x128xi32, #tpu.memory_space<vmem>>, %arg7: memref<8x128xi32, #tpu.memory_space<vmem>>, %arg8: memref<389120xi32, #tpu.memory_space<vmem_shared>>) attributes {dimension_semantics = [#tpu.dimension_semantics<core_parallel>, #tpu.dimension_semantics<subcore_parallel>], iteration_bounds = array<i64: 2, 16>, scalar_prefetch = 0 : i64, scratch_operands = 3 : i64, tpu.core_type = #tpu.core_type<sc_vector_subcore>, window_params = [{transform_indices = #map}, {transform_indices = #map}, {transform_indices = #map1}, {transform_indices = #map2}]} {
    %mul3A = arith.constant 2 : i32
    %mul3A_0 = arith.muli %arg1, %mul3A : i32
    %add3A = arith.addi %mul3A_0, %arg0 : i32
    %mul3A_1 = arith.constant 24320 : i32
    %mul3A_2 = arith.muli %arg1, %mul3A_1 : i32
    %mul3A_3 = arith.constant 24320 : i32
    %mul3A_4 = arith.muli %arg1, %mul3A_3 : i32
    "tpu.region"() ({
      %run_scoped3A = tpu.sem_alloc : memref<!tpu.dma_semaphore, #tpu.memory_space<semaphore_mem>>
      %dma_start3A = tpu.memref_slice %arg8[%mul3A_4] : memref<389120xi32, #tpu.memory_space<vmem_shared>> -> memref<24320xi32, #tpu.memory_space<vmem_shared>>
      %dma_start3A_15 = tpu.memref_slice %arg4[%mul3A_2] : memref<389120xi32, #tpu.memory_space<hbm>> -> memref<24320xi32, #tpu.memory_space<hbm>>
      tpu.enqueue_dma source(%dma_start3A_15 : memref<24320xi32, #tpu.memory_space<hbm>>) target(%dma_start3A : memref<24320xi32, #tpu.memory_space<vmem_shared>>) target_semaphore(%run_scoped3A : memref<!tpu.dma_semaphore, #tpu.memory_space<semaphore_mem>>)
      %dma_wait3A = tpu.memref_slice %arg8[%mul3A_4] : memref<389120xi32, #tpu.memory_space<vmem_shared>> -> memref<24320xi32, #tpu.memory_space<vmem_shared>>
      %dma_wait3A_16 = tpu.memref_slice %arg4[%mul3A_2] : memref<389120xi32, #tpu.memory_space<hbm>> -> memref<24320xi32, #tpu.memory_space<hbm>>
      tpu.wait_dma2 semaphore(%run_scoped3A : memref<!tpu.dma_semaphore, #tpu.memory_space<semaphore_mem>>) src(%dma_wait3A_16 : memref<24320xi32, #tpu.memory_space<hbm>>) dst(%dma_wait3A : memref<24320xi32, #tpu.memory_space<vmem_shared>>)
      tpu.yield
    }) : () -> ()
    %barrier3A = arith.constant 0 : index
    tpu.barrier barrier_id(%barrier3A)
    %scan3A = arith.constant 0 : i32
    %scan3A_5 = arith.constant 0 : i32
    %scan3A_6 = arith.constant 12 : i32
    %scan3A_7 = arith.addi %scan3A_5, %scan3A_6 : i32
    %scan3A_8 = arith.constant 1 : i32
    scf.for %scan3A_15 = %scan3A_5 to %scan3A_7 step %scan3A_8  : i32 {
      %mul3A_16 = arith.constant 8 : i32
      %mul3A_17 = arith.muli %scan3A_15, %mul3A_16 : i32
      "tpu.region"() ({
        %run_scoped3A_35 = tpu.sem_alloc : memref<!tpu.dma_semaphore, #tpu.memory_space<semaphore_mem>>
        %dma_start3A = arith.constant 0 : i32
        %dma_start3A_36 = arith.constant 0 : i32
        %dma_start3A_37 = tpu.memref_slice %arg2[%add3A, %dma_start3A, %dma_start3A_36] : memref<32x96x128xi32, #tpu.memory_space<hbm>> -> memref<1x96x128xi32, #tpu.memory_space<hbm>>
        %dma_start3A_38 = tpu.memref_squeeze %dma_start3A_37 : memref<1x96x128xi32, #tpu.memory_space<hbm>> -> memref<96x128xi32, #tpu.memory_space<hbm>>
        %dma_start3A_39 = arith.constant 0 : i32
        %dma_start3A_40 = tpu.memref_slice %dma_start3A_38[%mul3A_17, %dma_start3A_39] : memref<96x128xi32, #tpu.memory_space<hbm>> -> memref<8x128xi32, #tpu.memory_space<hbm>>
        %dma_start3A_41 = arith.constant 0 : i32
        %dma_start3A_42 = arith.constant 0 : i32
        %dma_start3A_43 = tpu.memref_slice %arg2[%add3A, %dma_start3A_41, %dma_start3A_42] : memref<32x96x128xi32, #tpu.memory_space<hbm>> -> memref<1x96x128xi32, #tpu.memory_space<hbm>>
        %dma_start3A_44 = tpu.memref_squeeze %dma_start3A_43 : memref<1x96x128xi32, #tpu.memory_space<hbm>> -> memref<96x128xi32, #tpu.memory_space<hbm>>
        %dma_start3A_45 = arith.constant 0 : i32
        %dma_start3A_46 = tpu.memref_slice %dma_start3A_44[%mul3A_17, %dma_start3A_45] : memref<96x128xi32, #tpu.memory_space<hbm>> -> memref<8x128xi32, #tpu.memory_space<hbm>>
        tpu.enqueue_dma source(%dma_start3A_46 : memref<8x128xi32, #tpu.memory_space<hbm>>) target(%arg6 : memref<8x128xi32, #tpu.memory_space<vmem>>) target_semaphore(%run_scoped3A_35 : memref<!tpu.dma_semaphore, #tpu.memory_space<semaphore_mem>>)
        %dma_wait3A = arith.constant 0 : i32
        %dma_wait3A_47 = arith.constant 0 : i32
        %dma_wait3A_48 = tpu.memref_slice %arg2[%add3A, %dma_wait3A, %dma_wait3A_47] : memref<32x96x128xi32, #tpu.memory_space<hbm>> -> memref<1x96x128xi32, #tpu.memory_space<hbm>>
        %dma_wait3A_49 = tpu.memref_squeeze %dma_wait3A_48 : memref<1x96x128xi32, #tpu.memory_space<hbm>> -> memref<96x128xi32, #tpu.memory_space<hbm>>
        %dma_wait3A_50 = arith.constant 0 : i32
        %dma_wait3A_51 = tpu.memref_slice %dma_wait3A_49[%mul3A_17, %dma_wait3A_50] : memref<96x128xi32, #tpu.memory_space<hbm>> -> memref<8x128xi32, #tpu.memory_space<hbm>>
        %dma_wait3A_52 = arith.constant 0 : i32
        %dma_wait3A_53 = arith.constant 0 : i32
        %dma_wait3A_54 = tpu.memref_slice %arg2[%add3A, %dma_wait3A_52, %dma_wait3A_53] : memref<32x96x128xi32, #tpu.memory_space<hbm>> -> memref<1x96x128xi32, #tpu.memory_space<hbm>>
        %dma_wait3A_55 = tpu.memref_squeeze %dma_wait3A_54 : memref<1x96x128xi32, #tpu.memory_space<hbm>> -> memref<96x128xi32, #tpu.memory_space<hbm>>
        %dma_wait3A_56 = arith.constant 0 : i32
        %dma_wait3A_57 = tpu.memref_slice %dma_wait3A_55[%mul3A_17, %dma_wait3A_56] : memref<96x128xi32, #tpu.memory_space<hbm>> -> memref<8x128xi32, #tpu.memory_space<hbm>>
        tpu.wait_dma2 semaphore(%run_scoped3A_35 : memref<!tpu.dma_semaphore, #tpu.memory_space<semaphore_mem>>) src(%dma_wait3A_57 : memref<8x128xi32, #tpu.memory_space<hbm>>) dst(%arg6 : memref<8x128xi32, #tpu.memory_space<vmem>>)
        tpu.yield
      }) : () -> ()
      %mul3A_18 = arith.constant 8 : i32
      %mul3A_19 = arith.muli %scan3A_15, %mul3A_18 : i32
      "tpu.region"() ({
        %run_scoped3A_35 = tpu.sem_alloc : memref<!tpu.dma_semaphore, #tpu.memory_space<semaphore_mem>>
        %dma_start3A = arith.constant 0 : i32
        %dma_start3A_36 = arith.constant 0 : i32
        %dma_start3A_37 = tpu.memref_slice %arg3[%add3A, %dma_start3A, %dma_start3A_36] : memref<32x96x128xi32, #tpu.memory_space<hbm>> -> memref<1x96x128xi32, #tpu.memory_space<hbm>>
        %dma_start3A_38 = tpu.memref_squeeze %dma_start3A_37 : memref<1x96x128xi32, #tpu.memory_space<hbm>> -> memref<96x128xi32, #tpu.memory_space<hbm>>
        %dma_start3A_39 = arith.constant 0 : i32
        %dma_start3A_40 = tpu.memref_slice %dma_start3A_38[%mul3A_19, %dma_start3A_39] : memref<96x128xi32, #tpu.memory_space<hbm>> -> memref<8x128xi32, #tpu.memory_space<hbm>>
        %dma_start3A_41 = arith.constant 0 : i32
        %dma_start3A_42 = arith.constant 0 : i32
        %dma_start3A_43 = tpu.memref_slice %arg3[%add3A, %dma_start3A_41, %dma_start3A_42] : memref<32x96x128xi32, #tpu.memory_space<hbm>> -> memref<1x96x128xi32, #tpu.memory_space<hbm>>
        %dma_start3A_44 = tpu.memref_squeeze %dma_start3A_43 : memref<1x96x128xi32, #tpu.memory_space<hbm>> -> memref<96x128xi32, #tpu.memory_space<hbm>>
        %dma_start3A_45 = arith.constant 0 : i32
        %dma_start3A_46 = tpu.memref_slice %dma_start3A_44[%mul3A_19, %dma_start3A_45] : memref<96x128xi32, #tpu.memory_space<hbm>> -> memref<8x128xi32, #tpu.memory_space<hbm>>
        tpu.enqueue_dma source(%dma_start3A_46 : memref<8x128xi32, #tpu.memory_space<hbm>>) target(%arg7 : memref<8x128xi32, #tpu.memory_space<vmem>>) target_semaphore(%run_scoped3A_35 : memref<!tpu.dma_semaphore, #tpu.memory_space<semaphore_mem>>)
        %dma_wait3A = arith.constant 0 : i32
        %dma_wait3A_47 = arith.constant 0 : i32
        %dma_wait3A_48 = tpu.memref_slice %arg3[%add3A, %dma_wait3A, %dma_wait3A_47] : memref<32x96x128xi32, #tpu.memory_space<hbm>> -> memref<1x96x128xi32, #tpu.memory_space<hbm>>
        %dma_wait3A_49 = tpu.memref_squeeze %dma_wait3A_48 : memref<1x96x128xi32, #tpu.memory_space<hbm>> -> memref<96x128xi32, #tpu.memory_space<hbm>>
        %dma_wait3A_50 = arith.constant 0 : i32
        %dma_wait3A_51 = tpu.memref_slice %dma_wait3A_49[%mul3A_19, %dma_wait3A_50] : memref<96x128xi32, #tpu.memory_space<hbm>> -> memref<8x128xi32, #tpu.memory_space<hbm>>
        %dma_wait3A_52 = arith.constant 0 : i32
        %dma_wait3A_53 = arith.constant 0 : i32
        %dma_wait3A_54 = tpu.memref_slice %arg3[%add3A, %dma_wait3A_52, %dma_wait3A_53] : memref<32x96x128xi32, #tpu.memory_space<hbm>> -> memref<1x96x128xi32, #tpu.memory_space<hbm>>
        %dma_wait3A_55 = tpu.memref_squeeze %dma_wait3A_54 : memref<1x96x128xi32, #tpu.memory_space<hbm>> -> memref<96x128xi32, #tpu.memory_space<hbm>>
        %dma_wait3A_56 = arith.constant 0 : i32
        %dma_wait3A_57 = tpu.memref_slice %dma_wait3A_55[%mul3A_19, %dma_wait3A_56] : memref<96x128xi32, #tpu.memory_space<hbm>> -> memref<8x128xi32, #tpu.memory_space<hbm>>
        tpu.wait_dma2 semaphore(%run_scoped3A_35 : memref<!tpu.dma_semaphore, #tpu.memory_space<semaphore_mem>>) src(%dma_wait3A_57 : memref<8x128xi32, #tpu.memory_space<hbm>>) dst(%arg7 : memref<8x128xi32, #tpu.memory_space<vmem>>)
        tpu.yield
      }) : () -> ()
      %run_scoped3A = arith.constant 0 : i32
      %run_scoped3A_20 = arith.constant 0 : i32
      "tpu.region"() ({
        %run_scoped3A_35 = tpu.sem_alloc : memref<!tpu.dma_semaphore, #tpu.memory_space<semaphore_mem>>
        %dma_start3A = arith.constant 0 : i32
        %dma_start3A_36 = tpu.memref_slice %arg7[%run_scoped3A, %dma_start3A] : memref<8x128xi32, #tpu.memory_space<vmem>> -> memref<1x128xi32, #tpu.memory_space<vmem>>
        %dma_start3A_37 = tpu.memref_squeeze %dma_start3A_36 : memref<1x128xi32, #tpu.memory_space<vmem>> -> memref<128xi32, #tpu.memory_space<vmem>>
        %dma_start3A_38 = arith.constant 0 : i32
        %dma_start3A_39 = tpu.memref_slice %arg6[%run_scoped3A_20, %dma_start3A_38] : memref<8x128xi32, #tpu.memory_space<vmem>> -> memref<1x128xi32, #tpu.memory_space<vmem>>
        %dma_start3A_40 = tpu.memref_squeeze %dma_start3A_39 : memref<1x128xi32, #tpu.memory_space<vmem>> -> memref<128xi32, #tpu.memory_space<vmem>>
        %dma_start3A_41 = arith.constant 0 : i32
        %dma_start3A_42 = tpu.memref_slice %arg8[%dma_start3A_41] : memref<389120xi32, #tpu.memory_space<vmem_shared>> -> memref<389120xi32, #tpu.memory_space<vmem_shared>>
        tpu.enqueue_indirect_dma source(%dma_start3A_37 : memref<128xi32, #tpu.memory_space<vmem>>) target(%dma_start3A_42 : memref<389120xi32, #tpu.memory_space<vmem_shared>>) offsets(%dma_start3A_40 : memref<128xi32, #tpu.memory_space<vmem>>) semaphore(%run_scoped3A_35 : memref<!tpu.dma_semaphore, #tpu.memory_space<semaphore_mem>>)
        %dma_wait3A = arith.constant 0 : i32
        %dma_wait3A_43 = tpu.memref_slice %arg7[%run_scoped3A, %dma_wait3A] : memref<8x128xi32, #tpu.memory_space<vmem>> -> memref<1x128xi32, #tpu.memory_space<vmem>>
        %dma_wait3A_44 = tpu.memref_squeeze %dma_wait3A_43 : memref<1x128xi32, #tpu.memory_space<vmem>> -> memref<128xi32, #tpu.memory_space<vmem>>
        %dma_wait3A_45 = arith.constant 0 : i32
        %dma_wait3A_46 = tpu.memref_slice %arg6[%run_scoped3A_20, %dma_wait3A_45] : memref<8x128xi32, #tpu.memory_space<vmem>> -> memref<1x128xi32, #tpu.memory_space<vmem>>
        %dma_wait3A_47 = tpu.memref_squeeze %dma_wait3A_46 : memref<1x128xi32, #tpu.memory_space<vmem>> -> memref<128xi32, #tpu.memory_space<vmem>>
        %dma_wait3A_48 = arith.constant 0 : i32
        %dma_wait3A_49 = tpu.memref_slice %arg8[%dma_wait3A_48] : memref<389120xi32, #tpu.memory_space<vmem_shared>> -> memref<389120xi32, #tpu.memory_space<vmem_shared>>
        tpu.wait_indirect_dma semaphore(%run_scoped3A_35 : memref<!tpu.dma_semaphore, #tpu.memory_space<semaphore_mem>>) src(%dma_wait3A_44 : memref<128xi32, #tpu.memory_space<vmem>>) dst(%dma_wait3A_49 : memref<389120xi32, #tpu.memory_space<vmem_shared>>)
        tpu.yield
      }) : () -> ()
      %run_scoped3A_21 = arith.constant 1 : i32
      %run_scoped3A_22 = arith.constant 1 : i32
      "tpu.region"() ({
        %run_scoped3A_35 = tpu.sem_alloc : memref<!tpu.dma_semaphore, #tpu.memory_space<semaphore_mem>>
        %dma_start3A = arith.constant 0 : i32
        %dma_start3A_36 = tpu.memref_slice %arg7[%run_scoped3A_21, %dma_start3A] : memref<8x128xi32, #tpu.memory_space<vmem>> -> memref<1x128xi32, #tpu.memory_space<vmem>>
        %dma_start3A_37 = tpu.memref_squeeze %dma_start3A_36 : memref<1x128xi32, #tpu.memory_space<vmem>> -> memref<128xi32, #tpu.memory_space<vmem>>
        %dma_start3A_38 = arith.constant 0 : i32
        %dma_start3A_39 = tpu.memref_slice %arg6[%run_scoped3A_22, %dma_start3A_38] : memref<8x128xi32, #tpu.memory_space<vmem>> -> memref<1x128xi32, #tpu.memory_space<vmem>>
        %dma_start3A_40 = tpu.memref_squeeze %dma_start3A_39 : memref<1x128xi32, #tpu.memory_space<vmem>> -> memref<128xi32, #tpu.memory_space<vmem>>
        %dma_start3A_41 = arith.constant 0 : i32
        %dma_start3A_42 = tpu.memref_slice %arg8[%dma_start3A_41] : memref<389120xi32, #tpu.memory_space<vmem_shared>> -> memref<389120xi32, #tpu.memory_space<vmem_shared>>
        tpu.enqueue_indirect_dma source(%dma_start3A_37 : memref<128xi32, #tpu.memory_space<vmem>>) target(%dma_start3A_42 : memref<389120xi32, #tpu.memory_space<vmem_shared>>) offsets(%dma_start3A_40 : memref<128xi32, #tpu.memory_space<vmem>>) semaphore(%run_scoped3A_35 : memref<!tpu.dma_semaphore, #tpu.memory_space<semaphore_mem>>)
        %dma_wait3A = arith.constant 0 : i32
        %dma_wait3A_43 = tpu.memref_slice %arg7[%run_scoped3A_21, %dma_wait3A] : memref<8x128xi32, #tpu.memory_space<vmem>> -> memref<1x128xi32, #tpu.memory_space<vmem>>
        %dma_wait3A_44 = tpu.memref_squeeze %dma_wait3A_43 : memref<1x128xi32, #tpu.memory_space<vmem>> -> memref<128xi32, #tpu.memory_space<vmem>>
        %dma_wait3A_45 = arith.constant 0 : i32
        %dma_wait3A_46 = tpu.memref_slice %arg6[%run_scoped3A_22, %dma_wait3A_45] : memref<8x128xi32, #tpu.memory_space<vmem>> -> memref<1x128xi32, #tpu.memory_space<vmem>>
        %dma_wait3A_47 = tpu.memref_squeeze %dma_wait3A_46 : memref<1x128xi32, #tpu.memory_space<vmem>> -> memref<128xi32, #tpu.memory_space<vmem>>
        %dma_wait3A_48 = arith.constant 0 : i32
        %dma_wait3A_49 = tpu.memref_slice %arg8[%dma_wait3A_48] : memref<389120xi32, #tpu.memory_space<vmem_shared>> -> memref<389120xi32, #tpu.memory_space<vmem_shared>>
        tpu.wait_indirect_dma semaphore(%run_scoped3A_35 : memref<!tpu.dma_semaphore, #tpu.memory_space<semaphore_mem>>) src(%dma_wait3A_44 : memref<128xi32, #tpu.memory_space<vmem>>) dst(%dma_wait3A_49 : memref<389120xi32, #tpu.memory_space<vmem_shared>>)
        tpu.yield
      }) : () -> ()
      %run_scoped3A_23 = arith.constant 2 : i32
      %run_scoped3A_24 = arith.constant 2 : i32
      "tpu.region"() ({
        %run_scoped3A_35 = tpu.sem_alloc : memref<!tpu.dma_semaphore, #tpu.memory_space<semaphore_mem>>
        %dma_start3A = arith.constant 0 : i32
        %dma_start3A_36 = tpu.memref_slice %arg7[%run_scoped3A_23, %dma_start3A] : memref<8x128xi32, #tpu.memory_space<vmem>> -> memref<1x128xi32, #tpu.memory_space<vmem>>
        %dma_start3A_37 = tpu.memref_squeeze %dma_start3A_36 : memref<1x128xi32, #tpu.memory_space<vmem>> -> memref<128xi32, #tpu.memory_space<vmem>>
        %dma_start3A_38 = arith.constant 0 : i32
        %dma_start3A_39 = tpu.memref_slice %arg6[%run_scoped3A_24, %dma_start3A_38] : memref<8x128xi32, #tpu.memory_space<vmem>> -> memref<1x128xi32, #tpu.memory_space<vmem>>
        %dma_start3A_40 = tpu.memref_squeeze %dma_start3A_39 : memref<1x128xi32, #tpu.memory_space<vmem>> -> memref<128xi32, #tpu.memory_space<vmem>>
        %dma_start3A_41 = arith.constant 0 : i32
        %dma_start3A_42 = tpu.memref_slice %arg8[%dma_start3A_41] : memref<389120xi32, #tpu.memory_space<vmem_shared>> -> memref<389120xi32, #tpu.memory_space<vmem_shared>>
        tpu.enqueue_indirect_dma source(%dma_start3A_37 : memref<128xi32, #tpu.memory_space<vmem>>) target(%dma_start3A_42 : memref<389120xi32, #tpu.memory_space<vmem_shared>>) offsets(%dma_start3A_40 : memref<128xi32, #tpu.memory_space<vmem>>) semaphore(%run_scoped3A_35 : memref<!tpu.dma_semaphore, #tpu.memory_space<semaphore_mem>>)
        %dma_wait3A = arith.constant 0 : i32
        %dma_wait3A_43 = tpu.memref_slice %arg7[%run_scoped3A_23, %dma_wait3A] : memref<8x128xi32, #tpu.memory_space<vmem>> -> memref<1x128xi32, #tpu.memory_space<vmem>>
        %dma_wait3A_44 = tpu.memref_squeeze %dma_wait3A_43 : memref<1x128xi32, #tpu.memory_space<vmem>> -> memref<128xi32, #tpu.memory_space<vmem>>
        %dma_wait3A_45 = arith.constant 0 : i32
        %dma_wait3A_46 = tpu.memref_slice %arg6[%run_scoped3A_24, %dma_wait3A_45] : memref<8x128xi32, #tpu.memory_space<vmem>> -> memref<1x128xi32, #tpu.memory_space<vmem>>
        %dma_wait3A_47 = tpu.memref_squeeze %dma_wait3A_46 : memref<1x128xi32, #tpu.memory_space<vmem>> -> memref<128xi32, #tpu.memory_space<vmem>>
        %dma_wait3A_48 = arith.constant 0 : i32
        %dma_wait3A_49 = tpu.memref_slice %arg8[%dma_wait3A_48] : memref<389120xi32, #tpu.memory_space<vmem_shared>> -> memref<389120xi32, #tpu.memory_space<vmem_shared>>
        tpu.wait_indirect_dma semaphore(%run_scoped3A_35 : memref<!tpu.dma_semaphore, #tpu.memory_space<semaphore_mem>>) src(%dma_wait3A_44 : memref<128xi32, #tpu.memory_space<vmem>>) dst(%dma_wait3A_49 : memref<389120xi32, #tpu.memory_space<vmem_shared>>)
        tpu.yield
      }) : () -> ()
      %run_scoped3A_25 = arith.constant 3 : i32
      %run_scoped3A_26 = arith.constant 3 : i32
      "tpu.region"() ({
        %run_scoped3A_35 = tpu.sem_alloc : memref<!tpu.dma_semaphore, #tpu.memory_space<semaphore_mem>>
        %dma_start3A = arith.constant 0 : i32
        %dma_start3A_36 = tpu.memref_slice %arg7[%run_scoped3A_25, %dma_start3A] : memref<8x128xi32, #tpu.memory_space<vmem>> -> memref<1x128xi32, #tpu.memory_space<vmem>>
        %dma_start3A_37 = tpu.memref_squeeze %dma_start3A_36 : memref<1x128xi32, #tpu.memory_space<vmem>> -> memref<128xi32, #tpu.memory_space<vmem>>
        %dma_start3A_38 = arith.constant 0 : i32
        %dma_start3A_39 = tpu.memref_slice %arg6[%run_scoped3A_26, %dma_start3A_38] : memref<8x128xi32, #tpu.memory_space<vmem>> -> memref<1x128xi32, #tpu.memory_space<vmem>>
        %dma_start3A_40 = tpu.memref_squeeze %dma_start3A_39 : memref<1x128xi32, #tpu.memory_space<vmem>> -> memref<128xi32, #tpu.memory_space<vmem>>
        %dma_start3A_41 = arith.constant 0 : i32
        %dma_start3A_42 = tpu.memref_slice %arg8[%dma_start3A_41] : memref<389120xi32, #tpu.memory_space<vmem_shared>> -> memref<389120xi32, #tpu.memory_space<vmem_shared>>
        tpu.enqueue_indirect_dma source(%dma_start3A_37 : memref<128xi32, #tpu.memory_space<vmem>>) target(%dma_start3A_42 : memref<389120xi32, #tpu.memory_space<vmem_shared>>) offsets(%dma_start3A_40 : memref<128xi32, #tpu.memory_space<vmem>>) semaphore(%run_scoped3A_35 : memref<!tpu.dma_semaphore, #tpu.memory_space<semaphore_mem>>)
        %dma_wait3A = arith.constant 0 : i32
        %dma_wait3A_43 = tpu.memref_slice %arg7[%run_scoped3A_25, %dma_wait3A] : memref<8x128xi32, #tpu.memory_space<vmem>> -> memref<1x128xi32, #tpu.memory_space<vmem>>
        %dma_wait3A_44 = tpu.memref_squeeze %dma_wait3A_43 : memref<1x128xi32, #tpu.memory_space<vmem>> -> memref<128xi32, #tpu.memory_space<vmem>>
        %dma_wait3A_45 = arith.constant 0 : i32
        %dma_wait3A_46 = tpu.memref_slice %arg6[%run_scoped3A_26, %dma_wait3A_45] : memref<8x128xi32, #tpu.memory_space<vmem>> -> memref<1x128xi32, #tpu.memory_space<vmem>>
        %dma_wait3A_47 = tpu.memref_squeeze %dma_wait3A_46 : memref<1x128xi32, #tpu.memory_space<vmem>> -> memref<128xi32, #tpu.memory_space<vmem>>
        %dma_wait3A_48 = arith.constant 0 : i32
        %dma_wait3A_49 = tpu.memref_slice %arg8[%dma_wait3A_48] : memref<389120xi32, #tpu.memory_space<vmem_shared>> -> memref<389120xi32, #tpu.memory_space<vmem_shared>>
        tpu.wait_indirect_dma semaphore(%run_scoped3A_35 : memref<!tpu.dma_semaphore, #tpu.memory_space<semaphore_mem>>) src(%dma_wait3A_44 : memref<128xi32, #tpu.memory_space<vmem>>) dst(%dma_wait3A_49 : memref<389120xi32, #tpu.memory_space<vmem_shared>>)
        tpu.yield
      }) : () -> ()
      %run_scoped3A_27 = arith.constant 4 : i32
      %run_scoped3A_28 = arith.constant 4 : i32
      "tpu.region"() ({
        %run_scoped3A_35 = tpu.sem_alloc : memref<!tpu.dma_semaphore, #tpu.memory_space<semaphore_mem>>
        %dma_start3A = arith.constant 0 : i32
        %dma_start3A_36 = tpu.memref_slice %arg7[%run_scoped3A_27, %dma_start3A] : memref<8x128xi32, #tpu.memory_space<vmem>> -> memref<1x128xi32, #tpu.memory_space<vmem>>
        %dma_start3A_37 = tpu.memref_squeeze %dma_start3A_36 : memref<1x128xi32, #tpu.memory_space<vmem>> -> memref<128xi32, #tpu.memory_space<vmem>>
        %dma_start3A_38 = arith.constant 0 : i32
        %dma_start3A_39 = tpu.memref_slice %arg6[%run_scoped3A_28, %dma_start3A_38] : memref<8x128xi32, #tpu.memory_space<vmem>> -> memref<1x128xi32, #tpu.memory_space<vmem>>
        %dma_start3A_40 = tpu.memref_squeeze %dma_start3A_39 : memref<1x128xi32, #tpu.memory_space<vmem>> -> memref<128xi32, #tpu.memory_space<vmem>>
        %dma_start3A_41 = arith.constant 0 : i32
        %dma_start3A_42 = tpu.memref_slice %arg8[%dma_start3A_41] : memref<389120xi32, #tpu.memory_space<vmem_shared>> -> memref<389120xi32, #tpu.memory_space<vmem_shared>>
        tpu.enqueue_indirect_dma source(%dma_start3A_37 : memref<128xi32, #tpu.memory_space<vmem>>) target(%dma_start3A_42 : memref<389120xi32, #tpu.memory_space<vmem_shared>>) offsets(%dma_start3A_40 : memref<128xi32, #tpu.memory_space<vmem>>) semaphore(%run_scoped3A_35 : memref<!tpu.dma_semaphore, #tpu.memory_space<semaphore_mem>>)
        %dma_wait3A = arith.constant 0 : i32
        %dma_wait3A_43 = tpu.memref_slice %arg7[%run_scoped3A_27, %dma_wait3A] : memref<8x128xi32, #tpu.memory_space<vmem>> -> memref<1x128xi32, #tpu.memory_space<vmem>>
        %dma_wait3A_44 = tpu.memref_squeeze %dma_wait3A_43 : memref<1x128xi32, #tpu.memory_space<vmem>> -> memref<128xi32, #tpu.memory_space<vmem>>
        %dma_wait3A_45 = arith.constant 0 : i32
        %dma_wait3A_46 = tpu.memref_slice %arg6[%run_scoped3A_28, %dma_wait3A_45] : memref<8x128xi32, #tpu.memory_space<vmem>> -> memref<1x128xi32, #tpu.memory_space<vmem>>
        %dma_wait3A_47 = tpu.memref_squeeze %dma_wait3A_46 : memref<1x128xi32, #tpu.memory_space<vmem>> -> memref<128xi32, #tpu.memory_space<vmem>>
        %dma_wait3A_48 = arith.constant 0 : i32
        %dma_wait3A_49 = tpu.memref_slice %arg8[%dma_wait3A_48] : memref<389120xi32, #tpu.memory_space<vmem_shared>> -> memref<389120xi32, #tpu.memory_space<vmem_shared>>
        tpu.wait_indirect_dma semaphore(%run_scoped3A_35 : memref<!tpu.dma_semaphore, #tpu.memory_space<semaphore_mem>>) src(%dma_wait3A_44 : memref<128xi32, #tpu.memory_space<vmem>>) dst(%dma_wait3A_49 : memref<389120xi32, #tpu.memory_space<vmem_shared>>)
        tpu.yield
      }) : () -> ()
      %run_scoped3A_29 = arith.constant 5 : i32
      %run_scoped3A_30 = arith.constant 5 : i32
      "tpu.region"() ({
        %run_scoped3A_35 = tpu.sem_alloc : memref<!tpu.dma_semaphore, #tpu.memory_space<semaphore_mem>>
        %dma_start3A = arith.constant 0 : i32
        %dma_start3A_36 = tpu.memref_slice %arg7[%run_scoped3A_29, %dma_start3A] : memref<8x128xi32, #tpu.memory_space<vmem>> -> memref<1x128xi32, #tpu.memory_space<vmem>>
        %dma_start3A_37 = tpu.memref_squeeze %dma_start3A_36 : memref<1x128xi32, #tpu.memory_space<vmem>> -> memref<128xi32, #tpu.memory_space<vmem>>
        %dma_start3A_38 = arith.constant 0 : i32
        %dma_start3A_39 = tpu.memref_slice %arg6[%run_scoped3A_30, %dma_start3A_38] : memref<8x128xi32, #tpu.memory_space<vmem>> -> memref<1x128xi32, #tpu.memory_space<vmem>>
        %dma_start3A_40 = tpu.memref_squeeze %dma_start3A_39 : memref<1x128xi32, #tpu.memory_space<vmem>> -> memref<128xi32, #tpu.memory_space<vmem>>
        %dma_start3A_41 = arith.constant 0 : i32
        %dma_start3A_42 = tpu.memref_slice %arg8[%dma_start3A_41] : memref<389120xi32, #tpu.memory_space<vmem_shared>> -> memref<389120xi32, #tpu.memory_space<vmem_shared>>
        tpu.enqueue_indirect_dma source(%dma_start3A_37 : memref<128xi32, #tpu.memory_space<vmem>>) target(%dma_start3A_42 : memref<389120xi32, #tpu.memory_space<vmem_shared>>) offsets(%dma_start3A_40 : memref<128xi32, #tpu.memory_space<vmem>>) semaphore(%run_scoped3A_35 : memref<!tpu.dma_semaphore, #tpu.memory_space<semaphore_mem>>)
        %dma_wait3A = arith.constant 0 : i32
        %dma_wait3A_43 = tpu.memref_slice %arg7[%run_scoped3A_29, %dma_wait3A] : memref<8x128xi32, #tpu.memory_space<vmem>> -> memref<1x128xi32, #tpu.memory_space<vmem>>
        %dma_wait3A_44 = tpu.memref_squeeze %dma_wait3A_43 : memref<1x128xi32, #tpu.memory_space<vmem>> -> memref<128xi32, #tpu.memory_space<vmem>>
        %dma_wait3A_45 = arith.constant 0 : i32
        %dma_wait3A_46 = tpu.memref_slice %arg6[%run_scoped3A_30, %dma_wait3A_45] : memref<8x128xi32, #tpu.memory_space<vmem>> -> memref<1x128xi32, #tpu.memory_space<vmem>>
        %dma_wait3A_47 = tpu.memref_squeeze %dma_wait3A_46 : memref<1x128xi32, #tpu.memory_space<vmem>> -> memref<128xi32, #tpu.memory_space<vmem>>
        %dma_wait3A_48 = arith.constant 0 : i32
        %dma_wait3A_49 = tpu.memref_slice %arg8[%dma_wait3A_48] : memref<389120xi32, #tpu.memory_space<vmem_shared>> -> memref<389120xi32, #tpu.memory_space<vmem_shared>>
        tpu.wait_indirect_dma semaphore(%run_scoped3A_35 : memref<!tpu.dma_semaphore, #tpu.memory_space<semaphore_mem>>) src(%dma_wait3A_44 : memref<128xi32, #tpu.memory_space<vmem>>) dst(%dma_wait3A_49 : memref<389120xi32, #tpu.memory_space<vmem_shared>>)
        tpu.yield
      }) : () -> ()
      %run_scoped3A_31 = arith.constant 6 : i32
      %run_scoped3A_32 = arith.constant 6 : i32
      "tpu.region"() ({
        %run_scoped3A_35 = tpu.sem_alloc : memref<!tpu.dma_semaphore, #tpu.memory_space<semaphore_mem>>
        %dma_start3A = arith.constant 0 : i32
        %dma_start3A_36 = tpu.memref_slice %arg7[%run_scoped3A_31, %dma_start3A] : memref<8x128xi32, #tpu.memory_space<vmem>> -> memref<1x128xi32, #tpu.memory_space<vmem>>
        %dma_start3A_37 = tpu.memref_squeeze %dma_start3A_36 : memref<1x128xi32, #tpu.memory_space<vmem>> -> memref<128xi32, #tpu.memory_space<vmem>>
        %dma_start3A_38 = arith.constant 0 : i32
        %dma_start3A_39 = tpu.memref_slice %arg6[%run_scoped3A_32, %dma_start3A_38] : memref<8x128xi32, #tpu.memory_space<vmem>> -> memref<1x128xi32, #tpu.memory_space<vmem>>
        %dma_start3A_40 = tpu.memref_squeeze %dma_start3A_39 : memref<1x128xi32, #tpu.memory_space<vmem>> -> memref<128xi32, #tpu.memory_space<vmem>>
        %dma_start3A_41 = arith.constant 0 : i32
        %dma_start3A_42 = tpu.memref_slice %arg8[%dma_start3A_41] : memref<389120xi32, #tpu.memory_space<vmem_shared>> -> memref<389120xi32, #tpu.memory_space<vmem_shared>>
        tpu.enqueue_indirect_dma source(%dma_start3A_37 : memref<128xi32, #tpu.memory_space<vmem>>) target(%dma_start3A_42 : memref<389120xi32, #tpu.memory_space<vmem_shared>>) offsets(%dma_start3A_40 : memref<128xi32, #tpu.memory_space<vmem>>) semaphore(%run_scoped3A_35 : memref<!tpu.dma_semaphore, #tpu.memory_space<semaphore_mem>>)
        %dma_wait3A = arith.constant 0 : i32
        %dma_wait3A_43 = tpu.memref_slice %arg7[%run_scoped3A_31, %dma_wait3A] : memref<8x128xi32, #tpu.memory_space<vmem>> -> memref<1x128xi32, #tpu.memory_space<vmem>>
        %dma_wait3A_44 = tpu.memref_squeeze %dma_wait3A_43 : memref<1x128xi32, #tpu.memory_space<vmem>> -> memref<128xi32, #tpu.memory_space<vmem>>
        %dma_wait3A_45 = arith.constant 0 : i32
        %dma_wait3A_46 = tpu.memref_slice %arg6[%run_scoped3A_32, %dma_wait3A_45] : memref<8x128xi32, #tpu.memory_space<vmem>> -> memref<1x128xi32, #tpu.memory_space<vmem>>
        %dma_wait3A_47 = tpu.memref_squeeze %dma_wait3A_46 : memref<1x128xi32, #tpu.memory_space<vmem>> -> memref<128xi32, #tpu.memory_space<vmem>>
        %dma_wait3A_48 = arith.constant 0 : i32
        %dma_wait3A_49 = tpu.memref_slice %arg8[%dma_wait3A_48] : memref<389120xi32, #tpu.memory_space<vmem_shared>> -> memref<389120xi32, #tpu.memory_space<vmem_shared>>
        tpu.wait_indirect_dma semaphore(%run_scoped3A_35 : memref<!tpu.dma_semaphore, #tpu.memory_space<semaphore_mem>>) src(%dma_wait3A_44 : memref<128xi32, #tpu.memory_space<vmem>>) dst(%dma_wait3A_49 : memref<389120xi32, #tpu.memory_space<vmem_shared>>)
        tpu.yield
      }) : () -> ()
      %run_scoped3A_33 = arith.constant 7 : i32
      %run_scoped3A_34 = arith.constant 7 : i32
      "tpu.region"() ({
        %run_scoped3A_35 = tpu.sem_alloc : memref<!tpu.dma_semaphore, #tpu.memory_space<semaphore_mem>>
        %dma_start3A = arith.constant 0 : i32
        %dma_start3A_36 = tpu.memref_slice %arg7[%run_scoped3A_33, %dma_start3A] : memref<8x128xi32, #tpu.memory_space<vmem>> -> memref<1x128xi32, #tpu.memory_space<vmem>>
        %dma_start3A_37 = tpu.memref_squeeze %dma_start3A_36 : memref<1x128xi32, #tpu.memory_space<vmem>> -> memref<128xi32, #tpu.memory_space<vmem>>
        %dma_start3A_38 = arith.constant 0 : i32
        %dma_start3A_39 = tpu.memref_slice %arg6[%run_scoped3A_34, %dma_start3A_38] : memref<8x128xi32, #tpu.memory_space<vmem>> -> memref<1x128xi32, #tpu.memory_space<vmem>>
        %dma_start3A_40 = tpu.memref_squeeze %dma_start3A_39 : memref<1x128xi32, #tpu.memory_space<vmem>> -> memref<128xi32, #tpu.memory_space<vmem>>
        %dma_start3A_41 = arith.constant 0 : i32
        %dma_start3A_42 = tpu.memref_slice %arg8[%dma_start3A_41] : memref<389120xi32, #tpu.memory_space<vmem_shared>> -> memref<389120xi32, #tpu.memory_space<vmem_shared>>
        tpu.enqueue_indirect_dma source(%dma_start3A_37 : memref<128xi32, #tpu.memory_space<vmem>>) target(%dma_start3A_42 : memref<389120xi32, #tpu.memory_space<vmem_shared>>) offsets(%dma_start3A_40 : memref<128xi32, #tpu.memory_space<vmem>>) semaphore(%run_scoped3A_35 : memref<!tpu.dma_semaphore, #tpu.memory_space<semaphore_mem>>)
        %dma_wait3A = arith.constant 0 : i32
        %dma_wait3A_43 = tpu.memref_slice %arg7[%run_scoped3A_33, %dma_wait3A] : memref<8x128xi32, #tpu.memory_space<vmem>> -> memref<1x128xi32, #tpu.memory_space<vmem>>
        %dma_wait3A_44 = tpu.memref_squeeze %dma_wait3A_43 : memref<1x128xi32, #tpu.memory_space<vmem>> -> memref<128xi32, #tpu.memory_space<vmem>>
        %dma_wait3A_45 = arith.constant 0 : i32
        %dma_wait3A_46 = tpu.memref_slice %arg6[%run_scoped3A_34, %dma_wait3A_45] : memref<8x128xi32, #tpu.memory_space<vmem>> -> memref<1x128xi32, #tpu.memory_space<vmem>>
        %dma_wait3A_47 = tpu.memref_squeeze %dma_wait3A_46 : memref<1x128xi32, #tpu.memory_space<vmem>> -> memref<128xi32, #tpu.memory_space<vmem>>
        %dma_wait3A_48 = arith.constant 0 : i32
        %dma_wait3A_49 = tpu.memref_slice %arg8[%dma_wait3A_48] : memref<389120xi32, #tpu.memory_space<vmem_shared>> -> memref<389120xi32, #tpu.memory_space<vmem_shared>>
        tpu.wait_indirect_dma semaphore(%run_scoped3A_35 : memref<!tpu.dma_semaphore, #tpu.memory_space<semaphore_mem>>) src(%dma_wait3A_44 : memref<128xi32, #tpu.memory_space<vmem>>) dst(%dma_wait3A_49 : memref<389120xi32, #tpu.memory_space<vmem_shared>>)
        tpu.yield
      }) : () -> ()
    }
    %scan3A_9 = arith.constant 12 : i32
    %barrier3A_10 = arith.constant 0 : index
    tpu.barrier barrier_id(%barrier3A_10)
    %mul3A_11 = arith.constant 24320 : i32
    %mul3A_12 = arith.muli %arg1, %mul3A_11 : i32
    %mul3A_13 = arith.constant 24320 : i32
    %mul3A_14 = arith.muli %arg1, %mul3A_13 : i32
    "tpu.region"() ({
      %run_scoped3A = tpu.sem_alloc : memref<!tpu.dma_semaphore, #tpu.memory_space<semaphore_mem>>
      %dma_start3A = arith.constant 0 : i32
      %dma_start3A_15 = tpu.memref_slice %arg5[%arg0, %dma_start3A] : memref<2x389120xi32, #tpu.memory_space<hbm>> -> memref<1x389120xi32, #tpu.memory_space<hbm>>
      %dma_start3A_16 = tpu.memref_squeeze %dma_start3A_15 : memref<1x389120xi32, #tpu.memory_space<hbm>> -> memref<389120xi32, #tpu.memory_space<hbm>>
      %dma_start3A_17 = tpu.memref_slice %dma_start3A_16[%mul3A_14] : memref<389120xi32, #tpu.memory_space<hbm>> -> memref<24320xi32, #tpu.memory_space<hbm>>
      %dma_start3A_18 = tpu.memref_slice %arg8[%mul3A_12] : memref<389120xi32, #tpu.memory_space<vmem_shared>> -> memref<24320xi32, #tpu.memory_space<vmem_shared>>
      tpu.enqueue_dma source(%dma_start3A_18 : memref<24320xi32, #tpu.memory_space<vmem_shared>>) target(%dma_start3A_17 : memref<24320xi32, #tpu.memory_space<hbm>>) target_semaphore(%run_scoped3A : memref<!tpu.dma_semaphore, #tpu.memory_space<semaphore_mem>>)
      %dma_wait3A = arith.constant 0 : i32
      %dma_wait3A_19 = tpu.memref_slice %arg5[%arg0, %dma_wait3A] : memref<2x389120xi32, #tpu.memory_space<hbm>> -> memref<1x389120xi32, #tpu.memory_space<hbm>>
      %dma_wait3A_20 = tpu.memref_squeeze %dma_wait3A_19 : memref<1x389120xi32, #tpu.memory_space<hbm>> -> memref<389120xi32, #tpu.memory_space<hbm>>
      %dma_wait3A_21 = tpu.memref_slice %dma_wait3A_20[%mul3A_14] : memref<389120xi32, #tpu.memory_space<hbm>> -> memref<24320xi32, #tpu.memory_space<hbm>>
      %dma_wait3A_22 = tpu.memref_slice %arg8[%mul3A_12] : memref<389120xi32, #tpu.memory_space<vmem_shared>> -> memref<24320xi32, #tpu.memory_space<vmem_shared>>
      tpu.wait_dma2 semaphore(%run_scoped3A : memref<!tpu.dma_semaphore, #tpu.memory_space<semaphore_mem>>) src(%dma_wait3A_22 : memref<24320xi32, #tpu.memory_space<vmem_shared>>) dst(%dma_wait3A_21 : memref<24320xi32, #tpu.memory_space<hbm>>)
      tpu.yield
    }) : () -> ()
    return
  }
}

module attributes {stable_mosaic.version = 14 : i64} {
  func.func @_enc_body(%arg0: i32, %arg1: memref<1x1xf32, #tpu.memory_space<vmem>>, %arg2: memref<1000x128xf32, #tpu.memory_space<vmem>>, %arg3: memref<128x128xf32, #tpu.memory_space<vmem>>, %arg4: memref<1000x128xf32, #tpu.memory_space<vmem>>) attributes {dimension_semantics = [#tpu.dimension_semantics<arbitrary>], iteration_bounds = array<i64: 10>, scalar_prefetch = 0 : i64, scratch_operands = 0 : i64, tpu.core_type = #tpu.core_type<tc>, window_params = [{pipeline_mode = #tpu.pipeline_mode<synchronous>, transform_indices = @transform_0, window_bounds = array<i64: 1, 1>}, {transform_indices = @transform_1, window_bounds = array<i64: 1000, 128>}, {pipeline_mode = #tpu.pipeline_mode<synchronous>, transform_indices = @transform_2, window_bounds = array<i64: 128, 128>}, {transform_indices = @transform_3, window_bounds = array<i64: 1000, 128>}]} {
    %get3A = arith.constant 0 : index
    %get3A_0 = arith.constant 0 : index
    %get3A_1 = vector.load %arg2[%get3A, %get3A_0] : memref<1000x128xf32, #tpu.memory_space<vmem>>, vector<1000x128xf32>
    %get3A_2 = arith.constant 0 : index
    %get3A_3 = arith.constant 0 : index
    %get3A_4 = vector.load %arg1[%get3A_2, %get3A_3] : memref<1x1xf32, #tpu.memory_space<vmem>>, vector<1x1xf32>
    %get3A_5 = vector.extract %get3A_4[0, 0] : f32 from vector<1x1xf32>
    %gt3A = arith.constant 0.000000e+00 : f32
    %gt3A_6 = vector.broadcast %gt3A : f32 to vector<1000x128xf32>
    %gt3A_7 = arith.cmpf ogt, %get3A_1, %gt3A_6 : vector<1000x128xf32>
    %mul3A = vector.broadcast %get3A_5 : f32 to vector<1000x128xf32>
    %mul3A_8 = arith.mulf %mul3A, %get3A_1 : vector<1000x128xf32>
    %select_n3A = arith.select %gt3A_7, %get3A_1, %mul3A_8 : vector<1000x128xi1>, vector<1000x128xf32>
    %get3A_9 = arith.constant 0 : index
    %get3A_10 = arith.constant 0 : index
    %get3A_11 = vector.load %arg3[%get3A_9, %get3A_10] : memref<128x128xf32, #tpu.memory_space<vmem>>, vector<128x128xf32>
    %dot_general3A = arith.constant dense<0.000000e+00> : vector<1000x128xf32>
    %dot_general3A_12 = tpu.matmul %select_n3A, %get3A_11, %dot_general3A {dimension_numbers = #tpu.dot_dimension_numbers<[1], [0], [0], [1], [0, 0, 1, 1], [], []>, transpose_lhs_hint = false} : vector<1000x128xf32>, vector<128x128xf32>, vector<1000x128xf32> -> vector<1000x128xf32>
    %swap3A = arith.constant 0 : index
    %swap3A_13 = arith.constant 0 : index
    %swap3A_14 = vector.load %arg4[%swap3A, %swap3A_13] : memref<1000x128xf32, #tpu.memory_space<vmem>>, vector<1000x128xf32>
    tpu.vector_store %arg4[%swap3A, %swap3A_13], %dot_general3A_12 {strides = array<i32>} : memref<1000x128xf32, #tpu.memory_space<vmem>>, vector<1000x128xf32>,
    return
  }
  func.func @transform_0(%arg0: i32) -> (i32, i32) {
    %c0_i32 = arith.constant 0 : i32
    %c0_i32_0 = arith.constant 0 : i32
    %c0_i32_1 = arith.constant 0 : i32
    return %c0_i32, %c0_i32_0 : i32, i32
  }
  func.func @transform_1(%arg0: i32) -> (i32, i32) {
    %c0_i32 = arith.constant 0 : i32
    %c0_i32_0 = arith.constant 0 : i32
    return %arg0, %c0_i32 : i32, i32
  }
  func.func @transform_2(%arg0: i32) -> (i32, i32) {
    %c0_i32 = arith.constant 0 : i32
    %c0_i32_0 = arith.constant 0 : i32
    %c0_i32_1 = arith.constant 0 : i32
    return %c0_i32, %c0_i32_0 : i32, i32
  }
  func.func @transform_3(%arg0: i32) -> (i32, i32) {
    %c0_i32 = arith.constant 0 : i32
    %c0_i32_0 = arith.constant 0 : i32
    return %arg0, %c0_i32 : i32, i32
  }
}

module attributes {stable_mosaic.version = 14 : i64} {
  func.func @_mlp_body(%arg0: i32, %arg1: memref<1x1000x128xf32, #tpu.memory_space<vmem>>, %arg2: memref<1000x128xf32, #tpu.memory_space<vmem>>, %arg3: memref<1000x18xf32, #tpu.memory_space<vmem>>, %arg4: memref<18x128xf32, #tpu.memory_space<vmem>>, %arg5: memref<128x256xf32, #tpu.memory_space<vmem>>, %arg6: memref<1x256xf32, #tpu.memory_space<vmem>>, %arg7: memref<256x128xf32, #tpu.memory_space<vmem>>, %arg8: memref<1x128xf32, #tpu.memory_space<vmem>>, %arg9: memref<1000x128xf32, #tpu.memory_space<vmem>>) attributes {dimension_semantics = [#tpu.dimension_semantics<arbitrary>], iteration_bounds = array<i64: 10>, scalar_prefetch = 0 : i64, scratch_operands = 0 : i64, tpu.core_type = #tpu.core_type<tc>, window_params = [{transform_indices = @transform_0, window_bounds = array<i64: 1, 1000, 128>}, {transform_indices = @transform_1, window_bounds = array<i64: 1000, 128>}, {transform_indices = @transform_2, window_bounds = array<i64: 1000, 18>}, {pipeline_mode = #tpu.pipeline_mode<synchronous>, transform_indices = @transform_3, window_bounds = array<i64: 18, 128>}, {pipeline_mode = #tpu.pipeline_mode<synchronous>, transform_indices = @transform_4, window_bounds = array<i64: 128, 256>}, {pipeline_mode = #tpu.pipeline_mode<synchronous>, transform_indices = @transform_5, window_bounds = array<i64: 1, 256>}, {pipeline_mode = #tpu.pipeline_mode<synchronous>, transform_indices = @transform_6, window_bounds = array<i64: 256, 128>}, {pipeline_mode = #tpu.pipeline_mode<synchronous>, transform_indices = @transform_7, window_bounds = array<i64: 1, 128>}, {transform_indices = @transform_8, window_bounds = array<i64: 1000, 128>}]} {
    %get3A = arith.constant 0 : index
    %get3A_0 = arith.constant 0 : index
    %get3A_1 = arith.constant 0 : index
    %get3A_2 = vector.load %arg1[%get3A, %get3A_0, %get3A_1] : memref<1x1000x128xf32, #tpu.memory_space<vmem>>, vector<1x1000x128xf32>
    %get3A_3 = vector.shape_cast %get3A_2 : vector<1x1000x128xf32> to vector<1000x128xf32>
    %get3A_4 = arith.constant 0 : index
    %get3A_5 = arith.constant 0 : index
    %get3A_6 = vector.load %arg2[%get3A_4, %get3A_5] : memref<1000x128xf32, #tpu.memory_space<vmem>>, vector<1000x128xf32>
    %add3A = arith.addf %get3A_3, %get3A_6 : vector<1000x128xf32>
    %get3A_7 = arith.constant 0 : index
    %get3A_8 = arith.constant 0 : index
    %get3A_9 = vector.load %arg4[%get3A_7, %get3A_8] : memref<18x128xf32, #tpu.memory_space<vmem>>, vector<18x128xf32>
    %get3A_10 = arith.constant 0 : index
    %get3A_11 = arith.constant 0 : index
    %get3A_12 = vector.load %arg3[%get3A_10, %get3A_11] : memref<1000x18xf32, #tpu.memory_space<vmem>>, vector<1000x18xf32>
    %dot_general3A = arith.constant dense<0.000000e+00> : vector<1000x128xf32>
    %dot_general3A_13 = tpu.matmul %get3A_12, %get3A_9, %dot_general3A {dimension_numbers = #tpu.dot_dimension_numbers<[1], [0], [0], [1], [0, 0, 1, 1], [], []>, transpose_lhs_hint = false} : vector<1000x18xf32>, vector<18x128xf32>, vector<1000x128xf32> -> vector<1000x128xf32>
    %add3A_14 = arith.addf %add3A, %dot_general3A_13 : vector<1000x128xf32>
    %slice3A = vector.extract_strided_slice %get3A_9 {offsets = [12, 0], sizes = [1, 128], strides = [1, 1]} : vector<18x128xf32> to vector<1x128xf32>
    %add3A_15 = vector.broadcast %slice3A : vector<1x128xf32> to vector<1000x128xf32>
    %add3A_16 = arith.addf %add3A_14, %add3A_15 : vector<1000x128xf32>
    %get3A_17 = arith.constant 0 : index
    %get3A_18 = arith.constant 0 : index
    %get3A_19 = vector.load %arg5[%get3A_17, %get3A_18] : memref<128x256xf32, #tpu.memory_space<vmem>>, vector<128x256xf32>
    %dot_general3A_20 = arith.constant dense<0.000000e+00> : vector<1000x256xf32>
    %dot_general3A_21 = tpu.matmul %add3A_16, %get3A_19, %dot_general3A_20 {dimension_numbers = #tpu.dot_dimension_numbers<[1], [0], [0], [1], [0, 0, 1, 1], [], []>, transpose_lhs_hint = false} : vector<1000x128xf32>, vector<128x256xf32>, vector<1000x256xf32> -> vector<1000x256xf32>
    %get3A_22 = arith.constant 0 : index
    %get3A_23 = arith.constant 0 : index
    %get3A_24 = vector.load %arg6[%get3A_22, %get3A_23] : memref<1x256xf32, #tpu.memory_space<vmem>>, vector<1x256xf32>
    %add3A_25 = vector.broadcast %get3A_24 : vector<1x256xf32> to vector<1000x256xf32>
    %add3A_26 = arith.addf %dot_general3A_21, %add3A_25 : vector<1000x256xf32>
    %max3A = arith.constant 0.000000e+00 : f32
    %max3A_27 = vector.broadcast %max3A : f32 to vector<1000x256xf32>
    %max3A_28 = arith.maximumf %add3A_26, %max3A_27 : vector<1000x256xf32>
    %get3A_29 = arith.constant 0 : index
    %get3A_30 = arith.constant 0 : index
    %get3A_31 = vector.load %arg7[%get3A_29, %get3A_30] : memref<256x128xf32, #tpu.memory_space<vmem>>, vector<256x128xf32>
    %dot_general3A_32 = arith.constant dense<0.000000e+00> : vector<1000x128xf32>
    %dot_general3A_33 = tpu.matmul %max3A_28, %get3A_31, %dot_general3A_32 {dimension_numbers = #tpu.dot_dimension_numbers<[1], [0], [0], [1], [0, 0, 1, 1], [], []>, transpose_lhs_hint = false} : vector<1000x256xf32>, vector<256x128xf32>, vector<1000x128xf32> -> vector<1000x128xf32>
    %get3A_34 = arith.constant 0 : index
    %get3A_35 = arith.constant 0 : index
    %get3A_36 = vector.load %arg8[%get3A_34, %get3A_35] : memref<1x128xf32, #tpu.memory_space<vmem>>, vector<1x128xf32>
    %add3A_37 = vector.broadcast %get3A_36 : vector<1x128xf32> to vector<1000x128xf32>
    %add3A_38 = arith.addf %dot_general3A_33, %add3A_37 : vector<1000x128xf32>
    %swap3A = arith.constant 0 : index
    %swap3A_39 = arith.constant 0 : index
    %swap3A_40 = vector.load %arg9[%swap3A, %swap3A_39] : memref<1000x128xf32, #tpu.memory_space<vmem>>, vector<1000x128xf32>
    tpu.vector_store %arg9[%swap3A, %swap3A_39], %add3A_38 {strides = array<i32>} : memref<1000x128xf32, #tpu.memory_space<vmem>>, vector<1000x128xf32>,
    return
  }
  func.func @transform_0(%arg0: i32) -> (i32, i32, i32) {
    %jit3A = arith.constant 5 : i32
    %div3A = arith.divsi %arg0, %jit3A : i32
    %sign3A = arith.constant 0 : i32
    %sign3A_0 = arith.cmpi sgt, %arg0, %sign3A : i32
    %sign3A_1 = arith.extui %sign3A_0 : i1 to i32
    %sign3A_2 = arith.constant 0 : i32
    %sign3A_3 = arith.cmpi slt, %arg0, %sign3A_2 : i32
    %sign3A_4 = arith.extui %sign3A_3 : i1 to i32
    %sign3A_5 = arith.subi %sign3A_1, %sign3A_4 : i32
    %sign3A_6 = arith.constant 0 : i32
    %sign3A_7 = arith.cmpi sgt, %jit3A, %sign3A_6 : i32
    %sign3A_8 = arith.extui %sign3A_7 : i1 to i32
    %sign3A_9 = arith.constant 0 : i32
    %sign3A_10 = arith.cmpi slt, %jit3A, %sign3A_9 : i32
    %sign3A_11 = arith.extui %sign3A_10 : i1 to i32
    %sign3A_12 = arith.subi %sign3A_8, %sign3A_11 : i32
    %ne3A = arith.cmpi ne, %sign3A_5, %sign3A_12 : i32
    %rem3A = arith.remsi %arg0, %jit3A : i32
    %ne3A_13 = arith.constant 0 : i32
    %ne3A_14 = arith.cmpi ne, %rem3A, %ne3A_13 : i32
    %and3A = arith.andi %ne3A, %ne3A_14 : i1
    %sub3A = arith.constant 1 : i32
    %sub3A_15 = arith.subi %div3A, %sub3A : i32
    %select_n3A = arith.select %and3A, %sub3A_15, %div3A : i32
    %jit3A_16 = arith.constant 5 : i32
    %eq3A = arith.constant 0 : i32
    %eq3A_17 = arith.cmpi eq, %jit3A_16, %eq3A : i32
    %jit3A_18 = arith.constant 1 : i32
    %select_n3A_19 = arith.select %eq3A_17, %jit3A_18, %jit3A_16 : i32
    %rem3A_20 = arith.remsi %arg0, %select_n3A_19 : i32
    %ne3A_21 = arith.constant 0 : i32
    %ne3A_22 = arith.cmpi ne, %rem3A_20, %ne3A_21 : i32
    %lt3A = arith.constant 0 : i32
    %lt3A_23 = arith.cmpi slt, %rem3A_20, %lt3A : i32
    %lt3A_24 = arith.constant 0 : i32
    %lt3A_25 = arith.cmpi slt, %select_n3A_19, %lt3A_24 : i32
    %ne3A_26 = arith.xori %lt3A_23, %lt3A_25 : i1
    %and3A_27 = arith.andi %ne3A_26, %ne3A_22 : i1
    %add3A = arith.addi %rem3A_20, %select_n3A_19 : i32
    %select_n3A_28 = arith.select %and3A_27, %add3A, %rem3A_20 : i32
    %c0_i32 = arith.constant 0 : i32
    %c0_i32_29 = arith.constant 0 : i32
    return %select_n3A, %select_n3A_28, %c0_i32 : i32, i32, i32
  }
  func.func @transform_1(%arg0: i32) -> (i32, i32) {
    %c0_i32 = arith.constant 0 : i32
    %c0_i32_0 = arith.constant 0 : i32
    return %arg0, %c0_i32 : i32, i32
  }
  func.func @transform_2(%arg0: i32) -> (i32, i32) {
    %c0_i32 = arith.constant 0 : i32
    %c0_i32_0 = arith.constant 0 : i32
    return %arg0, %c0_i32 : i32, i32
  }
  func.func @transform_3(%arg0: i32) -> (i32, i32) {
    %c0_i32 = arith.constant 0 : i32
    %c0_i32_0 = arith.constant 0 : i32
    %c0_i32_1 = arith.constant 0 : i32
    return %c0_i32, %c0_i32_0 : i32, i32
  }
  func.func @transform_4(%arg0: i32) -> (i32, i32) {
    %c0_i32 = arith.constant 0 : i32
    %c0_i32_0 = arith.constant 0 : i32
    %c0_i32_1 = arith.constant 0 : i32
    return %c0_i32, %c0_i32_0 : i32, i32
  }
  func.func @transform_5(%arg0: i32) -> (i32, i32) {
    %c0_i32 = arith.constant 0 : i32
    %c0_i32_0 = arith.constant 0 : i32
    %c0_i32_1 = arith.constant 0 : i32
    return %c0_i32, %c0_i32_0 : i32, i32
  }
  func.func @transform_6(%arg0: i32) -> (i32, i32) {
    %c0_i32 = arith.constant 0 : i32
    %c0_i32_0 = arith.constant 0 : i32
    %c0_i32_1 = arith.constant 0 : i32
    return %c0_i32, %c0_i32_0 : i32, i32
  }
  func.func @transform_7(%arg0: i32) -> (i32, i32) {
    %c0_i32 = arith.constant 0 : i32
    %c0_i32_0 = arith.constant 0 : i32
    %c0_i32_1 = arith.constant 0 : i32
    return %c0_i32, %c0_i32_0 : i32, i32
  }
  func.func @transform_8(%arg0: i32) -> (i32, i32) {
    %c0_i32 = arith.constant 0 : i32
    %c0_i32_0 = arith.constant 0 : i32
    return %arg0, %c0_i32 : i32, i32
  }
}

</mosaic_0001>

<sc_bundles>
// kernel: kernel.6.cloned.1.call-start
scs
__scs_entry_jumppad:
0x0: {  	(pc) =	sbr.rel $0x88, $3  }
0x1: {  	(tag) =	ssettag $0x0;
	lr =	simm.s32 $0x1  }
0x2: {  	[smem:$0x3F96] =	sst lr;
	_ =	strace $0xD0000000  }
0x3: {  	_ = 	snop  }
0x4: {  	_ = 	snop  }
0x5: {  	_ = 	snop  }
0x6: {  	_ = 	snop  }
0x7: {  	_ = 	snop  }
__scs_overlays_trampoline_lowered:
0x8: {  	[smem:$0x3FA5] =	sst s0  }
0x9: {  	[smem:$0x3FA6] =	sst s1  }
0xa: {  	[smem:$0x3FA7] =	sst s2  }
0xb: {  	[smem:$0x3FA8] =	sst s3  }
0xc: {  	[smem:$0x3FA9] =	sst s4  }
0xd: {  	[smem:$0x3FAA] =	sst s5  }
0xe: {  	[smem:$0x3FAB] =	sst s6  }
0xf: {  	[smem:$0x3FAC] =	sst s7  }
0x10: {  	[smem:$0x3FAD] =	sst s8  }
0x11: {  	[smem:$0x3FAE] =	sst s9;
	s0 =	simm.s32 @!p0 $0x0  }
0x12: {  	s1 =	sld [smem:$0x3F94];
	s0 =	simm.s32 @p0 $0x1  }
0x13: {  	[smem:$0x3FAF] =	sst s0;
	s0 =	simm.s32 @!p1 $0x0  }
0x14: {  	s2 =	sld [smem:$0x3F93];
	s0 =	simm.s32 @p1 $0x1  }
0x15: {  	[smem:$0x3FB0] =	sst s0;
	s0 =	simm.s32 @!p2 $0x0  }
0x16: {  	s3 =	sld [smem:$0x3FDB];
	s0 =	simm.s32 @p2 $0x1  }
0x17: {  	s4 =	simm.s32 $0x1BF5;
	[smem:$0x3FB2] =	sst s0  }
0x18: {  	s0 =	sld [smem:$0x3F95];
	_ =	swait.ge [sflag:s4], $0x0  }
0x19: {  	s7 =	sld [smem:$0x3F96]  }
0x1a: {  	s8 =	sadd.s32 $0xFFFFE003, lr  }
0x1b: {  	s9 =	sadd.s32 $0xFFFFFEF7, lr;
	s5 =	simm.s32 $0xFFFFFFFF;
	p2 =	slt.u32 s8, $0xFFFFF086  }
0x1c: {  	p1 =	slt.u32 s9, $0xF7A;
	s5 =	simm.s32 @!p2 $0x0  }
0x1d: {  	s5 =	simm.s32 @p1 $0x1;
	p0 =	seq.s32 s7, s2  }
0x1e: {  	s7 =	smul.u32 @!p0 $0xF7A, s2;
	p2 =	seq.s32 @!p0 s5, $0x0  }
0x1f: {  	s9 =	smul.u32 $0xF7A, s1;
	s8 =	simm.s32 @!p0 $0x1BF5;
	p2 =	por !p2, p0  }
0x20: {  	[sflag:s8] =	ssyncset.s32 @!p0 $0xFFFFF086;
	s6 =	sadd.s32 @!p0 s3, s7;
	s7 =	simm.s32 @!p0 $0x108  }
0x21: {  	s3 =	sadd.s32 s3, s9;
	s6 =	sadd.s32 @!p0 $0x88, s6;
	s7 =	simm.s32 @p2 $0x1082  }
0x22: {  	[simem:s7], [sflag:s8] =	dma.local @!p0 [hbm:s6], $0xF7A  }
0x23: {  	s9 =	sor.u32 $0xD0000000, s2;
	s6 =	simm.s32 $0x108;
	_ =	swait.ge @!p0 [sflag:s8], $0x0  }
0x24: {  	s3 =	sadd.s32 $0x88, s3;
	s6 =	simm.s32 @!p1 $0x1082;
	[sflag:s4] =	ssyncset.s32 $0xFFFFF086  }
0x25: {  	[simem:s6], [sflag:s4] =	dma.local [hbm:s3], $0xF7A  }
0x26: {  	[smem:$0x3F96] =	sst s1;
	(tag) =	ssettag s2;
	_ =	strace s9  }
0x27: {  	s1 =	sld [smem:$0x3FA6]  }
0x28: {  	s2 =	sld [smem:$0x3FA7]  }
0x29: {  	s4 =	sld [smem:$0x3FA9]  }
0x2a: {  	p0 =	seq.s32 s5, $0x0;
	s5 =	sld [smem:$0x3FAA]  }
0x2b: {  	s6 =	sld [smem:$0x3FAB]  }
0x2c: {  	s7 =	sld [smem:$0x3FAC]  }
0x2d: {  	s3 =	simm.s32 $0x108;
	s8 =	sld [smem:$0x3FAD]  }
0x2e: {  	s3 =	simm.s32 @!p0 $0x1082;
	s9 =	sld [smem:$0x3FAE]  }
0x2f: {  	lr =	sadd.s32 s0, s3;
	s0 =	sld [smem:$0x3FA5]  }
0x30: {  	s3 =	sld [smem:$0x3FA8]  }
0x31: {  	[smem:$0x3FB1] =	sst s10  }
0x32: {  	s10 =	sld [smem:$0x3FAF];
	_ =	sdelay $0x3  }
0x33: {  	p0 =	seq.s32 s10, $0x1;
	s10 =	sld [smem:$0x3FB1];
	_ =	sdelay $0x3  }
0x34: {  	[smem:$0x3FB1] =	sst s10  }
0x35: {  	s10 =	sld [smem:$0x3FB0];
	_ =	sdelay $0x3  }
0x36: {  	p1 =	seq.s32 s10, $0x1;
	s10 =	sld [smem:$0x3FB1];
	_ =	sdelay $0x3  }
0x37: {  	[smem:$0x3FB1] =	sst s10  }
0x38: {  	s10 =	sld [smem:$0x3FB2]  }
0x39: {  	_ = 	snop;
	(pc) =	sbr.ind lr, $3  }
0x3a: {  	_ = 	snop  }
0x3b: {  	_ = 	snop  }
0x3c: {  	p2 =	seq.s32 s10, $0x1;
	s10 =	sld [smem:$0x3FB1]  }
0x3d: {  	_ =	shalt  }
0x3e: {  	_ =	shalt  }
0x3f: {  	_ =	shalt  }
0x40: {  	_ =	shalt  }
0x41: {  	_ =	shalt  }
0x42: {  	_ =	shalt  }
0x43: {  	_ =	shalt  }
0x44: {  	_ =	shalt  }
0x45: {  	_ =	shalt  }
0x46: {  	_ =	shalt  }
0x47: {  	_ =	shalt  }
0x48: {  	_ =	shalt  }
0x49: {  	_ =	shalt  }
0x4a: {  	_ =	shalt  }
0x4b: {  	_ =	shalt  }
0x4c: {  	_ =	shalt  }
0x4d: {  	_ =	shalt  }
0x4e: {  	_ =	shalt  }
0x4f: {  	_ =	shalt  }
0x50: {  	_ =	shalt  }
0x51: {  	_ =	shalt  }
0x52: {  	_ =	shalt  }
0x53: {  	_ =	shalt  }
0x54: {  	_ =	shalt  }
0x55: {  	_ =	shalt  }
0x56: {  	_ =	shalt  }
0x57: {  	_ =	shalt  }
0x58: {  	_ =	shalt  }
0x59: {  	_ =	shalt  }
0x5a: {  	_ =	shalt  }
0x5b: {  	_ =	shalt  }
0x5c: {  	_ =	shalt  }
0x5d: {  	_ =	shalt  }
0x5e: {  	_ =	shalt  }
0x5f: {  	_ =	shalt  }
0x60: {  	_ =	shalt  }
0x61: {  	_ =	shalt  }
0x62: {  	_ =	shalt  }
0x63: {  	_ =	shalt  }
0x64: {  	_ =	shalt  }
0x65: {  	_ =	shalt  }
0x66: {  	_ =	shalt  }
0x67: {  	_ =	shalt  }
0x68: {  	_ =	shalt  }
0x69: {  	_ =	shalt  }
0x6a: {  	_ =	shalt  }
0x6b: {  	_ =	shalt  }
0x6c: {  	_ =	shalt  }
0x6d: {  	_ =	shalt  }
0x6e: {  	_ =	shalt  }
0x6f: {  	_ =	shalt  }
0x70: {  	_ =	shalt  }
0x71: {  	_ =	shalt  }
0x72: {  	_ =	shalt  }
0x73: {  	_ =	shalt  }
0x74: {  	_ =	shalt  }
0x75: {  	_ =	shalt  }
0x76: {  	_ =	shalt  }
0x77: {  	_ =	shalt  }
0x78: {  	_ =	shalt  }
0x79: {  	_ =	shalt  }
0x7a: {  	_ =	shalt  }
0x7b: {  	_ =	shalt  }
0x7c: {  	_ =	shalt  }
0x7d: {  	_ =	shalt  }
0x7e: {  	_ =	shalt  }
0x7f: {  	_ =	shalt  }
0x80: {  	_ =	shalt  }
0x81: {  	_ =	shalt  }
0x82: {  	_ =	shalt  }
0x83: {  	_ =	shalt  }
0x84: {  	_ =	shalt  }
0x85: {  	_ =	shalt  }
0x86: {  	_ =	shalt  }
0x87: {  	_ =	shalt  }
.Lfunc_end0:
.L_simem_size_0:
called_computation_lowered:
.L_overlay_start_0:
0x88: {  	s2 =	sld [smem:$0x3FD9]  }
0x89: {  	s3 =	sld [smem:$0x3FFE];
	_ =	sdelay $0x1  }
0x8a: {  	s1 =	srdreg.scid  }
0x8b: {  	s0 =	sand.u32 $0x1, s1  }
0x8c: {  	s17 =	sshll.u32 s0, $0xA;
	s2 =	sadd.s32 s3, s2  }
0x8d: {  	s2 =	sadd.s32 s2, s17  }
0x8e: {  	[smem:$0x3FBD] =	sst s2  }
0x8f: {  	_ = 	snop  }
0x90: {  	s2 =	sld [smem:$0x3FD0];
	(tm) =	ssettm $0x1  }
0x91: {  	s18 =	sld [smem:$0x3FFB];
	_ =	sdelay $0x3  }
0x92: {  	_ =	strace s18  }
0x93: {  	s3 =	sld [smem:$0x3FFC];
	_ =	sdelay $0x3  }
0x94: {  	_ =	strace s3  }
0x95: {  	s3 =	sld [smem:$0x3FFD];
	_ =	sdelay $0x3  }
0x96: {  	_ =	strace s3  }
0x97: {  	_ =	strace $0x8FFFFFFF  }
0x98: {  	s19 =	sld [smem:$0x3FDB];
	_ =	sdelay $0x1  }
0x99: {  	s4 =	simm.s32 $_scs_section_size  }
0x9a: {  	s5 =	simm.s32 $_size__tile_overlayer_lowered;
	s6 =	simm.s32 $_tile_overlayer_lowered  }
0x9b: {  	s22 =	simm.s32 $0x1BFF;
	s21 =	sshll.u32 s6, $0x1;
	s3 =	sadd.s32 s4, s19  }
0x9c: {  	s7 =	simm.s32 $0x0;
	s20 =	sshll.u32 s5, $0x1;
	s5 =	sadd.s32 s21, s3  }
0x9d: {  	[timem:s7], [sflag:s22] =	dma.local [hbm:s5], s20  }
0x9e: {  	_ =	swait.ge [sflag:s22], s20  }
0x9f: {  	s4 =	ssub.s32 $0x0, s20;
	[sflag:s22] =	ssyncset.done $0x0  }
0xa0: {  	[sflag:s22] =	ssyncadd.s32 s4;
	_ =	sdelay $0x1  }
0xa1: {  	s23 =	simm.s32 $0x1B8B  }
0xa2: {  	_ =	swait.ge [sflag:s23], $0x1  }
0xa3: {  	[sflag:s23] =	ssyncset.done $0x0  }
0xa4: {  	s25 =	simm.s32 $0x1B8E;
	s24 =	sld [smem:$0x3FFE];
	[sflag:s23] =	ssyncadd.s32 $0xFFFFFFFF  }
0xa5: {  	s26 =	simm.s32 $execute0_lowered;
	[smem:$0x3FD2] =	sst s25  }
0xa6: {  	s5 =	sshll.u32 s26, $0x1;
	_ =	strace $0x80000046;
	[dreg:$0x1] =	wrdreg $0xFFFFFFFF  }
0xa7: {  	s28 =	simm.s32 $_size_execute0_lowered;
	s3 =	sadd.s32 s3, s5;
	[dreg:$0x0] =	wrdreg $0x0  }
0xa8: {  	s5 =	sshll.u32 s28, $0x1;
	[dreg:$0x2] =	wrdreg s3  }
0xa9: {  	[dreg:$0x3] =	wrdreg s5  }
0xaa: {  	[dreg:$0x4] =	wrdreg $0xC0  }
0xab: {  	_ =	task [dreg:s7], $0x5FFFF  }
0xac: {  	[dreg:$0x1] =	wrdreg $0xFFFFFFFF  }
0xad: {  	[dreg:$0x0] =	wrdreg $0x60  }
0xae: {  	[dreg:$0x2] =	wrdreg s24  }
0xaf: {  	[dreg:$0x3] =	wrdreg s2  }
0xb0: {  	[dreg:$0x4] =	wrdreg $0x8000  }
0xb1: {  	[dreg:$0x5] =	wrdreg $0x9  }
0xb2: {  	_ =	task.clear_ibuf [dreg:s7], $0x6FFFF;
	_ =	strace $0x90000046  }
0xb3: {  	s29 =	simm.s32 $0x9;
	_ =	strace $0x80000048  }
0xb4: {  	_ =	swait.ge [sflag:s29], $0x1  }
0xb5: {  	[sflag:s29] =	ssyncadd.s32 $0xFFFFFFFF  }
0xb6: {  	_ =	strace $0x90000048  }
0xb7: {  	_ =	sfence  }
0xb8: {  	s30 =	sld [smem:$0x0];
	_ =	sdelay $0x2  }
0xb9: {  	s31 =	sshll.u32 s1, $0xD;
	s1 =	sshrl.u32 s1, $0x2  }
0xba: {  	s3 =	sand.u32 $0x4000, s31;
	s1 =	sadd.s32 s1, s30  }
0xbb: {  	s0 =	sor.u32 s3, s0;
	s1 =	sshll.u32 s1, $0x11  }
0xbc: {  	s0 =	sor.u32 s1, s0  }
0xbd: {  	s0 =	sadd.s32 $0x8F2B, s0  }
0xbe: {  	[sflag:s0] =	ssyncadd.remote.s32 $0x1  }
0xbf: {  	_ =	sfence.sel $0xFFFF  }
0xc0: {  	[dreg:$0x0] =	wrdreg $0xFFFFFFFF;
	(pc) =	sbr.abs _section_cstart, $3  }
0xc1: {  	[dreg:$0x1] =	wrdreg $0xFFFFFFFF  }
0xc2: {  	_ =	task.clear_ibuf [dreg:s7], $0x2FFFF;
	_ =	strace $0x9FFFFFFF  }
0xc3: {  	(tm) =	ssettm $0x7FFFFFFF  }
tec
execute0_lowered:
.L_overlay_start_1:
0x0: {  	(tag) =	ssettag $0x1  }
0x1: {  	s0 =	rddreg [dreg:$0x0]  }
0x2: {  	s1 =	rddreg [dreg:$0x1]  }
0x3: {  	s2 =	rddreg [dreg:$0x2];
	s3 =	simm.s32 $0x0;
	s12 =	stileid.u32  }
0x4: {  	s4 =	srdreg.scid;
	s13 =	simm.s32 $0x480;
	s14 =	simm.s32 $0x100  }
0x5: {  	s15 =	simm.s32 $0x500;
	s16 =	simm.s32 $0x180;
	s17 =	simm.s32 $0x580  }
0x6: {  	s18 =	simm.s32 $0x200;
	s19 =	simm.s32 $0x600;
	s20 =	simm.s32 $0x280  }
0x7: {  	s21 =	simm.s32 $0x680;
	s22 =	simm.s32 $0x300;
	s23 =	simm.s32 $0x700  }
0x8: {  	s30 =	simm.s32 $0x0;
	[smem:$0x7FF] =	sst s3;
	s5 =	smul.u32 $0x5F00, s12  }
0x9: {  	s8 =	sand.u32 $0x1, s4;
	s25 =	sshll.u32 s12, $0x1;
	s28 =	sshll.u32 s12, $0x6  }
0xa: {  	s31 =	smul.u32 $0x17C0, s12;
	s12 =	simm.s32 $0x80;
	_ =	strace $0x80000047  }
0xb: {  	s6 =	ssub.s32 $0x2, s8;
	s4 =	sor.u32 s8, s25;
	s29 =	sshll.u32 s8, $0x4  }
0xc: {  	s25 =	simm.s32 $0x380;
	s7 =	sshrl.u32 s5, $0x3;
	s9 =	sshrl.u32 s6, $0x1  }
0xd: {  	s10 =	smul.u32 $0x600, s4;
	s11 =	sadd.s32 s5, s2;
	s26 =	sadd.s32 s7, s0  }
0xe: {  	s9 =	ssub.s32 s6, s9;
	s6 =	sor.u32 $0x1C01, s28;
	s4 =	sadd.s32 $0x18000, s26  }
0xf: {  	s5 =	sadd.s32 s0, s10;
	s0 =	sadd.s32 s1, s29;
	s8 =	smax.u32 s9, $0x1  }
0x10: {  	s9 =	sshrl.u32 s11, $0x3;
	s10 =	simm.s32 $0x1;
	s11 =	simm.s32 $0x400  }
0x11: {  	s26 =	simm.s32 $0x780;
	s7 =	sadd.s32 $0xC000, s5;
	s24 =	sadd.s32 s31, s0  }
.LBB2_1:
0x12: {  	[spmem:s9], [sflag:s6] =	dma.local [hbm:s4], $0xBE0  }
0x13: {  	_ =	swait.ge [sflag:s10], $0xBE0  }
0x14: {  	[sflag:s10] =	ssyncset.done $0x0  }
0x15: {  	[sflag:s10] =	ssyncadd.s32 $0xFFFFF420  }
0x16: {  	s0 =	sadd.s32 $0x0, s7;
	[bflag:$0x0] =	sbarrier.arrive $0xFFFF  }
0x17: {  	[tilespmem:s3], [sflag:$0x1] =	stream.linear.gather [hbm4b:s0+s3], $0x400, $0x38;
	[tilespmem:$0x6700] =	vst v63  }
0x18: {  	_ =	swait.ge [sflag:s10], $0x400  }
0x19: {  	[sflag:s10] =	ssyncset.done $0x0  }
0x1a: {  	s29 =	sadd.s32 $0x0, s5;
	[sflag:s10] =	ssyncadd.s32 $0xFFFFFC00  }
0x1b: {  	[tilespmem:s11], [sflag:$0x1] =	stream.linear.gather [hbm4b:s29+s3], $0x400, $0x38;
	[tilespmem:$0x6700] =	vst v63  }
0x1c: {  	_ =	swait.ge [sflag:s10], $0x400  }
0x1d: {  	[sflag:s10] =	ssyncset.done $0x0  }
0x1e: {  	[sflag:s10] =	ssyncadd.s32 $0xFFFFFC00  }
0x1f: {  	[spmem:s2] =	stream.indirect.scatter [tilespmem:s11], [sflag:$0x1], $0x1, s3, s12, $0xb8;
	[tilespmem:$0x6700] =	vst v63  }
0x20: {  	_ =	swait.ge [sflag:s10], $0x80  }
0x21: {  	[sflag:s10] =	ssyncset.done $0x0  }
0x22: {  	[sflag:s10] =	ssyncadd.s32 $0xFFFFFF80  }
0x23: {  	[spmem:s2] =	stream.indirect.scatter [tilespmem:s13], [sflag:$0x1], $0x1, s12, s12, $0xb8;
	[tilespmem:$0x6700] =	vst v63  }
0x24: {  	_ =	swait.ge [sflag:s10], $0x80  }
0x25: {  	[sflag:s10] =	ssyncset.done $0x0  }
0x26: {  	[sflag:s10] =	ssyncadd.s32 $0xFFFFFF80  }
0x27: {  	[spmem:s2] =	stream.indirect.scatter [tilespmem:s15], [sflag:$0x1], $0x1, s14, s12, $0xb8;
	[tilespmem:$0x6700] =	vst v63  }
0x28: {  	_ =	swait.ge [sflag:s10], $0x80  }
0x29: {  	[sflag:s10] =	ssyncset.done $0x0  }
0x2a: {  	[sflag:s10] =	ssyncadd.s32 $0xFFFFFF80  }
0x2b: {  	[spmem:s2] =	stream.indirect.scatter [tilespmem:s17], [sflag:$0x1], $0x1, s16, s12, $0xb8;
	[tilespmem:$0x6700] =	vst v63  }
0x2c: {  	_ =	swait.ge [sflag:s10], $0x80  }
0x2d: {  	[sflag:s10] =	ssyncset.done $0x0  }
0x2e: {  	[sflag:s10] =	ssyncadd.s32 $0xFFFFFF80  }
0x2f: {  	[spmem:s2] =	stream.indirect.scatter [tilespmem:s19], [sflag:$0x1], $0x1, s18, s12, $0xb8;
	[tilespmem:$0x6700] =	vst v63  }
0x30: {  	_ =	swait.ge [sflag:s10], $0x80  }
0x31: {  	[sflag:s10] =	ssyncset.done $0x0  }
0x32: {  	[sflag:s10] =	ssyncadd.s32 $0xFFFFFF80  }
0x33: {  	[spmem:s2] =	stream.indirect.scatter [tilespmem:s21], [sflag:$0x1], $0x1, s20, s12, $0xb8;
	[tilespmem:$0x6700] =	vst v63  }
0x34: {  	_ =	swait.ge [sflag:s10], $0x80  }
0x35: {  	[sflag:s10] =	ssyncset.done $0x0  }
0x36: {  	[sflag:s10] =	ssyncadd.s32 $0xFFFFFF80  }
0x37: {  	[spmem:s2] =	stream.indirect.scatter [tilespmem:s23], [sflag:$0x1], $0x1, s22, s12, $0xb8;
	[tilespmem:$0x6700] =	vst v63  }
0x38: {  	_ =	swait.ge [sflag:s10], $0x80  }
0x39: {  	[sflag:s10] =	ssyncset.done $0x0  }
0x3a: {  	[sflag:s10] =	ssyncadd.s32 $0xFFFFFF80  }
0x3b: {  	[spmem:s2] =	stream.indirect.scatter [tilespmem:s26], [sflag:$0x1], $0x1, s25, s12, $0xb8;
	[tilespmem:$0x6700] =	vst v63  }
0x3c: {  	_ =	swait.ge [sflag:s10], $0x80  }
0x3d: {  	s31 =	simm.s32 $0x80;
	s0 =	simm.s32 $0x100;
	[sflag:s10] =	ssyncset.done $0x0  }
.LBB2_2:
0x3e: {  	s28 =	sadd.s32 s31, s7  }
0x3f: {  	[sflag:s10] =	ssyncadd.s32 $0xFFFFFF80;
	s29 =	smov.u32 s0;
	s1 =	sadd.s32 $0x80, s0  }
0x40: {  	[tilespmem:s3], [sflag:$0x1] =	stream.linear.gather [hbm4b:s28+s3], $0x400, $0x38;
	[tilespmem:$0x6700] =	vst v63  }
0x41: {  	p0 =	sne.s32 s0, $0x580;
	_ =	swait.ge [sflag:s10], $0x400  }
0x42: {  	[sflag:s10] =	ssyncset.done $0x0  }
0x43: {  	s0 =	sadd.s32 s31, s5;
	s31 =	smov.u32 s29;
	[sflag:s10] =	ssyncadd.s32 $0xFFFFFC00  }
0x44: {  	[tilespmem:s11], [sflag:$0x1] =	stream.linear.gather [hbm4b:s0+s3], $0x400, $0x38;
	[tilespmem:$0x6700] =	vst v63  }
0x45: {  	_ =	swait.ge [sflag:s10], $0x400  }
0x46: {  	[sflag:s10] =	ssyncset.done $0x0  }
0x47: {  	[sflag:s10] =	ssyncadd.s32 $0xFFFFFC00  }
0x48: {  	[spmem:s2] =	stream.indirect.scatter [tilespmem:s11], [sflag:$0x1], $0x1, s3, s12, $0xb8;
	[tilespmem:$0x6700] =	vst v63  }
0x49: {  	_ =	swait.ge [sflag:s10], $0x80  }
0x4a: {  	[sflag:s10] =	ssyncset.done $0x0  }
0x4b: {  	[sflag:s10] =	ssyncadd.s32 $0xFFFFFF80  }
0x4c: {  	[spmem:s2] =	stream.indirect.scatter [tilespmem:s13], [sflag:$0x1], $0x1, s12, s12, $0xb8;
	[tilespmem:$0x6700] =	vst v63  }
0x4d: {  	_ =	swait.ge [sflag:s10], $0x80  }
0x4e: {  	[sflag:s10] =	ssyncset.done $0x0  }
0x4f: {  	[sflag:s10] =	ssyncadd.s32 $0xFFFFFF80  }
0x50: {  	[spmem:s2] =	stream.indirect.scatter [tilespmem:s15], [sflag:$0x1], $0x1, s14, s12, $0xb8;
	[tilespmem:$0x6700] =	vst v63  }
0x51: {  	_ =	swait.ge [sflag:s10], $0x80  }
0x52: {  	[sflag:s10] =	ssyncset.done $0x0  }
0x53: {  	[sflag:s10] =	ssyncadd.s32 $0xFFFFFF80  }
0x54: {  	[spmem:s2] =	stream.indirect.scatter [tilespmem:s17], [sflag:$0x1], $0x1, s16, s12, $0xb8;
	[tilespmem:$0x6700] =	vst v63  }
0x55: {  	_ =	swait.ge [sflag:s10], $0x80  }
0x56: {  	[sflag:s10] =	ssyncset.done $0x0  }
0x57: {  	[sflag:s10] =	ssyncadd.s32 $0xFFFFFF80  }
0x58: {  	[spmem:s2] =	stream.indirect.scatter [tilespmem:s19], [sflag:$0x1], $0x1, s18, s12, $0xb8;
	[tilespmem:$0x6700] =	vst v63  }
0x59: {  	_ =	swait.ge [sflag:s10], $0x80  }
0x5a: {  	[sflag:s10] =	ssyncset.done $0x0  }
0x5b: {  	[sflag:s10] =	ssyncadd.s32 $0xFFFFFF80  }
0x5c: {  	[spmem:s2] =	stream.indirect.scatter [tilespmem:s21], [sflag:$0x1], $0x1, s20, s12, $0xb8;
	[tilespmem:$0x6700] =	vst v63  }
0x5d: {  	_ =	swait.ge [sflag:s10], $0x80  }
0x5e: {  	[sflag:s10] =	ssyncset.done $0x0  }
0x5f: {  	[sflag:s10] =	ssyncadd.s32 $0xFFFFFF80  }
0x60: {  	[spmem:s2] =	stream.indirect.scatter [tilespmem:s23], [sflag:$0x1], $0x1, s22, s12, $0xb8;
	[tilespmem:$0x6700] =	vst v63  }
0x61: {  	_ =	swait.ge [sflag:s10], $0x80  }
.Ltmp0:
0x62: {  	[sflag:s10] =	ssyncset.done $0x0;
	(pc) =	sbr.rel @p0 .LBB2_2-.Ltmp0, $4  }
0x63: {  	[sflag:s10] =	ssyncadd.s32 $0xFFFFFF80  }
0x64: {  	[spmem:s2] =	stream.indirect.scatter [tilespmem:s26], [sflag:$0x1], $0x1, s25, s12, $0xb8;
	[tilespmem:$0x6700] =	vst v63  }
0x65: {  	_ =	swait.ge [sflag:s10], $0x80  }
0x66: {  	s0 =	smov.u32 s1;
	[sflag:s10] =	ssyncset.done $0x0  }
0x67: {  	s0 =	sadd.s32 s31, s7;
	[sflag:s10] =	ssyncadd.s32 $0xFFFFFF80  }
0x68: {  	[tilespmem:s3], [sflag:$0x1] =	stream.linear.gather [hbm4b:s0+s3], $0x400, $0x38;
	[tilespmem:$0x6700] =	vst v63  }
0x69: {  	_ =	swait.ge [sflag:s10], $0x400  }
0x6a: {  	[sflag:s10] =	ssyncset.done $0x0  }
0x6b: {  	s29 =	sadd.s32 s31, s5;
	[sflag:s10] =	ssyncadd.s32 $0xFFFFFC00  }
0x6c: {  	[tilespmem:s11], [sflag:$0x1] =	stream.linear.gather [hbm4b:s29+s3], $0x400, $0x38;
	[tilespmem:$0x6700] =	vst v63  }
0x6d: {  	_ =	swait.ge [sflag:s10], $0x400  }
0x6e: {  	[sflag:s10] =	ssyncset.done $0x0  }
0x6f: {  	[sflag:s10] =	ssyncadd.s32 $0xFFFFFC00  }
0x70: {  	[spmem:s2] =	stream.indirect.scatter [tilespmem:s11], [sflag:$0x1], $0x1, s3, s12, $0xb8;
	[tilespmem:$0x6700] =	vst v63  }
0x71: {  	_ =	swait.ge [sflag:s10], $0x80  }
0x72: {  	[sflag:s10] =	ssyncset.done $0x0  }
0x73: {  	[sflag:s10] =	ssyncadd.s32 $0xFFFFFF80  }
0x74: {  	[spmem:s2] =	stream.indirect.scatter [tilespmem:s13], [sflag:$0x1], $0x1, s12, s12, $0xb8;
	[tilespmem:$0x6700] =	vst v63  }
0x75: {  	_ =	swait.ge [sflag:s10], $0x80  }
0x76: {  	[sflag:s10] =	ssyncset.done $0x0  }
0x77: {  	[sflag:s10] =	ssyncadd.s32 $0xFFFFFF80  }
0x78: {  	[spmem:s2] =	stream.indirect.scatter [tilespmem:s15], [sflag:$0x1], $0x1, s14, s12, $0xb8;
	[tilespmem:$0x6700] =	vst v63  }
0x79: {  	_ =	swait.ge [sflag:s10], $0x80  }
0x7a: {  	[sflag:s10] =	ssyncset.done $0x0  }
0x7b: {  	[sflag:s10] =	ssyncadd.s32 $0xFFFFFF80  }
0x7c: {  	[spmem:s2] =	stream.indirect.scatter [tilespmem:s17], [sflag:$0x1], $0x1, s16, s12, $0xb8;
	[tilespmem:$0x6700] =	vst v63  }
0x7d: {  	_ =	swait.ge [sflag:s10], $0x80  }
0x7e: {  	[sflag:s10] =	ssyncset.done $0x0  }
0x7f: {  	[sflag:s10] =	ssyncadd.s32 $0xFFFFFF80  }
0x80: {  	[spmem:s2] =	stream.indirect.scatter [tilespmem:s19], [sflag:$0x1], $0x1, s18, s12, $0xb8;
	[tilespmem:$0x6700] =	vst v63  }
0x81: {  	_ =	swait.ge [sflag:s10], $0x80  }
0x82: {  	[sflag:s10] =	ssyncset.done $0x0  }
0x83: {  	[sflag:s10] =	ssyncadd.s32 $0xFFFFFF80  }
0x84: {  	[spmem:s2] =	stream.indirect.scatter [tilespmem:s21], [sflag:$0x1], $0x1, s20, s12, $0xb8;
	[tilespmem:$0x6700] =	vst v63  }
0x85: {  	_ =	swait.ge [sflag:s10], $0x80  }
0x86: {  	[sflag:s10] =	ssyncset.done $0x0  }
0x87: {  	[sflag:s10] =	ssyncadd.s32 $0xFFFFFF80  }
0x88: {  	[spmem:s2] =	stream.indirect.scatter [tilespmem:s23], [sflag:$0x1], $0x1, s22, s12, $0xb8;
	[tilespmem:$0x6700] =	vst v63  }
0x89: {  	_ =	swait.ge [sflag:s10], $0x80  }
0x8a: {  	[sflag:s10] =	ssyncset.done $0x0  }
0x8b: {  	[sflag:s10] =	ssyncadd.s32 $0xFFFFFF80  }
0x8c: {  	[spmem:s2] =	stream.indirect.scatter [tilespmem:s26], [sflag:$0x1], $0x1, s25, s12, $0xb8;
	[tilespmem:$0x6700] =	vst v63  }
0x8d: {  	_ =	swait.ge [sflag:s10], $0x80  }
0x8e: {  	s30 =	sadd.s32 $0x1, s30;
	[sflag:s10] =	ssyncset.done $0x0  }
0x8f: {  	s31 =	simm.s32 $0x20;
	p0 =	sne.s32 s30, s8;
	[sflag:s10] =	ssyncadd.s32 $0xFFFFFF80  }
.Ltmp1:
0x90: {  	s1 =	simm.s32 $0x10;
	[bflag:$0x0] =	sbarrier.arrive $0xFFFF;
	(pc) =	sbr.rel @p0 .LBB2_1-.Ltmp1, $4  }
0x91: {  	[hbm:s24@s31], [sflag:s6] =	dma.strided [spmem:s9@s1], $0xBE0, s10, $0x10   }
0x92: {  	_ =	swait.ge [sflag:s10], $0xBE0  }
0x93: {  	[sflag:s10] =	ssyncset.done $0x0  }
0x94: {  	[sflag:s10] =	ssyncadd.s32 $0xFFFFF420  }
0x95: {  	_ =	sfence.sel $0x180000  }
0x96: {  	[bflag:$0x0] =	sbarrier.arrive $0xFFFF  }
0x97: {  	_ =	strace $0x90000047  }
0x98: {  	s0 =	stileid.u32;
	[bflag:$0x2] =	sbarrier.arrive $0xFFFF  }
0x99: {  	p0 =	sne.s32 s0, $0x0;
	s0 =	rddreg [dreg:$0x3]  }
0x9a: {  	s0 =	sadd.s32 @!p0 $0x100000, s0  }
0x9b: {  	[sflag:s0] =	ssyncadd.tile.s32 @!p0 $0x1;
	_ =	shalt  }
.Lfunc_end2:
_tile_overlayer_lowered:
.L_overlay_start_2:
0x9c: {  	(tag) =	ssettag $0x2  }
0x9d: {  	s0 =	rddreg [dreg:$0x0];
	s2 =	stileid.u32  }
0x9e: {  	s1 =	rddreg [dreg:$0x1];
	p0 =	sne.s32 s2, $0x0  }
0x9f: {  	s3 =	rddreg [dreg:$0x2];
	[bflag:$0x3] =	sbarrier.arrive $0xFFFF;
	s2 =	simm.s32 @!p0 $0x1C01  }
0xa0: {  	[timem:s3], [sflag:s2] =	dma.local @!p0 [hbm:s0], s1  }
0xa1: {  	s0 =	simm.s32 @!p0 $0x1  }
0xa2: {  	_ =	swait.ge @!p0 [sflag:s0], s1  }
0xa3: {  	s1 =	ssub.s32 @!p0 $0x0, s1;
	[sflag:s0] =	ssyncset.done @!p0 $0x0  }
0xa4: {  	[sflag:s0] =	ssyncadd.s32 @!p0 s1  }
0xa5: {  	[bflag:$0x3] =	sbarrier.arrive $0xFFFF  }
0xa6: {  	_ =	shalt  }

// kernel: kernel.9.cloned.1.call-start
scs
__scs_entry_jumppad:
0x0: {  	(pc) =	sbr.rel $0x88, $3  }
0x1: {  	(tag) =	ssettag $0x0;
	lr =	simm.s32 $0x1  }
0x2: {  	[smem:$0x3F96] =	sst lr;
	_ =	strace $0xD0000000  }
0x3: {  	_ = 	snop  }
0x4: {  	_ = 	snop  }
0x5: {  	_ = 	snop  }
0x6: {  	_ = 	snop  }
0x7: {  	_ = 	snop  }
__scs_overlays_trampoline_lowered:
0x8: {  	[smem:$0x3FA5] =	sst s0  }
0x9: {  	[smem:$0x3FA6] =	sst s1  }
0xa: {  	[smem:$0x3FA7] =	sst s2  }
0xb: {  	[smem:$0x3FA8] =	sst s3  }
0xc: {  	[smem:$0x3FA9] =	sst s4  }
0xd: {  	[smem:$0x3FAA] =	sst s5  }
0xe: {  	[smem:$0x3FAB] =	sst s6  }
0xf: {  	[smem:$0x3FAC] =	sst s7  }
0x10: {  	[smem:$0x3FAD] =	sst s8  }
0x11: {  	[smem:$0x3FAE] =	sst s9;
	s0 =	simm.s32 @!p0 $0x0  }
0x12: {  	s1 =	sld [smem:$0x3F94];
	s0 =	simm.s32 @p0 $0x1  }
0x13: {  	[smem:$0x3FAF] =	sst s0;
	s0 =	simm.s32 @!p1 $0x0  }
0x14: {  	s2 =	sld [smem:$0x3F93];
	s0 =	simm.s32 @p1 $0x1  }
0x15: {  	[smem:$0x3FB0] =	sst s0;
	s0 =	simm.s32 @!p2 $0x0  }
0x16: {  	s3 =	sld [smem:$0x3FDB];
	s0 =	simm.s32 @p2 $0x1  }
0x17: {  	s4 =	simm.s32 $0x1BF5;
	[smem:$0x3FB2] =	sst s0  }
0x18: {  	s0 =	sld [smem:$0x3F95];
	_ =	swait.ge [sflag:s4], $0x0  }
0x19: {  	s7 =	sld [smem:$0x3F96]  }
0x1a: {  	s8 =	sadd.s32 $0xFFFFE003, lr  }
0x1b: {  	s9 =	sadd.s32 $0xFFFFFEF7, lr;
	s5 =	simm.s32 $0xFFFFFFFF;
	p2 =	slt.u32 s8, $0xFFFFF086  }
0x1c: {  	p1 =	slt.u32 s9, $0xF7A;
	s5 =	simm.s32 @!p2 $0x0  }
0x1d: {  	s5 =	simm.s32 @p1 $0x1;
	p0 =	seq.s32 s7, s2  }
0x1e: {  	s7 =	smul.u32 @!p0 $0xF7A, s2;
	p2 =	seq.s32 @!p0 s5, $0x0  }
0x1f: {  	s9 =	smul.u32 $0xF7A, s1;
	s8 =	simm.s32 @!p0 $0x1BF5;
	p2 =	por !p2, p0  }
0x20: {  	[sflag:s8] =	ssyncset.s32 @!p0 $0xFFFFF086;
	s6 =	sadd.s32 @!p0 s3, s7;
	s7 =	simm.s32 @!p0 $0x108  }
0x21: {  	s3 =	sadd.s32 s3, s9;
	s6 =	sadd.s32 @!p0 $0x88, s6;
	s7 =	simm.s32 @p2 $0x1082  }
0x22: {  	[simem:s7], [sflag:s8] =	dma.local @!p0 [hbm:s6], $0xF7A  }
0x23: {  	s9 =	sor.u32 $0xD0000000, s2;
	s6 =	simm.s32 $0x108;
	_ =	swait.ge @!p0 [sflag:s8], $0x0  }
0x24: {  	s3 =	sadd.s32 $0x88, s3;
	s6 =	simm.s32 @!p1 $0x1082;
	[sflag:s4] =	ssyncset.s32 $0xFFFFF086  }
0x25: {  	[simem:s6], [sflag:s4] =	dma.local [hbm:s3], $0xF7A  }
0x26: {  	[smem:$0x3F96] =	sst s1;
	(tag) =	ssettag s2;
	_ =	strace s9  }
0x27: {  	s1 =	sld [smem:$0x3FA6]  }
0x28: {  	s2 =	sld [smem:$0x3FA7]  }
0x29: {  	s4 =	sld [smem:$0x3FA9]  }
0x2a: {  	p0 =	seq.s32 s5, $0x0;
	s5 =	sld [smem:$0x3FAA]  }
0x2b: {  	s6 =	sld [smem:$0x3FAB]  }
0x2c: {  	s7 =	sld [smem:$0x3FAC]  }
0x2d: {  	s3 =	simm.s32 $0x108;
	s8 =	sld [smem:$0x3FAD]  }
0x2e: {  	s3 =	simm.s32 @!p0 $0x1082;
	s9 =	sld [smem:$0x3FAE]  }
0x2f: {  	lr =	sadd.s32 s0, s3;
	s0 =	sld [smem:$0x3FA5]  }
0x30: {  	s3 =	sld [smem:$0x3FA8]  }
0x31: {  	[smem:$0x3FB1] =	sst s10  }
0x32: {  	s10 =	sld [smem:$0x3FAF];
	_ =	sdelay $0x3  }
0x33: {  	p0 =	seq.s32 s10, $0x1;
	s10 =	sld [smem:$0x3FB1];
	_ =	sdelay $0x3  }
0x34: {  	[smem:$0x3FB1] =	sst s10  }
0x35: {  	s10 =	sld [smem:$0x3FB0];
	_ =	sdelay $0x3  }
0x36: {  	p1 =	seq.s32 s10, $0x1;
	s10 =	sld [smem:$0x3FB1];
	_ =	sdelay $0x3  }
0x37: {  	[smem:$0x3FB1] =	sst s10  }
0x38: {  	s10 =	sld [smem:$0x3FB2]  }
0x39: {  	_ = 	snop;
	(pc) =	sbr.ind lr, $3  }
0x3a: {  	_ = 	snop  }
0x3b: {  	_ = 	snop  }
0x3c: {  	p2 =	seq.s32 s10, $0x1;
	s10 =	sld [smem:$0x3FB1]  }
0x3d: {  	_ =	shalt  }
0x3e: {  	_ =	shalt  }
0x3f: {  	_ =	shalt  }
0x40: {  	_ =	shalt  }
0x41: {  	_ =	shalt  }
0x42: {  	_ =	shalt  }
0x43: {  	_ =	shalt  }
0x44: {  	_ =	shalt  }
0x45: {  	_ =	shalt  }
0x46: {  	_ =	shalt  }
0x47: {  	_ =	shalt  }
0x48: {  	_ =	shalt  }
0x49: {  	_ =	shalt  }
0x4a: {  	_ =	shalt  }
0x4b: {  	_ =	shalt  }
0x4c: {  	_ =	shalt  }
0x4d: {  	_ =	shalt  }
0x4e: {  	_ =	shalt  }
0x4f: {  	_ =	shalt  }
0x50: {  	_ =	shalt  }
0x51: {  	_ =	shalt  }
0x52: {  	_ =	shalt  }
0x53: {  	_ =	shalt  }
0x54: {  	_ =	shalt  }
0x55: {  	_ =	shalt  }
0x56: {  	_ =	shalt  }
0x57: {  	_ =	shalt  }
0x58: {  	_ =	shalt  }
0x59: {  	_ =	shalt  }
0x5a: {  	_ =	shalt  }
0x5b: {  	_ =	shalt  }
0x5c: {  	_ =	shalt  }
0x5d: {  	_ =	shalt  }
0x5e: {  	_ =	shalt  }
0x5f: {  	_ =	shalt  }
0x60: {  	_ =	shalt  }
0x61: {  	_ =	shalt  }
0x62: {  	_ =	shalt  }
0x63: {  	_ =	shalt  }
0x64: {  	_ =	shalt  }
0x65: {  	_ =	shalt  }
0x66: {  	_ =	shalt  }
0x67: {  	_ =	shalt  }
0x68: {  	_ =	shalt  }
0x69: {  	_ =	shalt  }
0x6a: {  	_ =	shalt  }
0x6b: {  	_ =	shalt  }
0x6c: {  	_ =	shalt  }
0x6d: {  	_ =	shalt  }
0x6e: {  	_ =	shalt  }
0x6f: {  	_ =	shalt  }
0x70: {  	_ =	shalt  }
0x71: {  	_ =	shalt  }
0x72: {  	_ =	shalt  }
0x73: {  	_ =	shalt  }
0x74: {  	_ =	shalt  }
0x75: {  	_ =	shalt  }
0x76: {  	_ =	shalt  }
0x77: {  	_ =	shalt  }
0x78: {  	_ =	shalt  }
0x79: {  	_ =	shalt  }
0x7a: {  	_ =	shalt  }
0x7b: {  	_ =	shalt  }
0x7c: {  	_ =	shalt  }
0x7d: {  	_ =	shalt  }
0x7e: {  	_ =	shalt  }
0x7f: {  	_ =	shalt  }
0x80: {  	_ =	shalt  }
0x81: {  	_ =	shalt  }
0x82: {  	_ =	shalt  }
0x83: {  	_ =	shalt  }
0x84: {  	_ =	shalt  }
0x85: {  	_ =	shalt  }
0x86: {  	_ =	shalt  }
0x87: {  	_ =	shalt  }
.Lfunc_end0:
.L_simem_size_0:
called_computation.1_lowered:
.L_overlay_start_0:
0x88: {  	s2 =	sld [smem:$0x3FD9]  }
0x89: {  	s3 =	sld [smem:$0x3FFE];
	_ =	sdelay $0x1  }
0x8a: {  	s1 =	srdreg.scid  }
0x8b: {  	s0 =	sand.u32 $0x1, s1  }
0x8c: {  	s17 =	sshll.u32 s0, $0xA;
	s2 =	sadd.s32 s3, s2  }
0x8d: {  	s2 =	sadd.s32 s2, s17  }
0x8e: {  	[smem:$0x3FBD] =	sst s2  }
0x8f: {  	_ = 	snop  }
0x90: {  	s2 =	sld [smem:$0x3FD0];
	(tm) =	ssettm $0x1  }
0x91: {  	s18 =	sld [smem:$0x3FFB];
	_ =	sdelay $0x3  }
0x92: {  	_ =	strace s18  }
0x93: {  	s3 =	sld [smem:$0x3FFC];
	_ =	sdelay $0x3  }
0x94: {  	_ =	strace s3  }
0x95: {  	s3 =	sld [smem:$0x3FFD];
	_ =	sdelay $0x3  }
0x96: {  	_ =	strace s3  }
0x97: {  	_ =	strace $0x8FFFFFFF  }
0x98: {  	s19 =	sld [smem:$0x3FDB];
	_ =	sdelay $0x1  }
0x99: {  	s4 =	simm.s32 $_scs_section_size  }
0x9a: {  	s5 =	simm.s32 $_size__tile_overlayer_lowered;
	s6 =	simm.s32 $_tile_overlayer_lowered  }
0x9b: {  	s22 =	simm.s32 $0x1BFF;
	s21 =	sshll.u32 s6, $0x1;
	s3 =	sadd.s32 s4, s19  }
0x9c: {  	s7 =	simm.s32 $0x0;
	s20 =	sshll.u32 s5, $0x1;
	s5 =	sadd.s32 s21, s3  }
0x9d: {  	[timem:s7], [sflag:s22] =	dma.local [hbm:s5], s20  }
0x9e: {  	_ =	swait.ge [sflag:s22], s20  }
0x9f: {  	s4 =	ssub.s32 $0x0, s20;
	[sflag:s22] =	ssyncset.done $0x0  }
0xa0: {  	[sflag:s22] =	ssyncadd.s32 s4;
	_ =	sdelay $0x1  }
0xa1: {  	s23 =	simm.s32 $0x1B8B  }
0xa2: {  	_ =	swait.ge [sflag:s23], $0x1  }
0xa3: {  	[sflag:s23] =	ssyncset.done $0x0  }
0xa4: {  	s25 =	simm.s32 $0x1B8E;
	s24 =	sld [smem:$0x3FFE];
	[sflag:s23] =	ssyncadd.s32 $0xFFFFFFFF  }
0xa5: {  	s26 =	simm.s32 $execute0_lowered;
	[smem:$0x3FD2] =	sst s25  }
0xa6: {  	s5 =	sshll.u32 s26, $0x1;
	_ =	strace $0x80000049;
	[dreg:$0x1] =	wrdreg $0xFFFFFFFF  }
0xa7: {  	s28 =	simm.s32 $_size_execute0_lowered;
	s3 =	sadd.s32 s3, s5;
	[dreg:$0x0] =	wrdreg $0x0  }
0xa8: {  	s5 =	sshll.u32 s28, $0x1;
	[dreg:$0x2] =	wrdreg s3  }
0xa9: {  	[dreg:$0x3] =	wrdreg s5  }
0xaa: {  	[dreg:$0x4] =	wrdreg $0xC0  }
0xab: {  	_ =	task [dreg:s7], $0x5FFFF  }
0xac: {  	[dreg:$0x1] =	wrdreg $0xFFFFFFFF  }
0xad: {  	[dreg:$0x0] =	wrdreg $0x60  }
0xae: {  	[dreg:$0x2] =	wrdreg s24  }
0xaf: {  	[dreg:$0x3] =	wrdreg s2  }
0xb0: {  	[dreg:$0x4] =	wrdreg $0x8D000  }
0xb1: {  	[dreg:$0x5] =	wrdreg $0x12D000  }
0xb2: {  	[dreg:$0x6] =	wrdreg $0x1CD000  }
0xb3: {  	[dreg:$0x7] =	wrdreg $0x9  }
0xb4: {  	_ =	task.clear_ibuf [dreg:s7], $0x8FFFF;
	_ =	strace $0x90000049  }
0xb5: {  	s29 =	simm.s32 $0x9;
	_ =	strace $0x8000004B  }
0xb6: {  	_ =	swait.ge [sflag:s29], $0x1  }
0xb7: {  	[sflag:s29] =	ssyncadd.s32 $0xFFFFFFFF  }
0xb8: {  	_ =	strace $0x9000004B  }
0xb9: {  	_ =	sfence  }
0xba: {  	s30 =	sld [smem:$0x0];
	_ =	sdelay $0x2  }
0xbb: {  	s31 =	sshll.u32 s1, $0xD;
	s1 =	sshrl.u32 s1, $0x2  }
0xbc: {  	s3 =	sand.u32 $0x4000, s31;
	s1 =	sadd.s32 s1, s30  }
0xbd: {  	s0 =	sor.u32 s3, s0;
	s1 =	sshll.u32 s1, $0x11  }
0xbe: {  	s0 =	sor.u32 s1, s0  }
0xbf: {  	s0 =	sadd.s32 $0x8F2B, s0  }
0xc0: {  	[sflag:s0] =	ssyncadd.remote.s32 $0x1  }
0xc1: {  	_ =	sfence.sel $0xFFFF  }
0xc2: {  	[dreg:$0x0] =	wrdreg $0xFFFFFFFF;
	(pc) =	sbr.abs _section_cstart, $3  }
0xc3: {  	[dreg:$0x1] =	wrdreg $0xFFFFFFFF  }
0xc4: {  	_ =	task.clear_ibuf [dreg:s7], $0x2FFFF;
	_ =	strace $0x9FFFFFFF  }
0xc5: {  	(tm) =	ssettm $0x7FFFFFFF  }
tec
execute0_lowered:
.L_overlay_start_1:
0x0: {  	(tag) =	ssettag $0x1  }
0x1: {  	s18 =	rddreg [dreg:$0x0]  }
0x2: {  	s0 =	rddreg [dreg:$0x1]  }
0x3: {  	s2 =	rddreg [dreg:$0x2]  }
0x4: {  	s3 =	rddreg [dreg:$0x3]  }
0x5: {  	s5 =	rddreg [dreg:$0x4]  }
0x6: {  	s6 =	simm.s32 $0x0;
	s19 =	stileid.u32;
	s4 =	srdreg.scid  }
0x7: {  	s20 =	simm.s32 $0x1;
	s28 =	simm.s32 $0xC00;
	s29 =	simm.s32 $0x4C00  }
0x8: {  	s30 =	simm.s32 $0x8C00;
	s31 =	simm.s32 $0x980;
	s1 =	smul.u32 $0x1400, s19  }
0x9: {  	[smem:$0x7FF] =	sst s6;
	s9 =	smul.u32 $0x1600, s19;
	s4 =	sand.u32 $0x1, s4  }
0xa: {  	s7 =	sadd.s32 $0x17C00, s18;
	s8 =	sadd.s32 $0xBE00, s18;
	s12 =	sadd.s32 $0x23E00, s18  }
0xb: {  	s16 =	smul.u32 $0xA000, s19;
	s24 =	sshll.u32 s19, $0x6;
	_ =	strace $0x8000004A  }
0xc: {  	s11 =	smul.u32 $0x14000, s4;
	[dreg:$0x6] =	wrdreg s12;
	s13 =	ssub.s32 $0x2, s4  }
0xd: {  	s14 =	sshll.u32 s4, $0x4;
	p0 =	seq.s32 s4, $0x0;
	s4 =	simm.s32 $0x600  }
0xe: {  	s10 =	sadd.s32 s1, s18;
	s23 =	sshrl.u32 s9, $0x3;
	s15 =	sshrl.u32 s13, $0x1  }
0xf: {  	s14 =	sadd.s32 s14, s18;
	s17 =	sadd.s32 s16, s3;
	s0 =	sadd.s32 s0, s1  }
0x10: {  	s25 =	sadd.s32 s9, s5;
	s9 =	simm.s32 $0xA00;
	s12 =	sadd.s32 s23, s18  }
0x11: {  	s11 =	sadd.s32 s11, s18;
	s13 =	ssub.s32 s13, s15;
	[dreg:$0x7] =	wrdreg s0  }
0x12: {  	s15 =	sor.u32 $0x1C03, s24;
	s18 =	sadd.s32 $0x38000, s18;
	s22 =	sadd.s32 $0x4EC00, s14  }
0x13: {  	s24 =	smul.u32 $0x580, s19;
	s0 =	sshrl.u32 s25, $0x3;
	s26 =	sadd.s32 $0x4C000, s12  }
0x14: {  	s23 =	simm.s32 $0x400;
	s12 =	sadd.s32 s16, s2;
	[dreg:$0x9] =	wrdreg s26  }
0x15: {  	s19 =	simm.s32 $0x280;
	s16 =	sadd.s32 $0x24000, s10;
	[dreg:$0xa] =	wrdreg s12  }
0x16: {  	s21 =	sadd.s32 $0x54400, s11;
	s13 =	smax.u32 s13, $0x1;
	[dreg:$0xb] =	wrdreg s16  }
0x17: {  	s14 =	smov.u32 s15;
	s25 =	sadd.s32 s1, s18;
	[dreg:$0xc] =	wrdreg s13  }
0x18: {  	s11 =	simm.s32 $0x200;
	s13 =	sshrl.u32 s17, $0x3;
	[dreg:$0xf] =	wrdreg s25  }
.Ltmp0:
0x19: {  	s1 =	sadd.s32 s1, s21;
	[dreg:$0x8] =	wrdreg s14;
	(pc) =	sbr.rel .LBB2_1-.Ltmp0, $4  }
0x1a: {  	s17 =	simm.s32 $0x3;
	s26 =	sadd.s32 s24, s22;
	[dreg:$0x10] =	wrdreg s1  }
0x1b: {  	s12 =	smov.u32 s0;
	s25 =	simm.s32 $0x800;
	[dreg:$0x11] =	wrdreg s26  }
0x1c: {  	s0 =	simm.s32 $0x2;
	s22 =	simm.s32 $0x0;
	[dreg:$0xd] =	wrdreg s13  }
0x1d: {  	v0 =	vimm.f32 $1.000000000e+00;
	s26 =	simm.s32 $0x80;
	s1 =	simm.s32 $0x580;
	[dreg:$0xe] =	wrdreg s12  }
.LBB2_11:
0x1e: {  	s14 =	rddreg [dreg:$0x0];
	s12 =	simm.s32 $0x480;
	s15 =	simm.s32 $0x180  }
0x1f: {  	s21 =	simm.s32 $0x300;
	s16 =	simm.s32 $0x500;
	s18 =	simm.s32 $0x900  }
.LBB2_16:
0x20: {  	s10 =	sadd.s32 s7, s13;
	[sflag:s17] =	ssyncadd.s32 @p1 $0xFFFFFF80  }
0x21: {  	[tilespmem:s6], [sflag:$0x3] =	stream.linear.gather [hbm4b:s10+s6], $0x400, $0x38;
	[tilespmem:$0x1E300] =	vst v63  }
0x22: {  	_ =	swait.ge [sflag:s17], $0x400  }
0x23: {  	[sflag:s17] =	ssyncset.done $0x0  }
0x24: {  	s22 =	sadd.s32 s8, s13;
	[sflag:s17] =	ssyncadd.s32 $0xFFFFFC00  }
0x25: {  	[tilespmem:s23], [sflag:$0x3] =	stream.linear.gather [hbm4b:s22+s6], $0x400, $0x38;
	[tilespmem:$0x1E300] =	vst v63  }
0x26: {  	_ =	swait.ge [sflag:s17], $0x400  }
0x27: {  	[sflag:s17] =	ssyncset.done $0x0  }
0x28: {  	s22 =	sadd.s32 s14, s13;
	[sflag:s17] =	ssyncadd.s32 $0xFFFFFC00  }
0x29: {  	[tilespmem:s25], [sflag:$0x3] =	stream.linear.gather [hbm4b:s22+s6], $0x400, $0x38;
	[tilespmem:$0x1E300] =	vst v63  }
0x2a: {  	_ =	swait.ge [sflag:s17], $0x400  }
0x2b: {  	[sflag:s17] =	ssyncset.done $0x0  }
0x2c: {  	[sflag:s17] =	ssyncadd.s32 $0xFFFFFC00  }
0x2d: {  	[tilespmem:s28], [sflag:$0x1] =	stream.indirect.gather [spmem:s2], $0x80, s6, s26, $0xb8;
	[tilespmem:$0x1E300] =	vst v63  }
0x2e: {  	_ = 	snop  }
0x2f: {  	[tilespmem:s29], [sflag:$0x2] =	stream.indirect.gather [spmem:s2], $0x80, s26, s26, $0xb8;
	[tilespmem:$0x1E300] =	vst v63  }
0x30: {  	_ =	swait.ge [sflag:s20], $0x4000  }
0x31: {  	[sflag:s20] =	ssyncset.done $0x0  }
0x32: {  	[sflag:s20] =	ssyncadd.s32 $0xFFFFC000  }
0x33: {  	[spmem:s3] =	stream.indirect.scatter.add.f32 [tilespmem:s28], [sflag:$0x3], $0x80, s23, s26, $0xb8;
	[tilespmem:$0x1E300] =	vst v63  }
0x34: {  	_ =	swait.ge [sflag:s17], $0x4000  }
0x35: {  	[sflag:s17] =	ssyncset.done $0x0  }
0x36: {  	[sflag:s17] =	ssyncadd.s32 $0xFFFFC000  }
0x37: {  	[spmem:s5] =	stream.indirect.scatter.add.f32 [tilespmem:s30], [sflag:$0x3], $0x1, s25, s26, $0xb8;
	[tilespmem:$0x1E300] =	vst v63  }
0x38: {  	_ =	swait.ge [sflag:s17], $0x80  }
0x39: {  	[sflag:s17] =	ssyncset.done $0x0  }
0x3a: {  	s13 =	simm.s32 $0x100;
	[sflag:s17] =	ssyncadd.s32 $0xFFFFFF80  }
0x3b: {  	[tilespmem:s28], [sflag:$0x1] =	stream.indirect.gather [spmem:s2], $0x80, s13, s26, $0xb8;
	[tilespmem:$0x1E300] =	vst v63  }
0x3c: {  	_ =	swait.ge [sflag:s0], $0x4000  }
0x3d: {  	[sflag:s0] =	ssyncset.done $0x0  }
0x3e: {  	[sflag:s0] =	ssyncadd.s32 $0xFFFFC000  }
0x3f: {  	[spmem:s3] =	stream.indirect.scatter.add.f32 [tilespmem:s29], [sflag:$0x3], $0x80, s12, s26, $0xb8;
	[tilespmem:$0x1E300] =	vst v63  }
0x40: {  	_ =	swait.ge [sflag:s17], $0x4000  }
0x41: {  	[sflag:s17] =	ssyncset.done $0x0  }
0x42: {  	[sflag:s17] =	ssyncadd.s32 $0xFFFFC000  }
0x43: {  	[spmem:s5] =	stream.indirect.scatter.add.f32 [tilespmem:s30], [sflag:$0x3], $0x1, s24, s26, $0xb8;
	[tilespmem:$0x1E300] =	vst v63  }
0x44: {  	_ =	swait.ge [sflag:s17], $0x80  }
0x45: {  	[sflag:s17] =	ssyncset.done $0x0  }
0x46: {  	[sflag:s17] =	ssyncadd.s32 $0xFFFFFF80  }
0x47: {  	[tilespmem:s29], [sflag:$0x2] =	stream.indirect.gather [spmem:s2], $0x80, s15, s26, $0xb8;
	[tilespmem:$0x1E300] =	vst v63  }
0x48: {  	_ =	swait.ge [sflag:s20], $0x4000  }
0x49: {  	[sflag:s20] =	ssyncset.done $0x0  }
0x4a: {  	[sflag:s20] =	ssyncadd.s32 $0xFFFFC000  }
0x4b: {  	[spmem:s3] =	stream.indirect.scatter.add.f32 [tilespmem:s28], [sflag:$0x3], $0x80, s16, s26, $0xb8;
	[tilespmem:$0x1E300] =	vst v63  }
0x4c: {  	_ =	swait.ge [sflag:s17], $0x4000  }
0x4d: {  	[sflag:s17] =	ssyncset.done $0x0  }
0x4e: {  	[sflag:s17] =	ssyncadd.s32 $0xFFFFC000  }
0x4f: {  	[spmem:s5] =	stream.indirect.scatter.add.f32 [tilespmem:s30], [sflag:$0x3], $0x1, s18, s26, $0xb8;
	[tilespmem:$0x1E300] =	vst v63  }
0x50: {  	_ =	swait.ge [sflag:s17], $0x80  }
0x51: {  	[sflag:s17] =	ssyncset.done $0x0  }
0x52: {  	[sflag:s17] =	ssyncadd.s32 $0xFFFFFF80  }
0x53: {  	[tilespmem:s28], [sflag:$0x1] =	stream.indirect.gather [spmem:s2], $0x80, s11, s26, $0xb8;
	[tilespmem:$0x1E300] =	vst v63  }
0x54: {  	_ =	swait.ge [sflag:s0], $0x4000  }
0x55: {  	[sflag:s0] =	ssyncset.done $0x0  }
0x56: {  	[sflag:s0] =	ssyncadd.s32 $0xFFFFC000  }
0x57: {  	[spmem:s3] =	stream.indirect.scatter.add.f32 [tilespmem:s29], [sflag:$0x3], $0x80, s1, s26, $0xb8;
	[tilespmem:$0x1E300] =	vst v63  }
0x58: {  	_ =	swait.ge [sflag:s17], $0x4000  }
0x59: {  	[sflag:s17] =	ssyncset.done $0x0  }
0x5a: {  	[sflag:s17] =	ssyncadd.s32 $0xFFFFC000  }
0x5b: {  	[spmem:s5] =	stream.indirect.scatter.add.f32 [tilespmem:s30], [sflag:$0x3], $0x1, s31, s26, $0xb8;
	[tilespmem:$0x1E300] =	vst v63  }
0x5c: {  	_ =	swait.ge [sflag:s17], $0x80  }
0x5d: {  	[sflag:s17] =	ssyncset.done $0x0  }
0x5e: {  	[sflag:s17] =	ssyncadd.s32 $0xFFFFFF80  }
0x5f: {  	[tilespmem:s29], [sflag:$0x2] =	stream.indirect.gather [spmem:s2], $0x80, s19, s26, $0xb8;
	[tilespmem:$0x1E300] =	vst v63  }
0x60: {  	_ =	swait.ge [sflag:s20], $0x4000  }
0x61: {  	[sflag:s20] =	ssyncset.done $0x0  }
0x62: {  	[sflag:s20] =	ssyncadd.s32 $0xFFFFC000  }
0x63: {  	[spmem:s3] =	stream.indirect.scatter.add.f32 [tilespmem:s28], [sflag:$0x3], $0x80, s4, s26, $0xb8;
	[tilespmem:$0x1E300] =	vst v63  }
0x64: {  	_ =	swait.ge [sflag:s17], $0x4000  }
0x65: {  	[sflag:s17] =	ssyncset.done $0x0  }
0x66: {  	[sflag:s17] =	ssyncadd.s32 $0xFFFFC000  }
0x67: {  	[spmem:s5] =	stream.indirect.scatter.add.f32 [tilespmem:s30], [sflag:$0x3], $0x1, s9, s26, $0xb8;
	[tilespmem:$0x1E300] =	vst v63  }
0x68: {  	_ =	swait.ge [sflag:s17], $0x80  }
0x69: {  	[sflag:s17] =	ssyncset.done $0x0  }
0x6a: {  	[sflag:s17] =	ssyncadd.s32 $0xFFFFFF80  }
0x6b: {  	[tilespmem:s28], [sflag:$0x1] =	stream.indirect.gather [spmem:s2], $0x80, s21, s26, $0xb8;
	[tilespmem:$0x1E300] =	vst v63  }
0x6c: {  	_ =	swait.ge [sflag:s0], $0x4000  }
0x6d: {  	[sflag:s0] =	ssyncset.done $0x0  }
0x6e: {  	s14 =	simm.s32 $0x680;
	[sflag:s0] =	ssyncadd.s32 $0xFFFFC000  }
0x6f: {  	[spmem:s3] =	stream.indirect.scatter.add.f32 [tilespmem:s29], [sflag:$0x3], $0x80, s14, s26, $0xb8;
	[tilespmem:$0x1E300] =	vst v63  }
0x70: {  	_ =	swait.ge [sflag:s17], $0x4000  }
0x71: {  	[sflag:s17] =	ssyncset.done $0x0  }
0x72: {  	s15 =	simm.s32 $0xA80;
	[sflag:s17] =	ssyncadd.s32 $0xFFFFC000  }
0x73: {  	[spmem:s5] =	stream.indirect.scatter.add.f32 [tilespmem:s30], [sflag:$0x3], $0x1, s15, s26, $0xb8;
	[tilespmem:$0x1E300] =	vst v63  }
0x74: {  	_ =	swait.ge [sflag:s17], $0x80  }
0x75: {  	[sflag:s17] =	ssyncset.done $0x0  }
0x76: {  	s16 =	simm.s32 $0x380;
	[sflag:s17] =	ssyncadd.s32 $0xFFFFFF80  }
0x77: {  	[tilespmem:s29], [sflag:$0x2] =	stream.indirect.gather [spmem:s2], $0x80, s16, s26, $0xb8;
	[tilespmem:$0x1E300] =	vst v63  }
0x78: {  	_ =	swait.ge [sflag:s20], $0x4000  }
0x79: {  	[sflag:s20] =	ssyncset.done $0x0  }
0x7a: {  	s18 =	simm.s32 $0x700;
	[sflag:s20] =	ssyncadd.s32 $0xFFFFC000  }
0x7b: {  	[spmem:s3] =	stream.indirect.scatter.add.f32 [tilespmem:s28], [sflag:$0x3], $0x80, s18, s26, $0xb8;
	[tilespmem:$0x1E300] =	vst v63  }
0x7c: {  	_ =	swait.ge [sflag:s17], $0x4000  }
0x7d: {  	[sflag:s17] =	ssyncset.done $0x0  }
0x7e: {  	s21 =	simm.s32 $0xB00;
	[sflag:s17] =	ssyncadd.s32 $0xFFFFC000  }
0x7f: {  	[spmem:s5] =	stream.indirect.scatter.add.f32 [tilespmem:s30], [sflag:$0x3], $0x1, s21, s26, $0xb8;
	[tilespmem:$0x1E300] =	vst v63  }
0x80: {  	_ =	swait.ge [sflag:s17], $0x80  }
0x81: {  	[sflag:s17] =	ssyncset.done $0x0  }
0x82: {  	[sflag:s17] =	ssyncadd.s32 $0xFFFFFF80  }
0x83: {  	_ =	swait.ge [sflag:s0], $0x4000  }
0x84: {  	[sflag:s0] =	ssyncset.done $0x0  }
0x85: {  	s22 =	simm.s32 $0x780;
	[sflag:s0] =	ssyncadd.s32 $0xFFFFC000  }
0x86: {  	[spmem:s3] =	stream.indirect.scatter.add.f32 [tilespmem:s29], [sflag:$0x3], $0x80, s22, s26, $0xb8;
	[tilespmem:$0x1E300] =	vst v63  }
0x87: {  	_ =	swait.ge [sflag:s17], $0x4000  }
0x88: {  	[sflag:s17] =	ssyncset.done $0x0  }
0x89: {  	s24 =	simm.s32 $0xB80;
	[sflag:s17] =	ssyncadd.s32 $0xFFFFC000  }
0x8a: {  	[spmem:s5] =	stream.indirect.scatter.add.f32 [tilespmem:s30], [sflag:$0x3], $0x1, s24, s26, $0xb8;
	[tilespmem:$0x1E300] =	vst v63  }
0x8b: {  	_ =	swait.ge [sflag:s17], $0x80  }
0x8c: {  	[sflag:s17] =	ssyncset.done $0x0  }
0x8d: {  	s22 =	rddreg [dreg:$0x12];
	[sflag:s17] =	ssyncadd.s32 $0xFFFFFF80  }
.LBB2_17:
0x8e: {  	[bflag:$0x0] =	sbarrier.arrive $0xFFFF  }
0x8f: {  	s14 =	rddreg [dreg:$0x8]  }
0x90: {  	s13 =	rddreg [dreg:$0xd]  }
0x91: {  	s10 =	rddreg [dreg:$0x10]  }
0x92: {  	[hbm:s10], [sflag:s14] =	dma.local [spmem:s13], $0x1400  }
0x93: {  	_ =	swait.ge [sflag:s17], $0x1400  }
0x94: {  	s15 =	simm.s32 $0x20;
	[sflag:s17] =	ssyncset.done $0x0;
	s12 =	rddreg [dreg:$0xe]  }
0x95: {  	s21 =	simm.s32 $0x10;
	s18 =	rddreg [dreg:$0x11];
	[sflag:s17] =	ssyncadd.s32 $0xFFFFEC00  }
0x96: {  	[hbm:s18@s15], [sflag:s14] =	dma.strided [spmem:s12@s21], $0x2C0, s20, $0x10   }
0x97: {  	_ =	swait.ge [sflag:s17], $0x2C0  }
0x98: {  	s22 =	sadd.s32 $0x1, s22;
	s24 =	rddreg [dreg:$0xc]  }
0x99: {  	p1 =	sne.s32 s22, s24  }
.Ltmp1:
0x9a: {  	_ = 	snop;
	(pc) =	sbr.rel @!p1 .LBB2_18-.Ltmp1, $3  }
0x9b: {  	_ =	sdelay $0x1  }
0x9c: {  	[sflag:s17] =	ssyncset.done $0x0  }
0x9d: {  	[sflag:s17] =	ssyncadd.s32 $0xFFFFFD40  }
.LBB2_1:
0x9e: {  	[dreg:$0x12] =	wrdreg s22  }
0x9f: {  	s10 =	rddreg [dreg:$0x7]  }
0xa0: {  	[spmem:s13], [sflag:s14] =	dma.local [hbm:s10], $0x1400  }
0xa1: {  	_ =	swait.ge [sflag:s17], $0x1400  }
0xa2: {  	[sflag:s17] =	ssyncset.done $0x0  }
0xa3: {  	s18 =	rddreg [dreg:$0x9];
	[sflag:s17] =	ssyncadd.s32 $0xFFFFEC00  }
0xa4: {  	[spmem:s12], [sflag:s14] =	dma.local [hbm:s18], $0x2C0  }
0xa5: {  	_ =	swait.ge [sflag:s17], $0x2C0  }
0xa6: {  	[sflag:s17] =	ssyncset.done $0x0  }
0xa7: {  	s22 =	simm.s32 $0x8C80;
	s21 =	rddreg [dreg:$0x6];
	[sflag:s17] =	ssyncadd.s32 $0xFFFFFD40  }
0xa8: {  	[tilespmem:s22], [sflag:$0x3] =	stream.linear.gather [hbm4b:s21+s6], $0x80, $0x38;
	[tilespmem:$0x1E300] =	vst v63  }
0xa9: {  	_ =	swait.ge [sflag:s17], $0x80  }
0xaa: {  	[sflag:s17] =	ssyncset.done $0x0  }
0xab: {  	[sflag:s17] =	ssyncadd.s32 $0xFFFFFF80  }
0xac: {  	v1 =	vld [tilespmem:$0x8C80];
	_ =	sdelay $0x4  }
0xad: {  	(v2sf) =	vpush v1, $0x2  }
0xae: {  	(v2sf) =	vpush v1, $0x4;
	_ =	sdelay $0x7  }
0xaf: {  	[tilespmem:$0x8C00] =	vst v0  }
0xb0: {  	[tilespmem:$0x8C10] =	vst v0  }
0xb1: {  	[tilespmem:$0x8C20] =	vst v0  }
0xb2: {  	[tilespmem:$0x8C30] =	vst v0  }
0xb3: {  	[tilespmem:$0x8C40] =	vst v0  }
0xb4: {  	[tilespmem:$0x8C50] =	vst v0  }
0xb5: {  	[tilespmem:$0x8C60] =	vst v0;
	s21 =	spop (v2sf)  }
0xb6: {  	[tilespmem:$0x8C70] =	vst v0;
	s22 =	spop (v2sf)  }
0xb7: {  	[bflag:$0x0] =	sbarrier.arrive $0xFFFF  }
0xb8: {  	(v2sf) =	vpush v1, $0x3  }
0xb9: {  	(v2sf) =	vpush v1, $0x1  }
0xba: {  	(v2sf) =	vpush v1, $0x0;
	_ =	sdelay $0xc  }
0xbb: {  	s24 =	rddreg [dreg:$0xa];
	s15 =	spop (v2sf)  }
0xbc: {  	s16 =	rddreg [dreg:$0xb];
	s24 =	sshrl.u32 s24, $0x3;
	s12 =	spop (v2sf)  }
0xbd: {  	s10 =	smov.u32 s21;
	[dreg:$0x16] =	wrdreg s24;
	s13 =	spop (v2sf)  }
0xbe: {  	[spmem:s24], [sflag:s14] =	dma.local [hbm:s16], $0x1400  }
0xbf: {  	s15 =	smov.u32 @p0 s12;
	s10 =	smov.u32 @p0 s13  }
0xc0: {  	s13 =	simm.s32 $0x1;
	s12 =	ssub.s32 s15, s10  }
0xc1: {  	s16 =	smov.u32 s10;
	p1 =	sne.s32 s15, s10;
	s18 =	sand.u32 $0xF, s12  }
0xc2: {  	s10 =	sshra.s32 s12, $0x1F;
	s13 =	simm.s32 @!p1 $0x0;
	[dreg:$0x17] =	wrdreg s18  }
0xc3: {  	s13 =	sor.u32 s13, s10;
	s18 =	rddreg [dreg:$0x17]  }
0xc4: {  	p4 =	sne.s32 s13, $0x1;
	p2 =	sne.s32 s18, $0x0  }
0xc5: {  	s10 =	sshrl.u32 s10, $0x1C;
	p1 =	por !p2, !p4  }
0xc6: {  	s10 =	sadd.s32 s10, s12;
	s12 =	simm.s32 $0x1;
	p1 =	por !p1, !p1  }
0xc7: {  	s10 =	sshra.s32 s10, $0x4;
	s12 =	simm.s32 @!p1 $0x0  }
0xc8: {  	s12 =	ssub.s32 s10, s12  }
0xc9: {  	s10 =	sand.u32 $0x7, s12  }
0xca: {  	p5 =	slt.s32 s12, $0x1;
	p6 =	sne.s32 s10, $0x0  }
0xcb: {  	s18 =	sshrl.u32 s12, $0x1D;
	p1 =	por !p5, !p6  }
0xcc: {  	s13 =	simm.s32 $0x1;
	s10 =	sadd.s32 s18, s12;
	p1 =	por !p1, !p1  }
0xcd: {  	s10 =	sshra.s32 s10, $0x3;
	s13 =	simm.s32 @!p1 $0x0  }
0xce: {  	s13 =	ssub.s32 s10, s13  }
0xcf: {  	p1 =	slt.s32 s13, $0x1  }
.Ltmp2:
0xd0: {  	_ =	swait.ge [sflag:s17], $0x1400;
	(pc) =	sbr.rel @p1 .LBB2_9-.Ltmp2, $4  }
0xd1: {  	[sflag:s17] =	ssyncset.done $0x0  }
0xd2: {  	[sflag:s17] =	ssyncadd.s32 $0xFFFFEC00  }
0xd3: {  	[bflag:$0x0] =	sbarrier.arrive $0xFFFF  }
0xd4: {  	s24 =	simm.s32 $0x880  }
0xd5: {  	s10 =	stileid.u32  }
0xd6: {  	p2 =	sne.s32 s13, $0x1;
	s10 =	smul.u32 s10, s12  }
.Ltmp3:
0xd7: {  	_ = 	snop;
	(pc) =	sbr.rel @!p2 .LBB2_3-.Ltmp3, $4  }
0xd8: {  	s10 =	sadd.s32 s16, s10  }
0xd9: {  	s10 =	sshll.u32 s10, $0x4  }
0xda: {  	s1 =	sand.u32 $0xFFFFFF80, s10  }
0xdb: {  	p1 =	por $0x0, $0x0;
	s10 =	sadd.s32 $0xFFFFFFFF, s13;
	s13 =	sand.u32 $0x1FFFFF80, s1  }
0xdc: {  	[dreg:$0x15] =	wrdreg s22  }
0xdd: {  	[dreg:$0x14] =	wrdreg s21  }
0xde: {  	[dreg:$0x13] =	wrdreg s15;
	s12 =	sadd.s32 s7, s13  }
0xdf: {  	[tilespmem:s6], [sflag:$0x3] =	stream.linear.gather [hbm4b:s12+s6], $0x400, $0x38;
	[tilespmem:$0x1E300] =	vst v63  }
0xe0: {  	_ =	swait.ge [sflag:s17], $0x400  }
0xe1: {  	[sflag:s17] =	ssyncset.done $0x0  }
0xe2: {  	s22 =	sadd.s32 s8, s13;
	[sflag:s17] =	ssyncadd.s32 $0xFFFFFC00  }
0xe3: {  	[tilespmem:s23], [sflag:$0x3] =	stream.linear.gather [hbm4b:s22+s6], $0x400, $0x38;
	[tilespmem:$0x1E300] =	vst v63  }
0xe4: {  	_ =	swait.ge [sflag:s17], $0x400  }
0xe5: {  	[sflag:s17] =	ssyncset.done $0x0  }
0xe6: {  	[sflag:s17] =	ssyncadd.s32 $0xFFFFFC00  }
0xe7: {  	s14 =	rddreg [dreg:$0x0]  }
0xe8: {  	s24 =	sadd.s32 s14, s13  }
0xe9: {  	[tilespmem:s25], [sflag:$0x3] =	stream.linear.gather [hbm4b:s24+s6], $0x400, $0x38;
	[tilespmem:$0x1E300] =	vst v63  }
0xea: {  	_ =	swait.ge [sflag:s17], $0x400  }
0xeb: {  	[sflag:s17] =	ssyncset.done $0x0  }
0xec: {  	[sflag:s17] =	ssyncadd.s32 $0xFFFFFC00  }
0xed: {  	[tilespmem:s28], [sflag:$0x1] =	stream.indirect.gather [spmem:s2], $0x80, s6, s26, $0xb8;
	[tilespmem:$0x1E300] =	vst v63  }
0xee: {  	_ = 	snop  }
0xef: {  	[tilespmem:s29], [sflag:$0x2] =	stream.indirect.gather [spmem:s2], $0x80, s26, s26, $0xb8;
	[tilespmem:$0x1E300] =	vst v63  }
0xf0: {  	_ =	swait.ge [sflag:s20], $0x4000  }
0xf1: {  	[sflag:s20] =	ssyncset.done $0x0  }
0xf2: {  	[sflag:s20] =	ssyncadd.s32 $0xFFFFC000  }
0xf3: {  	[spmem:s3] =	stream.indirect.scatter.add.f32 [tilespmem:s28], [sflag:$0x3], $0x80, s23, s26, $0xb8;
	[tilespmem:$0x1E300] =	vst v63  }
0xf4: {  	_ =	swait.ge [sflag:s17], $0x4000  }
0xf5: {  	[sflag:s17] =	ssyncset.done $0x0  }
0xf6: {  	[sflag:s17] =	ssyncadd.s32 $0xFFFFC000  }
0xf7: {  	[spmem:s5] =	stream.indirect.scatter.add.f32 [tilespmem:s30], [sflag:$0x3], $0x1, s25, s26, $0xb8;
	[tilespmem:$0x1E300] =	vst v63  }
0xf8: {  	_ =	swait.ge [sflag:s17], $0x80  }
0xf9: {  	[sflag:s17] =	ssyncset.done $0x0  }
0xfa: {  	s24 =	simm.s32 $0x100;
	[sflag:s17] =	ssyncadd.s32 $0xFFFFFF80  }
0xfb: {  	[tilespmem:s28], [sflag:$0x1] =	stream.indirect.gather [spmem:s2], $0x80, s24, s26, $0xb8;
	[tilespmem:$0x1E300] =	vst v63  }
0xfc: {  	_ =	swait.ge [sflag:s0], $0x4000  }
0xfd: {  	[sflag:s0] =	ssyncset.done $0x0  }
0xfe: {  	s11 =	simm.s32 $0x480;
	[sflag:s0] =	ssyncadd.s32 $0xFFFFC000  }
0xff: {  	[spmem:s3] =	stream.indirect.scatter.add.f32 [tilespmem:s29], [sflag:$0x3], $0x80, s11, s26, $0xb8;
	[tilespmem:$0x1E300] =	vst v63  }
0x100: {  	_ =	swait.ge [sflag:s17], $0x4000  }
0x101: {  	[sflag:s17] =	ssyncset.done $0x0  }
0x102: {  	s19 =	simm.s32 $0x880;
	[sflag:s17] =	ssyncadd.s32 $0xFFFFC000  }
0x103: {  	[spmem:s5] =	stream.indirect.scatter.add.f32 [tilespmem:s30], [sflag:$0x3], $0x1, s19, s26, $0xb8;
	[tilespmem:$0x1E300] =	vst v63  }
0x104: {  	_ =	swait.ge [sflag:s17], $0x80  }
0x105: {  	[sflag:s17] =	ssyncset.done $0x0  }
0x106: {  	s13 =	smov.u32 s1;
	s1 =	simm.s32 $0x180;
	[sflag:s17] =	ssyncadd.s32 $0xFFFFFF80  }
0x107: {  	[tilespmem:s29], [sflag:$0x2] =	stream.indirect.gather [spmem:s2], $0x80, s1, s26, $0xb8;
	[tilespmem:$0x1E300] =	vst v63  }
0x108: {  	_ =	swait.ge [sflag:s20], $0x4000  }
0x109: {  	[sflag:s20] =	ssyncset.done $0x0  }
0x10a: {  	s21 =	simm.s32 $0x500;
	[sflag:s20] =	ssyncadd.s32 $0xFFFFC000  }
0x10b: {  	[spmem:s3] =	stream.indirect.scatter.add.f32 [tilespmem:s28], [sflag:$0x3], $0x80, s21, s26, $0xb8;
	[tilespmem:$0x1E300] =	vst v63  }
0x10c: {  	_ =	swait.ge [sflag:s17], $0x4000  }
0x10d: {  	[sflag:s17] =	ssyncset.done $0x0  }
0x10e: {  	s9 =	simm.s32 $0x900;
	[sflag:s17] =	ssyncadd.s32 $0xFFFFC000  }
0x10f: {  	[spmem:s5] =	stream.indirect.scatter.add.f32 [tilespmem:s30], [sflag:$0x3], $0x1, s9, s26, $0xb8;
	[tilespmem:$0x1E300] =	vst v63  }
0x110: {  	_ =	swait.ge [sflag:s17], $0x80  }
0x111: {  	[sflag:s17] =	ssyncset.done $0x0  }
0x112: {  	s22 =	simm.s32 $0x200;
	[sflag:s17] =	ssyncadd.s32 $0xFFFFFF80  }
0x113: {  	[tilespmem:s28], [sflag:$0x1] =	stream.indirect.gather [spmem:s2], $0x80, s22, s26, $0xb8;
	[tilespmem:$0x1E300] =	vst v63  }
0x114: {  	_ =	swait.ge [sflag:s0], $0x4000  }
0x115: {  	[sflag:s0] =	ssyncset.done $0x0  }
0x116: {  	s16 =	simm.s32 $0x580;
	[sflag:s0] =	ssyncadd.s32 $0xFFFFC000  }
0x117: {  	[spmem:s3] =	stream.indirect.scatter.add.f32 [tilespmem:s29], [sflag:$0x3], $0x80, s16, s26, $0xb8;
	[tilespmem:$0x1E300] =	vst v63  }
0x118: {  	_ =	swait.ge [sflag:s17], $0x4000  }
0x119: {  	[sflag:s17] =	ssyncset.done $0x0  }
0x11a: {  	s18 =	simm.s32 $0x980;
	[sflag:s17] =	ssyncadd.s32 $0xFFFFC000  }
0x11b: {  	[spmem:s5] =	stream.indirect.scatter.add.f32 [tilespmem:s30], [sflag:$0x3], $0x1, s18, s26, $0xb8;
	[tilespmem:$0x1E300] =	vst v63  }
0x11c: {  	_ =	swait.ge [sflag:s17], $0x80  }
0x11d: {  	[sflag:s17] =	ssyncset.done $0x0  }
0x11e: {  	s12 =	simm.s32 $0x280;
	[sflag:s17] =	ssyncadd.s32 $0xFFFFFF80  }
0x11f: {  	[tilespmem:s29], [sflag:$0x2] =	stream.indirect.gather [spmem:s2], $0x80, s12, s26, $0xb8;
	[tilespmem:$0x1E300] =	vst v63  }
0x120: {  	_ =	swait.ge [sflag:s20], $0x4000  }
0x121: {  	[sflag:s20] =	ssyncset.done $0x0  }
0x122: {  	s4 =	simm.s32 $0x600;
	[sflag:s20] =	ssyncadd.s32 $0xFFFFC000  }
0x123: {  	[spmem:s3] =	stream.indirect.scatter.add.f32 [tilespmem:s28], [sflag:$0x3], $0x80, s4, s26, $0xb8;
	[tilespmem:$0x1E300] =	vst v63  }
0x124: {  	_ =	swait.ge [sflag:s17], $0x4000  }
0x125: {  	[sflag:s17] =	ssyncset.done $0x0  }
0x126: {  	s31 =	simm.s32 $0xA00;
	[sflag:s17] =	ssyncadd.s32 $0xFFFFC000  }
0x127: {  	[spmem:s5] =	stream.indirect.scatter.add.f32 [tilespmem:s30], [sflag:$0x3], $0x1, s31, s26, $0xb8;
	[tilespmem:$0x1E300] =	vst v63  }
0x128: {  	_ =	swait.ge [sflag:s17], $0x80  }
0x129: {  	[sflag:s17] =	ssyncset.done $0x0  }
0x12a: {  	s15 =	simm.s32 $0x300;
	[sflag:s17] =	ssyncadd.s32 $0xFFFFFF80  }
0x12b: {  	[tilespmem:s28], [sflag:$0x1] =	stream.indirect.gather [spmem:s2], $0x80, s15, s26, $0xb8;
	[tilespmem:$0x1E300] =	vst v63  }
0x12c: {  	_ =	swait.ge [sflag:s0], $0x4000  }
0x12d: {  	[sflag:s0] =	ssyncset.done $0x0  }
0x12e: {  	s24 =	simm.s32 $0x680;
	[sflag:s0] =	ssyncadd.s32 $0xFFFFC000  }
0x12f: {  	[spmem:s3] =	stream.indirect.scatter.add.f32 [tilespmem:s29], [sflag:$0x3], $0x80, s24, s26, $0xb8;
	[tilespmem:$0x1E300] =	vst v63  }
0x130: {  	_ =	swait.ge [sflag:s17], $0x4000  }
0x131: {  	[sflag:s17] =	ssyncset.done $0x0  }
0x132: {  	s15 =	simm.s32 $0xA80;
	[sflag:s17] =	ssyncadd.s32 $0xFFFFC000  }
0x133: {  	[spmem:s5] =	stream.indirect.scatter.add.f32 [tilespmem:s30], [sflag:$0x3], $0x1, s15, s26, $0xb8;
	[tilespmem:$0x1E300] =	vst v63  }
0x134: {  	_ =	swait.ge [sflag:s17], $0x80  }
0x135: {  	[sflag:s17] =	ssyncset.done $0x0  }
0x136: {  	s22 =	simm.s32 $0x380;
	[sflag:s17] =	ssyncadd.s32 $0xFFFFFF80  }
0x137: {  	[tilespmem:s29], [sflag:$0x2] =	stream.indirect.gather [spmem:s2], $0x80, s22, s26, $0xb8;
	[tilespmem:$0x1E300] =	vst v63  }
0x138: {  	_ =	swait.ge [sflag:s20], $0x4000  }
0x139: {  	[sflag:s20] =	ssyncset.done $0x0  }
0x13a: {  	s18 =	simm.s32 $0x700;
	[sflag:s20] =	ssyncadd.s32 $0xFFFFC000  }
0x13b: {  	[spmem:s3] =	stream.indirect.scatter.add.f32 [tilespmem:s28], [sflag:$0x3], $0x80, s18, s26, $0xb8;
	[tilespmem:$0x1E300] =	vst v63  }
0x13c: {  	_ =	swait.ge [sflag:s17], $0x4000  }
0x13d: {  	[sflag:s17] =	ssyncset.done $0x0  }
0x13e: {  	s16 =	simm.s32 $0xB00;
	[sflag:s17] =	ssyncadd.s32 $0xFFFFC000  }
0x13f: {  	[spmem:s5] =	stream.indirect.scatter.add.f32 [tilespmem:s30], [sflag:$0x3], $0x1, s16, s26, $0xb8;
	[tilespmem:$0x1E300] =	vst v63  }
0x140: {  	_ =	swait.ge [sflag:s17], $0x80  }
0x141: {  	[sflag:s17] =	ssyncset.done $0x0  }
0x142: {  	[sflag:s17] =	ssyncadd.s32 $0xFFFFFF80  }
0x143: {  	_ =	swait.ge [sflag:s0], $0x4000  }
0x144: {  	p2 =	sne.s32 s10, $0x1;
	[sflag:s0] =	ssyncset.done $0x0  }
0x145: {  	s10 =	sadd.s32 $0xFFFFFFFF, s10;
	s1 =	simm.s32 $0x780;
	[sflag:s0] =	ssyncadd.s32 $0xFFFFC000  }
0x146: {  	[spmem:s3] =	stream.indirect.scatter.add.f32 [tilespmem:s29], [sflag:$0x3], $0x80, s1, s26, $0xb8;
	[tilespmem:$0x1E300] =	vst v63  }
0x147: {  	p1 =	por $0x1, $0x1;
	s11 =	simm.s32 $0xB80;
	_ =	swait.ge [sflag:s17], $0x4000  }
.Ltmp4:
0x148: {  	s19 =	simm.s32 $0x980;
	[sflag:s17] =	ssyncset.done $0x0;
	(pc) =	sbr.rel @!p2 .LBB2_5-.Ltmp4, $4  }
0x149: {  	s21 =	simm.s32 $0x600;
	s12 =	sadd.s32 $0x80, s13;
	[sflag:s17] =	ssyncadd.s32 $0xFFFFC000  }
0x14a: {  	[spmem:s5] =	stream.indirect.scatter.add.f32 [tilespmem:s30], [sflag:$0x3], $0x1, s11, s26, $0xb8;
	[tilespmem:$0x1E300] =	vst v63  }
0x14b: {  	s9 =	simm.s32 $0x280;
	s13 =	sand.u32 $0x1FFFFF80, s12;
	_ =	swait.ge [sflag:s17], $0x80  }
0x14c: {  	s4 =	simm.s32 $0xA00;
	s31 =	simm.s32 $0x300;
	[sflag:s17] =	ssyncset.done $0x0  }
.LBB2_6:
0x14d: {  	s14 =	sadd.s32 s7, s13;
	[sflag:s17] =	ssyncadd.s32 $0xFFFFFF80  }
0x14e: {  	[tilespmem:s6], [sflag:$0x3] =	stream.linear.gather [hbm4b:s14+s6], $0x400, $0x38;
	[tilespmem:$0x1E300] =	vst v63  }
0x14f: {  	_ =	swait.ge [sflag:s17], $0x400  }
0x150: {  	[sflag:s17] =	ssyncset.done $0x0  }
0x151: {  	s14 =	sadd.s32 s8, s13;
	[sflag:s17] =	ssyncadd.s32 $0xFFFFFC00  }
0x152: {  	[tilespmem:s23], [sflag:$0x3] =	stream.linear.gather [hbm4b:s14+s6], $0x400, $0x38;
	[tilespmem:$0x1E300] =	vst v63  }
0x153: {  	s14 =	rddreg [dreg:$0x0];
	_ =	swait.ge [sflag:s17], $0x400  }
0x154: {  	[sflag:s17] =	ssyncset.done $0x0  }
0x155: {  	s13 =	sadd.s32 s14, s13;
	[sflag:s17] =	ssyncadd.s32 $0xFFFFFC00  }
0x156: {  	[tilespmem:s25], [sflag:$0x3] =	stream.linear.gather [hbm4b:s13+s6], $0x400, $0x38;
	[tilespmem:$0x1E300] =	vst v63  }
0x157: {  	_ =	swait.ge [sflag:s17], $0x400  }
0x158: {  	[sflag:s17] =	ssyncset.done $0x0  }
0x159: {  	[sflag:s17] =	ssyncadd.s32 $0xFFFFFC00  }
0x15a: {  	[tilespmem:s28], [sflag:$0x1] =	stream.indirect.gather [spmem:s2], $0x80, s6, s26, $0xb8;
	[tilespmem:$0x1E300] =	vst v63  }
0x15b: {  	_ = 	snop  }
0x15c: {  	[tilespmem:s29], [sflag:$0x2] =	stream.indirect.gather [spmem:s2], $0x80, s26, s26, $0xb8;
	[tilespmem:$0x1E300] =	vst v63  }
0x15d: {  	_ =	swait.ge [sflag:s20], $0x4000  }
0x15e: {  	[sflag:s20] =	ssyncset.done $0x0  }
0x15f: {  	[sflag:s20] =	ssyncadd.s32 $0xFFFFC000  }
0x160: {  	[spmem:s3] =	stream.indirect.scatter.add.f32 [tilespmem:s28], [sflag:$0x3], $0x80, s23, s26, $0xb8;
	[tilespmem:$0x1E300] =	vst v63  }
0x161: {  	_ =	swait.ge [sflag:s17], $0x4000  }
0x162: {  	[sflag:s17] =	ssyncset.done $0x0  }
0x163: {  	[sflag:s17] =	ssyncadd.s32 $0xFFFFC000  }
0x164: {  	[spmem:s5] =	stream.indirect.scatter.add.f32 [tilespmem:s30], [sflag:$0x3], $0x1, s25, s26, $0xb8;
	[tilespmem:$0x1E300] =	vst v63  }
0x165: {  	_ =	swait.ge [sflag:s17], $0x80  }
0x166: {  	[sflag:s17] =	ssyncset.done $0x0  }
0x167: {  	s13 =	simm.s32 $0x100;
	[sflag:s17] =	ssyncadd.s32 $0xFFFFFF80  }
0x168: {  	[tilespmem:s28], [sflag:$0x1] =	stream.indirect.gather [spmem:s2], $0x80, s13, s26, $0xb8;
	[tilespmem:$0x1E300] =	vst v63  }
0x169: {  	_ =	swait.ge [sflag:s0], $0x4000  }
0x16a: {  	[sflag:s0] =	ssyncset.done $0x0  }
0x16b: {  	s13 =	simm.s32 $0x480;
	[sflag:s0] =	ssyncadd.s32 $0xFFFFC000  }
0x16c: {  	[spmem:s3] =	stream.indirect.scatter.add.f32 [tilespmem:s29], [sflag:$0x3], $0x80, s13, s26, $0xb8;
	[tilespmem:$0x1E300] =	vst v63  }
0x16d: {  	_ =	swait.ge [sflag:s17], $0x4000  }
0x16e: {  	[sflag:s17] =	ssyncset.done $0x0  }
0x16f: {  	s13 =	simm.s32 $0x880;
	[sflag:s17] =	ssyncadd.s32 $0xFFFFC000  }
0x170: {  	[spmem:s5] =	stream.indirect.scatter.add.f32 [tilespmem:s30], [sflag:$0x3], $0x1, s13, s26, $0xb8;
	[tilespmem:$0x1E300] =	vst v63  }
0x171: {  	_ =	swait.ge [sflag:s17], $0x80  }
0x172: {  	[sflag:s17] =	ssyncset.done $0x0  }
0x173: {  	s13 =	simm.s32 $0x180;
	[sflag:s17] =	ssyncadd.s32 $0xFFFFFF80  }
0x174: {  	[tilespmem:s29], [sflag:$0x2] =	stream.indirect.gather [spmem:s2], $0x80, s13, s26, $0xb8;
	[tilespmem:$0x1E300] =	vst v63  }
0x175: {  	_ =	swait.ge [sflag:s20], $0x4000  }
0x176: {  	[sflag:s20] =	ssyncset.done $0x0  }
0x177: {  	s13 =	simm.s32 $0x500;
	[sflag:s20] =	ssyncadd.s32 $0xFFFFC000  }
0x178: {  	[spmem:s3] =	stream.indirect.scatter.add.f32 [tilespmem:s28], [sflag:$0x3], $0x80, s13, s26, $0xb8;
	[tilespmem:$0x1E300] =	vst v63  }
0x179: {  	_ =	swait.ge [sflag:s17], $0x4000  }
0x17a: {  	[sflag:s17] =	ssyncset.done $0x0  }
0x17b: {  	s13 =	simm.s32 $0x900;
	[sflag:s17] =	ssyncadd.s32 $0xFFFFC000  }
0x17c: {  	[spmem:s5] =	stream.indirect.scatter.add.f32 [tilespmem:s30], [sflag:$0x3], $0x1, s13, s26, $0xb8;
	[tilespmem:$0x1E300] =	vst v63  }
0x17d: {  	_ =	swait.ge [sflag:s17], $0x80  }
0x17e: {  	[sflag:s17] =	ssyncset.done $0x0  }
0x17f: {  	s13 =	simm.s32 $0x200;
	[sflag:s17] =	ssyncadd.s32 $0xFFFFFF80  }
0x180: {  	[tilespmem:s28], [sflag:$0x1] =	stream.indirect.gather [spmem:s2], $0x80, s13, s26, $0xb8;
	[tilespmem:$0x1E300] =	vst v63  }
0x181: {  	_ =	swait.ge [sflag:s0], $0x4000  }
0x182: {  	[sflag:s0] =	ssyncset.done $0x0  }
0x183: {  	s13 =	simm.s32 $0x580;
	[sflag:s0] =	ssyncadd.s32 $0xFFFFC000  }
0x184: {  	[spmem:s3] =	stream.indirect.scatter.add.f32 [tilespmem:s29], [sflag:$0x3], $0x80, s13, s26, $0xb8;
	[tilespmem:$0x1E300] =	vst v63  }
0x185: {  	_ =	swait.ge [sflag:s17], $0x4000  }
0x186: {  	[sflag:s17] =	ssyncset.done $0x0  }
0x187: {  	[sflag:s17] =	ssyncadd.s32 $0xFFFFC000  }
0x188: {  	[spmem:s5] =	stream.indirect.scatter.add.f32 [tilespmem:s30], [sflag:$0x3], $0x1, s19, s26, $0xb8;
	[tilespmem:$0x1E300] =	vst v63  }
0x189: {  	_ =	swait.ge [sflag:s17], $0x80  }
0x18a: {  	[sflag:s17] =	ssyncset.done $0x0  }
0x18b: {  	[sflag:s17] =	ssyncadd.s32 $0xFFFFFF80  }
0x18c: {  	[tilespmem:s29], [sflag:$0x2] =	stream.indirect.gather [spmem:s2], $0x80, s9, s26, $0xb8;
	[tilespmem:$0x1E300] =	vst v63  }
0x18d: {  	_ =	swait.ge [sflag:s20], $0x4000  }
0x18e: {  	[sflag:s20] =	ssyncset.done $0x0  }
0x18f: {  	[sflag:s20] =	ssyncadd.s32 $0xFFFFC000  }
0x190: {  	[spmem:s3] =	stream.indirect.scatter.add.f32 [tilespmem:s28], [sflag:$0x3], $0x80, s21, s26, $0xb8;
	[tilespmem:$0x1E300] =	vst v63  }
0x191: {  	_ =	swait.ge [sflag:s17], $0x4000  }
0x192: {  	[sflag:s17] =	ssyncset.done $0x0  }
0x193: {  	[sflag:s17] =	ssyncadd.s32 $0xFFFFC000  }
0x194: {  	[spmem:s5] =	stream.indirect.scatter.add.f32 [tilespmem:s30], [sflag:$0x3], $0x1, s4, s26, $0xb8;
	[tilespmem:$0x1E300] =	vst v63  }
0x195: {  	_ =	swait.ge [sflag:s17], $0x80  }
0x196: {  	[sflag:s17] =	ssyncset.done $0x0  }
0x197: {  	[sflag:s17] =	ssyncadd.s32 $0xFFFFFF80  }
0x198: {  	[tilespmem:s28], [sflag:$0x1] =	stream.indirect.gather [spmem:s2], $0x80, s31, s26, $0xb8;
	[tilespmem:$0x1E300] =	vst v63  }
0x199: {  	_ =	swait.ge [sflag:s0], $0x4000  }
0x19a: {  	[sflag:s0] =	ssyncset.done $0x0  }
0x19b: {  	[sflag:s0] =	ssyncadd.s32 $0xFFFFC000  }
0x19c: {  	[spmem:s3] =	stream.indirect.scatter.add.f32 [tilespmem:s29], [sflag:$0x3], $0x80, s24, s26, $0xb8;
	[tilespmem:$0x1E300] =	vst v63  }
0x19d: {  	_ =	swait.ge [sflag:s17], $0x4000  }
0x19e: {  	[sflag:s17] =	ssyncset.done $0x0  }
0x19f: {  	[sflag:s17] =	ssyncadd.s32 $0xFFFFC000  }
0x1a0: {  	[spmem:s5] =	stream.indirect.scatter.add.f32 [tilespmem:s30], [sflag:$0x3], $0x1, s15, s26, $0xb8;
	[tilespmem:$0x1E300] =	vst v63  }
0x1a1: {  	_ =	swait.ge [sflag:s17], $0x80  }
0x1a2: {  	[sflag:s17] =	ssyncset.done $0x0  }
0x1a3: {  	[sflag:s17] =	ssyncadd.s32 $0xFFFFFF80  }
0x1a4: {  	[tilespmem:s29], [sflag:$0x2] =	stream.indirect.gather [spmem:s2], $0x80, s22, s26, $0xb8;
	[tilespmem:$0x1E300] =	vst v63  }
0x1a5: {  	_ =	swait.ge [sflag:s20], $0x4000  }
0x1a6: {  	[sflag:s20] =	ssyncset.done $0x0  }
0x1a7: {  	[sflag:s20] =	ssyncadd.s32 $0xFFFFC000  }
0x1a8: {  	[spmem:s3] =	stream.indirect.scatter.add.f32 [tilespmem:s28], [sflag:$0x3], $0x80, s18, s26, $0xb8;
	[tilespmem:$0x1E300] =	vst v63  }
0x1a9: {  	_ =	swait.ge [sflag:s17], $0x4000  }
0x1aa: {  	[sflag:s17] =	ssyncset.done $0x0  }
0x1ab: {  	[sflag:s17] =	ssyncadd.s32 $0xFFFFC000  }
0x1ac: {  	[spmem:s5] =	stream.indirect.scatter.add.f32 [tilespmem:s30], [sflag:$0x3], $0x1, s16, s26, $0xb8;
	[tilespmem:$0x1E300] =	vst v63  }
0x1ad: {  	_ =	swait.ge [sflag:s17], $0x80  }
0x1ae: {  	[sflag:s17] =	ssyncset.done $0x0  }
0x1af: {  	[sflag:s17] =	ssyncadd.s32 $0xFFFFFF80  }
0x1b0: {  	_ =	swait.ge [sflag:s0], $0x4000  }
0x1b1: {  	[sflag:s0] =	ssyncset.done $0x0  }
0x1b2: {  	[sflag:s0] =	ssyncadd.s32 $0xFFFFC000  }
0x1b3: {  	[spmem:s3] =	stream.indirect.scatter.add.f32 [tilespmem:s29], [sflag:$0x3], $0x80, s1, s26, $0xb8;
	[tilespmem:$0x1E300] =	vst v63  }
0x1b4: {  	p2 =	sne.s32 s10, $0x1;
	_ =	swait.ge [sflag:s17], $0x4000  }
.Ltmp5:
0x1b5: {  	[sflag:s17] =	ssyncset.done $0x0;
	(pc) =	sbr.rel @p2 .LBB2_6-.Ltmp5, $4  }
0x1b6: {  	[sflag:s17] =	ssyncadd.s32 $0xFFFFC000  }
0x1b7: {  	[spmem:s5] =	stream.indirect.scatter.add.f32 [tilespmem:s30], [sflag:$0x3], $0x1, s11, s26, $0xb8;
	[tilespmem:$0x1E300] =	vst v63  }
0x1b8: {  	s12 =	sadd.s32 $0x80, s12;
	_ =	swait.ge [sflag:s17], $0x80  }
0x1b9: {  	s10 =	sadd.s32 $0xFFFFFFFF, s10;
	s13 =	sand.u32 $0x1FFFFF80, s12;
	[sflag:s17] =	ssyncset.done $0x0  }
0x1ba: {  	s12 =	simm.s32 $0x480  }
0x1bb: {  	s24 =	simm.s32 $0x880;
	s16 =	simm.s32 $0x180;
	s18 =	simm.s32 $0x500  }
0x1bc: {  	s11 =	simm.s32 $0x900;
	s1 =	simm.s32 $0x200;
	s15 =	rddreg [dreg:$0x13]  }
0x1bd: {  	s31 =	simm.s32 $0x580;
	s19 =	simm.s32 $0x980;
	s21 =	rddreg [dreg:$0x14]  }
0x1be: {  	s4 =	simm.s32 $0x280;
	s9 =	simm.s32 $0x600;
	s22 =	rddreg [dreg:$0x15]  }
.LBB2_8:
0x1bf: {  	s10 =	sadd.s32 s7, s13;
	[sflag:s17] =	ssyncadd.s32 @p1 $0xFFFFFF80  }
0x1c0: {  	[tilespmem:s6], [sflag:$0x3] =	stream.linear.gather [hbm4b:s10+s6], $0x400, $0x38;
	[tilespmem:$0x1E300] =	vst v63  }
0x1c1: {  	_ =	swait.ge [sflag:s17], $0x400  }
0x1c2: {  	[sflag:s17] =	ssyncset.done $0x0  }
0x1c3: {  	s10 =	sadd.s32 s8, s13;
	[sflag:s17] =	ssyncadd.s32 $0xFFFFFC00  }
0x1c4: {  	[tilespmem:s23], [sflag:$0x3] =	stream.linear.gather [hbm4b:s10+s6], $0x400, $0x38;
	[tilespmem:$0x1E300] =	vst v63  }
0x1c5: {  	_ =	swait.ge [sflag:s17], $0x400  }
0x1c6: {  	[sflag:s17] =	ssyncset.done $0x0  }
0x1c7: {  	s13 =	sadd.s32 s14, s13;
	[sflag:s17] =	ssyncadd.s32 $0xFFFFFC00  }
0x1c8: {  	[tilespmem:s25], [sflag:$0x3] =	stream.linear.gather [hbm4b:s13+s6], $0x400, $0x38;
	[tilespmem:$0x1E300] =	vst v63  }
0x1c9: {  	_ =	swait.ge [sflag:s17], $0x400  }
0x1ca: {  	[sflag:s17] =	ssyncset.done $0x0  }
0x1cb: {  	[sflag:s17] =	ssyncadd.s32 $0xFFFFFC00  }
0x1cc: {  	[tilespmem:s28], [sflag:$0x1] =	stream.indirect.gather [spmem:s2], $0x80, s6, s26, $0xb8;
	[tilespmem:$0x1E300] =	vst v63  }
0x1cd: {  	_ = 	snop  }
0x1ce: {  	[tilespmem:s29], [sflag:$0x2] =	stream.indirect.gather [spmem:s2], $0x80, s26, s26, $0xb8;
	[tilespmem:$0x1E300] =	vst v63  }
0x1cf: {  	_ =	swait.ge [sflag:s20], $0x4000  }
0x1d0: {  	[sflag:s20] =	ssyncset.done $0x0  }
0x1d1: {  	[sflag:s20] =	ssyncadd.s32 $0xFFFFC000  }
0x1d2: {  	[spmem:s3] =	stream.indirect.scatter.add.f32 [tilespmem:s28], [sflag:$0x3], $0x80, s23, s26, $0xb8;
	[tilespmem:$0x1E300] =	vst v63  }
0x1d3: {  	_ =	swait.ge [sflag:s17], $0x4000  }
0x1d4: {  	[sflag:s17] =	ssyncset.done $0x0  }
0x1d5: {  	[sflag:s17] =	ssyncadd.s32 $0xFFFFC000  }
0x1d6: {  	[spmem:s5] =	stream.indirect.scatter.add.f32 [tilespmem:s30], [sflag:$0x3], $0x1, s25, s26, $0xb8;
	[tilespmem:$0x1E300] =	vst v63  }
0x1d7: {  	_ =	swait.ge [sflag:s17], $0x80  }
0x1d8: {  	[sflag:s17] =	ssyncset.done $0x0  }
0x1d9: {  	s14 =	simm.s32 $0x100;
	[sflag:s17] =	ssyncadd.s32 $0xFFFFFF80  }
0x1da: {  	[tilespmem:s28], [sflag:$0x1] =	stream.indirect.gather [spmem:s2], $0x80, s14, s26, $0xb8;
	[tilespmem:$0x1E300] =	vst v63  }
0x1db: {  	_ =	swait.ge [sflag:s0], $0x4000  }
0x1dc: {  	[sflag:s0] =	ssyncset.done $0x0  }
0x1dd: {  	[sflag:s0] =	ssyncadd.s32 $0xFFFFC000  }
0x1de: {  	[spmem:s3] =	stream.indirect.scatter.add.f32 [tilespmem:s29], [sflag:$0x3], $0x80, s12, s26, $0xb8;
	[tilespmem:$0x1E300] =	vst v63  }
0x1df: {  	_ =	swait.ge [sflag:s17], $0x4000  }
0x1e0: {  	[sflag:s17] =	ssyncset.done $0x0  }
0x1e1: {  	[sflag:s17] =	ssyncadd.s32 $0xFFFFC000  }
0x1e2: {  	[spmem:s5] =	stream.indirect.scatter.add.f32 [tilespmem:s30], [sflag:$0x3], $0x1, s24, s26, $0xb8;
	[tilespmem:$0x1E300] =	vst v63  }
0x1e3: {  	_ =	swait.ge [sflag:s17], $0x80  }
0x1e4: {  	[sflag:s17] =	ssyncset.done $0x0  }
0x1e5: {  	[sflag:s17] =	ssyncadd.s32 $0xFFFFFF80  }
0x1e6: {  	[tilespmem:s29], [sflag:$0x2] =	stream.indirect.gather [spmem:s2], $0x80, s16, s26, $0xb8;
	[tilespmem:$0x1E300] =	vst v63  }
0x1e7: {  	_ =	swait.ge [sflag:s20], $0x4000  }
0x1e8: {  	[sflag:s20] =	ssyncset.done $0x0  }
0x1e9: {  	[sflag:s20] =	ssyncadd.s32 $0xFFFFC000  }
0x1ea: {  	[spmem:s3] =	stream.indirect.scatter.add.f32 [tilespmem:s28], [sflag:$0x3], $0x80, s18, s26, $0xb8;
	[tilespmem:$0x1E300] =	vst v63  }
0x1eb: {  	_ =	swait.ge [sflag:s17], $0x4000  }
0x1ec: {  	[sflag:s17] =	ssyncset.done $0x0  }
0x1ed: {  	[sflag:s17] =	ssyncadd.s32 $0xFFFFC000  }
0x1ee: {  	[spmem:s5] =	stream.indirect.scatter.add.f32 [tilespmem:s30], [sflag:$0x3], $0x1, s11, s26, $0xb8;
	[tilespmem:$0x1E300] =	vst v63  }
0x1ef: {  	_ =	swait.ge [sflag:s17], $0x80  }
0x1f0: {  	[sflag:s17] =	ssyncset.done $0x0  }
0x1f1: {  	[sflag:s17] =	ssyncadd.s32 $0xFFFFFF80  }
0x1f2: {  	[tilespmem:s28], [sflag:$0x1] =	stream.indirect.gather [spmem:s2], $0x80, s1, s26, $0xb8;
	[tilespmem:$0x1E300] =	vst v63  }
0x1f3: {  	_ =	swait.ge [sflag:s0], $0x4000  }
0x1f4: {  	[sflag:s0] =	ssyncset.done $0x0  }
0x1f5: {  	[sflag:s0] =	ssyncadd.s32 $0xFFFFC000  }
0x1f6: {  	[spmem:s3] =	stream.indirect.scatter.add.f32 [tilespmem:s29], [sflag:$0x3], $0x80, s31, s26, $0xb8;
	[tilespmem:$0x1E300] =	vst v63  }
0x1f7: {  	_ =	swait.ge [sflag:s17], $0x4000  }
0x1f8: {  	[sflag:s17] =	ssyncset.done $0x0  }
0x1f9: {  	[sflag:s17] =	ssyncadd.s32 $0xFFFFC000  }
0x1fa: {  	[spmem:s5] =	stream.indirect.scatter.add.f32 [tilespmem:s30], [sflag:$0x3], $0x1, s19, s26, $0xb8;
	[tilespmem:$0x1E300] =	vst v63  }
0x1fb: {  	_ =	swait.ge [sflag:s17], $0x80  }
0x1fc: {  	[sflag:s17] =	ssyncset.done $0x0  }
0x1fd: {  	[sflag:s17] =	ssyncadd.s32 $0xFFFFFF80  }
0x1fe: {  	[tilespmem:s29], [sflag:$0x2] =	stream.indirect.gather [spmem:s2], $0x80, s4, s26, $0xb8;
	[tilespmem:$0x1E300] =	vst v63  }
0x1ff: {  	_ =	swait.ge [sflag:s20], $0x4000  }
0x200: {  	[sflag:s20] =	ssyncset.done $0x0  }
0x201: {  	[sflag:s20] =	ssyncadd.s32 $0xFFFFC000  }
0x202: {  	[spmem:s3] =	stream.indirect.scatter.add.f32 [tilespmem:s28], [sflag:$0x3], $0x80, s9, s26, $0xb8;
	[tilespmem:$0x1E300] =	vst v63  }
0x203: {  	_ =	swait.ge [sflag:s17], $0x4000  }
0x204: {  	[sflag:s17] =	ssyncset.done $0x0  }
0x205: {  	s10 =	simm.s32 $0xA00;
	[sflag:s17] =	ssyncadd.s32 $0xFFFFC000  }
0x206: {  	[spmem:s5] =	stream.indirect.scatter.add.f32 [tilespmem:s30], [sflag:$0x3], $0x1, s10, s26, $0xb8;
	[tilespmem:$0x1E300] =	vst v63  }
0x207: {  	_ =	swait.ge [sflag:s17], $0x80  }
0x208: {  	[sflag:s17] =	ssyncset.done $0x0  }
0x209: {  	s11 =	simm.s32 $0x300;
	[sflag:s17] =	ssyncadd.s32 $0xFFFFFF80  }
0x20a: {  	[tilespmem:s28], [sflag:$0x1] =	stream.indirect.gather [spmem:s2], $0x80, s11, s26, $0xb8;
	[tilespmem:$0x1E300] =	vst v63  }
0x20b: {  	_ =	swait.ge [sflag:s0], $0x4000  }
0x20c: {  	[sflag:s0] =	ssyncset.done $0x0  }
0x20d: {  	s12 =	simm.s32 $0x680;
	[sflag:s0] =	ssyncadd.s32 $0xFFFFC000  }
0x20e: {  	[spmem:s3] =	stream.indirect.scatter.add.f32 [tilespmem:s29], [sflag:$0x3], $0x80, s12, s26, $0xb8;
	[tilespmem:$0x1E300] =	vst v63  }
0x20f: {  	_ =	swait.ge [sflag:s17], $0x4000  }
0x210: {  	[sflag:s17] =	ssyncset.done $0x0  }
0x211: {  	s13 =	simm.s32 $0xA80;
	[sflag:s17] =	ssyncadd.s32 $0xFFFFC000  }
0x212: {  	[spmem:s5] =	stream.indirect.scatter.add.f32 [tilespmem:s30], [sflag:$0x3], $0x1, s13, s26, $0xb8;
	[tilespmem:$0x1E300] =	vst v63  }
0x213: {  	_ =	swait.ge [sflag:s17], $0x80  }
0x214: {  	[sflag:s17] =	ssyncset.done $0x0  }
0x215: {  	s14 =	simm.s32 $0x380;
	[sflag:s17] =	ssyncadd.s32 $0xFFFFFF80  }
0x216: {  	[tilespmem:s29], [sflag:$0x2] =	stream.indirect.gather [spmem:s2], $0x80, s14, s26, $0xb8;
	[tilespmem:$0x1E300] =	vst v63  }
0x217: {  	_ =	swait.ge [sflag:s20], $0x4000  }
0x218: {  	[sflag:s20] =	ssyncset.done $0x0  }
0x219: {  	s16 =	simm.s32 $0x700;
	[sflag:s20] =	ssyncadd.s32 $0xFFFFC000  }
0x21a: {  	[spmem:s3] =	stream.indirect.scatter.add.f32 [tilespmem:s28], [sflag:$0x3], $0x80, s16, s26, $0xb8;
	[tilespmem:$0x1E300] =	vst v63  }
0x21b: {  	_ =	swait.ge [sflag:s17], $0x4000  }
0x21c: {  	[sflag:s17] =	ssyncset.done $0x0  }
0x21d: {  	s18 =	simm.s32 $0xB00;
	[sflag:s17] =	ssyncadd.s32 $0xFFFFC000  }
0x21e: {  	[spmem:s5] =	stream.indirect.scatter.add.f32 [tilespmem:s30], [sflag:$0x3], $0x1, s18, s26, $0xb8;
	[tilespmem:$0x1E300] =	vst v63  }
0x21f: {  	_ =	swait.ge [sflag:s17], $0x80  }
0x220: {  	[sflag:s17] =	ssyncset.done $0x0  }
0x221: {  	[sflag:s17] =	ssyncadd.s32 $0xFFFFFF80  }
0x222: {  	_ =	swait.ge [sflag:s0], $0x4000  }
0x223: {  	[sflag:s0] =	ssyncset.done $0x0  }
0x224: {  	s19 =	simm.s32 $0x780;
	[sflag:s0] =	ssyncadd.s32 $0xFFFFC000  }
0x225: {  	[spmem:s3] =	stream.indirect.scatter.add.f32 [tilespmem:s29], [sflag:$0x3], $0x80, s19, s26, $0xb8;
	[tilespmem:$0x1E300] =	vst v63  }
0x226: {  	_ =	swait.ge [sflag:s17], $0x4000  }
0x227: {  	s24 =	simm.s32 $0xB80;
	[sflag:s17] =	ssyncset.done $0x0  }
0x228: {  	s1 =	simm.s32 $0x580;
	s31 =	simm.s32 $0x980;
	[sflag:s17] =	ssyncadd.s32 $0xFFFFC000  }
0x229: {  	[spmem:s5] =	stream.indirect.scatter.add.f32 [tilespmem:s30], [sflag:$0x3], $0x1, s24, s26, $0xb8;
	[tilespmem:$0x1E300] =	vst v63  }
0x22a: {  	s4 =	simm.s32 $0x600;
	s9 =	simm.s32 $0xA00;
	_ =	swait.ge [sflag:s17], $0x80  }
0x22b: {  	s11 =	simm.s32 $0x200;
	s19 =	simm.s32 $0x280;
	[sflag:s17] =	ssyncset.done $0x0  }
0x22c: {  	s24 =	simm.s32 $0x880;
	s14 =	rddreg [dreg:$0x8];
	[sflag:s17] =	ssyncadd.s32 $0xFFFFFF80  }
.LBB2_9:
0x22d: {  	[bflag:$0x0] =	sbarrier.arrive $0xFFFF  }
0x22e: {  	s10 =	rddreg [dreg:$0xf]  }
0x22f: {  	s22 =	smov.u32 @p0 s21;
	s12 =	rddreg [dreg:$0x16]  }
0x230: {  	[spmem:s12], [sflag:s14] =	dma.local [hbm:s10], $0x1400  }
0x231: {  	s16 =	ssub.s32 s22, s15;
	p1 =	sne.s32 s22, s15;
	s12 =	simm.s32 $0x1  }
0x232: {  	s13 =	sshra.s32 s16, $0x1F;
	s12 =	simm.s32 @!p1 $0x0  }
0x233: {  	s18 =	sand.u32 $0xF, s16;
	s12 =	sor.u32 s12, s13  }
0x234: {  	p2 =	sne.s32 s18, $0x0;
	p4 =	sne.s32 s12, $0x1  }
0x235: {  	s21 =	sshrl.u32 s13, $0x1C;
	p1 =	por !p2, !p4  }
0x236: {  	s10 =	sadd.s32 s21, s16;
	s12 =	simm.s32 $0x1;
	p1 =	por !p1, !p1  }
0x237: {  	s10 =	sshra.s32 s10, $0x4;
	s12 =	simm.s32 @!p1 $0x0  }
0x238: {  	s10 =	ssub.s32 s10, s12  }
0x239: {  	s12 =	sand.u32 $0x7, s10  }
0x23a: {  	p5 =	slt.s32 s10, $0x1;
	p6 =	sne.s32 s12, $0x0  }
0x23b: {  	s22 =	sshrl.u32 s10, $0x1D;
	p1 =	por !p5, !p6  }
0x23c: {  	s13 =	simm.s32 $0x1;
	s12 =	sadd.s32 s22, s10;
	p1 =	por !p1, !p1  }
0x23d: {  	s12 =	sshra.s32 s12, $0x3;
	s13 =	simm.s32 @!p1 $0x0  }
0x23e: {  	s13 =	ssub.s32 s12, s13  }
0x23f: {  	p1 =	slt.s32 s13, $0x1  }
.Ltmp6:
0x240: {  	_ =	swait.ge [sflag:s17], $0x1400;
	(pc) =	sbr.rel @p1 .LBB2_17-.Ltmp6, $4  }
0x241: {  	[sflag:s17] =	ssyncset.done $0x0  }
0x242: {  	[sflag:s17] =	ssyncadd.s32 $0xFFFFEC00  }
0x243: {  	[bflag:$0x0] =	sbarrier.arrive $0xFFFF  }
0x244: {  	s22 =	rddreg [dreg:$0x12]  }
0x245: {  	s12 =	stileid.u32  }
0x246: {  	p2 =	sne.s32 s13, $0x1;
	s10 =	smul.u32 s12, s10  }
.Ltmp7:
0x247: {  	_ = 	snop;
	(pc) =	sbr.rel @!p2 .LBB2_11-.Ltmp7, $4  }
0x248: {  	s10 =	sadd.s32 s15, s10  }
0x249: {  	s10 =	sshll.u32 s10, $0x4  }
0x24a: {  	s12 =	sand.u32 $0xFFFFFF80, s10  }
0x24b: {  	p1 =	por $0x0, $0x0;
	s10 =	sadd.s32 $0xFFFFFFFF, s13;
	s13 =	sand.u32 $0x1FFFFF80, s12  }
0x24c: {  	s14 =	sadd.s32 s7, s13  }
0x24d: {  	[tilespmem:s6], [sflag:$0x3] =	stream.linear.gather [hbm4b:s14+s6], $0x400, $0x38;
	[tilespmem:$0x1E300] =	vst v63  }
0x24e: {  	_ =	swait.ge [sflag:s17], $0x400  }
0x24f: {  	[sflag:s17] =	ssyncset.done $0x0  }
0x250: {  	s22 =	sadd.s32 s8, s13;
	[sflag:s17] =	ssyncadd.s32 $0xFFFFFC00  }
0x251: {  	[tilespmem:s23], [sflag:$0x3] =	stream.linear.gather [hbm4b:s22+s6], $0x400, $0x38;
	[tilespmem:$0x1E300] =	vst v63  }
0x252: {  	_ =	swait.ge [sflag:s17], $0x400  }
0x253: {  	[sflag:s17] =	ssyncset.done $0x0  }
0x254: {  	[sflag:s17] =	ssyncadd.s32 $0xFFFFFC00  }
0x255: {  	s14 =	rddreg [dreg:$0x0]  }
0x256: {  	s24 =	sadd.s32 s14, s13  }
0x257: {  	[tilespmem:s25], [sflag:$0x3] =	stream.linear.gather [hbm4b:s24+s6], $0x400, $0x38;
	[tilespmem:$0x1E300] =	vst v63  }
0x258: {  	_ =	swait.ge [sflag:s17], $0x400  }
0x259: {  	[sflag:s17] =	ssyncset.done $0x0  }
0x25a: {  	[sflag:s17] =	ssyncadd.s32 $0xFFFFFC00  }
0x25b: {  	[tilespmem:s28], [sflag:$0x1] =	stream.indirect.gather [spmem:s2], $0x80, s6, s26, $0xb8;
	[tilespmem:$0x1E300] =	vst v63  }
0x25c: {  	_ = 	snop  }
0x25d: {  	[tilespmem:s29], [sflag:$0x2] =	stream.indirect.gather [spmem:s2], $0x80, s26, s26, $0xb8;
	[tilespmem:$0x1E300] =	vst v63  }
0x25e: {  	_ =	swait.ge [sflag:s20], $0x4000  }
0x25f: {  	[sflag:s20] =	ssyncset.done $0x0  }
0x260: {  	[sflag:s20] =	ssyncadd.s32 $0xFFFFC000  }
0x261: {  	[spmem:s3] =	stream.indirect.scatter.add.f32 [tilespmem:s28], [sflag:$0x3], $0x80, s23, s26, $0xb8;
	[tilespmem:$0x1E300] =	vst v63  }
0x262: {  	_ =	swait.ge [sflag:s17], $0x4000  }
0x263: {  	[sflag:s17] =	ssyncset.done $0x0  }
0x264: {  	[sflag:s17] =	ssyncadd.s32 $0xFFFFC000  }
0x265: {  	[spmem:s5] =	stream.indirect.scatter.add.f32 [tilespmem:s30], [sflag:$0x3], $0x1, s25, s26, $0xb8;
	[tilespmem:$0x1E300] =	vst v63  }
0x266: {  	_ =	swait.ge [sflag:s17], $0x80  }
0x267: {  	[sflag:s17] =	ssyncset.done $0x0  }
0x268: {  	s31 =	simm.s32 $0x100;
	[sflag:s17] =	ssyncadd.s32 $0xFFFFFF80  }
0x269: {  	[tilespmem:s28], [sflag:$0x1] =	stream.indirect.gather [spmem:s2], $0x80, s31, s26, $0xb8;
	[tilespmem:$0x1E300] =	vst v63  }
0x26a: {  	_ =	swait.ge [sflag:s0], $0x4000  }
0x26b: {  	[sflag:s0] =	ssyncset.done $0x0  }
0x26c: {  	s11 =	simm.s32 $0x480;
	[sflag:s0] =	ssyncadd.s32 $0xFFFFC000  }
0x26d: {  	[spmem:s3] =	stream.indirect.scatter.add.f32 [tilespmem:s29], [sflag:$0x3], $0x80, s11, s26, $0xb8;
	[tilespmem:$0x1E300] =	vst v63  }
0x26e: {  	_ =	swait.ge [sflag:s17], $0x4000  }
0x26f: {  	[sflag:s17] =	ssyncset.done $0x0  }
0x270: {  	s21 =	simm.s32 $0x880;
	[sflag:s17] =	ssyncadd.s32 $0xFFFFC000  }
0x271: {  	[spmem:s5] =	stream.indirect.scatter.add.f32 [tilespmem:s30], [sflag:$0x3], $0x1, s21, s26, $0xb8;
	[tilespmem:$0x1E300] =	vst v63  }
0x272: {  	_ =	swait.ge [sflag:s17], $0x80  }
0x273: {  	[sflag:s17] =	ssyncset.done $0x0  }
0x274: {  	s1 =	simm.s32 $0x180;
	[sflag:s17] =	ssyncadd.s32 $0xFFFFFF80  }
0x275: {  	[tilespmem:s29], [sflag:$0x2] =	stream.indirect.gather [spmem:s2], $0x80, s1, s26, $0xb8;
	[tilespmem:$0x1E300] =	vst v63  }
0x276: {  	_ =	swait.ge [sflag:s20], $0x4000  }
0x277: {  	[sflag:s20] =	ssyncset.done $0x0  }
0x278: {  	s22 =	simm.s32 $0x500;
	[sflag:s20] =	ssyncadd.s32 $0xFFFFC000  }
0x279: {  	[spmem:s3] =	stream.indirect.scatter.add.f32 [tilespmem:s28], [sflag:$0x3], $0x80, s22, s26, $0xb8;
	[tilespmem:$0x1E300] =	vst v63  }
0x27a: {  	_ =	swait.ge [sflag:s17], $0x4000  }
0x27b: {  	[sflag:s17] =	ssyncset.done $0x0  }
0x27c: {  	s18 =	simm.s32 $0x900;
	[sflag:s17] =	ssyncadd.s32 $0xFFFFC000  }
0x27d: {  	[spmem:s5] =	stream.indirect.scatter.add.f32 [tilespmem:s30], [sflag:$0x3], $0x1, s18, s26, $0xb8;
	[tilespmem:$0x1E300] =	vst v63  }
0x27e: {  	_ =	swait.ge [sflag:s17], $0x80  }
0x27f: {  	[sflag:s17] =	ssyncset.done $0x0  }
0x280: {  	s24 =	simm.s32 $0x200;
	[sflag:s17] =	ssyncadd.s32 $0xFFFFFF80  }
0x281: {  	[tilespmem:s28], [sflag:$0x1] =	stream.indirect.gather [spmem:s2], $0x80, s24, s26, $0xb8;
	[tilespmem:$0x1E300] =	vst v63  }
0x282: {  	_ =	swait.ge [sflag:s0], $0x4000  }
0x283: {  	[sflag:s0] =	ssyncset.done $0x0  }
0x284: {  	s19 =	simm.s32 $0x580;
	[sflag:s0] =	ssyncadd.s32 $0xFFFFC000  }
0x285: {  	[spmem:s3] =	stream.indirect.scatter.add.f32 [tilespmem:s29], [sflag:$0x3], $0x80, s19, s26, $0xb8;
	[tilespmem:$0x1E300] =	vst v63  }
0x286: {  	_ =	swait.ge [sflag:s17], $0x4000  }
0x287: {  	[sflag:s17] =	ssyncset.done $0x0  }
0x288: {  	s9 =	simm.s32 $0x980;
	[sflag:s17] =	ssyncadd.s32 $0xFFFFC000  }
0x289: {  	[spmem:s5] =	stream.indirect.scatter.add.f32 [tilespmem:s30], [sflag:$0x3], $0x1, s9, s26, $0xb8;
	[tilespmem:$0x1E300] =	vst v63  }
0x28a: {  	_ =	swait.ge [sflag:s17], $0x80  }
0x28b: {  	[sflag:s17] =	ssyncset.done $0x0  }
0x28c: {  	s13 =	simm.s32 $0x280;
	[sflag:s17] =	ssyncadd.s32 $0xFFFFFF80  }
0x28d: {  	[tilespmem:s29], [sflag:$0x2] =	stream.indirect.gather [spmem:s2], $0x80, s13, s26, $0xb8;
	[tilespmem:$0x1E300] =	vst v63  }
0x28e: {  	_ =	swait.ge [sflag:s20], $0x4000  }
0x28f: {  	[sflag:s20] =	ssyncset.done $0x0  }
0x290: {  	s4 =	simm.s32 $0x600;
	[sflag:s20] =	ssyncadd.s32 $0xFFFFC000  }
0x291: {  	[spmem:s3] =	stream.indirect.scatter.add.f32 [tilespmem:s28], [sflag:$0x3], $0x80, s4, s26, $0xb8;
	[tilespmem:$0x1E300] =	vst v63  }
0x292: {  	_ =	swait.ge [sflag:s17], $0x4000  }
0x293: {  	[sflag:s17] =	ssyncset.done $0x0  }
0x294: {  	s15 =	simm.s32 $0xA00;
	[sflag:s17] =	ssyncadd.s32 $0xFFFFC000  }
0x295: {  	[spmem:s5] =	stream.indirect.scatter.add.f32 [tilespmem:s30], [sflag:$0x3], $0x1, s15, s26, $0xb8;
	[tilespmem:$0x1E300] =	vst v63  }
0x296: {  	_ =	swait.ge [sflag:s17], $0x80  }
0x297: {  	[sflag:s17] =	ssyncset.done $0x0  }
0x298: {  	s16 =	simm.s32 $0x300;
	[sflag:s17] =	ssyncadd.s32 $0xFFFFFF80  }
0x299: {  	[tilespmem:s28], [sflag:$0x1] =	stream.indirect.gather [spmem:s2], $0x80, s16, s26, $0xb8;
	[tilespmem:$0x1E300] =	vst v63  }
0x29a: {  	_ =	swait.ge [sflag:s0], $0x4000  }
0x29b: {  	[sflag:s0] =	ssyncset.done $0x0  }
0x29c: {  	s24 =	simm.s32 $0x680;
	[sflag:s0] =	ssyncadd.s32 $0xFFFFC000  }
0x29d: {  	[spmem:s3] =	stream.indirect.scatter.add.f32 [tilespmem:s29], [sflag:$0x3], $0x80, s24, s26, $0xb8;
	[tilespmem:$0x1E300] =	vst v63  }
0x29e: {  	_ =	swait.ge [sflag:s17], $0x4000  }
0x29f: {  	[sflag:s17] =	ssyncset.done $0x0  }
0x2a0: {  	s15 =	simm.s32 $0xA80;
	[sflag:s17] =	ssyncadd.s32 $0xFFFFC000  }
0x2a1: {  	[spmem:s5] =	stream.indirect.scatter.add.f32 [tilespmem:s30], [sflag:$0x3], $0x1, s15, s26, $0xb8;
	[tilespmem:$0x1E300] =	vst v63  }
0x2a2: {  	_ =	swait.ge [sflag:s17], $0x80  }
0x2a3: {  	[sflag:s17] =	ssyncset.done $0x0  }
0x2a4: {  	s22 =	simm.s32 $0x380;
	[sflag:s17] =	ssyncadd.s32 $0xFFFFFF80  }
0x2a5: {  	[tilespmem:s29], [sflag:$0x2] =	stream.indirect.gather [spmem:s2], $0x80, s22, s26, $0xb8;
	[tilespmem:$0x1E300] =	vst v63  }
0x2a6: {  	_ =	swait.ge [sflag:s20], $0x4000  }
0x2a7: {  	[sflag:s20] =	ssyncset.done $0x0  }
0x2a8: {  	s18 =	simm.s32 $0x700;
	[sflag:s20] =	ssyncadd.s32 $0xFFFFC000  }
0x2a9: {  	[spmem:s3] =	stream.indirect.scatter.add.f32 [tilespmem:s28], [sflag:$0x3], $0x80, s18, s26, $0xb8;
	[tilespmem:$0x1E300] =	vst v63  }
0x2aa: {  	_ =	swait.ge [sflag:s17], $0x4000  }
0x2ab: {  	[sflag:s17] =	ssyncset.done $0x0  }
0x2ac: {  	s16 =	simm.s32 $0xB00;
	[sflag:s17] =	ssyncadd.s32 $0xFFFFC000  }
0x2ad: {  	[spmem:s5] =	stream.indirect.scatter.add.f32 [tilespmem:s30], [sflag:$0x3], $0x1, s16, s26, $0xb8;
	[tilespmem:$0x1E300] =	vst v63  }
0x2ae: {  	_ =	swait.ge [sflag:s17], $0x80  }
0x2af: {  	[sflag:s17] =	ssyncset.done $0x0  }
0x2b0: {  	[sflag:s17] =	ssyncadd.s32 $0xFFFFFF80  }
0x2b1: {  	_ =	swait.ge [sflag:s0], $0x4000  }
0x2b2: {  	p2 =	sne.s32 s10, $0x1;
	[sflag:s0] =	ssyncset.done $0x0  }
0x2b3: {  	s10 =	sadd.s32 $0xFFFFFFFF, s10;
	s1 =	simm.s32 $0x780;
	[sflag:s0] =	ssyncadd.s32 $0xFFFFC000  }
0x2b4: {  	[spmem:s3] =	stream.indirect.scatter.add.f32 [tilespmem:s29], [sflag:$0x3], $0x80, s1, s26, $0xb8;
	[tilespmem:$0x1E300] =	vst v63  }
0x2b5: {  	s12 =	sadd.s32 $0x80, s12;
	p1 =	por $0x1, $0x1;
	_ =	swait.ge [sflag:s17], $0x4000  }
.Ltmp8:
0x2b6: {  	s31 =	simm.s32 $0x300;
	[sflag:s17] =	ssyncset.done $0x0;
	(pc) =	sbr.rel @!p2 .LBB2_13-.Ltmp8, $4  }
0x2b7: {  	s11 =	simm.s32 $0xB80;
	s21 =	simm.s32 $0x600;
	[sflag:s17] =	ssyncadd.s32 $0xFFFFC000  }
0x2b8: {  	[spmem:s5] =	stream.indirect.scatter.add.f32 [tilespmem:s30], [sflag:$0x3], $0x1, s11, s26, $0xb8;
	[tilespmem:$0x1E300] =	vst v63  }
0x2b9: {  	s19 =	simm.s32 $0x980;
	s9 =	simm.s32 $0x280;
	_ =	swait.ge [sflag:s17], $0x80  }
0x2ba: {  	s13 =	sand.u32 $0x1FFFFF80, s12;
	s4 =	simm.s32 $0xA00;
	[sflag:s17] =	ssyncset.done $0x0  }
.LBB2_14:
0x2bb: {  	s14 =	sadd.s32 s7, s13;
	[sflag:s17] =	ssyncadd.s32 $0xFFFFFF80  }
0x2bc: {  	[tilespmem:s6], [sflag:$0x3] =	stream.linear.gather [hbm4b:s14+s6], $0x400, $0x38;
	[tilespmem:$0x1E300] =	vst v63  }
0x2bd: {  	_ =	swait.ge [sflag:s17], $0x400  }
0x2be: {  	[sflag:s17] =	ssyncset.done $0x0  }
0x2bf: {  	s14 =	sadd.s32 s8, s13;
	[sflag:s17] =	ssyncadd.s32 $0xFFFFFC00  }
0x2c0: {  	[tilespmem:s23], [sflag:$0x3] =	stream.linear.gather [hbm4b:s14+s6], $0x400, $0x38;
	[tilespmem:$0x1E300] =	vst v63  }
0x2c1: {  	s14 =	rddreg [dreg:$0x0];
	_ =	swait.ge [sflag:s17], $0x400  }
0x2c2: {  	[sflag:s17] =	ssyncset.done $0x0  }
0x2c3: {  	s13 =	sadd.s32 s14, s13;
	[sflag:s17] =	ssyncadd.s32 $0xFFFFFC00  }
0x2c4: {  	[tilespmem:s25], [sflag:$0x3] =	stream.linear.gather [hbm4b:s13+s6], $0x400, $0x38;
	[tilespmem:$0x1E300] =	vst v63  }
0x2c5: {  	_ =	swait.ge [sflag:s17], $0x400  }
0x2c6: {  	[sflag:s17] =	ssyncset.done $0x0  }
0x2c7: {  	[sflag:s17] =	ssyncadd.s32 $0xFFFFFC00  }
0x2c8: {  	[tilespmem:s28], [sflag:$0x1] =	stream.indirect.gather [spmem:s2], $0x80, s6, s26, $0xb8;
	[tilespmem:$0x1E300] =	vst v63  }
0x2c9: {  	_ = 	snop  }
0x2ca: {  	[tilespmem:s29], [sflag:$0x2] =	stream.indirect.gather [spmem:s2], $0x80, s26, s26, $0xb8;
	[tilespmem:$0x1E300] =	vst v63  }
0x2cb: {  	_ =	swait.ge [sflag:s20], $0x4000  }
0x2cc: {  	[sflag:s20] =	ssyncset.done $0x0  }
0x2cd: {  	[sflag:s20] =	ssyncadd.s32 $0xFFFFC000  }
0x2ce: {  	[spmem:s3] =	stream.indirect.scatter.add.f32 [tilespmem:s28], [sflag:$0x3], $0x80, s23, s26, $0xb8;
	[tilespmem:$0x1E300] =	vst v63  }
0x2cf: {  	_ =	swait.ge [sflag:s17], $0x4000  }
0x2d0: {  	[sflag:s17] =	ssyncset.done $0x0  }
0x2d1: {  	[sflag:s17] =	ssyncadd.s32 $0xFFFFC000  }
0x2d2: {  	[spmem:s5] =	stream.indirect.scatter.add.f32 [tilespmem:s30], [sflag:$0x3], $0x1, s25, s26, $0xb8;
	[tilespmem:$0x1E300] =	vst v63  }
0x2d3: {  	_ =	swait.ge [sflag:s17], $0x80  }
0x2d4: {  	[sflag:s17] =	ssyncset.done $0x0  }
0x2d5: {  	s13 =	simm.s32 $0x100;
	[sflag:s17] =	ssyncadd.s32 $0xFFFFFF80  }
0x2d6: {  	[tilespmem:s28], [sflag:$0x1] =	stream.indirect.gather [spmem:s2], $0x80, s13, s26, $0xb8;
	[tilespmem:$0x1E300] =	vst v63  }
0x2d7: {  	_ =	swait.ge [sflag:s0], $0x4000  }
0x2d8: {  	[sflag:s0] =	ssyncset.done $0x0  }
0x2d9: {  	s13 =	simm.s32 $0x480;
	[sflag:s0] =	ssyncadd.s32 $0xFFFFC000  }
0x2da: {  	[spmem:s3] =	stream.indirect.scatter.add.f32 [tilespmem:s29], [sflag:$0x3], $0x80, s13, s26, $0xb8;
	[tilespmem:$0x1E300] =	vst v63  }
0x2db: {  	_ =	swait.ge [sflag:s17], $0x4000  }
0x2dc: {  	[sflag:s17] =	ssyncset.done $0x0  }
0x2dd: {  	s13 =	simm.s32 $0x880;
	[sflag:s17] =	ssyncadd.s32 $0xFFFFC000  }
0x2de: {  	[spmem:s5] =	stream.indirect.scatter.add.f32 [tilespmem:s30], [sflag:$0x3], $0x1, s13, s26, $0xb8;
	[tilespmem:$0x1E300] =	vst v63  }
0x2df: {  	_ =	swait.ge [sflag:s17], $0x80  }
0x2e0: {  	[sflag:s17] =	ssyncset.done $0x0  }
0x2e1: {  	s13 =	simm.s32 $0x180;
	[sflag:s17] =	ssyncadd.s32 $0xFFFFFF80  }
0x2e2: {  	[tilespmem:s29], [sflag:$0x2] =	stream.indirect.gather [spmem:s2], $0x80, s13, s26, $0xb8;
	[tilespmem:$0x1E300] =	vst v63  }
0x2e3: {  	_ =	swait.ge [sflag:s20], $0x4000  }
0x2e4: {  	[sflag:s20] =	ssyncset.done $0x0  }
0x2e5: {  	s13 =	simm.s32 $0x500;
	[sflag:s20] =	ssyncadd.s32 $0xFFFFC000  }
0x2e6: {  	[spmem:s3] =	stream.indirect.scatter.add.f32 [tilespmem:s28], [sflag:$0x3], $0x80, s13, s26, $0xb8;
	[tilespmem:$0x1E300] =	vst v63  }
0x2e7: {  	_ =	swait.ge [sflag:s17], $0x4000  }
0x2e8: {  	[sflag:s17] =	ssyncset.done $0x0  }
0x2e9: {  	s13 =	simm.s32 $0x900;
	[sflag:s17] =	ssyncadd.s32 $0xFFFFC000  }
0x2ea: {  	[spmem:s5] =	stream.indirect.scatter.add.f32 [tilespmem:s30], [sflag:$0x3], $0x1, s13, s26, $0xb8;
	[tilespmem:$0x1E300] =	vst v63  }
0x2eb: {  	_ =	swait.ge [sflag:s17], $0x80  }
0x2ec: {  	[sflag:s17] =	ssyncset.done $0x0  }
0x2ed: {  	s13 =	simm.s32 $0x200;
	[sflag:s17] =	ssyncadd.s32 $0xFFFFFF80  }
0x2ee: {  	[tilespmem:s28], [sflag:$0x1] =	stream.indirect.gather [spmem:s2], $0x80, s13, s26, $0xb8;
	[tilespmem:$0x1E300] =	vst v63  }
0x2ef: {  	_ =	swait.ge [sflag:s0], $0x4000  }
0x2f0: {  	[sflag:s0] =	ssyncset.done $0x0  }
0x2f1: {  	s13 =	simm.s32 $0x580;
	[sflag:s0] =	ssyncadd.s32 $0xFFFFC000  }
0x2f2: {  	[spmem:s3] =	stream.indirect.scatter.add.f32 [tilespmem:s29], [sflag:$0x3], $0x80, s13, s26, $0xb8;
	[tilespmem:$0x1E300] =	vst v63  }
0x2f3: {  	_ =	swait.ge [sflag:s17], $0x4000  }
0x2f4: {  	[sflag:s17] =	ssyncset.done $0x0  }
0x2f5: {  	[sflag:s17] =	ssyncadd.s32 $0xFFFFC000  }
0x2f6: {  	[spmem:s5] =	stream.indirect.scatter.add.f32 [tilespmem:s30], [sflag:$0x3], $0x1, s19, s26, $0xb8;
	[tilespmem:$0x1E300] =	vst v63  }
0x2f7: {  	_ =	swait.ge [sflag:s17], $0x80  }
0x2f8: {  	[sflag:s17] =	ssyncset.done $0x0  }
0x2f9: {  	[sflag:s17] =	ssyncadd.s32 $0xFFFFFF80  }
0x2fa: {  	[tilespmem:s29], [sflag:$0x2] =	stream.indirect.gather [spmem:s2], $0x80, s9, s26, $0xb8;
	[tilespmem:$0x1E300] =	vst v63  }
0x2fb: {  	_ =	swait.ge [sflag:s20], $0x4000  }
0x2fc: {  	[sflag:s20] =	ssyncset.done $0x0  }
0x2fd: {  	[sflag:s20] =	ssyncadd.s32 $0xFFFFC000  }
0x2fe: {  	[spmem:s3] =	stream.indirect.scatter.add.f32 [tilespmem:s28], [sflag:$0x3], $0x80, s21, s26, $0xb8;
	[tilespmem:$0x1E300] =	vst v63  }
0x2ff: {  	_ =	swait.ge [sflag:s17], $0x4000  }
0x300: {  	[sflag:s17] =	ssyncset.done $0x0  }
0x301: {  	[sflag:s17] =	ssyncadd.s32 $0xFFFFC000  }
0x302: {  	[spmem:s5] =	stream.indirect.scatter.add.f32 [tilespmem:s30], [sflag:$0x3], $0x1, s4, s26, $0xb8;
	[tilespmem:$0x1E300] =	vst v63  }
0x303: {  	_ =	swait.ge [sflag:s17], $0x80  }
0x304: {  	[sflag:s17] =	ssyncset.done $0x0  }
0x305: {  	[sflag:s17] =	ssyncadd.s32 $0xFFFFFF80  }
0x306: {  	[tilespmem:s28], [sflag:$0x1] =	stream.indirect.gather [spmem:s2], $0x80, s31, s26, $0xb8;
	[tilespmem:$0x1E300] =	vst v63  }
0x307: {  	_ =	swait.ge [sflag:s0], $0x4000  }
0x308: {  	[sflag:s0] =	ssyncset.done $0x0  }
0x309: {  	[sflag:s0] =	ssyncadd.s32 $0xFFFFC000  }
0x30a: {  	[spmem:s3] =	stream.indirect.scatter.add.f32 [tilespmem:s29], [sflag:$0x3], $0x80, s24, s26, $0xb8;
	[tilespmem:$0x1E300] =	vst v63  }
0x30b: {  	_ =	swait.ge [sflag:s17], $0x4000  }
0x30c: {  	[sflag:s17] =	ssyncset.done $0x0  }
0x30d: {  	[sflag:s17] =	ssyncadd.s32 $0xFFFFC000  }
0x30e: {  	[spmem:s5] =	stream.indirect.scatter.add.f32 [tilespmem:s30], [sflag:$0x3], $0x1, s15, s26, $0xb8;
	[tilespmem:$0x1E300] =	vst v63  }
0x30f: {  	_ =	swait.ge [sflag:s17], $0x80  }
0x310: {  	[sflag:s17] =	ssyncset.done $0x0  }
0x311: {  	[sflag:s17] =	ssyncadd.s32 $0xFFFFFF80  }
0x312: {  	[tilespmem:s29], [sflag:$0x2] =	stream.indirect.gather [spmem:s2], $0x80, s22, s26, $0xb8;
	[tilespmem:$0x1E300] =	vst v63  }
0x313: {  	_ =	swait.ge [sflag:s20], $0x4000  }
0x314: {  	[sflag:s20] =	ssyncset.done $0x0  }
0x315: {  	[sflag:s20] =	ssyncadd.s32 $0xFFFFC000  }
0x316: {  	[spmem:s3] =	stream.indirect.scatter.add.f32 [tilespmem:s28], [sflag:$0x3], $0x80, s18, s26, $0xb8;
	[tilespmem:$0x1E300] =	vst v63  }
0x317: {  	_ =	swait.ge [sflag:s17], $0x4000  }
0x318: {  	[sflag:s17] =	ssyncset.done $0x0  }
0x319: {  	[sflag:s17] =	ssyncadd.s32 $0xFFFFC000  }
0x31a: {  	[spmem:s5] =	stream.indirect.scatter.add.f32 [tilespmem:s30], [sflag:$0x3], $0x1, s16, s26, $0xb8;
	[tilespmem:$0x1E300] =	vst v63  }
0x31b: {  	_ =	swait.ge [sflag:s17], $0x80  }
0x31c: {  	[sflag:s17] =	ssyncset.done $0x0  }
0x31d: {  	[sflag:s17] =	ssyncadd.s32 $0xFFFFFF80  }
0x31e: {  	_ =	swait.ge [sflag:s0], $0x4000  }
0x31f: {  	[sflag:s0] =	ssyncset.done $0x0  }
0x320: {  	[sflag:s0] =	ssyncadd.s32 $0xFFFFC000  }
0x321: {  	[spmem:s3] =	stream.indirect.scatter.add.f32 [tilespmem:s29], [sflag:$0x3], $0x80, s1, s26, $0xb8;
	[tilespmem:$0x1E300] =	vst v63  }
0x322: {  	p2 =	sne.s32 s10, $0x1;
	_ =	swait.ge [sflag:s17], $0x4000  }
.Ltmp9:
0x323: {  	[sflag:s17] =	ssyncset.done $0x0;
	(pc) =	sbr.rel @p2 .LBB2_14-.Ltmp9, $4  }
0x324: {  	[sflag:s17] =	ssyncadd.s32 $0xFFFFC000  }
0x325: {  	[spmem:s5] =	stream.indirect.scatter.add.f32 [tilespmem:s30], [sflag:$0x3], $0x1, s11, s26, $0xb8;
	[tilespmem:$0x1E300] =	vst v63  }
0x326: {  	s12 =	sadd.s32 $0x80, s12;
	_ =	swait.ge [sflag:s17], $0x80  }
0x327: {  	s10 =	sadd.s32 $0xFFFFFFFF, s10;
	s13 =	sand.u32 $0x1FFFFF80, s12;
	[sflag:s17] =	ssyncset.done $0x0  }
.Ltmp10:
0x328: {  	(pc) =	sbr.rel .LBB2_16-.Ltmp10, $4  }
0x329: {  	s12 =	simm.s32 $0x480;
	s24 =	simm.s32 $0x880;
	s15 =	simm.s32 $0x180  }
0x32a: {  	s16 =	simm.s32 $0x500;
	s18 =	simm.s32 $0x900;
	s11 =	simm.s32 $0x200  }
0x32b: {  	s1 =	simm.s32 $0x580;
	s31 =	simm.s32 $0x980;
	s19 =	simm.s32 $0x280  }
0x32c: {  	s4 =	simm.s32 $0x600;
	s9 =	simm.s32 $0xA00;
	s21 =	simm.s32 $0x300  }
.LBB2_3:
.Ltmp11:
0x32d: {  	(pc) =	sbr.rel .LBB2_8-.Ltmp11, $4  }
0x32e: {  	s14 =	rddreg [dreg:$0x0];
	s12 =	simm.s32 $0x480  }
0x32f: {  	s9 =	simm.s32 $0x600;
	s4 =	simm.s32 $0x280;
	s19 =	simm.s32 $0x980  }
0x330: {  	s31 =	simm.s32 $0x580;
	s1 =	simm.s32 $0x200;
	s11 =	simm.s32 $0x900  }
0x331: {  	s18 =	simm.s32 $0x500;
	s16 =	simm.s32 $0x180;
	s24 =	simm.s32 $0x880  }
.LBB2_5:
.Ltmp12:
0x332: {  	s12 =	simm.s32 $0x480;
	(pc) =	sbr.rel .LBB2_8-.Ltmp12, $4  }
0x333: {  	s24 =	simm.s32 $0x880;
	s16 =	simm.s32 $0x180;
	s18 =	simm.s32 $0x500  }
0x334: {  	s11 =	simm.s32 $0x900;
	s1 =	simm.s32 $0x200;
	s15 =	rddreg [dreg:$0x13]  }
0x335: {  	s31 =	simm.s32 $0x580;
	s19 =	simm.s32 $0x980;
	s21 =	rddreg [dreg:$0x14]  }
0x336: {  	s4 =	simm.s32 $0x280;
	s9 =	simm.s32 $0x600;
	s22 =	rddreg [dreg:$0x15]  }
.LBB2_13:
.Ltmp13:
0x337: {  	(pc) =	sbr.rel .LBB2_16-.Ltmp13, $4  }
0x338: {  	s12 =	simm.s32 $0x480;
	s24 =	simm.s32 $0x880;
	s15 =	simm.s32 $0x180  }
0x339: {  	s16 =	simm.s32 $0x500;
	s18 =	simm.s32 $0x900;
	s11 =	simm.s32 $0x200  }
0x33a: {  	s1 =	simm.s32 $0x580;
	s31 =	simm.s32 $0x980;
	s19 =	simm.s32 $0x280  }
0x33b: {  	s4 =	simm.s32 $0x600;
	s9 =	simm.s32 $0xA00;
	s21 =	simm.s32 $0x300  }
.LBB2_18:
0x33c: {  	_ =	sfence.sel $0x180000  }
0x33d: {  	[bflag:$0x0] =	sbarrier.arrive $0xFFFF  }
0x33e: {  	_ =	strace $0x9000004A  }
0x33f: {  	s0 =	stileid.u32;
	[bflag:$0x2] =	sbarrier.arrive $0xFFFF  }
0x340: {  	p0 =	sne.s32 s0, $0x0;
	s0 =	rddreg [dreg:$0x5]  }
0x341: {  	s0 =	sadd.s32 @!p0 $0x100000, s0  }
0x342: {  	[sflag:s0] =	ssyncadd.tile.s32 @!p0 $0x1;
	_ =	shalt  }
.Lfunc_end2:
_tile_overlayer_lowered:
.L_overlay_start_2:
0x343: {  	(tag) =	ssettag $0x2  }
0x344: {  	s0 =	rddreg [dreg:$0x0];
	s2 =	stileid.u32  }
0x345: {  	s1 =	rddreg [dreg:$0x1];
	p0 =	sne.s32 s2, $0x0  }
0x346: {  	s3 =	rddreg [dreg:$0x2];
	[bflag:$0x3] =	sbarrier.arrive $0xFFFF;
	s2 =	simm.s32 @!p0 $0x1C03  }
0x347: {  	[timem:s3], [sflag:s2] =	dma.local @!p0 [hbm:s0], s1  }
0x348: {  	s0 =	simm.s32 @!p0 $0x3  }
0x349: {  	_ =	swait.ge @!p0 [sflag:s0], s1  }
0x34a: {  	s1 =	ssub.s32 @!p0 $0x0, s1;
	[sflag:s0] =	ssyncset.done @!p0 $0x0  }
0x34b: {  	[sflag:s0] =	ssyncadd.s32 @!p0 s1  }
0x34c: {  	[bflag:$0x3] =	sbarrier.arrive $0xFFFF  }
0x34d: {  	_ =	shalt  }

</sc_bundles>
